<compile_context>
chip_gen: v7x
topology: tpu7x:2x2x1
jax: 0.10.2.dev20260603
libtpu: 0.0.44.dev20260713+nightly
codegen_flags: <defaults>
</compile_context>

<pallas_src>
import functools

import jax
import jax.numpy as jnp
from jax import lax
from jax.experimental import pallas as pl
from jax.experimental.pallas import tpu as pltpu
from jax.experimental.pallas import tpu_sc as plsc

N = 10000
NP = 10240
E = 320000
D = 128
H = 16
C = 40
CP = 48
NC = 2
NS = 16
NW = NC * NS
EPW = E // NW
BLK = 80
NBLK = EPW // BLK
RPT = NP // NS

_f32 = jnp.float32


def _mesh():
    return plsc.VectorSubcoreMesh(core_axis_name="c", subcore_axis_name="s")


_SC_PARAMS = pltpu.CompilerParams(
    needs_layout_passes=False, use_tc_tiling_on_sc=False
)


def _sc_degrees(edge_index):
    @functools.partial(
        pl.kernel,
        out_type=jax.ShapeDtypeStruct((2 * NW, NP), _f32),
        mesh=_mesh(),
        compiler_params=_SC_PARAMS,
        scratch_types=[
            pltpu.VMEM((EPW,), jnp.int32),
            pltpu.VMEM((EPW,), jnp.int32),
            pltpu.VMEM((NP,), _f32),
            pltpu.VMEM((NP,), _f32),
        ],
    )
    def k(e_hbm, out_hbm, sidx, didx, deg_o, deg_i):
        cid = lax.axis_index("c")
        sid = lax.axis_index("s")
        wid = cid * NS + sid
        pltpu.sync_copy(e_hbm.at[0].at[pl.ds(wid * EPW, EPW)], sidx)
        pltpu.sync_copy(e_hbm.at[1].at[pl.ds(wid * EPW, EPW)], didx)

        zeros16 = jnp.zeros((16,), _f32)

        @pl.loop(0, NP // 16)
        def _(i):
            deg_o[pl.ds(i * 16, 16)] = zeros16
            deg_i[pl.ds(i * 16, 16)] = zeros16

        ones16 = jnp.ones((16,), _f32)

        @pl.loop(0, EPW // 80)
        def _(i):
            for u in range(5):
                o = (i * 5 + u) * 16
                plsc.addupdate_scatter(deg_o, [sidx[pl.ds(o, 16)]], ones16)
                plsc.addupdate_scatter(deg_i, [didx[pl.ds(o, 16)]], ones16)

        pltpu.sync_copy(deg_o, out_hbm.at[wid])
        pltpu.sync_copy(deg_i, out_hbm.at[NW + wid])

    return k(edge_index)


def _sc_scatter(h, edge_index, F):
    NHALF = 5
    NSET = 2 * NHALF
    ROUNDS = NBLK // NSET
    TAIL = NBLK - ROUNDS * NSET

    @functools.partial(
        pl.kernel,
        out_type=jax.ShapeDtypeStruct((NC, NP, F), _f32),
        mesh=_mesh(),
        compiler_params=_SC_PARAMS,
        scratch_types=[
            pltpu.VMEM((EPW,), jnp.int32),
            pltpu.VMEM((EPW,), jnp.int32),
            pltpu.VMEM((NSET, BLK, F), _f32),
            pltpu.VMEM((RPT, F), _f32),
            pltpu.VMEM_SHARED((NP, F), _f32),
            pltpu.SemaphoreType.DMA((NSET,)),
            pltpu.SemaphoreType.DMA((NSET,)),
        ],
    )
    def k(h_hbm, e_hbm, out_hbm, sidx, didx, rows, stage, agg, gsem, ssem):
        cid = lax.axis_index("c")
        sid = lax.axis_index("s")
        wid = cid * NS + sid
        pltpu.sync_copy(e_hbm.at[0].at[pl.ds(wid * EPW, EPW)], sidx)
        pltpu.sync_copy(e_hbm.at[1].at[pl.ds(wid * EPW, EPW)], didx)

        def gather(b, p):
            pltpu.async_copy(
                h_hbm.at[sidx.at[pl.ds(b * BLK, BLK)]], rows.at[p], gsem.at[p]
            )

        def gather_wait(p):
            pltpu.make_async_copy(
                h_hbm.at[pl.ds(0, BLK)], rows.at[p], gsem.at[p]
            ).wait()

        def scatter(b, p):
            pltpu.async_copy(
                rows.at[p], agg.at[didx.at[pl.ds(b * BLK, BLK)]], ssem.at[p],
                add=True,
            )

        def scatter_wait(p):
            pltpu.make_async_copy(
                rows.at[p], agg.at[pl.ds(0, BLK)], ssem.at[p]
            ).wait()

        zeros16 = jnp.zeros((16,), _f32)

        @pl.loop(0, RPT)
        def _(r):
            row = stage.at[r]

            @pl.loop(0, F // 16)
            def _(v):
                row[pl.ds(v * 16, 16)] = zeros16

        pltpu.sync_copy(stage, agg.at[pl.ds(sid * RPT, RPT)])
        plsc.subcore_barrier()

        for p in range(NSET):
            gather(p, p)

        @pl.loop(0, ROUNDS)
        def _(g):
            base = g * NSET
            for p in range(NHALF):
                gather_wait(p)
                scatter(base + p, p)
            for p in range(NHALF, NSET):
                gather_wait(p)
                scatter(base + p, p)
            for p in range(NHALF):
                nb = base + NSET + p
                scatter_wait(p)

                @pl.when(nb < NBLK)
                def _():
                    gather(nb, p)

            for p in range(NHALF, NSET):
                nb = base + NSET + p
                scatter_wait(p)

                @pl.when(nb < NBLK)
                def _():
                    gather(nb, p)

        for p in range(TAIL):
            gather_wait(p)
            scatter(ROUNDS * NSET + p, p)
        for p in range(TAIL):
            scatter_wait(p)

        plsc.subcore_barrier()
        pltpu.sync_copy(agg.at[pl.ds(sid * RPT, RPT)], stage)
        pltpu.sync_copy(stage, out_hbm.at[cid].at[pl.ds(sid * RPT, RPT)])

    return k(h, edge_index)


def _tc0(x_p, W1):
    def body(x_ref, w_ref, h_ref):
        h_ref[...] = lax.dot_general(
            w_ref[...], x_ref[...],
            dimension_numbers=(((0,), (1,)), ((), ())),
            preferred_element_type=_f32,
        )

    return pl.pallas_call(
        body,
        out_shape=jax.ShapeDtypeStruct((H, NP), _f32),
    )(x_p, W1)


def _tc1(deg_parts, h1T):
    def body(deg_ref, h_ref, norms_ref, hs_ref):
        deg = deg_ref[...]
        deg_o = jnp.sum(deg[:NW], axis=0, keepdims=True)
        deg_i = jnp.sum(deg[NW:], axis=0, keepdims=True)
        ns = lax.rsqrt(jnp.maximum(deg_o, 1.0))
        nd = lax.rsqrt(jnp.maximum(deg_i, 1.0))
        norms_ref[...] = jnp.concatenate([ns, nd], axis=0)
        hs_ref[...] = h_ref[...] * ns

    return pl.pallas_call(
        body,
        out_shape=(
            jax.ShapeDtypeStruct((2, NP), _f32),
            jax.ShapeDtypeStruct((H, NP), _f32),
        ),
    )(deg_parts, h1T)


def _tc2(agg1p, nd_p16, b1_p, W2bd, ns_p48):
    NR = NP // 8

    def body(a_ref, nd_ref, b_ref, w_ref, ns_ref, out_ref):
        h = jnp.maximum(
            (a_ref[0] + a_ref[1]) * nd_ref[...] + b_ref[...], 0.0
        )
        h2 = jnp.dot(h, w_ref[...], preferred_element_type=_f32)
        out_ref[...] = h2 * ns_ref[...]

    return pl.pallas_call(
        body,
        out_shape=jax.ShapeDtypeStruct((NR, 8 * CP), _f32),
    )(agg1p, nd_p16, b1_p, W2bd, ns_p48)


def _tc3(agg2p, nd_p48, b2_p):
    NR = NP // 8

    def body(a_ref, nd_ref, b_ref, out_ref):
        z = (a_ref[0] + a_ref[1]) * nd_ref[...] + b_ref[...]
        z3 = z.reshape(NR, 8, CP)
        m = jnp.max(z3, axis=-1, keepdims=True)
        e = jnp.exp(z3 - m)
        lse = jnp.log(jnp.sum(e, axis=-1, keepdims=True)) + m
        out_ref[...] = (z3 - lse).reshape(NR, 8 * CP)

    return pl.pallas_call(
        body,
        out_shape=jax.ShapeDtypeStruct((NR, 8 * CP), _f32),
    )(agg2p, nd_p48, b2_p)


def kernel(x, edge_index, W1, b1, W2, b2):
    NR = NP // 8
    x_p = jnp.pad(x, ((0, NP - N), (0, 0)))
    b1_p = jnp.tile(b1, 8)[None, :]
    b2_pad = jnp.pad(b2, (0, CP - C), constant_values=-1e30)
    b2_p = jnp.tile(b2_pad, 8)[None, :]
    W2bd = jnp.kron(jnp.eye(8, dtype=_f32),
                    jnp.pad(W2, ((0, 0), (0, CP - C))))

    deg_parts = _sc_degrees(edge_index)
    h1T = _tc0(x_p, W1)
    norms, h1sT = _tc1(deg_parts, h1T)

    ns = norms[0].reshape(NR, 8, 1)
    nd = norms[1].reshape(NR, 8, 1)
    nd_p16 = jnp.broadcast_to(nd, (NR, 8, H)).reshape(NR, 8 * H)
    ns_p48 = jnp.broadcast_to(ns, (NR, 8, CP)).reshape(NR, 8 * CP)
    nd_p48 = jnp.broadcast_to(nd, (NR, 8, CP)).reshape(NR, 8 * CP)

    agg1 = _sc_scatter(h1sT.T, edge_index, H)
    agg1p = agg1.reshape(NC, NR, 8 * H)
    h2sp = _tc2(agg1p, nd_p16, b1_p, W2bd, ns_p48)
    h2s = h2sp.reshape(NP, CP)
    agg2 = _sc_scatter(h2s, edge_index, CP)
    agg2p = agg2.reshape(NC, NR, 8 * CP)
    outp = _tc3(agg2p, nd_p48, b2_p)
    return outp.reshape(NP, CP)[:N, :C]

# --- scband reference (transcript-rebuilt; emitter-appended) ---
"""Pipeline reference for scband-gcn-68805376082492 (READ-ONLY COPY).

The authoritative reference and input builder live on the scoring server;
editing this copy changes nothing except your own understanding.
"""

import jax, jax.numpy as jnp
import numpy as np

N = 10000
E = 320000
D = 128
H = 16
C = 40


def _glorot(key, shape):
    fan_in, fan_out = shape[0], shape[1]
    limit = np.sqrt(6.0 / (fan_in + fan_out))
    return jax.random.uniform(key, shape, minval=-limit, maxval=limit, dtype=jnp.float32)


def setup_inputs(seed: int = 0) -> dict:
    key = jax.random.key(seed)
    k1, k2, k3, k4 = jax.random.split(key, 4)
    x = jax.random.normal(k1, (N, D), dtype=jnp.float32)
    edge_index = jax.random.randint(k2, (2, E), 0, N).astype(jnp.int32)
    W1 = _glorot(k3, (D, H))
    b1 = jnp.zeros((H,), dtype=jnp.float32)
    W2 = _glorot(k4, (H, C))
    b2 = jnp.zeros((C,), dtype=jnp.float32)
    return {"x": x, "edge_index": edge_index, "W1": W1, "b1": b1, "W2": W2, "b2": b2}


def _gcn_layer(x, src, dst, W, b):
    # DGL GraphConv with norm='both': D_dst^{-1/2} A D_src^{-1/2} X W + b
    n = x.shape[0]
    ones = jnp.ones((src.shape[0],), dtype=x.dtype)
    deg_out = jnp.zeros((n,), dtype=x.dtype).at[src].add(ones)
    deg_in = jnp.zeros((n,), dtype=x.dtype).at[dst].add(ones)
    norm_src = jax.lax.rsqrt(jnp.maximum(deg_out, 1.0))
    norm_dst = jax.lax.rsqrt(jnp.maximum(deg_in, 1.0))
    h = x @ W  # project first (in_feats > out_feats path in DGL)
    m = h[src] * norm_src[src][:, None]
    agg = jnp.zeros((n, h.shape[1]), dtype=x.dtype).at[dst].add(m)
    return agg * norm_dst[:, None] + b


def reference(x, edge_index, W1, b1, W2, b2):
    src = edge_index[0]
    dst = edge_index[1]
    h = jax.nn.relu(_gcn_layer(x, src, dst, W1, b1))
    # F.dropout(..., training=self.training) is identity in eval mode
    h = _gcn_layer(h, src, dst, W2, b2)
    return jax.nn.log_softmax(h, axis=-1)

if __name__ == "__main__":
    import jax
    _d = setup_inputs()
    print(jax.jit(kernel)(*tuple(_d.values())))

</pallas_src>

<mosaic_0001>
#map = affine_map<(d0, d1) -> (0, 0)>
#map1 = affine_map<(d0, d1) -> (0, 0, 0)>
module attributes {stable_mosaic.version = 14 : i64} {
  func.func @k(%arg0: i32, %arg1: i32, %arg2: memref<10240x48xf32, #tpu.memory_space<hbm>>, %arg3: memref<2x320000xi32, #tpu.memory_space<hbm>>, %arg4: memref<2x10240x48xf32, #tpu.memory_space<hbm>>, %arg5: memref<10000xi32, #tpu.memory_space<vmem>>, %arg6: memref<10000xi32, #tpu.memory_space<vmem>>, %arg7: memref<10x80x48xf32, #tpu.memory_space<vmem>>, %arg8: memref<640x48xf32, #tpu.memory_space<vmem>>, %arg9: memref<10240x48xf32, #tpu.memory_space<vmem_shared>>, %arg10: memref<10x!tpu.dma_semaphore, #tpu.memory_space<semaphore_mem>>, %arg11: memref<10x!tpu.dma_semaphore, #tpu.memory_space<semaphore_mem>>) attributes {dimension_semantics = [#tpu.dimension_semantics<core_parallel>, #tpu.dimension_semantics<subcore_parallel>], iteration_bounds = array<i64: 2, 16>, scalar_prefetch = 0 : i64, scratch_operands = 7 : i64, tpu.core_type = #tpu.core_type<sc_vector_subcore>, window_params = [{transform_indices = #map}, {transform_indices = #map}, {transform_indices = #map1}]} {
    %mul3A = arith.constant 16 : i32
    %mul3A_0 = arith.muli %arg0, %mul3A : i32
    %add3A = arith.addi %mul3A_0, %arg1 : i32
    %mul3A_1 = arith.constant 10000 : i32
    %mul3A_2 = arith.muli %add3A, %mul3A_1 : i32
    %run_scoped3A = arith.constant 0 : i32
    "tpu.region"() ({
      %run_scoped3A_396 = tpu.sem_alloc : memref<!tpu.dma_semaphore, #tpu.memory_space<semaphore_mem>>
      %dma_start3A_397 = arith.constant 0 : i32
      %dma_start3A_398 = tpu.memref_slice %arg3[%run_scoped3A, %dma_start3A_397] : memref<2x320000xi32, #tpu.memory_space<hbm>> -> memref<1x320000xi32, #tpu.memory_space<hbm>>
      %dma_start3A_399 = tpu.memref_squeeze %dma_start3A_398 : memref<1x320000xi32, #tpu.memory_space<hbm>> -> memref<320000xi32, #tpu.memory_space<hbm>>
      %dma_start3A_400 = tpu.memref_slice %dma_start3A_399[%mul3A_2] : memref<320000xi32, #tpu.memory_space<hbm>> -> memref<10000xi32, #tpu.memory_space<hbm>>
      %dma_start3A_401 = arith.constant 0 : i32
      %dma_start3A_402 = tpu.memref_slice %arg3[%run_scoped3A, %dma_start3A_401] : memref<2x320000xi32, #tpu.memory_space<hbm>> -> memref<1x320000xi32, #tpu.memory_space<hbm>>
      %dma_start3A_403 = tpu.memref_squeeze %dma_start3A_402 : memref<1x320000xi32, #tpu.memory_space<hbm>> -> memref<320000xi32, #tpu.memory_space<hbm>>
      %dma_start3A_404 = tpu.memref_slice %dma_start3A_403[%mul3A_2] : memref<320000xi32, #tpu.memory_space<hbm>> -> memref<10000xi32, #tpu.memory_space<hbm>>
      tpu.enqueue_dma source(%dma_start3A_404 : memref<10000xi32, #tpu.memory_space<hbm>>) target(%arg5 : memref<10000xi32, #tpu.memory_space<vmem>>) target_semaphore(%run_scoped3A_396 : memref<!tpu.dma_semaphore, #tpu.memory_space<semaphore_mem>>)
      %dma_wait3A_405 = arith.constant 0 : i32
      %dma_wait3A_406 = tpu.memref_slice %arg3[%run_scoped3A, %dma_wait3A_405] : memref<2x320000xi32, #tpu.memory_space<hbm>> -> memref<1x320000xi32, #tpu.memory_space<hbm>>
      %dma_wait3A_407 = tpu.memref_squeeze %dma_wait3A_406 : memref<1x320000xi32, #tpu.memory_space<hbm>> -> memref<320000xi32, #tpu.memory_space<hbm>>
      %dma_wait3A_408 = tpu.memref_slice %dma_wait3A_407[%mul3A_2] : memref<320000xi32, #tpu.memory_space<hbm>> -> memref<10000xi32, #tpu.memory_space<hbm>>
      %dma_wait3A_409 = arith.constant 0 : i32
      %dma_wait3A_410 = tpu.memref_slice %arg3[%run_scoped3A, %dma_wait3A_409] : memref<2x320000xi32, #tpu.memory_space<hbm>> -> memref<1x320000xi32, #tpu.memory_space<hbm>>
      %dma_wait3A_411 = tpu.memref_squeeze %dma_wait3A_410 : memref<1x320000xi32, #tpu.memory_space<hbm>> -> memref<320000xi32, #tpu.memory_space<hbm>>
      %dma_wait3A_412 = tpu.memref_slice %dma_wait3A_411[%mul3A_2] : memref<320000xi32, #tpu.memory_space<hbm>> -> memref<10000xi32, #tpu.memory_space<hbm>>
      tpu.wait_dma2 semaphore(%run_scoped3A_396 : memref<!tpu.dma_semaphore, #tpu.memory_space<semaphore_mem>>) src(%dma_wait3A_412 : memref<10000xi32, #tpu.memory_space<hbm>>) dst(%arg5 : memref<10000xi32, #tpu.memory_space<vmem>>)
      tpu.yield
    }) : () -> ()
    %mul3A_3 = arith.constant 10000 : i32
    %mul3A_4 = arith.muli %add3A, %mul3A_3 : i32
    %run_scoped3A_5 = arith.constant 1 : i32
    "tpu.region"() ({
      %run_scoped3A_396 = tpu.sem_alloc : memref<!tpu.dma_semaphore, #tpu.memory_space<semaphore_mem>>
      %dma_start3A_397 = arith.constant 0 : i32
      %dma_start3A_398 = tpu.memref_slice %arg3[%run_scoped3A_5, %dma_start3A_397] : memref<2x320000xi32, #tpu.memory_space<hbm>> -> memref<1x320000xi32, #tpu.memory_space<hbm>>
      %dma_start3A_399 = tpu.memref_squeeze %dma_start3A_398 : memref<1x320000xi32, #tpu.memory_space<hbm>> -> memref<320000xi32, #tpu.memory_space<hbm>>
      %dma_start3A_400 = tpu.memref_slice %dma_start3A_399[%mul3A_4] : memref<320000xi32, #tpu.memory_space<hbm>> -> memref<10000xi32, #tpu.memory_space<hbm>>
      %dma_start3A_401 = arith.constant 0 : i32
      %dma_start3A_402 = tpu.memref_slice %arg3[%run_scoped3A_5, %dma_start3A_401] : memref<2x320000xi32, #tpu.memory_space<hbm>> -> memref<1x320000xi32, #tpu.memory_space<hbm>>
      %dma_start3A_403 = tpu.memref_squeeze %dma_start3A_402 : memref<1x320000xi32, #tpu.memory_space<hbm>> -> memref<320000xi32, #tpu.memory_space<hbm>>
      %dma_start3A_404 = tpu.memref_slice %dma_start3A_403[%mul3A_4] : memref<320000xi32, #tpu.memory_space<hbm>> -> memref<10000xi32, #tpu.memory_space<hbm>>
      tpu.enqueue_dma source(%dma_start3A_404 : memref<10000xi32, #tpu.memory_space<hbm>>) target(%arg6 : memref<10000xi32, #tpu.memory_space<vmem>>) target_semaphore(%run_scoped3A_396 : memref<!tpu.dma_semaphore, #tpu.memory_space<semaphore_mem>>)
      %dma_wait3A_405 = arith.constant 0 : i32
      %dma_wait3A_406 = tpu.memref_slice %arg3[%run_scoped3A_5, %dma_wait3A_405] : memref<2x320000xi32, #tpu.memory_space<hbm>> -> memref<1x320000xi32, #tpu.memory_space<hbm>>
      %dma_wait3A_407 = tpu.memref_squeeze %dma_wait3A_406 : memref<1x320000xi32, #tpu.memory_space<hbm>> -> memref<320000xi32, #tpu.memory_space<hbm>>
      %dma_wait3A_408 = tpu.memref_slice %dma_wait3A_407[%mul3A_4] : memref<320000xi32, #tpu.memory_space<hbm>> -> memref<10000xi32, #tpu.memory_space<hbm>>
      %dma_wait3A_409 = arith.constant 0 : i32
      %dma_wait3A_410 = tpu.memref_slice %arg3[%run_scoped3A_5, %dma_wait3A_409] : memref<2x320000xi32, #tpu.memory_space<hbm>> -> memref<1x320000xi32, #tpu.memory_space<hbm>>
      %dma_wait3A_411 = tpu.memref_squeeze %dma_wait3A_410 : memref<1x320000xi32, #tpu.memory_space<hbm>> -> memref<320000xi32, #tpu.memory_space<hbm>>
      %dma_wait3A_412 = tpu.memref_slice %dma_wait3A_411[%mul3A_4] : memref<320000xi32, #tpu.memory_space<hbm>> -> memref<10000xi32, #tpu.memory_space<hbm>>
      tpu.wait_dma2 semaphore(%run_scoped3A_396 : memref<!tpu.dma_semaphore, #tpu.memory_space<semaphore_mem>>) src(%dma_wait3A_412 : memref<10000xi32, #tpu.memory_space<hbm>>) dst(%arg6 : memref<10000xi32, #tpu.memory_space<vmem>>)
      tpu.yield
    }) : () -> ()
    %broadcast_in_dim3A = arith.constant 0.000000e+00 : f32
    %broadcast_in_dim3A_6 = vector.broadcast %broadcast_in_dim3A : f32 to vector<16xf32>
    %scan3A = arith.constant 0 : i32
    %scan3A_7 = arith.constant 640 : i32
    %scan3A_8 = arith.addi %scan3A, %scan3A_7 : i32
    %scan3A_9 = arith.constant 1 : i32
    scf.for %scan3A_396 = %scan3A to %scan3A_8 step %scan3A_9  : i32 {
      %mul3A_397 = arith.constant 1 : i32
      %mul3A_398 = arith.muli %scan3A_396, %mul3A_397 : i32
      %add3A_399 = arith.constant 0 : i32
      %add3A_400 = arith.addi %add3A_399, %mul3A_398 : i32
      %scan3A_401 = arith.constant 0 : i32
      %scan3A_402 = arith.constant 3 : i32
      %scan3A_403 = arith.addi %scan3A_401, %scan3A_402 : i32
      %scan3A_404 = arith.constant 1 : i32
      scf.for %scan3A_406 = %scan3A_401 to %scan3A_403 step %scan3A_404  : i32 {
        %mul3A_407 = arith.constant 1 : i32
        %mul3A_408 = arith.muli %scan3A_406, %mul3A_407 : i32
        %add3A_409 = arith.constant 0 : i32
        %add3A_410 = arith.addi %add3A_409, %mul3A_408 : i32
        %mul3A_411 = arith.constant 16 : i32
        %mul3A_412 = arith.muli %add3A_410, %mul3A_411 : i32
        %swap3A = arith.constant 0 : i32
        %swap3A_413 = tpu.memref_slice %arg8[%add3A_400, %swap3A] : memref<640x48xf32, #tpu.memory_space<vmem>> -> memref<1x48xf32, #tpu.memory_space<vmem>>
        %swap3A_414 = tpu.memref_squeeze %swap3A_413 : memref<1x48xf32, #tpu.memory_space<vmem>> -> memref<48xf32, #tpu.memory_space<vmem>>
        %swap3A_415 = arith.index_cast %mul3A_412 : i32 to index
        %swap3A_416 = tpu.vector_load %swap3A_414[%swap3A_415] {strides = array<i32>} : memref<48xf32, #tpu.memory_space<vmem>>, vector<16xf32>,
        tpu.vector_store %swap3A_414[%swap3A_415], %broadcast_in_dim3A_6 {strides = array<i32>} : memref<48xf32, #tpu.memory_space<vmem>>, vector<16xf32>,
      }
      %scan3A_405 = arith.constant 3 : i32
    }
    %scan3A_10 = arith.constant 640 : i32
    %mul3A_11 = arith.constant 640 : i32
    %mul3A_12 = arith.muli %arg1, %mul3A_11 : i32
    "tpu.region"() ({
      %run_scoped3A_396 = tpu.sem_alloc : memref<!tpu.dma_semaphore, #tpu.memory_space<semaphore_mem>>
      %dma_start3A_397 = arith.constant 0 : i32
      %dma_start3A_398 = tpu.memref_slice %arg9[%mul3A_12, %dma_start3A_397] : memref<10240x48xf32, #tpu.memory_space<vmem_shared>> -> memref<640x48xf32, #tpu.memory_space<vmem_shared>>
      %dma_start3A_399 = arith.constant 0 : i32
      %dma_start3A_400 = tpu.memref_slice %arg9[%mul3A_12, %dma_start3A_399] : memref<10240x48xf32, #tpu.memory_space<vmem_shared>> -> memref<640x48xf32, #tpu.memory_space<vmem_shared>>
      tpu.enqueue_dma source(%arg8 : memref<640x48xf32, #tpu.memory_space<vmem>>) target(%dma_start3A_400 : memref<640x48xf32, #tpu.memory_space<vmem_shared>>) target_semaphore(%run_scoped3A_396 : memref<!tpu.dma_semaphore, #tpu.memory_space<semaphore_mem>>)
      %dma_wait3A_401 = arith.constant 0 : i32
      %dma_wait3A_402 = tpu.memref_slice %arg9[%mul3A_12, %dma_wait3A_401] : memref<10240x48xf32, #tpu.memory_space<vmem_shared>> -> memref<640x48xf32, #tpu.memory_space<vmem_shared>>
      %dma_wait3A_403 = arith.constant 0 : i32
      %dma_wait3A_404 = tpu.memref_slice %arg9[%mul3A_12, %dma_wait3A_403] : memref<10240x48xf32, #tpu.memory_space<vmem_shared>> -> memref<640x48xf32, #tpu.memory_space<vmem_shared>>
      tpu.wait_dma2 semaphore(%run_scoped3A_396 : memref<!tpu.dma_semaphore, #tpu.memory_space<semaphore_mem>>) src(%arg8 : memref<640x48xf32, #tpu.memory_space<vmem>>) dst(%dma_wait3A_404 : memref<640x48xf32, #tpu.memory_space<vmem_shared>>)
      tpu.yield
    }) : () -> ()
    %barrier3A = arith.constant 0 : index
    tpu.barrier barrier_id(%barrier3A)
    %dma_start3A = arith.constant 0 : i32
    %dma_start3A_13 = arith.constant 0 : i32
    %dma_start3A_14 = arith.constant 0 : i32
    %dma_start3A_15 = arith.constant 0 : i32
    %dma_start3A_16 = tpu.memref_slice %arg7[%dma_start3A, %dma_start3A_14, %dma_start3A_15] : memref<10x80x48xf32, #tpu.memory_space<vmem>> -> memref<1x80x48xf32, #tpu.memory_space<vmem>>
    %dma_start3A_17 = tpu.memref_squeeze %dma_start3A_16 : memref<1x80x48xf32, #tpu.memory_space<vmem>> -> memref<80x48xf32, #tpu.memory_space<vmem>>
    %dma_start3A_18 = arith.constant 0 : i32
    %dma_start3A_19 = tpu.memref_slice %arg5[%dma_start3A_18] : memref<10000xi32, #tpu.memory_space<vmem>> -> memref<80xi32, #tpu.memory_space<vmem>>
    %dma_start3A_20 = arith.constant 0 : i32
    %dma_start3A_21 = arith.constant 0 : i32
    %dma_start3A_22 = tpu.memref_slice %arg2[%dma_start3A_20, %dma_start3A_21] : memref<10240x48xf32, #tpu.memory_space<hbm>> -> memref<10240x48xf32, #tpu.memory_space<hbm>>
    %dma_start3A_23 = tpu.memref_slice %arg10[%dma_start3A_13] : memref<10x!tpu.dma_semaphore, #tpu.memory_space<semaphore_mem>> -> memref<1x!tpu.dma_semaphore, #tpu.memory_space<semaphore_mem>>
    %dma_start3A_24 = tpu.memref_squeeze %dma_start3A_23 : memref<1x!tpu.dma_semaphore, #tpu.memory_space<semaphore_mem>> -> memref<!tpu.dma_semaphore, #tpu.memory_space<semaphore_mem>>
    tpu.enqueue_indirect_dma source(%dma_start3A_22 : memref<10240x48xf32, #tpu.memory_space<hbm>>) target(%dma_start3A_17 : memref<80x48xf32, #tpu.memory_space<vmem>>) offsets(%dma_start3A_19 : memref<80xi32, #tpu.memory_space<vmem>>) semaphore(%dma_start3A_24 : memref<!tpu.dma_semaphore, #tpu.memory_space<semaphore_mem>>)
    %dma_start3A_25 = arith.constant 1 : i32
    %dma_start3A_26 = arith.constant 1 : i32
    %dma_start3A_27 = arith.constant 0 : i32
    %dma_start3A_28 = arith.constant 0 : i32
    %dma_start3A_29 = tpu.memref_slice %arg7[%dma_start3A_25, %dma_start3A_27, %dma_start3A_28] : memref<10x80x48xf32, #tpu.memory_space<vmem>> -> memref<1x80x48xf32, #tpu.memory_space<vmem>>
    %dma_start3A_30 = tpu.memref_squeeze %dma_start3A_29 : memref<1x80x48xf32, #tpu.memory_space<vmem>> -> memref<80x48xf32, #tpu.memory_space<vmem>>
    %dma_start3A_31 = arith.constant 80 : i32
    %dma_start3A_32 = tpu.memref_slice %arg5[%dma_start3A_31] : memref<10000xi32, #tpu.memory_space<vmem>> -> memref<80xi32, #tpu.memory_space<vmem>>
    %dma_start3A_33 = arith.constant 0 : i32
    %dma_start3A_34 = arith.constant 0 : i32
    %dma_start3A_35 = tpu.memref_slice %arg2[%dma_start3A_33, %dma_start3A_34] : memref<10240x48xf32, #tpu.memory_space<hbm>> -> memref<10240x48xf32, #tpu.memory_space<hbm>>
    %dma_start3A_36 = tpu.memref_slice %arg10[%dma_start3A_26] : memref<10x!tpu.dma_semaphore, #tpu.memory_space<semaphore_mem>> -> memref<1x!tpu.dma_semaphore, #tpu.memory_space<semaphore_mem>>
    %dma_start3A_37 = tpu.memref_squeeze %dma_start3A_36 : memref<1x!tpu.dma_semaphore, #tpu.memory_space<semaphore_mem>> -> memref<!tpu.dma_semaphore, #tpu.memory_space<semaphore_mem>>
    tpu.enqueue_indirect_dma source(%dma_start3A_35 : memref<10240x48xf32, #tpu.memory_space<hbm>>) target(%dma_start3A_30 : memref<80x48xf32, #tpu.memory_space<vmem>>) offsets(%dma_start3A_32 : memref<80xi32, #tpu.memory_space<vmem>>) semaphore(%dma_start3A_37 : memref<!tpu.dma_semaphore, #tpu.memory_space<semaphore_mem>>)
    %dma_start3A_38 = arith.constant 2 : i32
    %dma_start3A_39 = arith.constant 2 : i32
    %dma_start3A_40 = arith.constant 0 : i32
    %dma_start3A_41 = arith.constant 0 : i32
    %dma_start3A_42 = tpu.memref_slice %arg7[%dma_start3A_38, %dma_start3A_40, %dma_start3A_41] : memref<10x80x48xf32, #tpu.memory_space<vmem>> -> memref<1x80x48xf32, #tpu.memory_space<vmem>>
    %dma_start3A_43 = tpu.memref_squeeze %dma_start3A_42 : memref<1x80x48xf32, #tpu.memory_space<vmem>> -> memref<80x48xf32, #tpu.memory_space<vmem>>
    %dma_start3A_44 = arith.constant 160 : i32
    %dma_start3A_45 = tpu.memref_slice %arg5[%dma_start3A_44] : memref<10000xi32, #tpu.memory_space<vmem>> -> memref<80xi32, #tpu.memory_space<vmem>>
    %dma_start3A_46 = arith.constant 0 : i32
    %dma_start3A_47 = arith.constant 0 : i32
    %dma_start3A_48 = tpu.memref_slice %arg2[%dma_start3A_46, %dma_start3A_47] : memref<10240x48xf32, #tpu.memory_space<hbm>> -> memref<10240x48xf32, #tpu.memory_space<hbm>>
    %dma_start3A_49 = tpu.memref_slice %arg10[%dma_start3A_39] : memref<10x!tpu.dma_semaphore, #tpu.memory_space<semaphore_mem>> -> memref<1x!tpu.dma_semaphore, #tpu.memory_space<semaphore_mem>>
    %dma_start3A_50 = tpu.memref_squeeze %dma_start3A_49 : memref<1x!tpu.dma_semaphore, #tpu.memory_space<semaphore_mem>> -> memref<!tpu.dma_semaphore, #tpu.memory_space<semaphore_mem>>
    tpu.enqueue_indirect_dma source(%dma_start3A_48 : memref<10240x48xf32, #tpu.memory_space<hbm>>) target(%dma_start3A_43 : memref<80x48xf32, #tpu.memory_space<vmem>>) offsets(%dma_start3A_45 : memref<80xi32, #tpu.memory_space<vmem>>) semaphore(%dma_start3A_50 : memref<!tpu.dma_semaphore, #tpu.memory_space<semaphore_mem>>)
    %dma_start3A_51 = arith.constant 3 : i32
    %dma_start3A_52 = arith.constant 3 : i32
    %dma_start3A_53 = arith.constant 0 : i32
    %dma_start3A_54 = arith.constant 0 : i32
    %dma_start3A_55 = tpu.memref_slice %arg7[%dma_start3A_51, %dma_start3A_53, %dma_start3A_54] : memref<10x80x48xf32, #tpu.memory_space<vmem>> -> memref<1x80x48xf32, #tpu.memory_space<vmem>>
    %dma_start3A_56 = tpu.memref_squeeze %dma_start3A_55 : memref<1x80x48xf32, #tpu.memory_space<vmem>> -> memref<80x48xf32, #tpu.memory_space<vmem>>
    %dma_start3A_57 = arith.constant 240 : i32
    %dma_start3A_58 = tpu.memref_slice %arg5[%dma_start3A_57] : memref<10000xi32, #tpu.memory_space<vmem>> -> memref<80xi32, #tpu.memory_space<vmem>>
    %dma_start3A_59 = arith.constant 0 : i32
    %dma_start3A_60 = arith.constant 0 : i32
    %dma_start3A_61 = tpu.memref_slice %arg2[%dma_start3A_59, %dma_start3A_60] : memref<10240x48xf32, #tpu.memory_space<hbm>> -> memref<10240x48xf32, #tpu.memory_space<hbm>>
    %dma_start3A_62 = tpu.memref_slice %arg10[%dma_start3A_52] : memref<10x!tpu.dma_semaphore, #tpu.memory_space<semaphore_mem>> -> memref<1x!tpu.dma_semaphore, #tpu.memory_space<semaphore_mem>>
    %dma_start3A_63 = tpu.memref_squeeze %dma_start3A_62 : memref<1x!tpu.dma_semaphore, #tpu.memory_space<semaphore_mem>> -> memref<!tpu.dma_semaphore, #tpu.memory_space<semaphore_mem>>
    tpu.enqueue_indirect_dma source(%dma_start3A_61 : memref<10240x48xf32, #tpu.memory_space<hbm>>) target(%dma_start3A_56 : memref<80x48xf32, #tpu.memory_space<vmem>>) offsets(%dma_start3A_58 : memref<80xi32, #tpu.memory_space<vmem>>) semaphore(%dma_start3A_63 : memref<!tpu.dma_semaphore, #tpu.memory_space<semaphore_mem>>)
    %dma_start3A_64 = arith.constant 4 : i32
    %dma_start3A_65 = arith.constant 4 : i32
    %dma_start3A_66 = arith.constant 0 : i32
    %dma_start3A_67 = arith.constant 0 : i32
    %dma_start3A_68 = tpu.memref_slice %arg7[%dma_start3A_64, %dma_start3A_66, %dma_start3A_67] : memref<10x80x48xf32, #tpu.memory_space<vmem>> -> memref<1x80x48xf32, #tpu.memory_space<vmem>>
    %dma_start3A_69 = tpu.memref_squeeze %dma_start3A_68 : memref<1x80x48xf32, #tpu.memory_space<vmem>> -> memref<80x48xf32, #tpu.memory_space<vmem>>
    %dma_start3A_70 = arith.constant 320 : i32
    %dma_start3A_71 = tpu.memref_slice %arg5[%dma_start3A_70] : memref<10000xi32, #tpu.memory_space<vmem>> -> memref<80xi32, #tpu.memory_space<vmem>>
    %dma_start3A_72 = arith.constant 0 : i32
    %dma_start3A_73 = arith.constant 0 : i32
    %dma_start3A_74 = tpu.memref_slice %arg2[%dma_start3A_72, %dma_start3A_73] : memref<10240x48xf32, #tpu.memory_space<hbm>> -> memref<10240x48xf32, #tpu.memory_space<hbm>>
    %dma_start3A_75 = tpu.memref_slice %arg10[%dma_start3A_65] : memref<10x!tpu.dma_semaphore, #tpu.memory_space<semaphore_mem>> -> memref<1x!tpu.dma_semaphore, #tpu.memory_space<semaphore_mem>>
    %dma_start3A_76 = tpu.memref_squeeze %dma_start3A_75 : memref<1x!tpu.dma_semaphore, #tpu.memory_space<semaphore_mem>> -> memref<!tpu.dma_semaphore, #tpu.memory_space<semaphore_mem>>
    tpu.enqueue_indirect_dma source(%dma_start3A_74 : memref<10240x48xf32, #tpu.memory_space<hbm>>) target(%dma_start3A_69 : memref<80x48xf32, #tpu.memory_space<vmem>>) offsets(%dma_start3A_71 : memref<80xi32, #tpu.memory_space<vmem>>) semaphore(%dma_start3A_76 : memref<!tpu.dma_semaphore, #tpu.memory_space<semaphore_mem>>)
    %dma_start3A_77 = arith.constant 5 : i32
    %dma_start3A_78 = arith.constant 5 : i32
    %dma_start3A_79 = arith.constant 0 : i32
    %dma_start3A_80 = arith.constant 0 : i32
    %dma_start3A_81 = tpu.memref_slice %arg7[%dma_start3A_77, %dma_start3A_79, %dma_start3A_80] : memref<10x80x48xf32, #tpu.memory_space<vmem>> -> memref<1x80x48xf32, #tpu.memory_space<vmem>>
    %dma_start3A_82 = tpu.memref_squeeze %dma_start3A_81 : memref<1x80x48xf32, #tpu.memory_space<vmem>> -> memref<80x48xf32, #tpu.memory_space<vmem>>
    %dma_start3A_83 = arith.constant 400 : i32
    %dma_start3A_84 = tpu.memref_slice %arg5[%dma_start3A_83] : memref<10000xi32, #tpu.memory_space<vmem>> -> memref<80xi32, #tpu.memory_space<vmem>>
    %dma_start3A_85 = arith.constant 0 : i32
    %dma_start3A_86 = arith.constant 0 : i32
    %dma_start3A_87 = tpu.memref_slice %arg2[%dma_start3A_85, %dma_start3A_86] : memref<10240x48xf32, #tpu.memory_space<hbm>> -> memref<10240x48xf32, #tpu.memory_space<hbm>>
    %dma_start3A_88 = tpu.memref_slice %arg10[%dma_start3A_78] : memref<10x!tpu.dma_semaphore, #tpu.memory_space<semaphore_mem>> -> memref<1x!tpu.dma_semaphore, #tpu.memory_space<semaphore_mem>>
    %dma_start3A_89 = tpu.memref_squeeze %dma_start3A_88 : memref<1x!tpu.dma_semaphore, #tpu.memory_space<semaphore_mem>> -> memref<!tpu.dma_semaphore, #tpu.memory_space<semaphore_mem>>
    tpu.enqueue_indirect_dma source(%dma_start3A_87 : memref<10240x48xf32, #tpu.memory_space<hbm>>) target(%dma_start3A_82 : memref<80x48xf32, #tpu.memory_space<vmem>>) offsets(%dma_start3A_84 : memref<80xi32, #tpu.memory_space<vmem>>) semaphore(%dma_start3A_89 : memref<!tpu.dma_semaphore, #tpu.memory_space<semaphore_mem>>)
    %dma_start3A_90 = arith.constant 6 : i32
    %dma_start3A_91 = arith.constant 6 : i32
    %dma_start3A_92 = arith.constant 0 : i32
    %dma_start3A_93 = arith.constant 0 : i32
    %dma_start3A_94 = tpu.memref_slice %arg7[%dma_start3A_90, %dma_start3A_92, %dma_start3A_93] : memref<10x80x48xf32, #tpu.memory_space<vmem>> -> memref<1x80x48xf32, #tpu.memory_space<vmem>>
    %dma_start3A_95 = tpu.memref_squeeze %dma_start3A_94 : memref<1x80x48xf32, #tpu.memory_space<vmem>> -> memref<80x48xf32, #tpu.memory_space<vmem>>
    %dma_start3A_96 = arith.constant 480 : i32
    %dma_start3A_97 = tpu.memref_slice %arg5[%dma_start3A_96] : memref<10000xi32, #tpu.memory_space<vmem>> -> memref<80xi32, #tpu.memory_space<vmem>>
    %dma_start3A_98 = arith.constant 0 : i32
    %dma_start3A_99 = arith.constant 0 : i32
    %dma_start3A_100 = tpu.memref_slice %arg2[%dma_start3A_98, %dma_start3A_99] : memref<10240x48xf32, #tpu.memory_space<hbm>> -> memref<10240x48xf32, #tpu.memory_space<hbm>>
    %dma_start3A_101 = tpu.memref_slice %arg10[%dma_start3A_91] : memref<10x!tpu.dma_semaphore, #tpu.memory_space<semaphore_mem>> -> memref<1x!tpu.dma_semaphore, #tpu.memory_space<semaphore_mem>>
    %dma_start3A_102 = tpu.memref_squeeze %dma_start3A_101 : memref<1x!tpu.dma_semaphore, #tpu.memory_space<semaphore_mem>> -> memref<!tpu.dma_semaphore, #tpu.memory_space<semaphore_mem>>
    tpu.enqueue_indirect_dma source(%dma_start3A_100 : memref<10240x48xf32, #tpu.memory_space<hbm>>) target(%dma_start3A_95 : memref<80x48xf32, #tpu.memory_space<vmem>>) offsets(%dma_start3A_97 : memref<80xi32, #tpu.memory_space<vmem>>) semaphore(%dma_start3A_102 : memref<!tpu.dma_semaphore, #tpu.memory_space<semaphore_mem>>)
    %dma_start3A_103 = arith.constant 7 : i32
    %dma_start3A_104 = arith.constant 7 : i32
    %dma_start3A_105 = arith.constant 0 : i32
    %dma_start3A_106 = arith.constant 0 : i32
    %dma_start3A_107 = tpu.memref_slice %arg7[%dma_start3A_103, %dma_start3A_105, %dma_start3A_106] : memref<10x80x48xf32, #tpu.memory_space<vmem>> -> memref<1x80x48xf32, #tpu.memory_space<vmem>>
    %dma_start3A_108 = tpu.memref_squeeze %dma_start3A_107 : memref<1x80x48xf32, #tpu.memory_space<vmem>> -> memref<80x48xf32, #tpu.memory_space<vmem>>
    %dma_start3A_109 = arith.constant 560 : i32
    %dma_start3A_110 = tpu.memref_slice %arg5[%dma_start3A_109] : memref<10000xi32, #tpu.memory_space<vmem>> -> memref<80xi32, #tpu.memory_space<vmem>>
    %dma_start3A_111 = arith.constant 0 : i32
    %dma_start3A_112 = arith.constant 0 : i32
    %dma_start3A_113 = tpu.memref_slice %arg2[%dma_start3A_111, %dma_start3A_112] : memref<10240x48xf32, #tpu.memory_space<hbm>> -> memref<10240x48xf32, #tpu.memory_space<hbm>>
    %dma_start3A_114 = tpu.memref_slice %arg10[%dma_start3A_104] : memref<10x!tpu.dma_semaphore, #tpu.memory_space<semaphore_mem>> -> memref<1x!tpu.dma_semaphore, #tpu.memory_space<semaphore_mem>>
    %dma_start3A_115 = tpu.memref_squeeze %dma_start3A_114 : memref<1x!tpu.dma_semaphore, #tpu.memory_space<semaphore_mem>> -> memref<!tpu.dma_semaphore, #tpu.memory_space<semaphore_mem>>
    tpu.enqueue_indirect_dma source(%dma_start3A_113 : memref<10240x48xf32, #tpu.memory_space<hbm>>) target(%dma_start3A_108 : memref<80x48xf32, #tpu.memory_space<vmem>>) offsets(%dma_start3A_110 : memref<80xi32, #tpu.memory_space<vmem>>) semaphore(%dma_start3A_115 : memref<!tpu.dma_semaphore, #tpu.memory_space<semaphore_mem>>)
    %dma_start3A_116 = arith.constant 8 : i32
    %dma_start3A_117 = arith.constant 8 : i32
    %dma_start3A_118 = arith.constant 0 : i32
    %dma_start3A_119 = arith.constant 0 : i32
    %dma_start3A_120 = tpu.memref_slice %arg7[%dma_start3A_116, %dma_start3A_118, %dma_start3A_119] : memref<10x80x48xf32, #tpu.memory_space<vmem>> -> memref<1x80x48xf32, #tpu.memory_space<vmem>>
    %dma_start3A_121 = tpu.memref_squeeze %dma_start3A_120 : memref<1x80x48xf32, #tpu.memory_space<vmem>> -> memref<80x48xf32, #tpu.memory_space<vmem>>
    %dma_start3A_122 = arith.constant 640 : i32
    %dma_start3A_123 = tpu.memref_slice %arg5[%dma_start3A_122] : memref<10000xi32, #tpu.memory_space<vmem>> -> memref<80xi32, #tpu.memory_space<vmem>>
    %dma_start3A_124 = arith.constant 0 : i32
    %dma_start3A_125 = arith.constant 0 : i32
    %dma_start3A_126 = tpu.memref_slice %arg2[%dma_start3A_124, %dma_start3A_125] : memref<10240x48xf32, #tpu.memory_space<hbm>> -> memref<10240x48xf32, #tpu.memory_space<hbm>>
    %dma_start3A_127 = tpu.memref_slice %arg10[%dma_start3A_117] : memref<10x!tpu.dma_semaphore, #tpu.memory_space<semaphore_mem>> -> memref<1x!tpu.dma_semaphore, #tpu.memory_space<semaphore_mem>>
    %dma_start3A_128 = tpu.memref_squeeze %dma_start3A_127 : memref<1x!tpu.dma_semaphore, #tpu.memory_space<semaphore_mem>> -> memref<!tpu.dma_semaphore, #tpu.memory_space<semaphore_mem>>
    tpu.enqueue_indirect_dma source(%dma_start3A_126 : memref<10240x48xf32, #tpu.memory_space<hbm>>) target(%dma_start3A_121 : memref<80x48xf32, #tpu.memory_space<vmem>>) offsets(%dma_start3A_123 : memref<80xi32, #tpu.memory_space<vmem>>) semaphore(%dma_start3A_128 : memref<!tpu.dma_semaphore, #tpu.memory_space<semaphore_mem>>)
    %dma_start3A_129 = arith.constant 9 : i32
    %dma_start3A_130 = arith.constant 9 : i32
    %dma_start3A_131 = arith.constant 0 : i32
    %dma_start3A_132 = arith.constant 0 : i32
    %dma_start3A_133 = tpu.memref_slice %arg7[%dma_start3A_129, %dma_start3A_131, %dma_start3A_132] : memref<10x80x48xf32, #tpu.memory_space<vmem>> -> memref<1x80x48xf32, #tpu.memory_space<vmem>>
    %dma_start3A_134 = tpu.memref_squeeze %dma_start3A_133 : memref<1x80x48xf32, #tpu.memory_space<vmem>> -> memref<80x48xf32, #tpu.memory_space<vmem>>
    %dma_start3A_135 = arith.constant 720 : i32
    %dma_start3A_136 = tpu.memref_slice %arg5[%dma_start3A_135] : memref<10000xi32, #tpu.memory_space<vmem>> -> memref<80xi32, #tpu.memory_space<vmem>>
    %dma_start3A_137 = arith.constant 0 : i32
    %dma_start3A_138 = arith.constant 0 : i32
    %dma_start3A_139 = tpu.memref_slice %arg2[%dma_start3A_137, %dma_start3A_138] : memref<10240x48xf32, #tpu.memory_space<hbm>> -> memref<10240x48xf32, #tpu.memory_space<hbm>>
    %dma_start3A_140 = tpu.memref_slice %arg10[%dma_start3A_130] : memref<10x!tpu.dma_semaphore, #tpu.memory_space<semaphore_mem>> -> memref<1x!tpu.dma_semaphore, #tpu.memory_space<semaphore_mem>>
    %dma_start3A_141 = tpu.memref_squeeze %dma_start3A_140 : memref<1x!tpu.dma_semaphore, #tpu.memory_space<semaphore_mem>> -> memref<!tpu.dma_semaphore, #tpu.memory_space<semaphore_mem>>
    tpu.enqueue_indirect_dma source(%dma_start3A_139 : memref<10240x48xf32, #tpu.memory_space<hbm>>) target(%dma_start3A_134 : memref<80x48xf32, #tpu.memory_space<vmem>>) offsets(%dma_start3A_136 : memref<80xi32, #tpu.memory_space<vmem>>) semaphore(%dma_start3A_141 : memref<!tpu.dma_semaphore, #tpu.memory_space<semaphore_mem>>)
    %scan3A_142 = arith.constant 0 : i32
    %scan3A_143 = arith.constant 12 : i32
    %scan3A_144 = arith.addi %scan3A_142, %scan3A_143 : i32
    %scan3A_145 = arith.constant 1 : i32
    scf.for %scan3A_396 = %scan3A_142 to %scan3A_144 step %scan3A_145  : i32 {
      %mul3A_397 = arith.constant 1 : i32
      %mul3A_398 = arith.muli %scan3A_396, %mul3A_397 : i32
      %add3A_399 = arith.constant 0 : i32
      %add3A_400 = arith.addi %add3A_399, %mul3A_398 : i32
      %mul3A_401 = arith.constant 10 : i32
      %mul3A_402 = arith.muli %add3A_400, %mul3A_401 : i32
      %dma_wait3A_403 = arith.constant 0 : i32
      %dma_wait3A_404 = arith.constant 0 : i32
      %dma_wait3A_405 = arith.constant 0 : i32
      %dma_wait3A_406 = arith.constant 0 : i32
      %dma_wait3A_407 = tpu.memref_slice %arg7[%dma_wait3A_403, %dma_wait3A_405, %dma_wait3A_406] : memref<10x80x48xf32, #tpu.memory_space<vmem>> -> memref<1x80x48xf32, #tpu.memory_space<vmem>>
      %dma_wait3A_408 = tpu.memref_squeeze %dma_wait3A_407 : memref<1x80x48xf32, #tpu.memory_space<vmem>> -> memref<80x48xf32, #tpu.memory_space<vmem>>
      %dma_wait3A_409 = arith.constant 0 : i32
      %dma_wait3A_410 = arith.constant 0 : i32
      %dma_wait3A_411 = tpu.memref_slice %arg2[%dma_wait3A_409, %dma_wait3A_410] : memref<10240x48xf32, #tpu.memory_space<hbm>> -> memref<80x48xf32, #tpu.memory_space<hbm>>
      %dma_wait3A_412 = tpu.memref_slice %arg10[%dma_wait3A_404] : memref<10x!tpu.dma_semaphore, #tpu.memory_space<semaphore_mem>> -> memref<1x!tpu.dma_semaphore, #tpu.memory_space<semaphore_mem>>
      %dma_wait3A_413 = tpu.memref_squeeze %dma_wait3A_412 : memref<1x!tpu.dma_semaphore, #tpu.memory_space<semaphore_mem>> -> memref<!tpu.dma_semaphore, #tpu.memory_space<semaphore_mem>>
      %dma_wait3A_414 = arith.constant 0 : i32
      %dma_wait3A_415 = arith.constant 0 : i32
      %dma_wait3A_416 = tpu.memref_slice %arg7[%dma_wait3A_403, %dma_wait3A_414, %dma_wait3A_415] : memref<10x80x48xf32, #tpu.memory_space<vmem>> -> memref<1x80x48xf32, #tpu.memory_space<vmem>>
      %dma_wait3A_417 = tpu.memref_squeeze %dma_wait3A_416 : memref<1x80x48xf32, #tpu.memory_space<vmem>> -> memref<80x48xf32, #tpu.memory_space<vmem>>
      %dma_wait3A_418 = arith.constant 0 : i32
      %dma_wait3A_419 = arith.constant 0 : i32
      %dma_wait3A_420 = tpu.memref_slice %arg2[%dma_wait3A_418, %dma_wait3A_419] : memref<10240x48xf32, #tpu.memory_space<hbm>> -> memref<80x48xf32, #tpu.memory_space<hbm>>
      tpu.wait_dma2 semaphore(%dma_wait3A_413 : memref<!tpu.dma_semaphore, #tpu.memory_space<semaphore_mem>>) src(%dma_wait3A_420 : memref<80x48xf32, #tpu.memory_space<hbm>>) dst(%dma_wait3A_417 : memref<80x48xf32, #tpu.memory_space<vmem>>)
      %add3A_421 = arith.constant 0 : i32
      %add3A_422 = arith.addi %mul3A_402, %add3A_421 : i32
      %mul3A_423 = arith.constant 80 : i32
      %mul3A_424 = arith.muli %add3A_422, %mul3A_423 : i32
      %dma_start3A_425 = arith.constant 0 : i32
      %dma_start3A_426 = arith.constant 0 : i32
      %dma_start3A_427 = arith.constant 0 : i32
      %dma_start3A_428 = arith.constant 0 : i32
      %dma_start3A_429 = tpu.memref_slice %arg7[%dma_start3A_425, %dma_start3A_427, %dma_start3A_428] : memref<10x80x48xf32, #tpu.memory_space<vmem>> -> memref<1x80x48xf32, #tpu.memory_space<vmem>>
      %dma_start3A_430 = tpu.memref_squeeze %dma_start3A_429 : memref<1x80x48xf32, #tpu.memory_space<vmem>> -> memref<80x48xf32, #tpu.memory_space<vmem>>
      %dma_start3A_431 = tpu.memref_slice %arg6[%mul3A_424] : memref<10000xi32, #tpu.memory_space<vmem>> -> memref<80xi32, #tpu.memory_space<vmem>>
      %dma_start3A_432 = arith.constant 0 : i32
      %dma_start3A_433 = arith.constant 0 : i32
      %dma_start3A_434 = tpu.memref_slice %arg9[%dma_start3A_432, %dma_start3A_433] : memref<10240x48xf32, #tpu.memory_space<vmem_shared>> -> memref<10240x48xf32, #tpu.memory_space<vmem_shared>>
      %dma_start3A_435 = tpu.memref_slice %arg11[%dma_start3A_426] : memref<10x!tpu.dma_semaphore, #tpu.memory_space<semaphore_mem>> -> memref<1x!tpu.dma_semaphore, #tpu.memory_space<semaphore_mem>>
      %dma_start3A_436 = tpu.memref_squeeze %dma_start3A_435 : memref<1x!tpu.dma_semaphore, #tpu.memory_space<semaphore_mem>> -> memref<!tpu.dma_semaphore, #tpu.memory_space<semaphore_mem>>
      tpu.enqueue_indirect_dma source(%dma_start3A_430 : memref<80x48xf32, #tpu.memory_space<vmem>>) target(%dma_start3A_434 : memref<10240x48xf32, #tpu.memory_space<vmem_shared>>) offsets(%dma_start3A_431 : memref<80xi32, #tpu.memory_space<vmem>>) semaphore(%dma_start3A_436 : memref<!tpu.dma_semaphore, #tpu.memory_space<semaphore_mem>>) {add = true}
      %dma_wait3A_437 = arith.constant 1 : i32
      %dma_wait3A_438 = arith.constant 1 : i32
      %dma_wait3A_439 = arith.constant 0 : i32
      %dma_wait3A_440 = arith.constant 0 : i32
      %dma_wait3A_441 = tpu.memref_slice %arg7[%dma_wait3A_437, %dma_wait3A_439, %dma_wait3A_440] : memref<10x80x48xf32, #tpu.memory_space<vmem>> -> memref<1x80x48xf32, #tpu.memory_space<vmem>>
      %dma_wait3A_442 = tpu.memref_squeeze %dma_wait3A_441 : memref<1x80x48xf32, #tpu.memory_space<vmem>> -> memref<80x48xf32, #tpu.memory_space<vmem>>
      %dma_wait3A_443 = arith.constant 0 : i32
      %dma_wait3A_444 = arith.constant 0 : i32
      %dma_wait3A_445 = tpu.memref_slice %arg2[%dma_wait3A_443, %dma_wait3A_444] : memref<10240x48xf32, #tpu.memory_space<hbm>> -> memref<80x48xf32, #tpu.memory_space<hbm>>
      %dma_wait3A_446 = tpu.memref_slice %arg10[%dma_wait3A_438] : memref<10x!tpu.dma_semaphore, #tpu.memory_space<semaphore_mem>> -> memref<1x!tpu.dma_semaphore, #tpu.memory_space<semaphore_mem>>
      %dma_wait3A_447 = tpu.memref_squeeze %dma_wait3A_446 : memref<1x!tpu.dma_semaphore, #tpu.memory_space<semaphore_mem>> -> memref<!tpu.dma_semaphore, #tpu.memory_space<semaphore_mem>>
      %dma_wait3A_448 = arith.constant 0 : i32
      %dma_wait3A_449 = arith.constant 0 : i32
      %dma_wait3A_450 = tpu.memref_slice %arg7[%dma_wait3A_437, %dma_wait3A_448, %dma_wait3A_449] : memref<10x80x48xf32, #tpu.memory_space<vmem>> -> memref<1x80x48xf32, #tpu.memory_space<vmem>>
      %dma_wait3A_451 = tpu.memref_squeeze %dma_wait3A_450 : memref<1x80x48xf32, #tpu.memory_space<vmem>> -> memref<80x48xf32, #tpu.memory_space<vmem>>
      %dma_wait3A_452 = arith.constant 0 : i32
      %dma_wait3A_453 = arith.constant 0 : i32
      %dma_wait3A_454 = tpu.memref_slice %arg2[%dma_wait3A_452, %dma_wait3A_453] : memref<10240x48xf32, #tpu.memory_space<hbm>> -> memref<80x48xf32, #tpu.memory_space<hbm>>
      tpu.wait_dma2 semaphore(%dma_wait3A_447 : memref<!tpu.dma_semaphore, #tpu.memory_space<semaphore_mem>>) src(%dma_wait3A_454 : memref<80x48xf32, #tpu.memory_space<hbm>>) dst(%dma_wait3A_451 : memref<80x48xf32, #tpu.memory_space<vmem>>)
      %add3A_455 = arith.constant 1 : i32
      %add3A_456 = arith.addi %mul3A_402, %add3A_455 : i32
      %mul3A_457 = arith.constant 80 : i32
      %mul3A_458 = arith.muli %add3A_456, %mul3A_457 : i32
      %dma_start3A_459 = arith.constant 1 : i32
      %dma_start3A_460 = arith.constant 1 : i32
      %dma_start3A_461 = arith.constant 0 : i32
      %dma_start3A_462 = arith.constant 0 : i32
      %dma_start3A_463 = tpu.memref_slice %arg7[%dma_start3A_459, %dma_start3A_461, %dma_start3A_462] : memref<10x80x48xf32, #tpu.memory_space<vmem>> -> memref<1x80x48xf32, #tpu.memory_space<vmem>>
      %dma_start3A_464 = tpu.memref_squeeze %dma_start3A_463 : memref<1x80x48xf32, #tpu.memory_space<vmem>> -> memref<80x48xf32, #tpu.memory_space<vmem>>
      %dma_start3A_465 = tpu.memref_slice %arg6[%mul3A_458] : memref<10000xi32, #tpu.memory_space<vmem>> -> memref<80xi32, #tpu.memory_space<vmem>>
      %dma_start3A_466 = arith.constant 0 : i32
      %dma_start3A_467 = arith.constant 0 : i32
      %dma_start3A_468 = tpu.memref_slice %arg9[%dma_start3A_466, %dma_start3A_467] : memref<10240x48xf32, #tpu.memory_space<vmem_shared>> -> memref<10240x48xf32, #tpu.memory_space<vmem_shared>>
      %dma_start3A_469 = tpu.memref_slice %arg11[%dma_start3A_460] : memref<10x!tpu.dma_semaphore, #tpu.memory_space<semaphore_mem>> -> memref<1x!tpu.dma_semaphore, #tpu.memory_space<semaphore_mem>>
      %dma_start3A_470 = tpu.memref_squeeze %dma_start3A_469 : memref<1x!tpu.dma_semaphore, #tpu.memory_space<semaphore_mem>> -> memref<!tpu.dma_semaphore, #tpu.memory_space<semaphore_mem>>
      tpu.enqueue_indirect_dma source(%dma_start3A_464 : memref<80x48xf32, #tpu.memory_space<vmem>>) target(%dma_start3A_468 : memref<10240x48xf32, #tpu.memory_space<vmem_shared>>) offsets(%dma_start3A_465 : memref<80xi32, #tpu.memory_space<vmem>>) semaphore(%dma_start3A_470 : memref<!tpu.dma_semaphore, #tpu.memory_space<semaphore_mem>>) {add = true}
      %dma_wait3A_471 = arith.constant 2 : i32
      %dma_wait3A_472 = arith.constant 2 : i32
      %dma_wait3A_473 = arith.constant 0 : i32
      %dma_wait3A_474 = arith.constant 0 : i32
      %dma_wait3A_475 = tpu.memref_slice %arg7[%dma_wait3A_471, %dma_wait3A_473, %dma_wait3A_474] : memref<10x80x48xf32, #tpu.memory_space<vmem>> -> memref<1x80x48xf32, #tpu.memory_space<vmem>>
      %dma_wait3A_476 = tpu.memref_squeeze %dma_wait3A_475 : memref<1x80x48xf32, #tpu.memory_space<vmem>> -> memref<80x48xf32, #tpu.memory_space<vmem>>
      %dma_wait3A_477 = arith.constant 0 : i32
      %dma_wait3A_478 = arith.constant 0 : i32
      %dma_wait3A_479 = tpu.memref_slice %arg2[%dma_wait3A_477, %dma_wait3A_478] : memref<10240x48xf32, #tpu.memory_space<hbm>> -> memref<80x48xf32, #tpu.memory_space<hbm>>
      %dma_wait3A_480 = tpu.memref_slice %arg10[%dma_wait3A_472] : memref<10x!tpu.dma_semaphore, #tpu.memory_space<semaphore_mem>> -> memref<1x!tpu.dma_semaphore, #tpu.memory_space<semaphore_mem>>
      %dma_wait3A_481 = tpu.memref_squeeze %dma_wait3A_480 : memref<1x!tpu.dma_semaphore, #tpu.memory_space<semaphore_mem>> -> memref<!tpu.dma_semaphore, #tpu.memory_space<semaphore_mem>>
      %dma_wait3A_482 = arith.constant 0 : i32
      %dma_wait3A_483 = arith.constant 0 : i32
      %dma_wait3A_484 = tpu.memref_slice %arg7[%dma_wait3A_471, %dma_wait3A_482, %dma_wait3A_483] : memref<10x80x48xf32, #tpu.memory_space<vmem>> -> memref<1x80x48xf32, #tpu.memory_space<vmem>>
      %dma_wait3A_485 = tpu.memref_squeeze %dma_wait3A_484 : memref<1x80x48xf32, #tpu.memory_space<vmem>> -> memref<80x48xf32, #tpu.memory_space<vmem>>
      %dma_wait3A_486 = arith.constant 0 : i32
      %dma_wait3A_487 = arith.constant 0 : i32
      %dma_wait3A_488 = tpu.memref_slice %arg2[%dma_wait3A_486, %dma_wait3A_487] : memref<10240x48xf32, #tpu.memory_space<hbm>> -> memref<80x48xf32, #tpu.memory_space<hbm>>
      tpu.wait_dma2 semaphore(%dma_wait3A_481 : memref<!tpu.dma_semaphore, #tpu.memory_space<semaphore_mem>>) src(%dma_wait3A_488 : memref<80x48xf32, #tpu.memory_space<hbm>>) dst(%dma_wait3A_485 : memref<80x48xf32, #tpu.memory_space<vmem>>)
      %add3A_489 = arith.constant 2 : i32
      %add3A_490 = arith.addi %mul3A_402, %add3A_489 : i32
      %mul3A_491 = arith.constant 80 : i32
      %mul3A_492 = arith.muli %add3A_490, %mul3A_491 : i32
      %dma_start3A_493 = arith.constant 2 : i32
      %dma_start3A_494 = arith.constant 2 : i32
      %dma_start3A_495 = arith.constant 0 : i32
      %dma_start3A_496 = arith.constant 0 : i32
      %dma_start3A_497 = tpu.memref_slice %arg7[%dma_start3A_493, %dma_start3A_495, %dma_start3A_496] : memref<10x80x48xf32, #tpu.memory_space<vmem>> -> memref<1x80x48xf32, #tpu.memory_space<vmem>>
      %dma_start3A_498 = tpu.memref_squeeze %dma_start3A_497 : memref<1x80x48xf32, #tpu.memory_space<vmem>> -> memref<80x48xf32, #tpu.memory_space<vmem>>
      %dma_start3A_499 = tpu.memref_slice %arg6[%mul3A_492] : memref<10000xi32, #tpu.memory_space<vmem>> -> memref<80xi32, #tpu.memory_space<vmem>>
      %dma_start3A_500 = arith.constant 0 : i32
      %dma_start3A_501 = arith.constant 0 : i32
      %dma_start3A_502 = tpu.memref_slice %arg9[%dma_start3A_500, %dma_start3A_501] : memref<10240x48xf32, #tpu.memory_space<vmem_shared>> -> memref<10240x48xf32, #tpu.memory_space<vmem_shared>>
      %dma_start3A_503 = tpu.memref_slice %arg11[%dma_start3A_494] : memref<10x!tpu.dma_semaphore, #tpu.memory_space<semaphore_mem>> -> memref<1x!tpu.dma_semaphore, #tpu.memory_space<semaphore_mem>>
      %dma_start3A_504 = tpu.memref_squeeze %dma_start3A_503 : memref<1x!tpu.dma_semaphore, #tpu.memory_space<semaphore_mem>> -> memref<!tpu.dma_semaphore, #tpu.memory_space<semaphore_mem>>
      tpu.enqueue_indirect_dma source(%dma_start3A_498 : memref<80x48xf32, #tpu.memory_space<vmem>>) target(%dma_start3A_502 : memref<10240x48xf32, #tpu.memory_space<vmem_shared>>) offsets(%dma_start3A_499 : memref<80xi32, #tpu.memory_space<vmem>>) semaphore(%dma_start3A_504 : memref<!tpu.dma_semaphore, #tpu.memory_space<semaphore_mem>>) {add = true}
      %dma_wait3A_505 = arith.constant 3 : i32
      %dma_wait3A_506 = arith.constant 3 : i32
      %dma_wait3A_507 = arith.constant 0 : i32
      %dma_wait3A_508 = arith.constant 0 : i32
      %dma_wait3A_509 = tpu.memref_slice %arg7[%dma_wait3A_505, %dma_wait3A_507, %dma_wait3A_508] : memref<10x80x48xf32, #tpu.memory_space<vmem>> -> memref<1x80x48xf32, #tpu.memory_space<vmem>>
      %dma_wait3A_510 = tpu.memref_squeeze %dma_wait3A_509 : memref<1x80x48xf32, #tpu.memory_space<vmem>> -> memref<80x48xf32, #tpu.memory_space<vmem>>
      %dma_wait3A_511 = arith.constant 0 : i32
      %dma_wait3A_512 = arith.constant 0 : i32
      %dma_wait3A_513 = tpu.memref_slice %arg2[%dma_wait3A_511, %dma_wait3A_512] : memref<10240x48xf32, #tpu.memory_space<hbm>> -> memref<80x48xf32, #tpu.memory_space<hbm>>
      %dma_wait3A_514 = tpu.memref_slice %arg10[%dma_wait3A_506] : memref<10x!tpu.dma_semaphore, #tpu.memory_space<semaphore_mem>> -> memref<1x!tpu.dma_semaphore, #tpu.memory_space<semaphore_mem>>
      %dma_wait3A_515 = tpu.memref_squeeze %dma_wait3A_514 : memref<1x!tpu.dma_semaphore, #tpu.memory_space<semaphore_mem>> -> memref<!tpu.dma_semaphore, #tpu.memory_space<semaphore_mem>>
      %dma_wait3A_516 = arith.constant 0 : i32
      %dma_wait3A_517 = arith.constant 0 : i32
      %dma_wait3A_518 = tpu.memref_slice %arg7[%dma_wait3A_505, %dma_wait3A_516, %dma_wait3A_517] : memref<10x80x48xf32, #tpu.memory_space<vmem>> -> memref<1x80x48xf32, #tpu.memory_space<vmem>>
      %dma_wait3A_519 = tpu.memref_squeeze %dma_wait3A_518 : memref<1x80x48xf32, #tpu.memory_space<vmem>> -> memref<80x48xf32, #tpu.memory_space<vmem>>
      %dma_wait3A_520 = arith.constant 0 : i32
      %dma_wait3A_521 = arith.constant 0 : i32
      %dma_wait3A_522 = tpu.memref_slice %arg2[%dma_wait3A_520, %dma_wait3A_521] : memref<10240x48xf32, #tpu.memory_space<hbm>> -> memref<80x48xf32, #tpu.memory_space<hbm>>
      tpu.wait_dma2 semaphore(%dma_wait3A_515 : memref<!tpu.dma_semaphore, #tpu.memory_space<semaphore_mem>>) src(%dma_wait3A_522 : memref<80x48xf32, #tpu.memory_space<hbm>>) dst(%dma_wait3A_519 : memref<80x48xf32, #tpu.memory_space<vmem>>)
      %add3A_523 = arith.constant 3 : i32
      %add3A_524 = arith.addi %mul3A_402, %add3A_523 : i32
      %mul3A_525 = arith.constant 80 : i32
      %mul3A_526 = arith.muli %add3A_524, %mul3A_525 : i32
      %dma_start3A_527 = arith.constant 3 : i32
      %dma_start3A_528 = arith.constant 3 : i32
      %dma_start3A_529 = arith.constant 0 : i32
      %dma_start3A_530 = arith.constant 0 : i32
      %dma_start3A_531 = tpu.memref_slice %arg7[%dma_start3A_527, %dma_start3A_529, %dma_start3A_530] : memref<10x80x48xf32, #tpu.memory_space<vmem>> -> memref<1x80x48xf32, #tpu.memory_space<vmem>>
      %dma_start3A_532 = tpu.memref_squeeze %dma_start3A_531 : memref<1x80x48xf32, #tpu.memory_space<vmem>> -> memref<80x48xf32, #tpu.memory_space<vmem>>
      %dma_start3A_533 = tpu.memref_slice %arg6[%mul3A_526] : memref<10000xi32, #tpu.memory_space<vmem>> -> memref<80xi32, #tpu.memory_space<vmem>>
      %dma_start3A_534 = arith.constant 0 : i32
      %dma_start3A_535 = arith.constant 0 : i32
      %dma_start3A_536 = tpu.memref_slice %arg9[%dma_start3A_534, %dma_start3A_535] : memref<10240x48xf32, #tpu.memory_space<vmem_shared>> -> memref<10240x48xf32, #tpu.memory_space<vmem_shared>>
      %dma_start3A_537 = tpu.memref_slice %arg11[%dma_start3A_528] : memref<10x!tpu.dma_semaphore, #tpu.memory_space<semaphore_mem>> -> memref<1x!tpu.dma_semaphore, #tpu.memory_space<semaphore_mem>>
      %dma_start3A_538 = tpu.memref_squeeze %dma_start3A_537 : memref<1x!tpu.dma_semaphore, #tpu.memory_space<semaphore_mem>> -> memref<!tpu.dma_semaphore, #tpu.memory_space<semaphore_mem>>
      tpu.enqueue_indirect_dma source(%dma_start3A_532 : memref<80x48xf32, #tpu.memory_space<vmem>>) target(%dma_start3A_536 : memref<10240x48xf32, #tpu.memory_space<vmem_shared>>) offsets(%dma_start3A_533 : memref<80xi32, #tpu.memory_space<vmem>>) semaphore(%dma_start3A_538 : memref<!tpu.dma_semaphore, #tpu.memory_space<semaphore_mem>>) {add = true}
      %dma_wait3A_539 = arith.constant 4 : i32
      %dma_wait3A_540 = arith.constant 4 : i32
      %dma_wait3A_541 = arith.constant 0 : i32
      %dma_wait3A_542 = arith.constant 0 : i32
      %dma_wait3A_543 = tpu.memref_slice %arg7[%dma_wait3A_539, %dma_wait3A_541, %dma_wait3A_542] : memref<10x80x48xf32, #tpu.memory_space<vmem>> -> memref<1x80x48xf32, #tpu.memory_space<vmem>>
      %dma_wait3A_544 = tpu.memref_squeeze %dma_wait3A_543 : memref<1x80x48xf32, #tpu.memory_space<vmem>> -> memref<80x48xf32, #tpu.memory_space<vmem>>
      %dma_wait3A_545 = arith.constant 0 : i32
      %dma_wait3A_546 = arith.constant 0 : i32
      %dma_wait3A_547 = tpu.memref_slice %arg2[%dma_wait3A_545, %dma_wait3A_546] : memref<10240x48xf32, #tpu.memory_space<hbm>> -> memref<80x48xf32, #tpu.memory_space<hbm>>
      %dma_wait3A_548 = tpu.memref_slice %arg10[%dma_wait3A_540] : memref<10x!tpu.dma_semaphore, #tpu.memory_space<semaphore_mem>> -> memref<1x!tpu.dma_semaphore, #tpu.memory_space<semaphore_mem>>
      %dma_wait3A_549 = tpu.memref_squeeze %dma_wait3A_548 : memref<1x!tpu.dma_semaphore, #tpu.memory_space<semaphore_mem>> -> memref<!tpu.dma_semaphore, #tpu.memory_space<semaphore_mem>>
      %dma_wait3A_550 = arith.constant 0 : i32
      %dma_wait3A_551 = arith.constant 0 : i32
      %dma_wait3A_552 = tpu.memref_slice %arg7[%dma_wait3A_539, %dma_wait3A_550, %dma_wait3A_551] : memref<10x80x48xf32, #tpu.memory_space<vmem>> -> memref<1x80x48xf32, #tpu.memory_space<vmem>>
      %dma_wait3A_553 = tpu.memref_squeeze %dma_wait3A_552 : memref<1x80x48xf32, #tpu.memory_space<vmem>> -> memref<80x48xf32, #tpu.memory_space<vmem>>
      %dma_wait3A_554 = arith.constant 0 : i32
      %dma_wait3A_555 = arith.constant 0 : i32
      %dma_wait3A_556 = tpu.memref_slice %arg2[%dma_wait3A_554, %dma_wait3A_555] : memref<10240x48xf32, #tpu.memory_space<hbm>> -> memref<80x48xf32, #tpu.memory_space<hbm>>
      tpu.wait_dma2 semaphore(%dma_wait3A_549 : memref<!tpu.dma_semaphore, #tpu.memory_space<semaphore_mem>>) src(%dma_wait3A_556 : memref<80x48xf32, #tpu.memory_space<hbm>>) dst(%dma_wait3A_553 : memref<80x48xf32, #tpu.memory_space<vmem>>)
      %add3A_557 = arith.constant 4 : i32
      %add3A_558 = arith.addi %mul3A_402, %add3A_557 : i32
      %mul3A_559 = arith.constant 80 : i32
      %mul3A_560 = arith.muli %add3A_558, %mul3A_559 : i32
      %dma_start3A_561 = arith.constant 4 : i32
      %dma_start3A_562 = arith.constant 4 : i32
      %dma_start3A_563 = arith.constant 0 : i32
      %dma_start3A_564 = arith.constant 0 : i32
      %dma_start3A_565 = tpu.memref_slice %arg7[%dma_start3A_561, %dma_start3A_563, %dma_start3A_564] : memref<10x80x48xf32, #tpu.memory_space<vmem>> -> memref<1x80x48xf32, #tpu.memory_space<vmem>>
      %dma_start3A_566 = tpu.memref_squeeze %dma_start3A_565 : memref<1x80x48xf32, #tpu.memory_space<vmem>> -> memref<80x48xf32, #tpu.memory_space<vmem>>
      %dma_start3A_567 = tpu.memref_slice %arg6[%mul3A_560] : memref<10000xi32, #tpu.memory_space<vmem>> -> memref<80xi32, #tpu.memory_space<vmem>>
      %dma_start3A_568 = arith.constant 0 : i32
      %dma_start3A_569 = arith.constant 0 : i32
      %dma_start3A_570 = tpu.memref_slice %arg9[%dma_start3A_568, %dma_start3A_569] : memref<10240x48xf32, #tpu.memory_space<vmem_shared>> -> memref<10240x48xf32, #tpu.memory_space<vmem_shared>>
      %dma_start3A_571 = tpu.memref_slice %arg11[%dma_start3A_562] : memref<10x!tpu.dma_semaphore, #tpu.memory_space<semaphore_mem>> -> memref<1x!tpu.dma_semaphore, #tpu.memory_space<semaphore_mem>>
      %dma_start3A_572 = tpu.memref_squeeze %dma_start3A_571 : memref<1x!tpu.dma_semaphore, #tpu.memory_space<semaphore_mem>> -> memref<!tpu.dma_semaphore, #tpu.memory_space<semaphore_mem>>
      tpu.enqueue_indirect_dma source(%dma_start3A_566 : memref<80x48xf32, #tpu.memory_space<vmem>>) target(%dma_start3A_570 : memref<10240x48xf32, #tpu.memory_space<vmem_shared>>) offsets(%dma_start3A_567 : memref<80xi32, #tpu.memory_space<vmem>>) semaphore(%dma_start3A_572 : memref<!tpu.dma_semaphore, #tpu.memory_space<semaphore_mem>>) {add = true}
      %dma_wait3A_573 = arith.constant 5 : i32
      %dma_wait3A_574 = arith.constant 5 : i32
      %dma_wait3A_575 = arith.constant 0 : i32
      %dma_wait3A_576 = arith.constant 0 : i32
      %dma_wait3A_577 = tpu.memref_slice %arg7[%dma_wait3A_573, %dma_wait3A_575, %dma_wait3A_576] : memref<10x80x48xf32, #tpu.memory_space<vmem>> -> memref<1x80x48xf32, #tpu.memory_space<vmem>>
      %dma_wait3A_578 = tpu.memref_squeeze %dma_wait3A_577 : memref<1x80x48xf32, #tpu.memory_space<vmem>> -> memref<80x48xf32, #tpu.memory_space<vmem>>
      %dma_wait3A_579 = arith.constant 0 : i32
      %dma_wait3A_580 = arith.constant 0 : i32
      %dma_wait3A_581 = tpu.memref_slice %arg2[%dma_wait3A_579, %dma_wait3A_580] : memref<10240x48xf32, #tpu.memory_space<hbm>> -> memref<80x48xf32, #tpu.memory_space<hbm>>
      %dma_wait3A_582 = tpu.memref_slice %arg10[%dma_wait3A_574] : memref<10x!tpu.dma_semaphore, #tpu.memory_space<semaphore_mem>> -> memref<1x!tpu.dma_semaphore, #tpu.memory_space<semaphore_mem>>
      %dma_wait3A_583 = tpu.memref_squeeze %dma_wait3A_582 : memref<1x!tpu.dma_semaphore, #tpu.memory_space<semaphore_mem>> -> memref<!tpu.dma_semaphore, #tpu.memory_space<semaphore_mem>>
      %dma_wait3A_584 = arith.constant 0 : i32
      %dma_wait3A_585 = arith.constant 0 : i32
      %dma_wait3A_586 = tpu.memref_slice %arg7[%dma_wait3A_573, %dma_wait3A_584, %dma_wait3A_585] : memref<10x80x48xf32, #tpu.memory_space<vmem>> -> memref<1x80x48xf32, #tpu.memory_space<vmem>>
      %dma_wait3A_587 = tpu.memref_squeeze %dma_wait3A_586 : memref<1x80x48xf32, #tpu.memory_space<vmem>> -> memref<80x48xf32, #tpu.memory_space<vmem>>
      %dma_wait3A_588 = arith.constant 0 : i32
      %dma_wait3A_589 = arith.constant 0 : i32
      %dma_wait3A_590 = tpu.memref_slice %arg2[%dma_wait3A_588, %dma_wait3A_589] : memref<10240x48xf32, #tpu.memory_space<hbm>> -> memref<80x48xf32, #tpu.memory_space<hbm>>
      tpu.wait_dma2 semaphore(%dma_wait3A_583 : memref<!tpu.dma_semaphore, #tpu.memory_space<semaphore_mem>>) src(%dma_wait3A_590 : memref<80x48xf32, #tpu.memory_space<hbm>>) dst(%dma_wait3A_587 : memref<80x48xf32, #tpu.memory_space<vmem>>)
      %add3A_591 = arith.constant 5 : i32
      %add3A_592 = arith.addi %mul3A_402, %add3A_591 : i32
      %mul3A_593 = arith.constant 80 : i32
      %mul3A_594 = arith.muli %add3A_592, %mul3A_593 : i32
      %dma_start3A_595 = arith.constant 5 : i32
      %dma_start3A_596 = arith.constant 5 : i32
      %dma_start3A_597 = arith.constant 0 : i32
      %dma_start3A_598 = arith.constant 0 : i32
      %dma_start3A_599 = tpu.memref_slice %arg7[%dma_start3A_595, %dma_start3A_597, %dma_start3A_598] : memref<10x80x48xf32, #tpu.memory_space<vmem>> -> memref<1x80x48xf32, #tpu.memory_space<vmem>>
      %dma_start3A_600 = tpu.memref_squeeze %dma_start3A_599 : memref<1x80x48xf32, #tpu.memory_space<vmem>> -> memref<80x48xf32, #tpu.memory_space<vmem>>
      %dma_start3A_601 = tpu.memref_slice %arg6[%mul3A_594] : memref<10000xi32, #tpu.memory_space<vmem>> -> memref<80xi32, #tpu.memory_space<vmem>>
      %dma_start3A_602 = arith.constant 0 : i32
      %dma_start3A_603 = arith.constant 0 : i32
      %dma_start3A_604 = tpu.memref_slice %arg9[%dma_start3A_602, %dma_start3A_603] : memref<10240x48xf32, #tpu.memory_space<vmem_shared>> -> memref<10240x48xf32, #tpu.memory_space<vmem_shared>>
      %dma_start3A_605 = tpu.memref_slice %arg11[%dma_start3A_596] : memref<10x!tpu.dma_semaphore, #tpu.memory_space<semaphore_mem>> -> memref<1x!tpu.dma_semaphore, #tpu.memory_space<semaphore_mem>>
      %dma_start3A_606 = tpu.memref_squeeze %dma_start3A_605 : memref<1x!tpu.dma_semaphore, #tpu.memory_space<semaphore_mem>> -> memref<!tpu.dma_semaphore, #tpu.memory_space<semaphore_mem>>
      tpu.enqueue_indirect_dma source(%dma_start3A_600 : memref<80x48xf32, #tpu.memory_space<vmem>>) target(%dma_start3A_604 : memref<10240x48xf32, #tpu.memory_space<vmem_shared>>) offsets(%dma_start3A_601 : memref<80xi32, #tpu.memory_space<vmem>>) semaphore(%dma_start3A_606 : memref<!tpu.dma_semaphore, #tpu.memory_space<semaphore_mem>>) {add = true}
      %dma_wait3A_607 = arith.constant 6 : i32
      %dma_wait3A_608 = arith.constant 6 : i32
      %dma_wait3A_609 = arith.constant 0 : i32
      %dma_wait3A_610 = arith.constant 0 : i32
      %dma_wait3A_611 = tpu.memref_slice %arg7[%dma_wait3A_607, %dma_wait3A_609, %dma_wait3A_610] : memref<10x80x48xf32, #tpu.memory_space<vmem>> -> memref<1x80x48xf32, #tpu.memory_space<vmem>>
      %dma_wait3A_612 = tpu.memref_squeeze %dma_wait3A_611 : memref<1x80x48xf32, #tpu.memory_space<vmem>> -> memref<80x48xf32, #tpu.memory_space<vmem>>
      %dma_wait3A_613 = arith.constant 0 : i32
      %dma_wait3A_614 = arith.constant 0 : i32
      %dma_wait3A_615 = tpu.memref_slice %arg2[%dma_wait3A_613, %dma_wait3A_614] : memref<10240x48xf32, #tpu.memory_space<hbm>> -> memref<80x48xf32, #tpu.memory_space<hbm>>
      %dma_wait3A_616 = tpu.memref_slice %arg10[%dma_wait3A_608] : memref<10x!tpu.dma_semaphore, #tpu.memory_space<semaphore_mem>> -> memref<1x!tpu.dma_semaphore, #tpu.memory_space<semaphore_mem>>
      %dma_wait3A_617 = tpu.memref_squeeze %dma_wait3A_616 : memref<1x!tpu.dma_semaphore, #tpu.memory_space<semaphore_mem>> -> memref<!tpu.dma_semaphore, #tpu.memory_space<semaphore_mem>>
      %dma_wait3A_618 = arith.constant 0 : i32
      %dma_wait3A_619 = arith.constant 0 : i32
      %dma_wait3A_620 = tpu.memref_slice %arg7[%dma_wait3A_607, %dma_wait3A_618, %dma_wait3A_619] : memref<10x80x48xf32, #tpu.memory_space<vmem>> -> memref<1x80x48xf32, #tpu.memory_space<vmem>>
      %dma_wait3A_621 = tpu.memref_squeeze %dma_wait3A_620 : memref<1x80x48xf32, #tpu.memory_space<vmem>> -> memref<80x48xf32, #tpu.memory_space<vmem>>
      %dma_wait3A_622 = arith.constant 0 : i32
      %dma_wait3A_623 = arith.constant 0 : i32
      %dma_wait3A_624 = tpu.memref_slice %arg2[%dma_wait3A_622, %dma_wait3A_623] : memref<10240x48xf32, #tpu.memory_space<hbm>> -> memref<80x48xf32, #tpu.memory_space<hbm>>
      tpu.wait_dma2 semaphore(%dma_wait3A_617 : memref<!tpu.dma_semaphore, #tpu.memory_space<semaphore_mem>>) src(%dma_wait3A_624 : memref<80x48xf32, #tpu.memory_space<hbm>>) dst(%dma_wait3A_621 : memref<80x48xf32, #tpu.memory_space<vmem>>)
      %add3A_625 = arith.constant 6 : i32
      %add3A_626 = arith.addi %mul3A_402, %add3A_625 : i32
      %mul3A_627 = arith.constant 80 : i32
      %mul3A_628 = arith.muli %add3A_626, %mul3A_627 : i32
      %dma_start3A_629 = arith.constant 6 : i32
      %dma_start3A_630 = arith.constant 6 : i32
      %dma_start3A_631 = arith.constant 0 : i32
      %dma_start3A_632 = arith.constant 0 : i32
      %dma_start3A_633 = tpu.memref_slice %arg7[%dma_start3A_629, %dma_start3A_631, %dma_start3A_632] : memref<10x80x48xf32, #tpu.memory_space<vmem>> -> memref<1x80x48xf32, #tpu.memory_space<vmem>>
      %dma_start3A_634 = tpu.memref_squeeze %dma_start3A_633 : memref<1x80x48xf32, #tpu.memory_space<vmem>> -> memref<80x48xf32, #tpu.memory_space<vmem>>
      %dma_start3A_635 = tpu.memref_slice %arg6[%mul3A_628] : memref<10000xi32, #tpu.memory_space<vmem>> -> memref<80xi32, #tpu.memory_space<vmem>>
      %dma_start3A_636 = arith.constant 0 : i32
      %dma_start3A_637 = arith.constant 0 : i32
      %dma_start3A_638 = tpu.memref_slice %arg9[%dma_start3A_636, %dma_start3A_637] : memref<10240x48xf32, #tpu.memory_space<vmem_shared>> -> memref<10240x48xf32, #tpu.memory_space<vmem_shared>>
      %dma_start3A_639 = tpu.memref_slice %arg11[%dma_start3A_630] : memref<10x!tpu.dma_semaphore, #tpu.memory_space<semaphore_mem>> -> memref<1x!tpu.dma_semaphore, #tpu.memory_space<semaphore_mem>>
      %dma_start3A_640 = tpu.memref_squeeze %dma_start3A_639 : memref<1x!tpu.dma_semaphore, #tpu.memory_space<semaphore_mem>> -> memref<!tpu.dma_semaphore, #tpu.memory_space<semaphore_mem>>
      tpu.enqueue_indirect_dma source(%dma_start3A_634 : memref<80x48xf32, #tpu.memory_space<vmem>>) target(%dma_start3A_638 : memref<10240x48xf32, #tpu.memory_space<vmem_shared>>) offsets(%dma_start3A_635 : memref<80xi32, #tpu.memory_space<vmem>>) semaphore(%dma_start3A_640 : memref<!tpu.dma_semaphore, #tpu.memory_space<semaphore_mem>>) {add = true}
      %dma_wait3A_641 = arith.constant 7 : i32
      %dma_wait3A_642 = arith.constant 7 : i32
      %dma_wait3A_643 = arith.constant 0 : i32
      %dma_wait3A_644 = arith.constant 0 : i32
      %dma_wait3A_645 = tpu.memref_slice %arg7[%dma_wait3A_641, %dma_wait3A_643, %dma_wait3A_644] : memref<10x80x48xf32, #tpu.memory_space<vmem>> -> memref<1x80x48xf32, #tpu.memory_space<vmem>>
      %dma_wait3A_646 = tpu.memref_squeeze %dma_wait3A_645 : memref<1x80x48xf32, #tpu.memory_space<vmem>> -> memref<80x48xf32, #tpu.memory_space<vmem>>
      %dma_wait3A_647 = arith.constant 0 : i32
      %dma_wait3A_648 = arith.constant 0 : i32
      %dma_wait3A_649 = tpu.memref_slice %arg2[%dma_wait3A_647, %dma_wait3A_648] : memref<10240x48xf32, #tpu.memory_space<hbm>> -> memref<80x48xf32, #tpu.memory_space<hbm>>
      %dma_wait3A_650 = tpu.memref_slice %arg10[%dma_wait3A_642] : memref<10x!tpu.dma_semaphore, #tpu.memory_space<semaphore_mem>> -> memref<1x!tpu.dma_semaphore, #tpu.memory_space<semaphore_mem>>
      %dma_wait3A_651 = tpu.memref_squeeze %dma_wait3A_650 : memref<1x!tpu.dma_semaphore, #tpu.memory_space<semaphore_mem>> -> memref<!tpu.dma_semaphore, #tpu.memory_space<semaphore_mem>>
      %dma_wait3A_652 = arith.constant 0 : i32
      %dma_wait3A_653 = arith.constant 0 : i32
      %dma_wait3A_654 = tpu.memref_slice %arg7[%dma_wait3A_641, %dma_wait3A_652, %dma_wait3A_653] : memref<10x80x48xf32, #tpu.memory_space<vmem>> -> memref<1x80x48xf32, #tpu.memory_space<vmem>>
      %dma_wait3A_655 = tpu.memref_squeeze %dma_wait3A_654 : memref<1x80x48xf32, #tpu.memory_space<vmem>> -> memref<80x48xf32, #tpu.memory_space<vmem>>
      %dma_wait3A_656 = arith.constant 0 : i32
      %dma_wait3A_657 = arith.constant 0 : i32
      %dma_wait3A_658 = tpu.memref_slice %arg2[%dma_wait3A_656, %dma_wait3A_657] : memref<10240x48xf32, #tpu.memory_space<hbm>> -> memref<80x48xf32, #tpu.memory_space<hbm>>
      tpu.wait_dma2 semaphore(%dma_wait3A_651 : memref<!tpu.dma_semaphore, #tpu.memory_space<semaphore_mem>>) src(%dma_wait3A_658 : memref<80x48xf32, #tpu.memory_space<hbm>>) dst(%dma_wait3A_655 : memref<80x48xf32, #tpu.memory_space<vmem>>)
      %add3A_659 = arith.constant 7 : i32
      %add3A_660 = arith.addi %mul3A_402, %add3A_659 : i32
      %mul3A_661 = arith.constant 80 : i32
      %mul3A_662 = arith.muli %add3A_660, %mul3A_661 : i32
      %dma_start3A_663 = arith.constant 7 : i32
      %dma_start3A_664 = arith.constant 7 : i32
      %dma_start3A_665 = arith.constant 0 : i32
      %dma_start3A_666 = arith.constant 0 : i32
      %dma_start3A_667 = tpu.memref_slice %arg7[%dma_start3A_663, %dma_start3A_665, %dma_start3A_666] : memref<10x80x48xf32, #tpu.memory_space<vmem>> -> memref<1x80x48xf32, #tpu.memory_space<vmem>>
      %dma_start3A_668 = tpu.memref_squeeze %dma_start3A_667 : memref<1x80x48xf32, #tpu.memory_space<vmem>> -> memref<80x48xf32, #tpu.memory_space<vmem>>
      %dma_start3A_669 = tpu.memref_slice %arg6[%mul3A_662] : memref<10000xi32, #tpu.memory_space<vmem>> -> memref<80xi32, #tpu.memory_space<vmem>>
      %dma_start3A_670 = arith.constant 0 : i32
      %dma_start3A_671 = arith.constant 0 : i32
      %dma_start3A_672 = tpu.memref_slice %arg9[%dma_start3A_670, %dma_start3A_671] : memref<10240x48xf32, #tpu.memory_space<vmem_shared>> -> memref<10240x48xf32, #tpu.memory_space<vmem_shared>>
      %dma_start3A_673 = tpu.memref_slice %arg11[%dma_start3A_664] : memref<10x!tpu.dma_semaphore, #tpu.memory_space<semaphore_mem>> -> memref<1x!tpu.dma_semaphore, #tpu.memory_space<semaphore_mem>>
      %dma_start3A_674 = tpu.memref_squeeze %dma_start3A_673 : memref<1x!tpu.dma_semaphore, #tpu.memory_space<semaphore_mem>> -> memref<!tpu.dma_semaphore, #tpu.memory_space<semaphore_mem>>
      tpu.enqueue_indirect_dma source(%dma_start3A_668 : memref<80x48xf32, #tpu.memory_space<vmem>>) target(%dma_start3A_672 : memref<10240x48xf32, #tpu.memory_space<vmem_shared>>) offsets(%dma_start3A_669 : memref<80xi32, #tpu.memory_space<vmem>>) semaphore(%dma_start3A_674 : memref<!tpu.dma_semaphore, #tpu.memory_space<semaphore_mem>>) {add = true}
      %dma_wait3A_675 = arith.constant 8 : i32
      %dma_wait3A_676 = arith.constant 8 : i32
      %dma_wait3A_677 = arith.constant 0 : i32
      %dma_wait3A_678 = arith.constant 0 : i32
      %dma_wait3A_679 = tpu.memref_slice %arg7[%dma_wait3A_675, %dma_wait3A_677, %dma_wait3A_678] : memref<10x80x48xf32, #tpu.memory_space<vmem>> -> memref<1x80x48xf32, #tpu.memory_space<vmem>>
      %dma_wait3A_680 = tpu.memref_squeeze %dma_wait3A_679 : memref<1x80x48xf32, #tpu.memory_space<vmem>> -> memref<80x48xf32, #tpu.memory_space<vmem>>
      %dma_wait3A_681 = arith.constant 0 : i32
      %dma_wait3A_682 = arith.constant 0 : i32
      %dma_wait3A_683 = tpu.memref_slice %arg2[%dma_wait3A_681, %dma_wait3A_682] : memref<10240x48xf32, #tpu.memory_space<hbm>> -> memref<80x48xf32, #tpu.memory_space<hbm>>
      %dma_wait3A_684 = tpu.memref_slice %arg10[%dma_wait3A_676] : memref<10x!tpu.dma_semaphore, #tpu.memory_space<semaphore_mem>> -> memref<1x!tpu.dma_semaphore, #tpu.memory_space<semaphore_mem>>
      %dma_wait3A_685 = tpu.memref_squeeze %dma_wait3A_684 : memref<1x!tpu.dma_semaphore, #tpu.memory_space<semaphore_mem>> -> memref<!tpu.dma_semaphore, #tpu.memory_space<semaphore_mem>>
      %dma_wait3A_686 = arith.constant 0 : i32
      %dma_wait3A_687 = arith.constant 0 : i32
      %dma_wait3A_688 = tpu.memref_slice %arg7[%dma_wait3A_675, %dma_wait3A_686, %dma_wait3A_687] : memref<10x80x48xf32, #tpu.memory_space<vmem>> -> memref<1x80x48xf32, #tpu.memory_space<vmem>>
      %dma_wait3A_689 = tpu.memref_squeeze %dma_wait3A_688 : memref<1x80x48xf32, #tpu.memory_space<vmem>> -> memref<80x48xf32, #tpu.memory_space<vmem>>
      %dma_wait3A_690 = arith.constant 0 : i32
      %dma_wait3A_691 = arith.constant 0 : i32
      %dma_wait3A_692 = tpu.memref_slice %arg2[%dma_wait3A_690, %dma_wait3A_691] : memref<10240x48xf32, #tpu.memory_space<hbm>> -> memref<80x48xf32, #tpu.memory_space<hbm>>
      tpu.wait_dma2 semaphore(%dma_wait3A_685 : memref<!tpu.dma_semaphore, #tpu.memory_space<semaphore_mem>>) src(%dma_wait3A_692 : memref<80x48xf32, #tpu.memory_space<hbm>>) dst(%dma_wait3A_689 : memref<80x48xf32, #tpu.memory_space<vmem>>)
      %add3A_693 = arith.constant 8 : i32
      %add3A_694 = arith.addi %mul3A_402, %add3A_693 : i32
      %mul3A_695 = arith.constant 80 : i32
      %mul3A_696 = arith.muli %add3A_694, %mul3A_695 : i32
      %dma_start3A_697 = arith.constant 8 : i32
      %dma_start3A_698 = arith.constant 8 : i32
      %dma_start3A_699 = arith.constant 0 : i32
      %dma_start3A_700 = arith.constant 0 : i32
      %dma_start3A_701 = tpu.memref_slice %arg7[%dma_start3A_697, %dma_start3A_699, %dma_start3A_700] : memref<10x80x48xf32, #tpu.memory_space<vmem>> -> memref<1x80x48xf32, #tpu.memory_space<vmem>>
      %dma_start3A_702 = tpu.memref_squeeze %dma_start3A_701 : memref<1x80x48xf32, #tpu.memory_space<vmem>> -> memref<80x48xf32, #tpu.memory_space<vmem>>
      %dma_start3A_703 = tpu.memref_slice %arg6[%mul3A_696] : memref<10000xi32, #tpu.memory_space<vmem>> -> memref<80xi32, #tpu.memory_space<vmem>>
      %dma_start3A_704 = arith.constant 0 : i32
      %dma_start3A_705 = arith.constant 0 : i32
      %dma_start3A_706 = tpu.memref_slice %arg9[%dma_start3A_704, %dma_start3A_705] : memref<10240x48xf32, #tpu.memory_space<vmem_shared>> -> memref<10240x48xf32, #tpu.memory_space<vmem_shared>>
      %dma_start3A_707 = tpu.memref_slice %arg11[%dma_start3A_698] : memref<10x!tpu.dma_semaphore, #tpu.memory_space<semaphore_mem>> -> memref<1x!tpu.dma_semaphore, #tpu.memory_space<semaphore_mem>>
      %dma_start3A_708 = tpu.memref_squeeze %dma_start3A_707 : memref<1x!tpu.dma_semaphore, #tpu.memory_space<semaphore_mem>> -> memref<!tpu.dma_semaphore, #tpu.memory_space<semaphore_mem>>
      tpu.enqueue_indirect_dma source(%dma_start3A_702 : memref<80x48xf32, #tpu.memory_space<vmem>>) target(%dma_start3A_706 : memref<10240x48xf32, #tpu.memory_space<vmem_shared>>) offsets(%dma_start3A_703 : memref<80xi32, #tpu.memory_space<vmem>>) semaphore(%dma_start3A_708 : memref<!tpu.dma_semaphore, #tpu.memory_space<semaphore_mem>>) {add = true}
      %dma_wait3A_709 = arith.constant 9 : i32
      %dma_wait3A_710 = arith.constant 9 : i32
      %dma_wait3A_711 = arith.constant 0 : i32
      %dma_wait3A_712 = arith.constant 0 : i32
      %dma_wait3A_713 = tpu.memref_slice %arg7[%dma_wait3A_709, %dma_wait3A_711, %dma_wait3A_712] : memref<10x80x48xf32, #tpu.memory_space<vmem>> -> memref<1x80x48xf32, #tpu.memory_space<vmem>>
      %dma_wait3A_714 = tpu.memref_squeeze %dma_wait3A_713 : memref<1x80x48xf32, #tpu.memory_space<vmem>> -> memref<80x48xf32, #tpu.memory_space<vmem>>
      %dma_wait3A_715 = arith.constant 0 : i32
      %dma_wait3A_716 = arith.constant 0 : i32
      %dma_wait3A_717 = tpu.memref_slice %arg2[%dma_wait3A_715, %dma_wait3A_716] : memref<10240x48xf32, #tpu.memory_space<hbm>> -> memref<80x48xf32, #tpu.memory_space<hbm>>
      %dma_wait3A_718 = tpu.memref_slice %arg10[%dma_wait3A_710] : memref<10x!tpu.dma_semaphore, #tpu.memory_space<semaphore_mem>> -> memref<1x!tpu.dma_semaphore, #tpu.memory_space<semaphore_mem>>
      %dma_wait3A_719 = tpu.memref_squeeze %dma_wait3A_718 : memref<1x!tpu.dma_semaphore, #tpu.memory_space<semaphore_mem>> -> memref<!tpu.dma_semaphore, #tpu.memory_space<semaphore_mem>>
      %dma_wait3A_720 = arith.constant 0 : i32
      %dma_wait3A_721 = arith.constant 0 : i32
      %dma_wait3A_722 = tpu.memref_slice %arg7[%dma_wait3A_709, %dma_wait3A_720, %dma_wait3A_721] : memref<10x80x48xf32, #tpu.memory_space<vmem>> -> memref<1x80x48xf32, #tpu.memory_space<vmem>>
      %dma_wait3A_723 = tpu.memref_squeeze %dma_wait3A_722 : memref<1x80x48xf32, #tpu.memory_space<vmem>> -> memref<80x48xf32, #tpu.memory_space<vmem>>
      %dma_wait3A_724 = arith.constant 0 : i32
      %dma_wait3A_725 = arith.constant 0 : i32
      %dma_wait3A_726 = tpu.memref_slice %arg2[%dma_wait3A_724, %dma_wait3A_725] : memref<10240x48xf32, #tpu.memory_space<hbm>> -> memref<80x48xf32, #tpu.memory_space<hbm>>
      tpu.wait_dma2 semaphore(%dma_wait3A_719 : memref<!tpu.dma_semaphore, #tpu.memory_space<semaphore_mem>>) src(%dma_wait3A_726 : memref<80x48xf32, #tpu.memory_space<hbm>>) dst(%dma_wait3A_723 : memref<80x48xf32, #tpu.memory_space<vmem>>)
      %add3A_727 = arith.constant 9 : i32
      %add3A_728 = arith.addi %mul3A_402, %add3A_727 : i32
      %mul3A_729 = arith.constant 80 : i32
      %mul3A_730 = arith.muli %add3A_728, %mul3A_729 : i32
      %dma_start3A_731 = arith.constant 9 : i32
      %dma_start3A_732 = arith.constant 9 : i32
      %dma_start3A_733 = arith.constant 0 : i32
      %dma_start3A_734 = arith.constant 0 : i32
      %dma_start3A_735 = tpu.memref_slice %arg7[%dma_start3A_731, %dma_start3A_733, %dma_start3A_734] : memref<10x80x48xf32, #tpu.memory_space<vmem>> -> memref<1x80x48xf32, #tpu.memory_space<vmem>>
      %dma_start3A_736 = tpu.memref_squeeze %dma_start3A_735 : memref<1x80x48xf32, #tpu.memory_space<vmem>> -> memref<80x48xf32, #tpu.memory_space<vmem>>
      %dma_start3A_737 = tpu.memref_slice %arg6[%mul3A_730] : memref<10000xi32, #tpu.memory_space<vmem>> -> memref<80xi32, #tpu.memory_space<vmem>>
      %dma_start3A_738 = arith.constant 0 : i32
      %dma_start3A_739 = arith.constant 0 : i32
      %dma_start3A_740 = tpu.memref_slice %arg9[%dma_start3A_738, %dma_start3A_739] : memref<10240x48xf32, #tpu.memory_space<vmem_shared>> -> memref<10240x48xf32, #tpu.memory_space<vmem_shared>>
      %dma_start3A_741 = tpu.memref_slice %arg11[%dma_start3A_732] : memref<10x!tpu.dma_semaphore, #tpu.memory_space<semaphore_mem>> -> memref<1x!tpu.dma_semaphore, #tpu.memory_space<semaphore_mem>>
      %dma_start3A_742 = tpu.memref_squeeze %dma_start3A_741 : memref<1x!tpu.dma_semaphore, #tpu.memory_space<semaphore_mem>> -> memref<!tpu.dma_semaphore, #tpu.memory_space<semaphore_mem>>
      tpu.enqueue_indirect_dma source(%dma_start3A_736 : memref<80x48xf32, #tpu.memory_space<vmem>>) target(%dma_start3A_740 : memref<10240x48xf32, #tpu.memory_space<vmem_shared>>) offsets(%dma_start3A_737 : memref<80xi32, #tpu.memory_space<vmem>>) semaphore(%dma_start3A_742 : memref<!tpu.dma_semaphore, #tpu.memory_space<semaphore_mem>>) {add = true}
      %add3A_743 = arith.constant 10 : i32
      %add3A_744 = arith.addi %mul3A_402, %add3A_743 : i32
      %add3A_745 = arith.constant 0 : i32
      %add3A_746 = arith.addi %add3A_744, %add3A_745 : i32
      %dma_wait3A_747 = arith.constant 0 : i32
      %dma_wait3A_748 = arith.constant 0 : i32
      %dma_wait3A_749 = arith.constant 0 : i32
      %dma_wait3A_750 = arith.constant 0 : i32
      %dma_wait3A_751 = tpu.memref_slice %arg7[%dma_wait3A_747, %dma_wait3A_749, %dma_wait3A_750] : memref<10x80x48xf32, #tpu.memory_space<vmem>> -> memref<1x80x48xf32, #tpu.memory_space<vmem>>
      %dma_wait3A_752 = tpu.memref_squeeze %dma_wait3A_751 : memref<1x80x48xf32, #tpu.memory_space<vmem>> -> memref<80x48xf32, #tpu.memory_space<vmem>>
      %dma_wait3A_753 = arith.constant 0 : i32
      %dma_wait3A_754 = arith.constant 0 : i32
      %dma_wait3A_755 = tpu.memref_slice %arg9[%dma_wait3A_753, %dma_wait3A_754] : memref<10240x48xf32, #tpu.memory_space<vmem_shared>> -> memref<80x48xf32, #tpu.memory_space<vmem_shared>>
      %dma_wait3A_756 = tpu.memref_slice %arg11[%dma_wait3A_748] : memref<10x!tpu.dma_semaphore, #tpu.memory_space<semaphore_mem>> -> memref<1x!tpu.dma_semaphore, #tpu.memory_space<semaphore_mem>>
      %dma_wait3A_757 = tpu.memref_squeeze %dma_wait3A_756 : memref<1x!tpu.dma_semaphore, #tpu.memory_space<semaphore_mem>> -> memref<!tpu.dma_semaphore, #tpu.memory_space<semaphore_mem>>
      %dma_wait3A_758 = arith.constant 0 : i32
      %dma_wait3A_759 = arith.constant 0 : i32
      %dma_wait3A_760 = tpu.memref_slice %arg9[%dma_wait3A_758, %dma_wait3A_759] : memref<10240x48xf32, #tpu.memory_space<vmem_shared>> -> memref<80x48xf32, #tpu.memory_space<vmem_shared>>
      %dma_wait3A_761 = arith.constant 0 : i32
      %dma_wait3A_762 = arith.constant 0 : i32
      %dma_wait3A_763 = tpu.memref_slice %arg7[%dma_wait3A_747, %dma_wait3A_761, %dma_wait3A_762] : memref<10x80x48xf32, #tpu.memory_space<vmem>> -> memref<1x80x48xf32, #tpu.memory_space<vmem>>
      %dma_wait3A_764 = tpu.memref_squeeze %dma_wait3A_763 : memref<1x80x48xf32, #tpu.memory_space<vmem>> -> memref<80x48xf32, #tpu.memory_space<vmem>>
      tpu.wait_dma2 semaphore(%dma_wait3A_757 : memref<!tpu.dma_semaphore, #tpu.memory_space<semaphore_mem>>) src(%dma_wait3A_764 : memref<80x48xf32, #tpu.memory_space<vmem>>) dst(%dma_wait3A_760 : memref<80x48xf32, #tpu.memory_space<vmem_shared>>)
      %lt3A = arith.constant 125 : i32
      %lt3A_765 = arith.cmpi slt, %add3A_746, %lt3A : i32
      %convert_element_type3A = arith.extui %lt3A_765 : i1 to i32
      %cond3A = arith.constant 0 : i32
      %cond3A_766 = arith.cmpi ne, %convert_element_type3A, %cond3A : i32
      scf.if %cond3A_766 {
        %mul3A_1010 = arith.constant 80 : i32
        %mul3A_1011 = arith.muli %add3A_746, %mul3A_1010 : i32
        %dma_start3A_1012 = arith.constant 0 : i32
        %dma_start3A_1013 = arith.constant 0 : i32
        %dma_start3A_1014 = arith.constant 0 : i32
        %dma_start3A_1015 = arith.constant 0 : i32
        %dma_start3A_1016 = tpu.memref_slice %arg7[%dma_start3A_1012, %dma_start3A_1014, %dma_start3A_1015] : memref<10x80x48xf32, #tpu.memory_space<vmem>> -> memref<1x80x48xf32, #tpu.memory_space<vmem>>
        %dma_start3A_1017 = tpu.memref_squeeze %dma_start3A_1016 : memref<1x80x48xf32, #tpu.memory_space<vmem>> -> memref<80x48xf32, #tpu.memory_space<vmem>>
        %dma_start3A_1018 = tpu.memref_slice %arg5[%mul3A_1011] : memref<10000xi32, #tpu.memory_space<vmem>> -> memref<80xi32, #tpu.memory_space<vmem>>
        %dma_start3A_1019 = arith.constant 0 : i32
        %dma_start3A_1020 = arith.constant 0 : i32
        %dma_start3A_1021 = tpu.memref_slice %arg2[%dma_start3A_1019, %dma_start3A_1020] : memref<10240x48xf32, #tpu.memory_space<hbm>> -> memref<10240x48xf32, #tpu.memory_space<hbm>>
        %dma_start3A_1022 = tpu.memref_slice %arg10[%dma_start3A_1013] : memref<10x!tpu.dma_semaphore, #tpu.memory_space<semaphore_mem>> -> memref<1x!tpu.dma_semaphore, #tpu.memory_space<semaphore_mem>>
        %dma_start3A_1023 = tpu.memref_squeeze %dma_start3A_1022 : memref<1x!tpu.dma_semaphore, #tpu.memory_space<semaphore_mem>> -> memref<!tpu.dma_semaphore, #tpu.memory_space<semaphore_mem>>
        tpu.enqueue_indirect_dma source(%dma_start3A_1021 : memref<10240x48xf32, #tpu.memory_space<hbm>>) target(%dma_start3A_1017 : memref<80x48xf32, #tpu.memory_space<vmem>>) offsets(%dma_start3A_1018 : memref<80xi32, #tpu.memory_space<vmem>>) semaphore(%dma_start3A_1023 : memref<!tpu.dma_semaphore, #tpu.memory_space<semaphore_mem>>)
      } else {
      }
      %add3A_767 = arith.constant 10 : i32
      %add3A_768 = arith.addi %mul3A_402, %add3A_767 : i32
      %add3A_769 = arith.constant 1 : i32
      %add3A_770 = arith.addi %add3A_768, %add3A_769 : i32
      %dma_wait3A_771 = arith.constant 1 : i32
      %dma_wait3A_772 = arith.constant 1 : i32
      %dma_wait3A_773 = arith.constant 0 : i32
      %dma_wait3A_774 = arith.constant 0 : i32
      %dma_wait3A_775 = tpu.memref_slice %arg7[%dma_wait3A_771, %dma_wait3A_773, %dma_wait3A_774] : memref<10x80x48xf32, #tpu.memory_space<vmem>> -> memref<1x80x48xf32, #tpu.memory_space<vmem>>
      %dma_wait3A_776 = tpu.memref_squeeze %dma_wait3A_775 : memref<1x80x48xf32, #tpu.memory_space<vmem>> -> memref<80x48xf32, #tpu.memory_space<vmem>>
      %dma_wait3A_777 = arith.constant 0 : i32
      %dma_wait3A_778 = arith.constant 0 : i32
      %dma_wait3A_779 = tpu.memref_slice %arg9[%dma_wait3A_777, %dma_wait3A_778] : memref<10240x48xf32, #tpu.memory_space<vmem_shared>> -> memref<80x48xf32, #tpu.memory_space<vmem_shared>>
      %dma_wait3A_780 = tpu.memref_slice %arg11[%dma_wait3A_772] : memref<10x!tpu.dma_semaphore, #tpu.memory_space<semaphore_mem>> -> memref<1x!tpu.dma_semaphore, #tpu.memory_space<semaphore_mem>>
      %dma_wait3A_781 = tpu.memref_squeeze %dma_wait3A_780 : memref<1x!tpu.dma_semaphore, #tpu.memory_space<semaphore_mem>> -> memref<!tpu.dma_semaphore, #tpu.memory_space<semaphore_mem>>
      %dma_wait3A_782 = arith.constant 0 : i32
      %dma_wait3A_783 = arith.constant 0 : i32
      %dma_wait3A_784 = tpu.memref_slice %arg9[%dma_wait3A_782, %dma_wait3A_783] : memref<10240x48xf32, #tpu.memory_space<vmem_shared>> -> memref<80x48xf32, #tpu.memory_space<vmem_shared>>
      %dma_wait3A_785 = arith.constant 0 : i32
      %dma_wait3A_786 = arith.constant 0 : i32
      %dma_wait3A_787 = tpu.memref_slice %arg7[%dma_wait3A_771, %dma_wait3A_785, %dma_wait3A_786] : memref<10x80x48xf32, #tpu.memory_space<vmem>> -> memref<1x80x48xf32, #tpu.memory_space<vmem>>
      %dma_wait3A_788 = tpu.memref_squeeze %dma_wait3A_787 : memref<1x80x48xf32, #tpu.memory_space<vmem>> -> memref<80x48xf32, #tpu.memory_space<vmem>>
      tpu.wait_dma2 semaphore(%dma_wait3A_781 : memref<!tpu.dma_semaphore, #tpu.memory_space<semaphore_mem>>) src(%dma_wait3A_788 : memref<80x48xf32, #tpu.memory_space<vmem>>) dst(%dma_wait3A_784 : memref<80x48xf32, #tpu.memory_space<vmem_shared>>)
      %lt3A_789 = arith.constant 125 : i32
      %lt3A_790 = arith.cmpi slt, %add3A_770, %lt3A_789 : i32
      %convert_element_type3A_791 = arith.extui %lt3A_790 : i1 to i32
      %cond3A_792 = arith.constant 0 : i32
      %cond3A_793 = arith.cmpi ne, %convert_element_type3A_791, %cond3A_792 : i32
      scf.if %cond3A_793 {
        %mul3A_1010 = arith.constant 80 : i32
        %mul3A_1011 = arith.muli %add3A_770, %mul3A_1010 : i32
        %dma_start3A_1012 = arith.constant 1 : i32
        %dma_start3A_1013 = arith.constant 1 : i32
        %dma_start3A_1014 = arith.constant 0 : i32
        %dma_start3A_1015 = arith.constant 0 : i32
        %dma_start3A_1016 = tpu.memref_slice %arg7[%dma_start3A_1012, %dma_start3A_1014, %dma_start3A_1015] : memref<10x80x48xf32, #tpu.memory_space<vmem>> -> memref<1x80x48xf32, #tpu.memory_space<vmem>>
        %dma_start3A_1017 = tpu.memref_squeeze %dma_start3A_1016 : memref<1x80x48xf32, #tpu.memory_space<vmem>> -> memref<80x48xf32, #tpu.memory_space<vmem>>
        %dma_start3A_1018 = tpu.memref_slice %arg5[%mul3A_1011] : memref<10000xi32, #tpu.memory_space<vmem>> -> memref<80xi32, #tpu.memory_space<vmem>>
        %dma_start3A_1019 = arith.constant 0 : i32
        %dma_start3A_1020 = arith.constant 0 : i32
        %dma_start3A_1021 = tpu.memref_slice %arg2[%dma_start3A_1019, %dma_start3A_1020] : memref<10240x48xf32, #tpu.memory_space<hbm>> -> memref<10240x48xf32, #tpu.memory_space<hbm>>
        %dma_start3A_1022 = tpu.memref_slice %arg10[%dma_start3A_1013] : memref<10x!tpu.dma_semaphore, #tpu.memory_space<semaphore_mem>> -> memref<1x!tpu.dma_semaphore, #tpu.memory_space<semaphore_mem>>
        %dma_start3A_1023 = tpu.memref_squeeze %dma_start3A_1022 : memref<1x!tpu.dma_semaphore, #tpu.memory_space<semaphore_mem>> -> memref<!tpu.dma_semaphore, #tpu.memory_space<semaphore_mem>>
        tpu.enqueue_indirect_dma source(%dma_start3A_1021 : memref<10240x48xf32, #tpu.memory_space<hbm>>) target(%dma_start3A_1017 : memref<80x48xf32, #tpu.memory_space<vmem>>) offsets(%dma_start3A_1018 : memref<80xi32, #tpu.memory_space<vmem>>) semaphore(%dma_start3A_1023 : memref<!tpu.dma_semaphore, #tpu.memory_space<semaphore_mem>>)
      } else {
      }
      %add3A_794 = arith.constant 10 : i32
      %add3A_795 = arith.addi %mul3A_402, %add3A_794 : i32
      %add3A_796 = arith.constant 2 : i32
      %add3A_797 = arith.addi %add3A_795, %add3A_796 : i32
      %dma_wait3A_798 = arith.constant 2 : i32
      %dma_wait3A_799 = arith.constant 2 : i32
      %dma_wait3A_800 = arith.constant 0 : i32
      %dma_wait3A_801 = arith.constant 0 : i32
      %dma_wait3A_802 = tpu.memref_slice %arg7[%dma_wait3A_798, %dma_wait3A_800, %dma_wait3A_801] : memref<10x80x48xf32, #tpu.memory_space<vmem>> -> memref<1x80x48xf32, #tpu.memory_space<vmem>>
      %dma_wait3A_803 = tpu.memref_squeeze %dma_wait3A_802 : memref<1x80x48xf32, #tpu.memory_space<vmem>> -> memref<80x48xf32, #tpu.memory_space<vmem>>
      %dma_wait3A_804 = arith.constant 0 : i32
      %dma_wait3A_805 = arith.constant 0 : i32
      %dma_wait3A_806 = tpu.memref_slice %arg9[%dma_wait3A_804, %dma_wait3A_805] : memref<10240x48xf32, #tpu.memory_space<vmem_shared>> -> memref<80x48xf32, #tpu.memory_space<vmem_shared>>
      %dma_wait3A_807 = tpu.memref_slice %arg11[%dma_wait3A_799] : memref<10x!tpu.dma_semaphore, #tpu.memory_space<semaphore_mem>> -> memref<1x!tpu.dma_semaphore, #tpu.memory_space<semaphore_mem>>
      %dma_wait3A_808 = tpu.memref_squeeze %dma_wait3A_807 : memref<1x!tpu.dma_semaphore, #tpu.memory_space<semaphore_mem>> -> memref<!tpu.dma_semaphore, #tpu.memory_space<semaphore_mem>>
      %dma_wait3A_809 = arith.constant 0 : i32
      %dma_wait3A_810 = arith.constant 0 : i32
      %dma_wait3A_811 = tpu.memref_slice %arg9[%dma_wait3A_809, %dma_wait3A_810] : memref<10240x48xf32, #tpu.memory_space<vmem_shared>> -> memref<80x48xf32, #tpu.memory_space<vmem_shared>>
      %dma_wait3A_812 = arith.constant 0 : i32
      %dma_wait3A_813 = arith.constant 0 : i32
      %dma_wait3A_814 = tpu.memref_slice %arg7[%dma_wait3A_798, %dma_wait3A_812, %dma_wait3A_813] : memref<10x80x48xf32, #tpu.memory_space<vmem>> -> memref<1x80x48xf32, #tpu.memory_space<vmem>>
      %dma_wait3A_815 = tpu.memref_squeeze %dma_wait3A_814 : memref<1x80x48xf32, #tpu.memory_space<vmem>> -> memref<80x48xf32, #tpu.memory_space<vmem>>
      tpu.wait_dma2 semaphore(%dma_wait3A_808 : memref<!tpu.dma_semaphore, #tpu.memory_space<semaphore_mem>>) src(%dma_wait3A_815 : memref<80x48xf32, #tpu.memory_space<vmem>>) dst(%dma_wait3A_811 : memref<80x48xf32, #tpu.memory_space<vmem_shared>>)
      %lt3A_816 = arith.constant 125 : i32
      %lt3A_817 = arith.cmpi slt, %add3A_797, %lt3A_816 : i32
      %convert_element_type3A_818 = arith.extui %lt3A_817 : i1 to i32
      %cond3A_819 = arith.constant 0 : i32
      %cond3A_820 = arith.cmpi ne, %convert_element_type3A_818, %cond3A_819 : i32
      scf.if %cond3A_820 {
        %mul3A_1010 = arith.constant 80 : i32
        %mul3A_1011 = arith.muli %add3A_797, %mul3A_1010 : i32
        %dma_start3A_1012 = arith.constant 2 : i32
        %dma_start3A_1013 = arith.constant 2 : i32
        %dma_start3A_1014 = arith.constant 0 : i32
        %dma_start3A_1015 = arith.constant 0 : i32
        %dma_start3A_1016 = tpu.memref_slice %arg7[%dma_start3A_1012, %dma_start3A_1014, %dma_start3A_1015] : memref<10x80x48xf32, #tpu.memory_space<vmem>> -> memref<1x80x48xf32, #tpu.memory_space<vmem>>
        %dma_start3A_1017 = tpu.memref_squeeze %dma_start3A_1016 : memref<1x80x48xf32, #tpu.memory_space<vmem>> -> memref<80x48xf32, #tpu.memory_space<vmem>>
        %dma_start3A_1018 = tpu.memref_slice %arg5[%mul3A_1011] : memref<10000xi32, #tpu.memory_space<vmem>> -> memref<80xi32, #tpu.memory_space<vmem>>
        %dma_start3A_1019 = arith.constant 0 : i32
        %dma_start3A_1020 = arith.constant 0 : i32
        %dma_start3A_1021 = tpu.memref_slice %arg2[%dma_start3A_1019, %dma_start3A_1020] : memref<10240x48xf32, #tpu.memory_space<hbm>> -> memref<10240x48xf32, #tpu.memory_space<hbm>>
        %dma_start3A_1022 = tpu.memref_slice %arg10[%dma_start3A_1013] : memref<10x!tpu.dma_semaphore, #tpu.memory_space<semaphore_mem>> -> memref<1x!tpu.dma_semaphore, #tpu.memory_space<semaphore_mem>>
        %dma_start3A_1023 = tpu.memref_squeeze %dma_start3A_1022 : memref<1x!tpu.dma_semaphore, #tpu.memory_space<semaphore_mem>> -> memref<!tpu.dma_semaphore, #tpu.memory_space<semaphore_mem>>
        tpu.enqueue_indirect_dma source(%dma_start3A_1021 : memref<10240x48xf32, #tpu.memory_space<hbm>>) target(%dma_start3A_1017 : memref<80x48xf32, #tpu.memory_space<vmem>>) offsets(%dma_start3A_1018 : memref<80xi32, #tpu.memory_space<vmem>>) semaphore(%dma_start3A_1023 : memref<!tpu.dma_semaphore, #tpu.memory_space<semaphore_mem>>)
      } else {
      }
      %add3A_821 = arith.constant 10 : i32
      %add3A_822 = arith.addi %mul3A_402, %add3A_821 : i32
      %add3A_823 = arith.constant 3 : i32
      %add3A_824 = arith.addi %add3A_822, %add3A_823 : i32
      %dma_wait3A_825 = arith.constant 3 : i32
      %dma_wait3A_826 = arith.constant 3 : i32
      %dma_wait3A_827 = arith.constant 0 : i32
      %dma_wait3A_828 = arith.constant 0 : i32
      %dma_wait3A_829 = tpu.memref_slice %arg7[%dma_wait3A_825, %dma_wait3A_827, %dma_wait3A_828] : memref<10x80x48xf32, #tpu.memory_space<vmem>> -> memref<1x80x48xf32, #tpu.memory_space<vmem>>
      %dma_wait3A_830 = tpu.memref_squeeze %dma_wait3A_829 : memref<1x80x48xf32, #tpu.memory_space<vmem>> -> memref<80x48xf32, #tpu.memory_space<vmem>>
      %dma_wait3A_831 = arith.constant 0 : i32
      %dma_wait3A_832 = arith.constant 0 : i32
      %dma_wait3A_833 = tpu.memref_slice %arg9[%dma_wait3A_831, %dma_wait3A_832] : memref<10240x48xf32, #tpu.memory_space<vmem_shared>> -> memref<80x48xf32, #tpu.memory_space<vmem_shared>>
      %dma_wait3A_834 = tpu.memref_slice %arg11[%dma_wait3A_826] : memref<10x!tpu.dma_semaphore, #tpu.memory_space<semaphore_mem>> -> memref<1x!tpu.dma_semaphore, #tpu.memory_space<semaphore_mem>>
      %dma_wait3A_835 = tpu.memref_squeeze %dma_wait3A_834 : memref<1x!tpu.dma_semaphore, #tpu.memory_space<semaphore_mem>> -> memref<!tpu.dma_semaphore, #tpu.memory_space<semaphore_mem>>
      %dma_wait3A_836 = arith.constant 0 : i32
      %dma_wait3A_837 = arith.constant 0 : i32
      %dma_wait3A_838 = tpu.memref_slice %arg9[%dma_wait3A_836, %dma_wait3A_837] : memref<10240x48xf32, #tpu.memory_space<vmem_shared>> -> memref<80x48xf32, #tpu.memory_space<vmem_shared>>
      %dma_wait3A_839 = arith.constant 0 : i32
      %dma_wait3A_840 = arith.constant 0 : i32
      %dma_wait3A_841 = tpu.memref_slice %arg7[%dma_wait3A_825, %dma_wait3A_839, %dma_wait3A_840] : memref<10x80x48xf32, #tpu.memory_space<vmem>> -> memref<1x80x48xf32, #tpu.memory_space<vmem>>
      %dma_wait3A_842 = tpu.memref_squeeze %dma_wait3A_841 : memref<1x80x48xf32, #tpu.memory_space<vmem>> -> memref<80x48xf32, #tpu.memory_space<vmem>>
      tpu.wait_dma2 semaphore(%dma_wait3A_835 : memref<!tpu.dma_semaphore, #tpu.memory_space<semaphore_mem>>) src(%dma_wait3A_842 : memref<80x48xf32, #tpu.memory_space<vmem>>) dst(%dma_wait3A_838 : memref<80x48xf32, #tpu.memory_space<vmem_shared>>)
      %lt3A_843 = arith.constant 125 : i32
      %lt3A_844 = arith.cmpi slt, %add3A_824, %lt3A_843 : i32
      %convert_element_type3A_845 = arith.extui %lt3A_844 : i1 to i32
      %cond3A_846 = arith.constant 0 : i32
      %cond3A_847 = arith.cmpi ne, %convert_element_type3A_845, %cond3A_846 : i32
      scf.if %cond3A_847 {
        %mul3A_1010 = arith.constant 80 : i32
        %mul3A_1011 = arith.muli %add3A_824, %mul3A_1010 : i32
        %dma_start3A_1012 = arith.constant 3 : i32
        %dma_start3A_1013 = arith.constant 3 : i32
        %dma_start3A_1014 = arith.constant 0 : i32
        %dma_start3A_1015 = arith.constant 0 : i32
        %dma_start3A_1016 = tpu.memref_slice %arg7[%dma_start3A_1012, %dma_start3A_1014, %dma_start3A_1015] : memref<10x80x48xf32, #tpu.memory_space<vmem>> -> memref<1x80x48xf32, #tpu.memory_space<vmem>>
        %dma_start3A_1017 = tpu.memref_squeeze %dma_start3A_1016 : memref<1x80x48xf32, #tpu.memory_space<vmem>> -> memref<80x48xf32, #tpu.memory_space<vmem>>
        %dma_start3A_1018 = tpu.memref_slice %arg5[%mul3A_1011] : memref<10000xi32, #tpu.memory_space<vmem>> -> memref<80xi32, #tpu.memory_space<vmem>>
        %dma_start3A_1019 = arith.constant 0 : i32
        %dma_start3A_1020 = arith.constant 0 : i32
        %dma_start3A_1021 = tpu.memref_slice %arg2[%dma_start3A_1019, %dma_start3A_1020] : memref<10240x48xf32, #tpu.memory_space<hbm>> -> memref<10240x48xf32, #tpu.memory_space<hbm>>
        %dma_start3A_1022 = tpu.memref_slice %arg10[%dma_start3A_1013] : memref<10x!tpu.dma_semaphore, #tpu.memory_space<semaphore_mem>> -> memref<1x!tpu.dma_semaphore, #tpu.memory_space<semaphore_mem>>
        %dma_start3A_1023 = tpu.memref_squeeze %dma_start3A_1022 : memref<1x!tpu.dma_semaphore, #tpu.memory_space<semaphore_mem>> -> memref<!tpu.dma_semaphore, #tpu.memory_space<semaphore_mem>>
        tpu.enqueue_indirect_dma source(%dma_start3A_1021 : memref<10240x48xf32, #tpu.memory_space<hbm>>) target(%dma_start3A_1017 : memref<80x48xf32, #tpu.memory_space<vmem>>) offsets(%dma_start3A_1018 : memref<80xi32, #tpu.memory_space<vmem>>) semaphore(%dma_start3A_1023 : memref<!tpu.dma_semaphore, #tpu.memory_space<semaphore_mem>>)
      } else {
      }
      %add3A_848 = arith.constant 10 : i32
      %add3A_849 = arith.addi %mul3A_402, %add3A_848 : i32
      %add3A_850 = arith.constant 4 : i32
      %add3A_851 = arith.addi %add3A_849, %add3A_850 : i32
      %dma_wait3A_852 = arith.constant 4 : i32
      %dma_wait3A_853 = arith.constant 4 : i32
      %dma_wait3A_854 = arith.constant 0 : i32
      %dma_wait3A_855 = arith.constant 0 : i32
      %dma_wait3A_856 = tpu.memref_slice %arg7[%dma_wait3A_852, %dma_wait3A_854, %dma_wait3A_855] : memref<10x80x48xf32, #tpu.memory_space<vmem>> -> memref<1x80x48xf32, #tpu.memory_space<vmem>>
      %dma_wait3A_857 = tpu.memref_squeeze %dma_wait3A_856 : memref<1x80x48xf32, #tpu.memory_space<vmem>> -> memref<80x48xf32, #tpu.memory_space<vmem>>
      %dma_wait3A_858 = arith.constant 0 : i32
      %dma_wait3A_859 = arith.constant 0 : i32
      %dma_wait3A_860 = tpu.memref_slice %arg9[%dma_wait3A_858, %dma_wait3A_859] : memref<10240x48xf32, #tpu.memory_space<vmem_shared>> -> memref<80x48xf32, #tpu.memory_space<vmem_shared>>
      %dma_wait3A_861 = tpu.memref_slice %arg11[%dma_wait3A_853] : memref<10x!tpu.dma_semaphore, #tpu.memory_space<semaphore_mem>> -> memref<1x!tpu.dma_semaphore, #tpu.memory_space<semaphore_mem>>
      %dma_wait3A_862 = tpu.memref_squeeze %dma_wait3A_861 : memref<1x!tpu.dma_semaphore, #tpu.memory_space<semaphore_mem>> -> memref<!tpu.dma_semaphore, #tpu.memory_space<semaphore_mem>>
      %dma_wait3A_863 = arith.constant 0 : i32
      %dma_wait3A_864 = arith.constant 0 : i32
      %dma_wait3A_865 = tpu.memref_slice %arg9[%dma_wait3A_863, %dma_wait3A_864] : memref<10240x48xf32, #tpu.memory_space<vmem_shared>> -> memref<80x48xf32, #tpu.memory_space<vmem_shared>>
      %dma_wait3A_866 = arith.constant 0 : i32
      %dma_wait3A_867 = arith.constant 0 : i32
      %dma_wait3A_868 = tpu.memref_slice %arg7[%dma_wait3A_852, %dma_wait3A_866, %dma_wait3A_867] : memref<10x80x48xf32, #tpu.memory_space<vmem>> -> memref<1x80x48xf32, #tpu.memory_space<vmem>>
      %dma_wait3A_869 = tpu.memref_squeeze %dma_wait3A_868 : memref<1x80x48xf32, #tpu.memory_space<vmem>> -> memref<80x48xf32, #tpu.memory_space<vmem>>
      tpu.wait_dma2 semaphore(%dma_wait3A_862 : memref<!tpu.dma_semaphore, #tpu.memory_space<semaphore_mem>>) src(%dma_wait3A_869 : memref<80x48xf32, #tpu.memory_space<vmem>>) dst(%dma_wait3A_865 : memref<80x48xf32, #tpu.memory_space<vmem_shared>>)
      %lt3A_870 = arith.constant 125 : i32
      %lt3A_871 = arith.cmpi slt, %add3A_851, %lt3A_870 : i32
      %convert_element_type3A_872 = arith.extui %lt3A_871 : i1 to i32
      %cond3A_873 = arith.constant 0 : i32
      %cond3A_874 = arith.cmpi ne, %convert_element_type3A_872, %cond3A_873 : i32
      scf.if %cond3A_874 {
        %mul3A_1010 = arith.constant 80 : i32
        %mul3A_1011 = arith.muli %add3A_851, %mul3A_1010 : i32
        %dma_start3A_1012 = arith.constant 4 : i32
        %dma_start3A_1013 = arith.constant 4 : i32
        %dma_start3A_1014 = arith.constant 0 : i32
        %dma_start3A_1015 = arith.constant 0 : i32
        %dma_start3A_1016 = tpu.memref_slice %arg7[%dma_start3A_1012, %dma_start3A_1014, %dma_start3A_1015] : memref<10x80x48xf32, #tpu.memory_space<vmem>> -> memref<1x80x48xf32, #tpu.memory_space<vmem>>
        %dma_start3A_1017 = tpu.memref_squeeze %dma_start3A_1016 : memref<1x80x48xf32, #tpu.memory_space<vmem>> -> memref<80x48xf32, #tpu.memory_space<vmem>>
        %dma_start3A_1018 = tpu.memref_slice %arg5[%mul3A_1011] : memref<10000xi32, #tpu.memory_space<vmem>> -> memref<80xi32, #tpu.memory_space<vmem>>
        %dma_start3A_1019 = arith.constant 0 : i32
        %dma_start3A_1020 = arith.constant 0 : i32
        %dma_start3A_1021 = tpu.memref_slice %arg2[%dma_start3A_1019, %dma_start3A_1020] : memref<10240x48xf32, #tpu.memory_space<hbm>> -> memref<10240x48xf32, #tpu.memory_space<hbm>>
        %dma_start3A_1022 = tpu.memref_slice %arg10[%dma_start3A_1013] : memref<10x!tpu.dma_semaphore, #tpu.memory_space<semaphore_mem>> -> memref<1x!tpu.dma_semaphore, #tpu.memory_space<semaphore_mem>>
        %dma_start3A_1023 = tpu.memref_squeeze %dma_start3A_1022 : memref<1x!tpu.dma_semaphore, #tpu.memory_space<semaphore_mem>> -> memref<!tpu.dma_semaphore, #tpu.memory_space<semaphore_mem>>
        tpu.enqueue_indirect_dma source(%dma_start3A_1021 : memref<10240x48xf32, #tpu.memory_space<hbm>>) target(%dma_start3A_1017 : memref<80x48xf32, #tpu.memory_space<vmem>>) offsets(%dma_start3A_1018 : memref<80xi32, #tpu.memory_space<vmem>>) semaphore(%dma_start3A_1023 : memref<!tpu.dma_semaphore, #tpu.memory_space<semaphore_mem>>)
      } else {
      }
      %add3A_875 = arith.constant 10 : i32
      %add3A_876 = arith.addi %mul3A_402, %add3A_875 : i32
      %add3A_877 = arith.constant 5 : i32
      %add3A_878 = arith.addi %add3A_876, %add3A_877 : i32
      %dma_wait3A_879 = arith.constant 5 : i32
      %dma_wait3A_880 = arith.constant 5 : i32
      %dma_wait3A_881 = arith.constant 0 : i32
      %dma_wait3A_882 = arith.constant 0 : i32
      %dma_wait3A_883 = tpu.memref_slice %arg7[%dma_wait3A_879, %dma_wait3A_881, %dma_wait3A_882] : memref<10x80x48xf32, #tpu.memory_space<vmem>> -> memref<1x80x48xf32, #tpu.memory_space<vmem>>
      %dma_wait3A_884 = tpu.memref_squeeze %dma_wait3A_883 : memref<1x80x48xf32, #tpu.memory_space<vmem>> -> memref<80x48xf32, #tpu.memory_space<vmem>>
      %dma_wait3A_885 = arith.constant 0 : i32
      %dma_wait3A_886 = arith.constant 0 : i32
      %dma_wait3A_887 = tpu.memref_slice %arg9[%dma_wait3A_885, %dma_wait3A_886] : memref<10240x48xf32, #tpu.memory_space<vmem_shared>> -> memref<80x48xf32, #tpu.memory_space<vmem_shared>>
      %dma_wait3A_888 = tpu.memref_slice %arg11[%dma_wait3A_880] : memref<10x!tpu.dma_semaphore, #tpu.memory_space<semaphore_mem>> -> memref<1x!tpu.dma_semaphore, #tpu.memory_space<semaphore_mem>>
      %dma_wait3A_889 = tpu.memref_squeeze %dma_wait3A_888 : memref<1x!tpu.dma_semaphore, #tpu.memory_space<semaphore_mem>> -> memref<!tpu.dma_semaphore, #tpu.memory_space<semaphore_mem>>
      %dma_wait3A_890 = arith.constant 0 : i32
      %dma_wait3A_891 = arith.constant 0 : i32
      %dma_wait3A_892 = tpu.memref_slice %arg9[%dma_wait3A_890, %dma_wait3A_891] : memref<10240x48xf32, #tpu.memory_space<vmem_shared>> -> memref<80x48xf32, #tpu.memory_space<vmem_shared>>
      %dma_wait3A_893 = arith.constant 0 : i32
      %dma_wait3A_894 = arith.constant 0 : i32
      %dma_wait3A_895 = tpu.memref_slice %arg7[%dma_wait3A_879, %dma_wait3A_893, %dma_wait3A_894] : memref<10x80x48xf32, #tpu.memory_space<vmem>> -> memref<1x80x48xf32, #tpu.memory_space<vmem>>
      %dma_wait3A_896 = tpu.memref_squeeze %dma_wait3A_895 : memref<1x80x48xf32, #tpu.memory_space<vmem>> -> memref<80x48xf32, #tpu.memory_space<vmem>>
      tpu.wait_dma2 semaphore(%dma_wait3A_889 : memref<!tpu.dma_semaphore, #tpu.memory_space<semaphore_mem>>) src(%dma_wait3A_896 : memref<80x48xf32, #tpu.memory_space<vmem>>) dst(%dma_wait3A_892 : memref<80x48xf32, #tpu.memory_space<vmem_shared>>)
      %lt3A_897 = arith.constant 125 : i32
      %lt3A_898 = arith.cmpi slt, %add3A_878, %lt3A_897 : i32
      %convert_element_type3A_899 = arith.extui %lt3A_898 : i1 to i32
      %cond3A_900 = arith.constant 0 : i32
      %cond3A_901 = arith.cmpi ne, %convert_element_type3A_899, %cond3A_900 : i32
      scf.if %cond3A_901 {
        %mul3A_1010 = arith.constant 80 : i32
        %mul3A_1011 = arith.muli %add3A_878, %mul3A_1010 : i32
        %dma_start3A_1012 = arith.constant 5 : i32
        %dma_start3A_1013 = arith.constant 5 : i32
        %dma_start3A_1014 = arith.constant 0 : i32
        %dma_start3A_1015 = arith.constant 0 : i32
        %dma_start3A_1016 = tpu.memref_slice %arg7[%dma_start3A_1012, %dma_start3A_1014, %dma_start3A_1015] : memref<10x80x48xf32, #tpu.memory_space<vmem>> -> memref<1x80x48xf32, #tpu.memory_space<vmem>>
        %dma_start3A_1017 = tpu.memref_squeeze %dma_start3A_1016 : memref<1x80x48xf32, #tpu.memory_space<vmem>> -> memref<80x48xf32, #tpu.memory_space<vmem>>
        %dma_start3A_1018 = tpu.memref_slice %arg5[%mul3A_1011] : memref<10000xi32, #tpu.memory_space<vmem>> -> memref<80xi32, #tpu.memory_space<vmem>>
        %dma_start3A_1019 = arith.constant 0 : i32
        %dma_start3A_1020 = arith.constant 0 : i32
        %dma_start3A_1021 = tpu.memref_slice %arg2[%dma_start3A_1019, %dma_start3A_1020] : memref<10240x48xf32, #tpu.memory_space<hbm>> -> memref<10240x48xf32, #tpu.memory_space<hbm>>
        %dma_start3A_1022 = tpu.memref_slice %arg10[%dma_start3A_1013] : memref<10x!tpu.dma_semaphore, #tpu.memory_space<semaphore_mem>> -> memref<1x!tpu.dma_semaphore, #tpu.memory_space<semaphore_mem>>
        %dma_start3A_1023 = tpu.memref_squeeze %dma_start3A_1022 : memref<1x!tpu.dma_semaphore, #tpu.memory_space<semaphore_mem>> -> memref<!tpu.dma_semaphore, #tpu.memory_space<semaphore_mem>>
        tpu.enqueue_indirect_dma source(%dma_start3A_1021 : memref<10240x48xf32, #tpu.memory_space<hbm>>) target(%dma_start3A_1017 : memref<80x48xf32, #tpu.memory_space<vmem>>) offsets(%dma_start3A_1018 : memref<80xi32, #tpu.memory_space<vmem>>) semaphore(%dma_start3A_1023 : memref<!tpu.dma_semaphore, #tpu.memory_space<semaphore_mem>>)
      } else {
      }
      %add3A_902 = arith.constant 10 : i32
      %add3A_903 = arith.addi %mul3A_402, %add3A_902 : i32
      %add3A_904 = arith.constant 6 : i32
      %add3A_905 = arith.addi %add3A_903, %add3A_904 : i32
      %dma_wait3A_906 = arith.constant 6 : i32
      %dma_wait3A_907 = arith.constant 6 : i32
      %dma_wait3A_908 = arith.constant 0 : i32
      %dma_wait3A_909 = arith.constant 0 : i32
      %dma_wait3A_910 = tpu.memref_slice %arg7[%dma_wait3A_906, %dma_wait3A_908, %dma_wait3A_909] : memref<10x80x48xf32, #tpu.memory_space<vmem>> -> memref<1x80x48xf32, #tpu.memory_space<vmem>>
      %dma_wait3A_911 = tpu.memref_squeeze %dma_wait3A_910 : memref<1x80x48xf32, #tpu.memory_space<vmem>> -> memref<80x48xf32, #tpu.memory_space<vmem>>
      %dma_wait3A_912 = arith.constant 0 : i32
      %dma_wait3A_913 = arith.constant 0 : i32
      %dma_wait3A_914 = tpu.memref_slice %arg9[%dma_wait3A_912, %dma_wait3A_913] : memref<10240x48xf32, #tpu.memory_space<vmem_shared>> -> memref<80x48xf32, #tpu.memory_space<vmem_shared>>
      %dma_wait3A_915 = tpu.memref_slice %arg11[%dma_wait3A_907] : memref<10x!tpu.dma_semaphore, #tpu.memory_space<semaphore_mem>> -> memref<1x!tpu.dma_semaphore, #tpu.memory_space<semaphore_mem>>
      %dma_wait3A_916 = tpu.memref_squeeze %dma_wait3A_915 : memref<1x!tpu.dma_semaphore, #tpu.memory_space<semaphore_mem>> -> memref<!tpu.dma_semaphore, #tpu.memory_space<semaphore_mem>>
      %dma_wait3A_917 = arith.constant 0 : i32
      %dma_wait3A_918 = arith.constant 0 : i32
      %dma_wait3A_919 = tpu.memref_slice %arg9[%dma_wait3A_917, %dma_wait3A_918] : memref<10240x48xf32, #tpu.memory_space<vmem_shared>> -> memref<80x48xf32, #tpu.memory_space<vmem_shared>>
      %dma_wait3A_920 = arith.constant 0 : i32
      %dma_wait3A_921 = arith.constant 0 : i32
      %dma_wait3A_922 = tpu.memref_slice %arg7[%dma_wait3A_906, %dma_wait3A_920, %dma_wait3A_921] : memref<10x80x48xf32, #tpu.memory_space<vmem>> -> memref<1x80x48xf32, #tpu.memory_space<vmem>>
      %dma_wait3A_923 = tpu.memref_squeeze %dma_wait3A_922 : memref<1x80x48xf32, #tpu.memory_space<vmem>> -> memref<80x48xf32, #tpu.memory_space<vmem>>
      tpu.wait_dma2 semaphore(%dma_wait3A_916 : memref<!tpu.dma_semaphore, #tpu.memory_space<semaphore_mem>>) src(%dma_wait3A_923 : memref<80x48xf32, #tpu.memory_space<vmem>>) dst(%dma_wait3A_919 : memref<80x48xf32, #tpu.memory_space<vmem_shared>>)
      %lt3A_924 = arith.constant 125 : i32
      %lt3A_925 = arith.cmpi slt, %add3A_905, %lt3A_924 : i32
      %convert_element_type3A_926 = arith.extui %lt3A_925 : i1 to i32
      %cond3A_927 = arith.constant 0 : i32
      %cond3A_928 = arith.cmpi ne, %convert_element_type3A_926, %cond3A_927 : i32
      scf.if %cond3A_928 {
        %mul3A_1010 = arith.constant 80 : i32
        %mul3A_1011 = arith.muli %add3A_905, %mul3A_1010 : i32
        %dma_start3A_1012 = arith.constant 6 : i32
        %dma_start3A_1013 = arith.constant 6 : i32
        %dma_start3A_1014 = arith.constant 0 : i32
        %dma_start3A_1015 = arith.constant 0 : i32
        %dma_start3A_1016 = tpu.memref_slice %arg7[%dma_start3A_1012, %dma_start3A_1014, %dma_start3A_1015] : memref<10x80x48xf32, #tpu.memory_space<vmem>> -> memref<1x80x48xf32, #tpu.memory_space<vmem>>
        %dma_start3A_1017 = tpu.memref_squeeze %dma_start3A_1016 : memref<1x80x48xf32, #tpu.memory_space<vmem>> -> memref<80x48xf32, #tpu.memory_space<vmem>>
        %dma_start3A_1018 = tpu.memref_slice %arg5[%mul3A_1011] : memref<10000xi32, #tpu.memory_space<vmem>> -> memref<80xi32, #tpu.memory_space<vmem>>
        %dma_start3A_1019 = arith.constant 0 : i32
        %dma_start3A_1020 = arith.constant 0 : i32
        %dma_start3A_1021 = tpu.memref_slice %arg2[%dma_start3A_1019, %dma_start3A_1020] : memref<10240x48xf32, #tpu.memory_space<hbm>> -> memref<10240x48xf32, #tpu.memory_space<hbm>>
        %dma_start3A_1022 = tpu.memref_slice %arg10[%dma_start3A_1013] : memref<10x!tpu.dma_semaphore, #tpu.memory_space<semaphore_mem>> -> memref<1x!tpu.dma_semaphore, #tpu.memory_space<semaphore_mem>>
        %dma_start3A_1023 = tpu.memref_squeeze %dma_start3A_1022 : memref<1x!tpu.dma_semaphore, #tpu.memory_space<semaphore_mem>> -> memref<!tpu.dma_semaphore, #tpu.memory_space<semaphore_mem>>
        tpu.enqueue_indirect_dma source(%dma_start3A_1021 : memref<10240x48xf32, #tpu.memory_space<hbm>>) target(%dma_start3A_1017 : memref<80x48xf32, #tpu.memory_space<vmem>>) offsets(%dma_start3A_1018 : memref<80xi32, #tpu.memory_space<vmem>>) semaphore(%dma_start3A_1023 : memref<!tpu.dma_semaphore, #tpu.memory_space<semaphore_mem>>)
      } else {
      }
      %add3A_929 = arith.constant 10 : i32
      %add3A_930 = arith.addi %mul3A_402, %add3A_929 : i32
      %add3A_931 = arith.constant 7 : i32
      %add3A_932 = arith.addi %add3A_930, %add3A_931 : i32
      %dma_wait3A_933 = arith.constant 7 : i32
      %dma_wait3A_934 = arith.constant 7 : i32
      %dma_wait3A_935 = arith.constant 0 : i32
      %dma_wait3A_936 = arith.constant 0 : i32
      %dma_wait3A_937 = tpu.memref_slice %arg7[%dma_wait3A_933, %dma_wait3A_935, %dma_wait3A_936] : memref<10x80x48xf32, #tpu.memory_space<vmem>> -> memref<1x80x48xf32, #tpu.memory_space<vmem>>
      %dma_wait3A_938 = tpu.memref_squeeze %dma_wait3A_937 : memref<1x80x48xf32, #tpu.memory_space<vmem>> -> memref<80x48xf32, #tpu.memory_space<vmem>>
      %dma_wait3A_939 = arith.constant 0 : i32
      %dma_wait3A_940 = arith.constant 0 : i32
      %dma_wait3A_941 = tpu.memref_slice %arg9[%dma_wait3A_939, %dma_wait3A_940] : memref<10240x48xf32, #tpu.memory_space<vmem_shared>> -> memref<80x48xf32, #tpu.memory_space<vmem_shared>>
      %dma_wait3A_942 = tpu.memref_slice %arg11[%dma_wait3A_934] : memref<10x!tpu.dma_semaphore, #tpu.memory_space<semaphore_mem>> -> memref<1x!tpu.dma_semaphore, #tpu.memory_space<semaphore_mem>>
      %dma_wait3A_943 = tpu.memref_squeeze %dma_wait3A_942 : memref<1x!tpu.dma_semaphore, #tpu.memory_space<semaphore_mem>> -> memref<!tpu.dma_semaphore, #tpu.memory_space<semaphore_mem>>
      %dma_wait3A_944 = arith.constant 0 : i32
      %dma_wait3A_945 = arith.constant 0 : i32
      %dma_wait3A_946 = tpu.memref_slice %arg9[%dma_wait3A_944, %dma_wait3A_945] : memref<10240x48xf32, #tpu.memory_space<vmem_shared>> -> memref<80x48xf32, #tpu.memory_space<vmem_shared>>
      %dma_wait3A_947 = arith.constant 0 : i32
      %dma_wait3A_948 = arith.constant 0 : i32
      %dma_wait3A_949 = tpu.memref_slice %arg7[%dma_wait3A_933, %dma_wait3A_947, %dma_wait3A_948] : memref<10x80x48xf32, #tpu.memory_space<vmem>> -> memref<1x80x48xf32, #tpu.memory_space<vmem>>
      %dma_wait3A_950 = tpu.memref_squeeze %dma_wait3A_949 : memref<1x80x48xf32, #tpu.memory_space<vmem>> -> memref<80x48xf32, #tpu.memory_space<vmem>>
      tpu.wait_dma2 semaphore(%dma_wait3A_943 : memref<!tpu.dma_semaphore, #tpu.memory_space<semaphore_mem>>) src(%dma_wait3A_950 : memref<80x48xf32, #tpu.memory_space<vmem>>) dst(%dma_wait3A_946 : memref<80x48xf32, #tpu.memory_space<vmem_shared>>)
      %lt3A_951 = arith.constant 125 : i32
      %lt3A_952 = arith.cmpi slt, %add3A_932, %lt3A_951 : i32
      %convert_element_type3A_953 = arith.extui %lt3A_952 : i1 to i32
      %cond3A_954 = arith.constant 0 : i32
      %cond3A_955 = arith.cmpi ne, %convert_element_type3A_953, %cond3A_954 : i32
      scf.if %cond3A_955 {
        %mul3A_1010 = arith.constant 80 : i32
        %mul3A_1011 = arith.muli %add3A_932, %mul3A_1010 : i32
        %dma_start3A_1012 = arith.constant 7 : i32
        %dma_start3A_1013 = arith.constant 7 : i32
        %dma_start3A_1014 = arith.constant 0 : i32
        %dma_start3A_1015 = arith.constant 0 : i32
        %dma_start3A_1016 = tpu.memref_slice %arg7[%dma_start3A_1012, %dma_start3A_1014, %dma_start3A_1015] : memref<10x80x48xf32, #tpu.memory_space<vmem>> -> memref<1x80x48xf32, #tpu.memory_space<vmem>>
        %dma_start3A_1017 = tpu.memref_squeeze %dma_start3A_1016 : memref<1x80x48xf32, #tpu.memory_space<vmem>> -> memref<80x48xf32, #tpu.memory_space<vmem>>
        %dma_start3A_1018 = tpu.memref_slice %arg5[%mul3A_1011] : memref<10000xi32, #tpu.memory_space<vmem>> -> memref<80xi32, #tpu.memory_space<vmem>>
        %dma_start3A_1019 = arith.constant 0 : i32
        %dma_start3A_1020 = arith.constant 0 : i32
        %dma_start3A_1021 = tpu.memref_slice %arg2[%dma_start3A_1019, %dma_start3A_1020] : memref<10240x48xf32, #tpu.memory_space<hbm>> -> memref<10240x48xf32, #tpu.memory_space<hbm>>
        %dma_start3A_1022 = tpu.memref_slice %arg10[%dma_start3A_1013] : memref<10x!tpu.dma_semaphore, #tpu.memory_space<semaphore_mem>> -> memref<1x!tpu.dma_semaphore, #tpu.memory_space<semaphore_mem>>
        %dma_start3A_1023 = tpu.memref_squeeze %dma_start3A_1022 : memref<1x!tpu.dma_semaphore, #tpu.memory_space<semaphore_mem>> -> memref<!tpu.dma_semaphore, #tpu.memory_space<semaphore_mem>>
        tpu.enqueue_indirect_dma source(%dma_start3A_1021 : memref<10240x48xf32, #tpu.memory_space<hbm>>) target(%dma_start3A_1017 : memref<80x48xf32, #tpu.memory_space<vmem>>) offsets(%dma_start3A_1018 : memref<80xi32, #tpu.memory_space<vmem>>) semaphore(%dma_start3A_1023 : memref<!tpu.dma_semaphore, #tpu.memory_space<semaphore_mem>>)
      } else {
      }
      %add3A_956 = arith.constant 10 : i32
      %add3A_957 = arith.addi %mul3A_402, %add3A_956 : i32
      %add3A_958 = arith.constant 8 : i32
      %add3A_959 = arith.addi %add3A_957, %add3A_958 : i32
      %dma_wait3A_960 = arith.constant 8 : i32
      %dma_wait3A_961 = arith.constant 8 : i32
      %dma_wait3A_962 = arith.constant 0 : i32
      %dma_wait3A_963 = arith.constant 0 : i32
      %dma_wait3A_964 = tpu.memref_slice %arg7[%dma_wait3A_960, %dma_wait3A_962, %dma_wait3A_963] : memref<10x80x48xf32, #tpu.memory_space<vmem>> -> memref<1x80x48xf32, #tpu.memory_space<vmem>>
      %dma_wait3A_965 = tpu.memref_squeeze %dma_wait3A_964 : memref<1x80x48xf32, #tpu.memory_space<vmem>> -> memref<80x48xf32, #tpu.memory_space<vmem>>
      %dma_wait3A_966 = arith.constant 0 : i32
      %dma_wait3A_967 = arith.constant 0 : i32
      %dma_wait3A_968 = tpu.memref_slice %arg9[%dma_wait3A_966, %dma_wait3A_967] : memref<10240x48xf32, #tpu.memory_space<vmem_shared>> -> memref<80x48xf32, #tpu.memory_space<vmem_shared>>
      %dma_wait3A_969 = tpu.memref_slice %arg11[%dma_wait3A_961] : memref<10x!tpu.dma_semaphore, #tpu.memory_space<semaphore_mem>> -> memref<1x!tpu.dma_semaphore, #tpu.memory_space<semaphore_mem>>
      %dma_wait3A_970 = tpu.memref_squeeze %dma_wait3A_969 : memref<1x!tpu.dma_semaphore, #tpu.memory_space<semaphore_mem>> -> memref<!tpu.dma_semaphore, #tpu.memory_space<semaphore_mem>>
      %dma_wait3A_971 = arith.constant 0 : i32
      %dma_wait3A_972 = arith.constant 0 : i32
      %dma_wait3A_973 = tpu.memref_slice %arg9[%dma_wait3A_971, %dma_wait3A_972] : memref<10240x48xf32, #tpu.memory_space<vmem_shared>> -> memref<80x48xf32, #tpu.memory_space<vmem_shared>>
      %dma_wait3A_974 = arith.constant 0 : i32
      %dma_wait3A_975 = arith.constant 0 : i32
      %dma_wait3A_976 = tpu.memref_slice %arg7[%dma_wait3A_960, %dma_wait3A_974, %dma_wait3A_975] : memref<10x80x48xf32, #tpu.memory_space<vmem>> -> memref<1x80x48xf32, #tpu.memory_space<vmem>>
      %dma_wait3A_977 = tpu.memref_squeeze %dma_wait3A_976 : memref<1x80x48xf32, #tpu.memory_space<vmem>> -> memref<80x48xf32, #tpu.memory_space<vmem>>
      tpu.wait_dma2 semaphore(%dma_wait3A_970 : memref<!tpu.dma_semaphore, #tpu.memory_space<semaphore_mem>>) src(%dma_wait3A_977 : memref<80x48xf32, #tpu.memory_space<vmem>>) dst(%dma_wait3A_973 : memref<80x48xf32, #tpu.memory_space<vmem_shared>>)
      %lt3A_978 = arith.constant 125 : i32
      %lt3A_979 = arith.cmpi slt, %add3A_959, %lt3A_978 : i32
      %convert_element_type3A_980 = arith.extui %lt3A_979 : i1 to i32
      %cond3A_981 = arith.constant 0 : i32
      %cond3A_982 = arith.cmpi ne, %convert_element_type3A_980, %cond3A_981 : i32
      scf.if %cond3A_982 {
        %mul3A_1010 = arith.constant 80 : i32
        %mul3A_1011 = arith.muli %add3A_959, %mul3A_1010 : i32
        %dma_start3A_1012 = arith.constant 8 : i32
        %dma_start3A_1013 = arith.constant 8 : i32
        %dma_start3A_1014 = arith.constant 0 : i32
        %dma_start3A_1015 = arith.constant 0 : i32
        %dma_start3A_1016 = tpu.memref_slice %arg7[%dma_start3A_1012, %dma_start3A_1014, %dma_start3A_1015] : memref<10x80x48xf32, #tpu.memory_space<vmem>> -> memref<1x80x48xf32, #tpu.memory_space<vmem>>
        %dma_start3A_1017 = tpu.memref_squeeze %dma_start3A_1016 : memref<1x80x48xf32, #tpu.memory_space<vmem>> -> memref<80x48xf32, #tpu.memory_space<vmem>>
        %dma_start3A_1018 = tpu.memref_slice %arg5[%mul3A_1011] : memref<10000xi32, #tpu.memory_space<vmem>> -> memref<80xi32, #tpu.memory_space<vmem>>
        %dma_start3A_1019 = arith.constant 0 : i32
        %dma_start3A_1020 = arith.constant 0 : i32
        %dma_start3A_1021 = tpu.memref_slice %arg2[%dma_start3A_1019, %dma_start3A_1020] : memref<10240x48xf32, #tpu.memory_space<hbm>> -> memref<10240x48xf32, #tpu.memory_space<hbm>>
        %dma_start3A_1022 = tpu.memref_slice %arg10[%dma_start3A_1013] : memref<10x!tpu.dma_semaphore, #tpu.memory_space<semaphore_mem>> -> memref<1x!tpu.dma_semaphore, #tpu.memory_space<semaphore_mem>>
        %dma_start3A_1023 = tpu.memref_squeeze %dma_start3A_1022 : memref<1x!tpu.dma_semaphore, #tpu.memory_space<semaphore_mem>> -> memref<!tpu.dma_semaphore, #tpu.memory_space<semaphore_mem>>
        tpu.enqueue_indirect_dma source(%dma_start3A_1021 : memref<10240x48xf32, #tpu.memory_space<hbm>>) target(%dma_start3A_1017 : memref<80x48xf32, #tpu.memory_space<vmem>>) offsets(%dma_start3A_1018 : memref<80xi32, #tpu.memory_space<vmem>>) semaphore(%dma_start3A_1023 : memref<!tpu.dma_semaphore, #tpu.memory_space<semaphore_mem>>)
      } else {
      }
      %add3A_983 = arith.constant 10 : i32
      %add3A_984 = arith.addi %mul3A_402, %add3A_983 : i32
      %add3A_985 = arith.constant 9 : i32
      %add3A_986 = arith.addi %add3A_984, %add3A_985 : i32
      %dma_wait3A_987 = arith.constant 9 : i32
      %dma_wait3A_988 = arith.constant 9 : i32
      %dma_wait3A_989 = arith.constant 0 : i32
      %dma_wait3A_990 = arith.constant 0 : i32
      %dma_wait3A_991 = tpu.memref_slice %arg7[%dma_wait3A_987, %dma_wait3A_989, %dma_wait3A_990] : memref<10x80x48xf32, #tpu.memory_space<vmem>> -> memref<1x80x48xf32, #tpu.memory_space<vmem>>
      %dma_wait3A_992 = tpu.memref_squeeze %dma_wait3A_991 : memref<1x80x48xf32, #tpu.memory_space<vmem>> -> memref<80x48xf32, #tpu.memory_space<vmem>>
      %dma_wait3A_993 = arith.constant 0 : i32
      %dma_wait3A_994 = arith.constant 0 : i32
      %dma_wait3A_995 = tpu.memref_slice %arg9[%dma_wait3A_993, %dma_wait3A_994] : memref<10240x48xf32, #tpu.memory_space<vmem_shared>> -> memref<80x48xf32, #tpu.memory_space<vmem_shared>>
      %dma_wait3A_996 = tpu.memref_slice %arg11[%dma_wait3A_988] : memref<10x!tpu.dma_semaphore, #tpu.memory_space<semaphore_mem>> -> memref<1x!tpu.dma_semaphore, #tpu.memory_space<semaphore_mem>>
      %dma_wait3A_997 = tpu.memref_squeeze %dma_wait3A_996 : memref<1x!tpu.dma_semaphore, #tpu.memory_space<semaphore_mem>> -> memref<!tpu.dma_semaphore, #tpu.memory_space<semaphore_mem>>
      %dma_wait3A_998 = arith.constant 0 : i32
      %dma_wait3A_999 = arith.constant 0 : i32
      %dma_wait3A_1000 = tpu.memref_slice %arg9[%dma_wait3A_998, %dma_wait3A_999] : memref<10240x48xf32, #tpu.memory_space<vmem_shared>> -> memref<80x48xf32, #tpu.memory_space<vmem_shared>>
      %dma_wait3A_1001 = arith.constant 0 : i32
      %dma_wait3A_1002 = arith.constant 0 : i32
      %dma_wait3A_1003 = tpu.memref_slice %arg7[%dma_wait3A_987, %dma_wait3A_1001, %dma_wait3A_1002] : memref<10x80x48xf32, #tpu.memory_space<vmem>> -> memref<1x80x48xf32, #tpu.memory_space<vmem>>
      %dma_wait3A_1004 = tpu.memref_squeeze %dma_wait3A_1003 : memref<1x80x48xf32, #tpu.memory_space<vmem>> -> memref<80x48xf32, #tpu.memory_space<vmem>>
      tpu.wait_dma2 semaphore(%dma_wait3A_997 : memref<!tpu.dma_semaphore, #tpu.memory_space<semaphore_mem>>) src(%dma_wait3A_1004 : memref<80x48xf32, #tpu.memory_space<vmem>>) dst(%dma_wait3A_1000 : memref<80x48xf32, #tpu.memory_space<vmem_shared>>)
      %lt3A_1005 = arith.constant 125 : i32
      %lt3A_1006 = arith.cmpi slt, %add3A_986, %lt3A_1005 : i32
      %convert_element_type3A_1007 = arith.extui %lt3A_1006 : i1 to i32
      %cond3A_1008 = arith.constant 0 : i32
      %cond3A_1009 = arith.cmpi ne, %convert_element_type3A_1007, %cond3A_1008 : i32
      scf.if %cond3A_1009 {
        %mul3A_1010 = arith.constant 80 : i32
        %mul3A_1011 = arith.muli %add3A_986, %mul3A_1010 : i32
        %dma_start3A_1012 = arith.constant 9 : i32
        %dma_start3A_1013 = arith.constant 9 : i32
        %dma_start3A_1014 = arith.constant 0 : i32
        %dma_start3A_1015 = arith.constant 0 : i32
        %dma_start3A_1016 = tpu.memref_slice %arg7[%dma_start3A_1012, %dma_start3A_1014, %dma_start3A_1015] : memref<10x80x48xf32, #tpu.memory_space<vmem>> -> memref<1x80x48xf32, #tpu.memory_space<vmem>>
        %dma_start3A_1017 = tpu.memref_squeeze %dma_start3A_1016 : memref<1x80x48xf32, #tpu.memory_space<vmem>> -> memref<80x48xf32, #tpu.memory_space<vmem>>
        %dma_start3A_1018 = tpu.memref_slice %arg5[%mul3A_1011] : memref<10000xi32, #tpu.memory_space<vmem>> -> memref<80xi32, #tpu.memory_space<vmem>>
        %dma_start3A_1019 = arith.constant 0 : i32
        %dma_start3A_1020 = arith.constant 0 : i32
        %dma_start3A_1021 = tpu.memref_slice %arg2[%dma_start3A_1019, %dma_start3A_1020] : memref<10240x48xf32, #tpu.memory_space<hbm>> -> memref<10240x48xf32, #tpu.memory_space<hbm>>
        %dma_start3A_1022 = tpu.memref_slice %arg10[%dma_start3A_1013] : memref<10x!tpu.dma_semaphore, #tpu.memory_space<semaphore_mem>> -> memref<1x!tpu.dma_semaphore, #tpu.memory_space<semaphore_mem>>
        %dma_start3A_1023 = tpu.memref_squeeze %dma_start3A_1022 : memref<1x!tpu.dma_semaphore, #tpu.memory_space<semaphore_mem>> -> memref<!tpu.dma_semaphore, #tpu.memory_space<semaphore_mem>>
        tpu.enqueue_indirect_dma source(%dma_start3A_1021 : memref<10240x48xf32, #tpu.memory_space<hbm>>) target(%dma_start3A_1017 : memref<80x48xf32, #tpu.memory_space<vmem>>) offsets(%dma_start3A_1018 : memref<80xi32, #tpu.memory_space<vmem>>) semaphore(%dma_start3A_1023 : memref<!tpu.dma_semaphore, #tpu.memory_space<semaphore_mem>>)
      } else {
      }
    }
    %scan3A_146 = arith.constant 12 : i32
    %dma_wait3A = arith.constant 0 : i32
    %dma_wait3A_147 = arith.constant 0 : i32
    %dma_wait3A_148 = arith.constant 0 : i32
    %dma_wait3A_149 = arith.constant 0 : i32
    %dma_wait3A_150 = tpu.memref_slice %arg7[%dma_wait3A, %dma_wait3A_148, %dma_wait3A_149] : memref<10x80x48xf32, #tpu.memory_space<vmem>> -> memref<1x80x48xf32, #tpu.memory_space<vmem>>
    %dma_wait3A_151 = tpu.memref_squeeze %dma_wait3A_150 : memref<1x80x48xf32, #tpu.memory_space<vmem>> -> memref<80x48xf32, #tpu.memory_space<vmem>>
    %dma_wait3A_152 = arith.constant 0 : i32
    %dma_wait3A_153 = arith.constant 0 : i32
    %dma_wait3A_154 = tpu.memref_slice %arg2[%dma_wait3A_152, %dma_wait3A_153] : memref<10240x48xf32, #tpu.memory_space<hbm>> -> memref<80x48xf32, #tpu.memory_space<hbm>>
    %dma_wait3A_155 = tpu.memref_slice %arg10[%dma_wait3A_147] : memref<10x!tpu.dma_semaphore, #tpu.memory_space<semaphore_mem>> -> memref<1x!tpu.dma_semaphore, #tpu.memory_space<semaphore_mem>>
    %dma_wait3A_156 = tpu.memref_squeeze %dma_wait3A_155 : memref<1x!tpu.dma_semaphore, #tpu.memory_space<semaphore_mem>> -> memref<!tpu.dma_semaphore, #tpu.memory_space<semaphore_mem>>
    %dma_wait3A_157 = arith.constant 0 : i32
    %dma_wait3A_158 = arith.constant 0 : i32
    %dma_wait3A_159 = tpu.memref_slice %arg7[%dma_wait3A, %dma_wait3A_157, %dma_wait3A_158] : memref<10x80x48xf32, #tpu.memory_space<vmem>> -> memref<1x80x48xf32, #tpu.memory_space<vmem>>
    %dma_wait3A_160 = tpu.memref_squeeze %dma_wait3A_159 : memref<1x80x48xf32, #tpu.memory_space<vmem>> -> memref<80x48xf32, #tpu.memory_space<vmem>>
    %dma_wait3A_161 = arith.constant 0 : i32
    %dma_wait3A_162 = arith.constant 0 : i32
    %dma_wait3A_163 = tpu.memref_slice %arg2[%dma_wait3A_161, %dma_wait3A_162] : memref<10240x48xf32, #tpu.memory_space<hbm>> -> memref<80x48xf32, #tpu.memory_space<hbm>>
    tpu.wait_dma2 semaphore(%dma_wait3A_156 : memref<!tpu.dma_semaphore, #tpu.memory_space<semaphore_mem>>) src(%dma_wait3A_163 : memref<80x48xf32, #tpu.memory_space<hbm>>) dst(%dma_wait3A_160 : memref<80x48xf32, #tpu.memory_space<vmem>>)
    %dma_start3A_164 = arith.constant 0 : i32
    %dma_start3A_165 = arith.constant 0 : i32
    %dma_start3A_166 = arith.constant 0 : i32
    %dma_start3A_167 = arith.constant 0 : i32
    %dma_start3A_168 = tpu.memref_slice %arg7[%dma_start3A_164, %dma_start3A_166, %dma_start3A_167] : memref<10x80x48xf32, #tpu.memory_space<vmem>> -> memref<1x80x48xf32, #tpu.memory_space<vmem>>
    %dma_start3A_169 = tpu.memref_squeeze %dma_start3A_168 : memref<1x80x48xf32, #tpu.memory_space<vmem>> -> memref<80x48xf32, #tpu.memory_space<vmem>>
    %dma_start3A_170 = arith.constant 9600 : i32
    %dma_start3A_171 = tpu.memref_slice %arg6[%dma_start3A_170] : memref<10000xi32, #tpu.memory_space<vmem>> -> memref<80xi32, #tpu.memory_space<vmem>>
    %dma_start3A_172 = arith.constant 0 : i32
    %dma_start3A_173 = arith.constant 0 : i32
    %dma_start3A_174 = tpu.memref_slice %arg9[%dma_start3A_172, %dma_start3A_173] : memref<10240x48xf32, #tpu.memory_space<vmem_shared>> -> memref<10240x48xf32, #tpu.memory_space<vmem_shared>>
    %dma_start3A_175 = tpu.memref_slice %arg11[%dma_start3A_165] : memref<10x!tpu.dma_semaphore, #tpu.memory_space<semaphore_mem>> -> memref<1x!tpu.dma_semaphore, #tpu.memory_space<semaphore_mem>>
    %dma_start3A_176 = tpu.memref_squeeze %dma_start3A_175 : memref<1x!tpu.dma_semaphore, #tpu.memory_space<semaphore_mem>> -> memref<!tpu.dma_semaphore, #tpu.memory_space<semaphore_mem>>
    tpu.enqueue_indirect_dma source(%dma_start3A_169 : memref<80x48xf32, #tpu.memory_space<vmem>>) target(%dma_start3A_174 : memref<10240x48xf32, #tpu.memory_space<vmem_shared>>) offsets(%dma_start3A_171 : memref<80xi32, #tpu.memory_space<vmem>>) semaphore(%dma_start3A_176 : memref<!tpu.dma_semaphore, #tpu.memory_space<semaphore_mem>>) {add = true}
    %dma_wait3A_177 = arith.constant 1 : i32
    %dma_wait3A_178 = arith.constant 1 : i32
    %dma_wait3A_179 = arith.constant 0 : i32
    %dma_wait3A_180 = arith.constant 0 : i32
    %dma_wait3A_181 = tpu.memref_slice %arg7[%dma_wait3A_177, %dma_wait3A_179, %dma_wait3A_180] : memref<10x80x48xf32, #tpu.memory_space<vmem>> -> memref<1x80x48xf32, #tpu.memory_space<vmem>>
    %dma_wait3A_182 = tpu.memref_squeeze %dma_wait3A_181 : memref<1x80x48xf32, #tpu.memory_space<vmem>> -> memref<80x48xf32, #tpu.memory_space<vmem>>
    %dma_wait3A_183 = arith.constant 0 : i32
    %dma_wait3A_184 = arith.constant 0 : i32
    %dma_wait3A_185 = tpu.memref_slice %arg2[%dma_wait3A_183, %dma_wait3A_184] : memref<10240x48xf32, #tpu.memory_space<hbm>> -> memref<80x48xf32, #tpu.memory_space<hbm>>
    %dma_wait3A_186 = tpu.memref_slice %arg10[%dma_wait3A_178] : memref<10x!tpu.dma_semaphore, #tpu.memory_space<semaphore_mem>> -> memref<1x!tpu.dma_semaphore, #tpu.memory_space<semaphore_mem>>
    %dma_wait3A_187 = tpu.memref_squeeze %dma_wait3A_186 : memref<1x!tpu.dma_semaphore, #tpu.memory_space<semaphore_mem>> -> memref<!tpu.dma_semaphore, #tpu.memory_space<semaphore_mem>>
    %dma_wait3A_188 = arith.constant 0 : i32
    %dma_wait3A_189 = arith.constant 0 : i32
    %dma_wait3A_190 = tpu.memref_slice %arg7[%dma_wait3A_177, %dma_wait3A_188, %dma_wait3A_189] : memref<10x80x48xf32, #tpu.memory_space<vmem>> -> memref<1x80x48xf32, #tpu.memory_space<vmem>>
    %dma_wait3A_191 = tpu.memref_squeeze %dma_wait3A_190 : memref<1x80x48xf32, #tpu.memory_space<vmem>> -> memref<80x48xf32, #tpu.memory_space<vmem>>
    %dma_wait3A_192 = arith.constant 0 : i32
    %dma_wait3A_193 = arith.constant 0 : i32
    %dma_wait3A_194 = tpu.memref_slice %arg2[%dma_wait3A_192, %dma_wait3A_193] : memref<10240x48xf32, #tpu.memory_space<hbm>> -> memref<80x48xf32, #tpu.memory_space<hbm>>
    tpu.wait_dma2 semaphore(%dma_wait3A_187 : memref<!tpu.dma_semaphore, #tpu.memory_space<semaphore_mem>>) src(%dma_wait3A_194 : memref<80x48xf32, #tpu.memory_space<hbm>>) dst(%dma_wait3A_191 : memref<80x48xf32, #tpu.memory_space<vmem>>)
    %dma_start3A_195 = arith.constant 1 : i32
    %dma_start3A_196 = arith.constant 1 : i32
    %dma_start3A_197 = arith.constant 0 : i32
    %dma_start3A_198 = arith.constant 0 : i32
    %dma_start3A_199 = tpu.memref_slice %arg7[%dma_start3A_195, %dma_start3A_197, %dma_start3A_198] : memref<10x80x48xf32, #tpu.memory_space<vmem>> -> memref<1x80x48xf32, #tpu.memory_space<vmem>>
    %dma_start3A_200 = tpu.memref_squeeze %dma_start3A_199 : memref<1x80x48xf32, #tpu.memory_space<vmem>> -> memref<80x48xf32, #tpu.memory_space<vmem>>
    %dma_start3A_201 = arith.constant 9680 : i32
    %dma_start3A_202 = tpu.memref_slice %arg6[%dma_start3A_201] : memref<10000xi32, #tpu.memory_space<vmem>> -> memref<80xi32, #tpu.memory_space<vmem>>
    %dma_start3A_203 = arith.constant 0 : i32
    %dma_start3A_204 = arith.constant 0 : i32
    %dma_start3A_205 = tpu.memref_slice %arg9[%dma_start3A_203, %dma_start3A_204] : memref<10240x48xf32, #tpu.memory_space<vmem_shared>> -> memref<10240x48xf32, #tpu.memory_space<vmem_shared>>
    %dma_start3A_206 = tpu.memref_slice %arg11[%dma_start3A_196] : memref<10x!tpu.dma_semaphore, #tpu.memory_space<semaphore_mem>> -> memref<1x!tpu.dma_semaphore, #tpu.memory_space<semaphore_mem>>
    %dma_start3A_207 = tpu.memref_squeeze %dma_start3A_206 : memref<1x!tpu.dma_semaphore, #tpu.memory_space<semaphore_mem>> -> memref<!tpu.dma_semaphore, #tpu.memory_space<semaphore_mem>>
    tpu.enqueue_indirect_dma source(%dma_start3A_200 : memref<80x48xf32, #tpu.memory_space<vmem>>) target(%dma_start3A_205 : memref<10240x48xf32, #tpu.memory_space<vmem_shared>>) offsets(%dma_start3A_202 : memref<80xi32, #tpu.memory_space<vmem>>) semaphore(%dma_start3A_207 : memref<!tpu.dma_semaphore, #tpu.memory_space<semaphore_mem>>) {add = true}
    %dma_wait3A_208 = arith.constant 2 : i32
    %dma_wait3A_209 = arith.constant 2 : i32
    %dma_wait3A_210 = arith.constant 0 : i32
    %dma_wait3A_211 = arith.constant 0 : i32
    %dma_wait3A_212 = tpu.memref_slice %arg7[%dma_wait3A_208, %dma_wait3A_210, %dma_wait3A_211] : memref<10x80x48xf32, #tpu.memory_space<vmem>> -> memref<1x80x48xf32, #tpu.memory_space<vmem>>
    %dma_wait3A_213 = tpu.memref_squeeze %dma_wait3A_212 : memref<1x80x48xf32, #tpu.memory_space<vmem>> -> memref<80x48xf32, #tpu.memory_space<vmem>>
    %dma_wait3A_214 = arith.constant 0 : i32
    %dma_wait3A_215 = arith.constant 0 : i32
    %dma_wait3A_216 = tpu.memref_slice %arg2[%dma_wait3A_214, %dma_wait3A_215] : memref<10240x48xf32, #tpu.memory_space<hbm>> -> memref<80x48xf32, #tpu.memory_space<hbm>>
    %dma_wait3A_217 = tpu.memref_slice %arg10[%dma_wait3A_209] : memref<10x!tpu.dma_semaphore, #tpu.memory_space<semaphore_mem>> -> memref<1x!tpu.dma_semaphore, #tpu.memory_space<semaphore_mem>>
    %dma_wait3A_218 = tpu.memref_squeeze %dma_wait3A_217 : memref<1x!tpu.dma_semaphore, #tpu.memory_space<semaphore_mem>> -> memref<!tpu.dma_semaphore, #tpu.memory_space<semaphore_mem>>
    %dma_wait3A_219 = arith.constant 0 : i32
    %dma_wait3A_220 = arith.constant 0 : i32
    %dma_wait3A_221 = tpu.memref_slice %arg7[%dma_wait3A_208, %dma_wait3A_219, %dma_wait3A_220] : memref<10x80x48xf32, #tpu.memory_space<vmem>> -> memref<1x80x48xf32, #tpu.memory_space<vmem>>
    %dma_wait3A_222 = tpu.memref_squeeze %dma_wait3A_221 : memref<1x80x48xf32, #tpu.memory_space<vmem>> -> memref<80x48xf32, #tpu.memory_space<vmem>>
    %dma_wait3A_223 = arith.constant 0 : i32
    %dma_wait3A_224 = arith.constant 0 : i32
    %dma_wait3A_225 = tpu.memref_slice %arg2[%dma_wait3A_223, %dma_wait3A_224] : memref<10240x48xf32, #tpu.memory_space<hbm>> -> memref<80x48xf32, #tpu.memory_space<hbm>>
    tpu.wait_dma2 semaphore(%dma_wait3A_218 : memref<!tpu.dma_semaphore, #tpu.memory_space<semaphore_mem>>) src(%dma_wait3A_225 : memref<80x48xf32, #tpu.memory_space<hbm>>) dst(%dma_wait3A_222 : memref<80x48xf32, #tpu.memory_space<vmem>>)
    %dma_start3A_226 = arith.constant 2 : i32
    %dma_start3A_227 = arith.constant 2 : i32
    %dma_start3A_228 = arith.constant 0 : i32
    %dma_start3A_229 = arith.constant 0 : i32
    %dma_start3A_230 = tpu.memref_slice %arg7[%dma_start3A_226, %dma_start3A_228, %dma_start3A_229] : memref<10x80x48xf32, #tpu.memory_space<vmem>> -> memref<1x80x48xf32, #tpu.memory_space<vmem>>
    %dma_start3A_231 = tpu.memref_squeeze %dma_start3A_230 : memref<1x80x48xf32, #tpu.memory_space<vmem>> -> memref<80x48xf32, #tpu.memory_space<vmem>>
    %dma_start3A_232 = arith.constant 9760 : i32
    %dma_start3A_233 = tpu.memref_slice %arg6[%dma_start3A_232] : memref<10000xi32, #tpu.memory_space<vmem>> -> memref<80xi32, #tpu.memory_space<vmem>>
    %dma_start3A_234 = arith.constant 0 : i32
    %dma_start3A_235 = arith.constant 0 : i32
    %dma_start3A_236 = tpu.memref_slice %arg9[%dma_start3A_234, %dma_start3A_235] : memref<10240x48xf32, #tpu.memory_space<vmem_shared>> -> memref<10240x48xf32, #tpu.memory_space<vmem_shared>>
    %dma_start3A_237 = tpu.memref_slice %arg11[%dma_start3A_227] : memref<10x!tpu.dma_semaphore, #tpu.memory_space<semaphore_mem>> -> memref<1x!tpu.dma_semaphore, #tpu.memory_space<semaphore_mem>>
    %dma_start3A_238 = tpu.memref_squeeze %dma_start3A_237 : memref<1x!tpu.dma_semaphore, #tpu.memory_space<semaphore_mem>> -> memref<!tpu.dma_semaphore, #tpu.memory_space<semaphore_mem>>
    tpu.enqueue_indirect_dma source(%dma_start3A_231 : memref<80x48xf32, #tpu.memory_space<vmem>>) target(%dma_start3A_236 : memref<10240x48xf32, #tpu.memory_space<vmem_shared>>) offsets(%dma_start3A_233 : memref<80xi32, #tpu.memory_space<vmem>>) semaphore(%dma_start3A_238 : memref<!tpu.dma_semaphore, #tpu.memory_space<semaphore_mem>>) {add = true}
    %dma_wait3A_239 = arith.constant 3 : i32
    %dma_wait3A_240 = arith.constant 3 : i32
    %dma_wait3A_241 = arith.constant 0 : i32
    %dma_wait3A_242 = arith.constant 0 : i32
    %dma_wait3A_243 = tpu.memref_slice %arg7[%dma_wait3A_239, %dma_wait3A_241, %dma_wait3A_242] : memref<10x80x48xf32, #tpu.memory_space<vmem>> -> memref<1x80x48xf32, #tpu.memory_space<vmem>>
    %dma_wait3A_244 = tpu.memref_squeeze %dma_wait3A_243 : memref<1x80x48xf32, #tpu.memory_space<vmem>> -> memref<80x48xf32, #tpu.memory_space<vmem>>
    %dma_wait3A_245 = arith.constant 0 : i32
    %dma_wait3A_246 = arith.constant 0 : i32
    %dma_wait3A_247 = tpu.memref_slice %arg2[%dma_wait3A_245, %dma_wait3A_246] : memref<10240x48xf32, #tpu.memory_space<hbm>> -> memref<80x48xf32, #tpu.memory_space<hbm>>
    %dma_wait3A_248 = tpu.memref_slice %arg10[%dma_wait3A_240] : memref<10x!tpu.dma_semaphore, #tpu.memory_space<semaphore_mem>> -> memref<1x!tpu.dma_semaphore, #tpu.memory_space<semaphore_mem>>
    %dma_wait3A_249 = tpu.memref_squeeze %dma_wait3A_248 : memref<1x!tpu.dma_semaphore, #tpu.memory_space<semaphore_mem>> -> memref<!tpu.dma_semaphore, #tpu.memory_space<semaphore_mem>>
    %dma_wait3A_250 = arith.constant 0 : i32
    %dma_wait3A_251 = arith.constant 0 : i32
    %dma_wait3A_252 = tpu.memref_slice %arg7[%dma_wait3A_239, %dma_wait3A_250, %dma_wait3A_251] : memref<10x80x48xf32, #tpu.memory_space<vmem>> -> memref<1x80x48xf32, #tpu.memory_space<vmem>>
    %dma_wait3A_253 = tpu.memref_squeeze %dma_wait3A_252 : memref<1x80x48xf32, #tpu.memory_space<vmem>> -> memref<80x48xf32, #tpu.memory_space<vmem>>
    %dma_wait3A_254 = arith.constant 0 : i32
    %dma_wait3A_255 = arith.constant 0 : i32
    %dma_wait3A_256 = tpu.memref_slice %arg2[%dma_wait3A_254, %dma_wait3A_255] : memref<10240x48xf32, #tpu.memory_space<hbm>> -> memref<80x48xf32, #tpu.memory_space<hbm>>
    tpu.wait_dma2 semaphore(%dma_wait3A_249 : memref<!tpu.dma_semaphore, #tpu.memory_space<semaphore_mem>>) src(%dma_wait3A_256 : memref<80x48xf32, #tpu.memory_space<hbm>>) dst(%dma_wait3A_253 : memref<80x48xf32, #tpu.memory_space<vmem>>)
    %dma_start3A_257 = arith.constant 3 : i32
    %dma_start3A_258 = arith.constant 3 : i32
    %dma_start3A_259 = arith.constant 0 : i32
    %dma_start3A_260 = arith.constant 0 : i32
    %dma_start3A_261 = tpu.memref_slice %arg7[%dma_start3A_257, %dma_start3A_259, %dma_start3A_260] : memref<10x80x48xf32, #tpu.memory_space<vmem>> -> memref<1x80x48xf32, #tpu.memory_space<vmem>>
    %dma_start3A_262 = tpu.memref_squeeze %dma_start3A_261 : memref<1x80x48xf32, #tpu.memory_space<vmem>> -> memref<80x48xf32, #tpu.memory_space<vmem>>
    %dma_start3A_263 = arith.constant 9840 : i32
    %dma_start3A_264 = tpu.memref_slice %arg6[%dma_start3A_263] : memref<10000xi32, #tpu.memory_space<vmem>> -> memref<80xi32, #tpu.memory_space<vmem>>
    %dma_start3A_265 = arith.constant 0 : i32
    %dma_start3A_266 = arith.constant 0 : i32
    %dma_start3A_267 = tpu.memref_slice %arg9[%dma_start3A_265, %dma_start3A_266] : memref<10240x48xf32, #tpu.memory_space<vmem_shared>> -> memref<10240x48xf32, #tpu.memory_space<vmem_shared>>
    %dma_start3A_268 = tpu.memref_slice %arg11[%dma_start3A_258] : memref<10x!tpu.dma_semaphore, #tpu.memory_space<semaphore_mem>> -> memref<1x!tpu.dma_semaphore, #tpu.memory_space<semaphore_mem>>
    %dma_start3A_269 = tpu.memref_squeeze %dma_start3A_268 : memref<1x!tpu.dma_semaphore, #tpu.memory_space<semaphore_mem>> -> memref<!tpu.dma_semaphore, #tpu.memory_space<semaphore_mem>>
    tpu.enqueue_indirect_dma source(%dma_start3A_262 : memref<80x48xf32, #tpu.memory_space<vmem>>) target(%dma_start3A_267 : memref<10240x48xf32, #tpu.memory_space<vmem_shared>>) offsets(%dma_start3A_264 : memref<80xi32, #tpu.memory_space<vmem>>) semaphore(%dma_start3A_269 : memref<!tpu.dma_semaphore, #tpu.memory_space<semaphore_mem>>) {add = true}
    %dma_wait3A_270 = arith.constant 4 : i32
    %dma_wait3A_271 = arith.constant 4 : i32
    %dma_wait3A_272 = arith.constant 0 : i32
    %dma_wait3A_273 = arith.constant 0 : i32
    %dma_wait3A_274 = tpu.memref_slice %arg7[%dma_wait3A_270, %dma_wait3A_272, %dma_wait3A_273] : memref<10x80x48xf32, #tpu.memory_space<vmem>> -> memref<1x80x48xf32, #tpu.memory_space<vmem>>
    %dma_wait3A_275 = tpu.memref_squeeze %dma_wait3A_274 : memref<1x80x48xf32, #tpu.memory_space<vmem>> -> memref<80x48xf32, #tpu.memory_space<vmem>>
    %dma_wait3A_276 = arith.constant 0 : i32
    %dma_wait3A_277 = arith.constant 0 : i32
    %dma_wait3A_278 = tpu.memref_slice %arg2[%dma_wait3A_276, %dma_wait3A_277] : memref<10240x48xf32, #tpu.memory_space<hbm>> -> memref<80x48xf32, #tpu.memory_space<hbm>>
    %dma_wait3A_279 = tpu.memref_slice %arg10[%dma_wait3A_271] : memref<10x!tpu.dma_semaphore, #tpu.memory_space<semaphore_mem>> -> memref<1x!tpu.dma_semaphore, #tpu.memory_space<semaphore_mem>>
    %dma_wait3A_280 = tpu.memref_squeeze %dma_wait3A_279 : memref<1x!tpu.dma_semaphore, #tpu.memory_space<semaphore_mem>> -> memref<!tpu.dma_semaphore, #tpu.memory_space<semaphore_mem>>
    %dma_wait3A_281 = arith.constant 0 : i32
    %dma_wait3A_282 = arith.constant 0 : i32
    %dma_wait3A_283 = tpu.memref_slice %arg7[%dma_wait3A_270, %dma_wait3A_281, %dma_wait3A_282] : memref<10x80x48xf32, #tpu.memory_space<vmem>> -> memref<1x80x48xf32, #tpu.memory_space<vmem>>
    %dma_wait3A_284 = tpu.memref_squeeze %dma_wait3A_283 : memref<1x80x48xf32, #tpu.memory_space<vmem>> -> memref<80x48xf32, #tpu.memory_space<vmem>>
    %dma_wait3A_285 = arith.constant 0 : i32
    %dma_wait3A_286 = arith.constant 0 : i32
    %dma_wait3A_287 = tpu.memref_slice %arg2[%dma_wait3A_285, %dma_wait3A_286] : memref<10240x48xf32, #tpu.memory_space<hbm>> -> memref<80x48xf32, #tpu.memory_space<hbm>>
    tpu.wait_dma2 semaphore(%dma_wait3A_280 : memref<!tpu.dma_semaphore, #tpu.memory_space<semaphore_mem>>) src(%dma_wait3A_287 : memref<80x48xf32, #tpu.memory_space<hbm>>) dst(%dma_wait3A_284 : memref<80x48xf32, #tpu.memory_space<vmem>>)
    %dma_start3A_288 = arith.constant 4 : i32
    %dma_start3A_289 = arith.constant 4 : i32
    %dma_start3A_290 = arith.constant 0 : i32
    %dma_start3A_291 = arith.constant 0 : i32
    %dma_start3A_292 = tpu.memref_slice %arg7[%dma_start3A_288, %dma_start3A_290, %dma_start3A_291] : memref<10x80x48xf32, #tpu.memory_space<vmem>> -> memref<1x80x48xf32, #tpu.memory_space<vmem>>
    %dma_start3A_293 = tpu.memref_squeeze %dma_start3A_292 : memref<1x80x48xf32, #tpu.memory_space<vmem>> -> memref<80x48xf32, #tpu.memory_space<vmem>>
    %dma_start3A_294 = arith.constant 9920 : i32
    %dma_start3A_295 = tpu.memref_slice %arg6[%dma_start3A_294] : memref<10000xi32, #tpu.memory_space<vmem>> -> memref<80xi32, #tpu.memory_space<vmem>>
    %dma_start3A_296 = arith.constant 0 : i32
    %dma_start3A_297 = arith.constant 0 : i32
    %dma_start3A_298 = tpu.memref_slice %arg9[%dma_start3A_296, %dma_start3A_297] : memref<10240x48xf32, #tpu.memory_space<vmem_shared>> -> memref<10240x48xf32, #tpu.memory_space<vmem_shared>>
    %dma_start3A_299 = tpu.memref_slice %arg11[%dma_start3A_289] : memref<10x!tpu.dma_semaphore, #tpu.memory_space<semaphore_mem>> -> memref<1x!tpu.dma_semaphore, #tpu.memory_space<semaphore_mem>>
    %dma_start3A_300 = tpu.memref_squeeze %dma_start3A_299 : memref<1x!tpu.dma_semaphore, #tpu.memory_space<semaphore_mem>> -> memref<!tpu.dma_semaphore, #tpu.memory_space<semaphore_mem>>
    tpu.enqueue_indirect_dma source(%dma_start3A_293 : memref<80x48xf32, #tpu.memory_space<vmem>>) target(%dma_start3A_298 : memref<10240x48xf32, #tpu.memory_space<vmem_shared>>) offsets(%dma_start3A_295 : memref<80xi32, #tpu.memory_space<vmem>>) semaphore(%dma_start3A_300 : memref<!tpu.dma_semaphore, #tpu.memory_space<semaphore_mem>>) {add = true}
    %dma_wait3A_301 = arith.constant 0 : i32
    %dma_wait3A_302 = arith.constant 0 : i32
    %dma_wait3A_303 = arith.constant 0 : i32
    %dma_wait3A_304 = arith.constant 0 : i32
    %dma_wait3A_305 = tpu.memref_slice %arg7[%dma_wait3A_301, %dma_wait3A_303, %dma_wait3A_304] : memref<10x80x48xf32, #tpu.memory_space<vmem>> -> memref<1x80x48xf32, #tpu.memory_space<vmem>>
    %dma_wait3A_306 = tpu.memref_squeeze %dma_wait3A_305 : memref<1x80x48xf32, #tpu.memory_space<vmem>> -> memref<80x48xf32, #tpu.memory_space<vmem>>
    %dma_wait3A_307 = arith.constant 0 : i32
    %dma_wait3A_308 = arith.constant 0 : i32
    %dma_wait3A_309 = tpu.memref_slice %arg9[%dma_wait3A_307, %dma_wait3A_308] : memref<10240x48xf32, #tpu.memory_space<vmem_shared>> -> memref<80x48xf32, #tpu.memory_space<vmem_shared>>
    %dma_wait3A_310 = tpu.memref_slice %arg11[%dma_wait3A_302] : memref<10x!tpu.dma_semaphore, #tpu.memory_space<semaphore_mem>> -> memref<1x!tpu.dma_semaphore, #tpu.memory_space<semaphore_mem>>
    %dma_wait3A_311 = tpu.memref_squeeze %dma_wait3A_310 : memref<1x!tpu.dma_semaphore, #tpu.memory_space<semaphore_mem>> -> memref<!tpu.dma_semaphore, #tpu.memory_space<semaphore_mem>>
    %dma_wait3A_312 = arith.constant 0 : i32
    %dma_wait3A_313 = arith.constant 0 : i32
    %dma_wait3A_314 = tpu.memref_slice %arg9[%dma_wait3A_312, %dma_wait3A_313] : memref<10240x48xf32, #tpu.memory_space<vmem_shared>> -> memref<80x48xf32, #tpu.memory_space<vmem_shared>>
    %dma_wait3A_315 = arith.constant 0 : i32
    %dma_wait3A_316 = arith.constant 0 : i32
    %dma_wait3A_317 = tpu.memref_slice %arg7[%dma_wait3A_301, %dma_wait3A_315, %dma_wait3A_316] : memref<10x80x48xf32, #tpu.memory_space<vmem>> -> memref<1x80x48xf32, #tpu.memory_space<vmem>>
    %dma_wait3A_318 = tpu.memref_squeeze %dma_wait3A_317 : memref<1x80x48xf32, #tpu.memory_space<vmem>> -> memref<80x48xf32, #tpu.memory_space<vmem>>
    tpu.wait_dma2 semaphore(%dma_wait3A_311 : memref<!tpu.dma_semaphore, #tpu.memory_space<semaphore_mem>>) src(%dma_wait3A_318 : memref<80x48xf32, #tpu.memory_space<vmem>>) dst(%dma_wait3A_314 : memref<80x48xf32, #tpu.memory_space<vmem_shared>>)
    %dma_wait3A_319 = arith.constant 1 : i32
    %dma_wait3A_320 = arith.constant 1 : i32
    %dma_wait3A_321 = arith.constant 0 : i32
    %dma_wait3A_322 = arith.constant 0 : i32
    %dma_wait3A_323 = tpu.memref_slice %arg7[%dma_wait3A_319, %dma_wait3A_321, %dma_wait3A_322] : memref<10x80x48xf32, #tpu.memory_space<vmem>> -> memref<1x80x48xf32, #tpu.memory_space<vmem>>
    %dma_wait3A_324 = tpu.memref_squeeze %dma_wait3A_323 : memref<1x80x48xf32, #tpu.memory_space<vmem>> -> memref<80x48xf32, #tpu.memory_space<vmem>>
    %dma_wait3A_325 = arith.constant 0 : i32
    %dma_wait3A_326 = arith.constant 0 : i32
    %dma_wait3A_327 = tpu.memref_slice %arg9[%dma_wait3A_325, %dma_wait3A_326] : memref<10240x48xf32, #tpu.memory_space<vmem_shared>> -> memref<80x48xf32, #tpu.memory_space<vmem_shared>>
    %dma_wait3A_328 = tpu.memref_slice %arg11[%dma_wait3A_320] : memref<10x!tpu.dma_semaphore, #tpu.memory_space<semaphore_mem>> -> memref<1x!tpu.dma_semaphore, #tpu.memory_space<semaphore_mem>>
    %dma_wait3A_329 = tpu.memref_squeeze %dma_wait3A_328 : memref<1x!tpu.dma_semaphore, #tpu.memory_space<semaphore_mem>> -> memref<!tpu.dma_semaphore, #tpu.memory_space<semaphore_mem>>
    %dma_wait3A_330 = arith.constant 0 : i32
    %dma_wait3A_331 = arith.constant 0 : i32
    %dma_wait3A_332 = tpu.memref_slice %arg9[%dma_wait3A_330, %dma_wait3A_331] : memref<10240x48xf32, #tpu.memory_space<vmem_shared>> -> memref<80x48xf32, #tpu.memory_space<vmem_shared>>
    %dma_wait3A_333 = arith.constant 0 : i32
    %dma_wait3A_334 = arith.constant 0 : i32
    %dma_wait3A_335 = tpu.memref_slice %arg7[%dma_wait3A_319, %dma_wait3A_333, %dma_wait3A_334] : memref<10x80x48xf32, #tpu.memory_space<vmem>> -> memref<1x80x48xf32, #tpu.memory_space<vmem>>
    %dma_wait3A_336 = tpu.memref_squeeze %dma_wait3A_335 : memref<1x80x48xf32, #tpu.memory_space<vmem>> -> memref<80x48xf32, #tpu.memory_space<vmem>>
    tpu.wait_dma2 semaphore(%dma_wait3A_329 : memref<!tpu.dma_semaphore, #tpu.memory_space<semaphore_mem>>) src(%dma_wait3A_336 : memref<80x48xf32, #tpu.memory_space<vmem>>) dst(%dma_wait3A_332 : memref<80x48xf32, #tpu.memory_space<vmem_shared>>)
    %dma_wait3A_337 = arith.constant 2 : i32
    %dma_wait3A_338 = arith.constant 2 : i32
    %dma_wait3A_339 = arith.constant 0 : i32
    %dma_wait3A_340 = arith.constant 0 : i32
    %dma_wait3A_341 = tpu.memref_slice %arg7[%dma_wait3A_337, %dma_wait3A_339, %dma_wait3A_340] : memref<10x80x48xf32, #tpu.memory_space<vmem>> -> memref<1x80x48xf32, #tpu.memory_space<vmem>>
    %dma_wait3A_342 = tpu.memref_squeeze %dma_wait3A_341 : memref<1x80x48xf32, #tpu.memory_space<vmem>> -> memref<80x48xf32, #tpu.memory_space<vmem>>
    %dma_wait3A_343 = arith.constant 0 : i32
    %dma_wait3A_344 = arith.constant 0 : i32
    %dma_wait3A_345 = tpu.memref_slice %arg9[%dma_wait3A_343, %dma_wait3A_344] : memref<10240x48xf32, #tpu.memory_space<vmem_shared>> -> memref<80x48xf32, #tpu.memory_space<vmem_shared>>
    %dma_wait3A_346 = tpu.memref_slice %arg11[%dma_wait3A_338] : memref<10x!tpu.dma_semaphore, #tpu.memory_space<semaphore_mem>> -> memref<1x!tpu.dma_semaphore, #tpu.memory_space<semaphore_mem>>
    %dma_wait3A_347 = tpu.memref_squeeze %dma_wait3A_346 : memref<1x!tpu.dma_semaphore, #tpu.memory_space<semaphore_mem>> -> memref<!tpu.dma_semaphore, #tpu.memory_space<semaphore_mem>>
    %dma_wait3A_348 = arith.constant 0 : i32
    %dma_wait3A_349 = arith.constant 0 : i32
    %dma_wait3A_350 = tpu.memref_slice %arg9[%dma_wait3A_348, %dma_wait3A_349] : memref<10240x48xf32, #tpu.memory_space<vmem_shared>> -> memref<80x48xf32, #tpu.memory_space<vmem_shared>>
    %dma_wait3A_351 = arith.constant 0 : i32
    %dma_wait3A_352 = arith.constant 0 : i32
    %dma_wait3A_353 = tpu.memref_slice %arg7[%dma_wait3A_337, %dma_wait3A_351, %dma_wait3A_352] : memref<10x80x48xf32, #tpu.memory_space<vmem>> -> memref<1x80x48xf32, #tpu.memory_space<vmem>>
    %dma_wait3A_354 = tpu.memref_squeeze %dma_wait3A_353 : memref<1x80x48xf32, #tpu.memory_space<vmem>> -> memref<80x48xf32, #tpu.memory_space<vmem>>
    tpu.wait_dma2 semaphore(%dma_wait3A_347 : memref<!tpu.dma_semaphore, #tpu.memory_space<semaphore_mem>>) src(%dma_wait3A_354 : memref<80x48xf32, #tpu.memory_space<vmem>>) dst(%dma_wait3A_350 : memref<80x48xf32, #tpu.memory_space<vmem_shared>>)
    %dma_wait3A_355 = arith.constant 3 : i32
    %dma_wait3A_356 = arith.constant 3 : i32
    %dma_wait3A_357 = arith.constant 0 : i32
    %dma_wait3A_358 = arith.constant 0 : i32
    %dma_wait3A_359 = tpu.memref_slice %arg7[%dma_wait3A_355, %dma_wait3A_357, %dma_wait3A_358] : memref<10x80x48xf32, #tpu.memory_space<vmem>> -> memref<1x80x48xf32, #tpu.memory_space<vmem>>
    %dma_wait3A_360 = tpu.memref_squeeze %dma_wait3A_359 : memref<1x80x48xf32, #tpu.memory_space<vmem>> -> memref<80x48xf32, #tpu.memory_space<vmem>>
    %dma_wait3A_361 = arith.constant 0 : i32
    %dma_wait3A_362 = arith.constant 0 : i32
    %dma_wait3A_363 = tpu.memref_slice %arg9[%dma_wait3A_361, %dma_wait3A_362] : memref<10240x48xf32, #tpu.memory_space<vmem_shared>> -> memref<80x48xf32, #tpu.memory_space<vmem_shared>>
    %dma_wait3A_364 = tpu.memref_slice %arg11[%dma_wait3A_356] : memref<10x!tpu.dma_semaphore, #tpu.memory_space<semaphore_mem>> -> memref<1x!tpu.dma_semaphore, #tpu.memory_space<semaphore_mem>>
    %dma_wait3A_365 = tpu.memref_squeeze %dma_wait3A_364 : memref<1x!tpu.dma_semaphore, #tpu.memory_space<semaphore_mem>> -> memref<!tpu.dma_semaphore, #tpu.memory_space<semaphore_mem>>
    %dma_wait3A_366 = arith.constant 0 : i32
    %dma_wait3A_367 = arith.constant 0 : i32
    %dma_wait3A_368 = tpu.memref_slice %arg9[%dma_wait3A_366, %dma_wait3A_367] : memref<10240x48xf32, #tpu.memory_space<vmem_shared>> -> memref<80x48xf32, #tpu.memory_space<vmem_shared>>
    %dma_wait3A_369 = arith.constant 0 : i32
    %dma_wait3A_370 = arith.constant 0 : i32
    %dma_wait3A_371 = tpu.memref_slice %arg7[%dma_wait3A_355, %dma_wait3A_369, %dma_wait3A_370] : memref<10x80x48xf32, #tpu.memory_space<vmem>> -> memref<1x80x48xf32, #tpu.memory_space<vmem>>
    %dma_wait3A_372 = tpu.memref_squeeze %dma_wait3A_371 : memref<1x80x48xf32, #tpu.memory_space<vmem>> -> memref<80x48xf32, #tpu.memory_space<vmem>>
    tpu.wait_dma2 semaphore(%dma_wait3A_365 : memref<!tpu.dma_semaphore, #tpu.memory_space<semaphore_mem>>) src(%dma_wait3A_372 : memref<80x48xf32, #tpu.memory_space<vmem>>) dst(%dma_wait3A_368 : memref<80x48xf32, #tpu.memory_space<vmem_shared>>)
    %dma_wait3A_373 = arith.constant 4 : i32
    %dma_wait3A_374 = arith.constant 4 : i32
    %dma_wait3A_375 = arith.constant 0 : i32
    %dma_wait3A_376 = arith.constant 0 : i32
    %dma_wait3A_377 = tpu.memref_slice %arg7[%dma_wait3A_373, %dma_wait3A_375, %dma_wait3A_376] : memref<10x80x48xf32, #tpu.memory_space<vmem>> -> memref<1x80x48xf32, #tpu.memory_space<vmem>>
    %dma_wait3A_378 = tpu.memref_squeeze %dma_wait3A_377 : memref<1x80x48xf32, #tpu.memory_space<vmem>> -> memref<80x48xf32, #tpu.memory_space<vmem>>
    %dma_wait3A_379 = arith.constant 0 : i32
    %dma_wait3A_380 = arith.constant 0 : i32
    %dma_wait3A_381 = tpu.memref_slice %arg9[%dma_wait3A_379, %dma_wait3A_380] : memref<10240x48xf32, #tpu.memory_space<vmem_shared>> -> memref<80x48xf32, #tpu.memory_space<vmem_shared>>
    %dma_wait3A_382 = tpu.memref_slice %arg11[%dma_wait3A_374] : memref<10x!tpu.dma_semaphore, #tpu.memory_space<semaphore_mem>> -> memref<1x!tpu.dma_semaphore, #tpu.memory_space<semaphore_mem>>
    %dma_wait3A_383 = tpu.memref_squeeze %dma_wait3A_382 : memref<1x!tpu.dma_semaphore, #tpu.memory_space<semaphore_mem>> -> memref<!tpu.dma_semaphore, #tpu.memory_space<semaphore_mem>>
    %dma_wait3A_384 = arith.constant 0 : i32
    %dma_wait3A_385 = arith.constant 0 : i32
    %dma_wait3A_386 = tpu.memref_slice %arg9[%dma_wait3A_384, %dma_wait3A_385] : memref<10240x48xf32, #tpu.memory_space<vmem_shared>> -> memref<80x48xf32, #tpu.memory_space<vmem_shared>>
    %dma_wait3A_387 = arith.constant 0 : i32
    %dma_wait3A_388 = arith.constant 0 : i32
    %dma_wait3A_389 = tpu.memref_slice %arg7[%dma_wait3A_373, %dma_wait3A_387, %dma_wait3A_388] : memref<10x80x48xf32, #tpu.memory_space<vmem>> -> memref<1x80x48xf32, #tpu.memory_space<vmem>>
    %dma_wait3A_390 = tpu.memref_squeeze %dma_wait3A_389 : memref<1x80x48xf32, #tpu.memory_space<vmem>> -> memref<80x48xf32, #tpu.memory_space<vmem>>
    tpu.wait_dma2 semaphore(%dma_wait3A_383 : memref<!tpu.dma_semaphore, #tpu.memory_space<semaphore_mem>>) src(%dma_wait3A_390 : memref<80x48xf32, #tpu.memory_space<vmem>>) dst(%dma_wait3A_386 : memref<80x48xf32, #tpu.memory_space<vmem_shared>>)
    %barrier3A_391 = arith.constant 0 : index
    tpu.barrier barrier_id(%barrier3A_391)
    %mul3A_392 = arith.constant 640 : i32
    %mul3A_393 = arith.muli %arg1, %mul3A_392 : i32
    "tpu.region"() ({
      %run_scoped3A_396 = tpu.sem_alloc : memref<!tpu.dma_semaphore, #tpu.memory_space<semaphore_mem>>
      %dma_start3A_397 = arith.constant 0 : i32
      %dma_start3A_398 = tpu.memref_slice %arg9[%mul3A_393, %dma_start3A_397] : memref<10240x48xf32, #tpu.memory_space<vmem_shared>> -> memref<640x48xf32, #tpu.memory_space<vmem_shared>>
      %dma_start3A_399 = arith.constant 0 : i32
      %dma_start3A_400 = tpu.memref_slice %arg9[%mul3A_393, %dma_start3A_399] : memref<10240x48xf32, #tpu.memory_space<vmem_shared>> -> memref<640x48xf32, #tpu.memory_space<vmem_shared>>
      tpu.enqueue_dma source(%dma_start3A_400 : memref<640x48xf32, #tpu.memory_space<vmem_shared>>) target(%arg8 : memref<640x48xf32, #tpu.memory_space<vmem>>) target_semaphore(%run_scoped3A_396 : memref<!tpu.dma_semaphore, #tpu.memory_space<semaphore_mem>>)
      %dma_wait3A_401 = arith.constant 0 : i32
      %dma_wait3A_402 = tpu.memref_slice %arg9[%mul3A_393, %dma_wait3A_401] : memref<10240x48xf32, #tpu.memory_space<vmem_shared>> -> memref<640x48xf32, #tpu.memory_space<vmem_shared>>
      %dma_wait3A_403 = arith.constant 0 : i32
      %dma_wait3A_404 = tpu.memref_slice %arg9[%mul3A_393, %dma_wait3A_403] : memref<10240x48xf32, #tpu.memory_space<vmem_shared>> -> memref<640x48xf32, #tpu.memory_space<vmem_shared>>
      tpu.wait_dma2 semaphore(%run_scoped3A_396 : memref<!tpu.dma_semaphore, #tpu.memory_space<semaphore_mem>>) src(%dma_wait3A_404 : memref<640x48xf32, #tpu.memory_space<vmem_shared>>) dst(%arg8 : memref<640x48xf32, #tpu.memory_space<vmem>>)
      tpu.yield
    }) : () -> ()
    %mul3A_394 = arith.constant 640 : i32
    %mul3A_395 = arith.muli %arg1, %mul3A_394 : i32
    "tpu.region"() ({
      %run_scoped3A_396 = tpu.sem_alloc : memref<!tpu.dma_semaphore, #tpu.memory_space<semaphore_mem>>
      %dma_start3A_397 = arith.constant 0 : i32
      %dma_start3A_398 = arith.constant 0 : i32
      %dma_start3A_399 = tpu.memref_slice %arg4[%arg0, %dma_start3A_397, %dma_start3A_398] : memref<2x10240x48xf32, #tpu.memory_space<hbm>> -> memref<1x10240x48xf32, #tpu.memory_space<hbm>>
      %dma_start3A_400 = tpu.memref_squeeze %dma_start3A_399 : memref<1x10240x48xf32, #tpu.memory_space<hbm>> -> memref<10240x48xf32, #tpu.memory_space<hbm>>
      %dma_start3A_401 = arith.constant 0 : i32
      %dma_start3A_402 = tpu.memref_slice %dma_start3A_400[%mul3A_395, %dma_start3A_401] : memref<10240x48xf32, #tpu.memory_space<hbm>> -> memref<640x48xf32, #tpu.memory_space<hbm>>
      %dma_start3A_403 = arith.constant 0 : i32
      %dma_start3A_404 = arith.constant 0 : i32
      %dma_start3A_405 = tpu.memref_slice %arg4[%arg0, %dma_start3A_403, %dma_start3A_404] : memref<2x10240x48xf32, #tpu.memory_space<hbm>> -> memref<1x10240x48xf32, #tpu.memory_space<hbm>>
      %dma_start3A_406 = tpu.memref_squeeze %dma_start3A_405 : memref<1x10240x48xf32, #tpu.memory_space<hbm>> -> memref<10240x48xf32, #tpu.memory_space<hbm>>
      %dma_start3A_407 = arith.constant 0 : i32
      %dma_start3A_408 = tpu.memref_slice %dma_start3A_406[%mul3A_395, %dma_start3A_407] : memref<10240x48xf32, #tpu.memory_space<hbm>> -> memref<640x48xf32, #tpu.memory_space<hbm>>
      tpu.enqueue_dma source(%arg8 : memref<640x48xf32, #tpu.memory_space<vmem>>) target(%dma_start3A_408 : memref<640x48xf32, #tpu.memory_space<hbm>>) target_semaphore(%run_scoped3A_396 : memref<!tpu.dma_semaphore, #tpu.memory_space<semaphore_mem>>)
      %dma_wait3A_409 = arith.constant 0 : i32
      %dma_wait3A_410 = arith.constant 0 : i32
      %dma_wait3A_411 = tpu.memref_slice %arg4[%arg0, %dma_wait3A_409, %dma_wait3A_410] : memref<2x10240x48xf32, #tpu.memory_space<hbm>> -> memref<1x10240x48xf32, #tpu.memory_space<hbm>>
      %dma_wait3A_412 = tpu.memref_squeeze %dma_wait3A_411 : memref<1x10240x48xf32, #tpu.memory_space<hbm>> -> memref<10240x48xf32, #tpu.memory_space<hbm>>
      %dma_wait3A_413 = arith.constant 0 : i32
      %dma_wait3A_414 = tpu.memref_slice %dma_wait3A_412[%mul3A_395, %dma_wait3A_413] : memref<10240x48xf32, #tpu.memory_space<hbm>> -> memref<640x48xf32, #tpu.memory_space<hbm>>
      %dma_wait3A_415 = arith.constant 0 : i32
      %dma_wait3A_416 = arith.constant 0 : i32
      %dma_wait3A_417 = tpu.memref_slice %arg4[%arg0, %dma_wait3A_415, %dma_wait3A_416] : memref<2x10240x48xf32, #tpu.memory_space<hbm>> -> memref<1x10240x48xf32, #tpu.memory_space<hbm>>
      %dma_wait3A_418 = tpu.memref_squeeze %dma_wait3A_417 : memref<1x10240x48xf32, #tpu.memory_space<hbm>> -> memref<10240x48xf32, #tpu.memory_space<hbm>>
      %dma_wait3A_419 = arith.constant 0 : i32
      %dma_wait3A_420 = tpu.memref_slice %dma_wait3A_418[%mul3A_395, %dma_wait3A_419] : memref<10240x48xf32, #tpu.memory_space<hbm>> -> memref<640x48xf32, #tpu.memory_space<hbm>>
      tpu.wait_dma2 semaphore(%run_scoped3A_396 : memref<!tpu.dma_semaphore, #tpu.memory_space<semaphore_mem>>) src(%arg8 : memref<640x48xf32, #tpu.memory_space<vmem>>) dst(%dma_wait3A_420 : memref<640x48xf32, #tpu.memory_space<hbm>>)
      tpu.yield
    }) : () -> ()
    return
  }
}

#map = affine_map<(d0, d1) -> (0, 0)>
#map1 = affine_map<(d0, d1) -> (0, 0, 0)>
module attributes {stable_mosaic.version = 14 : i64} {
  func.func @k(%arg0: i32, %arg1: i32, %arg2: memref<10240x16xf32, #tpu.memory_space<hbm>>, %arg3: memref<2x320000xi32, #tpu.memory_space<hbm>>, %arg4: memref<2x10240x16xf32, #tpu.memory_space<hbm>>, %arg5: memref<10000xi32, #tpu.memory_space<vmem>>, %arg6: memref<10000xi32, #tpu.memory_space<vmem>>, %arg7: memref<10x80x16xf32, #tpu.memory_space<vmem>>, %arg8: memref<640x16xf32, #tpu.memory_space<vmem>>, %arg9: memref<10240x16xf32, #tpu.memory_space<vmem_shared>>, %arg10: memref<10x!tpu.dma_semaphore, #tpu.memory_space<semaphore_mem>>, %arg11: memref<10x!tpu.dma_semaphore, #tpu.memory_space<semaphore_mem>>) attributes {dimension_semantics = [#tpu.dimension_semantics<core_parallel>, #tpu.dimension_semantics<subcore_parallel>], iteration_bounds = array<i64: 2, 16>, scalar_prefetch = 0 : i64, scratch_operands = 7 : i64, tpu.core_type = #tpu.core_type<sc_vector_subcore>, window_params = [{transform_indices = #map}, {transform_indices = #map}, {transform_indices = #map1}]} {
    %mul3A = arith.constant 16 : i32
    %mul3A_0 = arith.muli %arg0, %mul3A : i32
    %add3A = arith.addi %mul3A_0, %arg1 : i32
    %mul3A_1 = arith.constant 10000 : i32
    %mul3A_2 = arith.muli %add3A, %mul3A_1 : i32
    %run_scoped3A = arith.constant 0 : i32
    "tpu.region"() ({
      %run_scoped3A_396 = tpu.sem_alloc : memref<!tpu.dma_semaphore, #tpu.memory_space<semaphore_mem>>
      %dma_start3A_397 = arith.constant 0 : i32
      %dma_start3A_398 = tpu.memref_slice %arg3[%run_scoped3A, %dma_start3A_397] : memref<2x320000xi32, #tpu.memory_space<hbm>> -> memref<1x320000xi32, #tpu.memory_space<hbm>>
      %dma_start3A_399 = tpu.memref_squeeze %dma_start3A_398 : memref<1x320000xi32, #tpu.memory_space<hbm>> -> memref<320000xi32, #tpu.memory_space<hbm>>
      %dma_start3A_400 = tpu.memref_slice %dma_start3A_399[%mul3A_2] : memref<320000xi32, #tpu.memory_space<hbm>> -> memref<10000xi32, #tpu.memory_space<hbm>>
      %dma_start3A_401 = arith.constant 0 : i32
      %dma_start3A_402 = tpu.memref_slice %arg3[%run_scoped3A, %dma_start3A_401] : memref<2x320000xi32, #tpu.memory_space<hbm>> -> memref<1x320000xi32, #tpu.memory_space<hbm>>
      %dma_start3A_403 = tpu.memref_squeeze %dma_start3A_402 : memref<1x320000xi32, #tpu.memory_space<hbm>> -> memref<320000xi32, #tpu.memory_space<hbm>>
      %dma_start3A_404 = tpu.memref_slice %dma_start3A_403[%mul3A_2] : memref<320000xi32, #tpu.memory_space<hbm>> -> memref<10000xi32, #tpu.memory_space<hbm>>
      tpu.enqueue_dma source(%dma_start3A_404 : memref<10000xi32, #tpu.memory_space<hbm>>) target(%arg5 : memref<10000xi32, #tpu.memory_space<vmem>>) target_semaphore(%run_scoped3A_396 : memref<!tpu.dma_semaphore, #tpu.memory_space<semaphore_mem>>)
      %dma_wait3A_405 = arith.constant 0 : i32
      %dma_wait3A_406 = tpu.memref_slice %arg3[%run_scoped3A, %dma_wait3A_405] : memref<2x320000xi32, #tpu.memory_space<hbm>> -> memref<1x320000xi32, #tpu.memory_space<hbm>>
      %dma_wait3A_407 = tpu.memref_squeeze %dma_wait3A_406 : memref<1x320000xi32, #tpu.memory_space<hbm>> -> memref<320000xi32, #tpu.memory_space<hbm>>
      %dma_wait3A_408 = tpu.memref_slice %dma_wait3A_407[%mul3A_2] : memref<320000xi32, #tpu.memory_space<hbm>> -> memref<10000xi32, #tpu.memory_space<hbm>>
      %dma_wait3A_409 = arith.constant 0 : i32
      %dma_wait3A_410 = tpu.memref_slice %arg3[%run_scoped3A, %dma_wait3A_409] : memref<2x320000xi32, #tpu.memory_space<hbm>> -> memref<1x320000xi32, #tpu.memory_space<hbm>>
      %dma_wait3A_411 = tpu.memref_squeeze %dma_wait3A_410 : memref<1x320000xi32, #tpu.memory_space<hbm>> -> memref<320000xi32, #tpu.memory_space<hbm>>
      %dma_wait3A_412 = tpu.memref_slice %dma_wait3A_411[%mul3A_2] : memref<320000xi32, #tpu.memory_space<hbm>> -> memref<10000xi32, #tpu.memory_space<hbm>>
      tpu.wait_dma2 semaphore(%run_scoped3A_396 : memref<!tpu.dma_semaphore, #tpu.memory_space<semaphore_mem>>) src(%dma_wait3A_412 : memref<10000xi32, #tpu.memory_space<hbm>>) dst(%arg5 : memref<10000xi32, #tpu.memory_space<vmem>>)
      tpu.yield
    }) : () -> ()
    %mul3A_3 = arith.constant 10000 : i32
    %mul3A_4 = arith.muli %add3A, %mul3A_3 : i32
    %run_scoped3A_5 = arith.constant 1 : i32
    "tpu.region"() ({
      %run_scoped3A_396 = tpu.sem_alloc : memref<!tpu.dma_semaphore, #tpu.memory_space<semaphore_mem>>
      %dma_start3A_397 = arith.constant 0 : i32
      %dma_start3A_398 = tpu.memref_slice %arg3[%run_scoped3A_5, %dma_start3A_397] : memref<2x320000xi32, #tpu.memory_space<hbm>> -> memref<1x320000xi32, #tpu.memory_space<hbm>>
      %dma_start3A_399 = tpu.memref_squeeze %dma_start3A_398 : memref<1x320000xi32, #tpu.memory_space<hbm>> -> memref<320000xi32, #tpu.memory_space<hbm>>
      %dma_start3A_400 = tpu.memref_slice %dma_start3A_399[%mul3A_4] : memref<320000xi32, #tpu.memory_space<hbm>> -> memref<10000xi32, #tpu.memory_space<hbm>>
      %dma_start3A_401 = arith.constant 0 : i32
      %dma_start3A_402 = tpu.memref_slice %arg3[%run_scoped3A_5, %dma_start3A_401] : memref<2x320000xi32, #tpu.memory_space<hbm>> -> memref<1x320000xi32, #tpu.memory_space<hbm>>
      %dma_start3A_403 = tpu.memref_squeeze %dma_start3A_402 : memref<1x320000xi32, #tpu.memory_space<hbm>> -> memref<320000xi32, #tpu.memory_space<hbm>>
      %dma_start3A_404 = tpu.memref_slice %dma_start3A_403[%mul3A_4] : memref<320000xi32, #tpu.memory_space<hbm>> -> memref<10000xi32, #tpu.memory_space<hbm>>
      tpu.enqueue_dma source(%dma_start3A_404 : memref<10000xi32, #tpu.memory_space<hbm>>) target(%arg6 : memref<10000xi32, #tpu.memory_space<vmem>>) target_semaphore(%run_scoped3A_396 : memref<!tpu.dma_semaphore, #tpu.memory_space<semaphore_mem>>)
      %dma_wait3A_405 = arith.constant 0 : i32
      %dma_wait3A_406 = tpu.memref_slice %arg3[%run_scoped3A_5, %dma_wait3A_405] : memref<2x320000xi32, #tpu.memory_space<hbm>> -> memref<1x320000xi32, #tpu.memory_space<hbm>>
      %dma_wait3A_407 = tpu.memref_squeeze %dma_wait3A_406 : memref<1x320000xi32, #tpu.memory_space<hbm>> -> memref<320000xi32, #tpu.memory_space<hbm>>
      %dma_wait3A_408 = tpu.memref_slice %dma_wait3A_407[%mul3A_4] : memref<320000xi32, #tpu.memory_space<hbm>> -> memref<10000xi32, #tpu.memory_space<hbm>>
      %dma_wait3A_409 = arith.constant 0 : i32
      %dma_wait3A_410 = tpu.memref_slice %arg3[%run_scoped3A_5, %dma_wait3A_409] : memref<2x320000xi32, #tpu.memory_space<hbm>> -> memref<1x320000xi32, #tpu.memory_space<hbm>>
      %dma_wait3A_411 = tpu.memref_squeeze %dma_wait3A_410 : memref<1x320000xi32, #tpu.memory_space<hbm>> -> memref<320000xi32, #tpu.memory_space<hbm>>
      %dma_wait3A_412 = tpu.memref_slice %dma_wait3A_411[%mul3A_4] : memref<320000xi32, #tpu.memory_space<hbm>> -> memref<10000xi32, #tpu.memory_space<hbm>>
      tpu.wait_dma2 semaphore(%run_scoped3A_396 : memref<!tpu.dma_semaphore, #tpu.memory_space<semaphore_mem>>) src(%dma_wait3A_412 : memref<10000xi32, #tpu.memory_space<hbm>>) dst(%arg6 : memref<10000xi32, #tpu.memory_space<vmem>>)
      tpu.yield
    }) : () -> ()
    %broadcast_in_dim3A = arith.constant 0.000000e+00 : f32
    %broadcast_in_dim3A_6 = vector.broadcast %broadcast_in_dim3A : f32 to vector<16xf32>
    %scan3A = arith.constant 0 : i32
    %scan3A_7 = arith.constant 640 : i32
    %scan3A_8 = arith.addi %scan3A, %scan3A_7 : i32
    %scan3A_9 = arith.constant 1 : i32
    scf.for %scan3A_396 = %scan3A to %scan3A_8 step %scan3A_9  : i32 {
      %mul3A_397 = arith.constant 1 : i32
      %mul3A_398 = arith.muli %scan3A_396, %mul3A_397 : i32
      %add3A_399 = arith.constant 0 : i32
      %add3A_400 = arith.addi %add3A_399, %mul3A_398 : i32
      %scan3A_401 = arith.constant 0 : i32
      %mul3A_402 = arith.constant 1 : i32
      %mul3A_403 = arith.muli %scan3A_401, %mul3A_402 : i32
      %add3A_404 = arith.constant 0 : i32
      %add3A_405 = arith.addi %add3A_404, %mul3A_403 : i32
      %mul3A_406 = arith.constant 16 : i32
      %mul3A_407 = arith.muli %add3A_405, %mul3A_406 : i32
      %swap3A = arith.constant 0 : i32
      %swap3A_408 = tpu.memref_slice %arg8[%add3A_400, %swap3A] : memref<640x16xf32, #tpu.memory_space<vmem>> -> memref<1x16xf32, #tpu.memory_space<vmem>>
      %swap3A_409 = tpu.memref_squeeze %swap3A_408 : memref<1x16xf32, #tpu.memory_space<vmem>> -> memref<16xf32, #tpu.memory_space<vmem>>
      %swap3A_410 = arith.index_cast %mul3A_407 : i32 to index
      %swap3A_411 = tpu.vector_load %swap3A_409[%swap3A_410] {strides = array<i32>} : memref<16xf32, #tpu.memory_space<vmem>>, vector<16xf32>,
      tpu.vector_store %swap3A_409[%swap3A_410], %broadcast_in_dim3A_6 {strides = array<i32>} : memref<16xf32, #tpu.memory_space<vmem>>, vector<16xf32>,
      %scan3A_412 = arith.constant 1 : i32
    }
    %scan3A_10 = arith.constant 640 : i32
    %mul3A_11 = arith.constant 640 : i32
    %mul3A_12 = arith.muli %arg1, %mul3A_11 : i32
    "tpu.region"() ({
      %run_scoped3A_396 = tpu.sem_alloc : memref<!tpu.dma_semaphore, #tpu.memory_space<semaphore_mem>>
      %dma_start3A_397 = arith.constant 0 : i32
      %dma_start3A_398 = tpu.memref_slice %arg9[%mul3A_12, %dma_start3A_397] : memref<10240x16xf32, #tpu.memory_space<vmem_shared>> -> memref<640x16xf32, #tpu.memory_space<vmem_shared>>
      %dma_start3A_399 = arith.constant 0 : i32
      %dma_start3A_400 = tpu.memref_slice %arg9[%mul3A_12, %dma_start3A_399] : memref<10240x16xf32, #tpu.memory_space<vmem_shared>> -> memref<640x16xf32, #tpu.memory_space<vmem_shared>>
      tpu.enqueue_dma source(%arg8 : memref<640x16xf32, #tpu.memory_space<vmem>>) target(%dma_start3A_400 : memref<640x16xf32, #tpu.memory_space<vmem_shared>>) target_semaphore(%run_scoped3A_396 : memref<!tpu.dma_semaphore, #tpu.memory_space<semaphore_mem>>)
      %dma_wait3A_401 = arith.constant 0 : i32
      %dma_wait3A_402 = tpu.memref_slice %arg9[%mul3A_12, %dma_wait3A_401] : memref<10240x16xf32, #tpu.memory_space<vmem_shared>> -> memref<640x16xf32, #tpu.memory_space<vmem_shared>>
      %dma_wait3A_403 = arith.constant 0 : i32
      %dma_wait3A_404 = tpu.memref_slice %arg9[%mul3A_12, %dma_wait3A_403] : memref<10240x16xf32, #tpu.memory_space<vmem_shared>> -> memref<640x16xf32, #tpu.memory_space<vmem_shared>>
      tpu.wait_dma2 semaphore(%run_scoped3A_396 : memref<!tpu.dma_semaphore, #tpu.memory_space<semaphore_mem>>) src(%arg8 : memref<640x16xf32, #tpu.memory_space<vmem>>) dst(%dma_wait3A_404 : memref<640x16xf32, #tpu.memory_space<vmem_shared>>)
      tpu.yield
    }) : () -> ()
    %barrier3A = arith.constant 0 : index
    tpu.barrier barrier_id(%barrier3A)
    %dma_start3A = arith.constant 0 : i32
    %dma_start3A_13 = arith.constant 0 : i32
    %dma_start3A_14 = arith.constant 0 : i32
    %dma_start3A_15 = arith.constant 0 : i32
    %dma_start3A_16 = tpu.memref_slice %arg7[%dma_start3A, %dma_start3A_14, %dma_start3A_15] : memref<10x80x16xf32, #tpu.memory_space<vmem>> -> memref<1x80x16xf32, #tpu.memory_space<vmem>>
    %dma_start3A_17 = tpu.memref_squeeze %dma_start3A_16 : memref<1x80x16xf32, #tpu.memory_space<vmem>> -> memref<80x16xf32, #tpu.memory_space<vmem>>
    %dma_start3A_18 = arith.constant 0 : i32
    %dma_start3A_19 = tpu.memref_slice %arg5[%dma_start3A_18] : memref<10000xi32, #tpu.memory_space<vmem>> -> memref<80xi32, #tpu.memory_space<vmem>>
    %dma_start3A_20 = arith.constant 0 : i32
    %dma_start3A_21 = arith.constant 0 : i32
    %dma_start3A_22 = tpu.memref_slice %arg2[%dma_start3A_20, %dma_start3A_21] : memref<10240x16xf32, #tpu.memory_space<hbm>> -> memref<10240x16xf32, #tpu.memory_space<hbm>>
    %dma_start3A_23 = tpu.memref_slice %arg10[%dma_start3A_13] : memref<10x!tpu.dma_semaphore, #tpu.memory_space<semaphore_mem>> -> memref<1x!tpu.dma_semaphore, #tpu.memory_space<semaphore_mem>>
    %dma_start3A_24 = tpu.memref_squeeze %dma_start3A_23 : memref<1x!tpu.dma_semaphore, #tpu.memory_space<semaphore_mem>> -> memref<!tpu.dma_semaphore, #tpu.memory_space<semaphore_mem>>
    tpu.enqueue_indirect_dma source(%dma_start3A_22 : memref<10240x16xf32, #tpu.memory_space<hbm>>) target(%dma_start3A_17 : memref<80x16xf32, #tpu.memory_space<vmem>>) offsets(%dma_start3A_19 : memref<80xi32, #tpu.memory_space<vmem>>) semaphore(%dma_start3A_24 : memref<!tpu.dma_semaphore, #tpu.memory_space<semaphore_mem>>)
    %dma_start3A_25 = arith.constant 1 : i32
    %dma_start3A_26 = arith.constant 1 : i32
    %dma_start3A_27 = arith.constant 0 : i32
    %dma_start3A_28 = arith.constant 0 : i32
    %dma_start3A_29 = tpu.memref_slice %arg7[%dma_start3A_25, %dma_start3A_27, %dma_start3A_28] : memref<10x80x16xf32, #tpu.memory_space<vmem>> -> memref<1x80x16xf32, #tpu.memory_space<vmem>>
    %dma_start3A_30 = tpu.memref_squeeze %dma_start3A_29 : memref<1x80x16xf32, #tpu.memory_space<vmem>> -> memref<80x16xf32, #tpu.memory_space<vmem>>
    %dma_start3A_31 = arith.constant 80 : i32
    %dma_start3A_32 = tpu.memref_slice %arg5[%dma_start3A_31] : memref<10000xi32, #tpu.memory_space<vmem>> -> memref<80xi32, #tpu.memory_space<vmem>>
    %dma_start3A_33 = arith.constant 0 : i32
    %dma_start3A_34 = arith.constant 0 : i32
    %dma_start3A_35 = tpu.memref_slice %arg2[%dma_start3A_33, %dma_start3A_34] : memref<10240x16xf32, #tpu.memory_space<hbm>> -> memref<10240x16xf32, #tpu.memory_space<hbm>>
    %dma_start3A_36 = tpu.memref_slice %arg10[%dma_start3A_26] : memref<10x!tpu.dma_semaphore, #tpu.memory_space<semaphore_mem>> -> memref<1x!tpu.dma_semaphore, #tpu.memory_space<semaphore_mem>>
    %dma_start3A_37 = tpu.memref_squeeze %dma_start3A_36 : memref<1x!tpu.dma_semaphore, #tpu.memory_space<semaphore_mem>> -> memref<!tpu.dma_semaphore, #tpu.memory_space<semaphore_mem>>
    tpu.enqueue_indirect_dma source(%dma_start3A_35 : memref<10240x16xf32, #tpu.memory_space<hbm>>) target(%dma_start3A_30 : memref<80x16xf32, #tpu.memory_space<vmem>>) offsets(%dma_start3A_32 : memref<80xi32, #tpu.memory_space<vmem>>) semaphore(%dma_start3A_37 : memref<!tpu.dma_semaphore, #tpu.memory_space<semaphore_mem>>)
    %dma_start3A_38 = arith.constant 2 : i32
    %dma_start3A_39 = arith.constant 2 : i32
    %dma_start3A_40 = arith.constant 0 : i32
    %dma_start3A_41 = arith.constant 0 : i32
    %dma_start3A_42 = tpu.memref_slice %arg7[%dma_start3A_38, %dma_start3A_40, %dma_start3A_41] : memref<10x80x16xf32, #tpu.memory_space<vmem>> -> memref<1x80x16xf32, #tpu.memory_space<vmem>>
    %dma_start3A_43 = tpu.memref_squeeze %dma_start3A_42 : memref<1x80x16xf32, #tpu.memory_space<vmem>> -> memref<80x16xf32, #tpu.memory_space<vmem>>
    %dma_start3A_44 = arith.constant 160 : i32
    %dma_start3A_45 = tpu.memref_slice %arg5[%dma_start3A_44] : memref<10000xi32, #tpu.memory_space<vmem>> -> memref<80xi32, #tpu.memory_space<vmem>>
    %dma_start3A_46 = arith.constant 0 : i32
    %dma_start3A_47 = arith.constant 0 : i32
    %dma_start3A_48 = tpu.memref_slice %arg2[%dma_start3A_46, %dma_start3A_47] : memref<10240x16xf32, #tpu.memory_space<hbm>> -> memref<10240x16xf32, #tpu.memory_space<hbm>>
    %dma_start3A_49 = tpu.memref_slice %arg10[%dma_start3A_39] : memref<10x!tpu.dma_semaphore, #tpu.memory_space<semaphore_mem>> -> memref<1x!tpu.dma_semaphore, #tpu.memory_space<semaphore_mem>>
    %dma_start3A_50 = tpu.memref_squeeze %dma_start3A_49 : memref<1x!tpu.dma_semaphore, #tpu.memory_space<semaphore_mem>> -> memref<!tpu.dma_semaphore, #tpu.memory_space<semaphore_mem>>
    tpu.enqueue_indirect_dma source(%dma_start3A_48 : memref<10240x16xf32, #tpu.memory_space<hbm>>) target(%dma_start3A_43 : memref<80x16xf32, #tpu.memory_space<vmem>>) offsets(%dma_start3A_45 : memref<80xi32, #tpu.memory_space<vmem>>) semaphore(%dma_start3A_50 : memref<!tpu.dma_semaphore, #tpu.memory_space<semaphore_mem>>)
    %dma_start3A_51 = arith.constant 3 : i32
    %dma_start3A_52 = arith.constant 3 : i32
    %dma_start3A_53 = arith.constant 0 : i32
    %dma_start3A_54 = arith.constant 0 : i32
    %dma_start3A_55 = tpu.memref_slice %arg7[%dma_start3A_51, %dma_start3A_53, %dma_start3A_54] : memref<10x80x16xf32, #tpu.memory_space<vmem>> -> memref<1x80x16xf32, #tpu.memory_space<vmem>>
    %dma_start3A_56 = tpu.memref_squeeze %dma_start3A_55 : memref<1x80x16xf32, #tpu.memory_space<vmem>> -> memref<80x16xf32, #tpu.memory_space<vmem>>
    %dma_start3A_57 = arith.constant 240 : i32
    %dma_start3A_58 = tpu.memref_slice %arg5[%dma_start3A_57] : memref<10000xi32, #tpu.memory_space<vmem>> -> memref<80xi32, #tpu.memory_space<vmem>>
    %dma_start3A_59 = arith.constant 0 : i32
    %dma_start3A_60 = arith.constant 0 : i32
    %dma_start3A_61 = tpu.memref_slice %arg2[%dma_start3A_59, %dma_start3A_60] : memref<10240x16xf32, #tpu.memory_space<hbm>> -> memref<10240x16xf32, #tpu.memory_space<hbm>>
    %dma_start3A_62 = tpu.memref_slice %arg10[%dma_start3A_52] : memref<10x!tpu.dma_semaphore, #tpu.memory_space<semaphore_mem>> -> memref<1x!tpu.dma_semaphore, #tpu.memory_space<semaphore_mem>>
    %dma_start3A_63 = tpu.memref_squeeze %dma_start3A_62 : memref<1x!tpu.dma_semaphore, #tpu.memory_space<semaphore_mem>> -> memref<!tpu.dma_semaphore, #tpu.memory_space<semaphore_mem>>
    tpu.enqueue_indirect_dma source(%dma_start3A_61 : memref<10240x16xf32, #tpu.memory_space<hbm>>) target(%dma_start3A_56 : memref<80x16xf32, #tpu.memory_space<vmem>>) offsets(%dma_start3A_58 : memref<80xi32, #tpu.memory_space<vmem>>) semaphore(%dma_start3A_63 : memref<!tpu.dma_semaphore, #tpu.memory_space<semaphore_mem>>)
    %dma_start3A_64 = arith.constant 4 : i32
    %dma_start3A_65 = arith.constant 4 : i32
    %dma_start3A_66 = arith.constant 0 : i32
    %dma_start3A_67 = arith.constant 0 : i32
    %dma_start3A_68 = tpu.memref_slice %arg7[%dma_start3A_64, %dma_start3A_66, %dma_start3A_67] : memref<10x80x16xf32, #tpu.memory_space<vmem>> -> memref<1x80x16xf32, #tpu.memory_space<vmem>>
    %dma_start3A_69 = tpu.memref_squeeze %dma_start3A_68 : memref<1x80x16xf32, #tpu.memory_space<vmem>> -> memref<80x16xf32, #tpu.memory_space<vmem>>
    %dma_start3A_70 = arith.constant 320 : i32
    %dma_start3A_71 = tpu.memref_slice %arg5[%dma_start3A_70] : memref<10000xi32, #tpu.memory_space<vmem>> -> memref<80xi32, #tpu.memory_space<vmem>>
    %dma_start3A_72 = arith.constant 0 : i32
    %dma_start3A_73 = arith.constant 0 : i32
    %dma_start3A_74 = tpu.memref_slice %arg2[%dma_start3A_72, %dma_start3A_73] : memref<10240x16xf32, #tpu.memory_space<hbm>> -> memref<10240x16xf32, #tpu.memory_space<hbm>>
    %dma_start3A_75 = tpu.memref_slice %arg10[%dma_start3A_65] : memref<10x!tpu.dma_semaphore, #tpu.memory_space<semaphore_mem>> -> memref<1x!tpu.dma_semaphore, #tpu.memory_space<semaphore_mem>>
    %dma_start3A_76 = tpu.memref_squeeze %dma_start3A_75 : memref<1x!tpu.dma_semaphore, #tpu.memory_space<semaphore_mem>> -> memref<!tpu.dma_semaphore, #tpu.memory_space<semaphore_mem>>
    tpu.enqueue_indirect_dma source(%dma_start3A_74 : memref<10240x16xf32, #tpu.memory_space<hbm>>) target(%dma_start3A_69 : memref<80x16xf32, #tpu.memory_space<vmem>>) offsets(%dma_start3A_71 : memref<80xi32, #tpu.memory_space<vmem>>) semaphore(%dma_start3A_76 : memref<!tpu.dma_semaphore, #tpu.memory_space<semaphore_mem>>)
    %dma_start3A_77 = arith.constant 5 : i32
    %dma_start3A_78 = arith.constant 5 : i32
    %dma_start3A_79 = arith.constant 0 : i32
    %dma_start3A_80 = arith.constant 0 : i32
    %dma_start3A_81 = tpu.memref_slice %arg7[%dma_start3A_77, %dma_start3A_79, %dma_start3A_80] : memref<10x80x16xf32, #tpu.memory_space<vmem>> -> memref<1x80x16xf32, #tpu.memory_space<vmem>>
    %dma_start3A_82 = tpu.memref_squeeze %dma_start3A_81 : memref<1x80x16xf32, #tpu.memory_space<vmem>> -> memref<80x16xf32, #tpu.memory_space<vmem>>
    %dma_start3A_83 = arith.constant 400 : i32
    %dma_start3A_84 = tpu.memref_slice %arg5[%dma_start3A_83] : memref<10000xi32, #tpu.memory_space<vmem>> -> memref<80xi32, #tpu.memory_space<vmem>>
    %dma_start3A_85 = arith.constant 0 : i32
    %dma_start3A_86 = arith.constant 0 : i32
    %dma_start3A_87 = tpu.memref_slice %arg2[%dma_start3A_85, %dma_start3A_86] : memref<10240x16xf32, #tpu.memory_space<hbm>> -> memref<10240x16xf32, #tpu.memory_space<hbm>>
    %dma_start3A_88 = tpu.memref_slice %arg10[%dma_start3A_78] : memref<10x!tpu.dma_semaphore, #tpu.memory_space<semaphore_mem>> -> memref<1x!tpu.dma_semaphore, #tpu.memory_space<semaphore_mem>>
    %dma_start3A_89 = tpu.memref_squeeze %dma_start3A_88 : memref<1x!tpu.dma_semaphore, #tpu.memory_space<semaphore_mem>> -> memref<!tpu.dma_semaphore, #tpu.memory_space<semaphore_mem>>
    tpu.enqueue_indirect_dma source(%dma_start3A_87 : memref<10240x16xf32, #tpu.memory_space<hbm>>) target(%dma_start3A_82 : memref<80x16xf32, #tpu.memory_space<vmem>>) offsets(%dma_start3A_84 : memref<80xi32, #tpu.memory_space<vmem>>) semaphore(%dma_start3A_89 : memref<!tpu.dma_semaphore, #tpu.memory_space<semaphore_mem>>)
    %dma_start3A_90 = arith.constant 6 : i32
    %dma_start3A_91 = arith.constant 6 : i32
    %dma_start3A_92 = arith.constant 0 : i32
    %dma_start3A_93 = arith.constant 0 : i32
    %dma_start3A_94 = tpu.memref_slice %arg7[%dma_start3A_90, %dma_start3A_92, %dma_start3A_93] : memref<10x80x16xf32, #tpu.memory_space<vmem>> -> memref<1x80x16xf32, #tpu.memory_space<vmem>>
    %dma_start3A_95 = tpu.memref_squeeze %dma_start3A_94 : memref<1x80x16xf32, #tpu.memory_space<vmem>> -> memref<80x16xf32, #tpu.memory_space<vmem>>
    %dma_start3A_96 = arith.constant 480 : i32
    %dma_start3A_97 = tpu.memref_slice %arg5[%dma_start3A_96] : memref<10000xi32, #tpu.memory_space<vmem>> -> memref<80xi32, #tpu.memory_space<vmem>>
    %dma_start3A_98 = arith.constant 0 : i32
    %dma_start3A_99 = arith.constant 0 : i32
    %dma_start3A_100 = tpu.memref_slice %arg2[%dma_start3A_98, %dma_start3A_99] : memref<10240x16xf32, #tpu.memory_space<hbm>> -> memref<10240x16xf32, #tpu.memory_space<hbm>>
    %dma_start3A_101 = tpu.memref_slice %arg10[%dma_start3A_91] : memref<10x!tpu.dma_semaphore, #tpu.memory_space<semaphore_mem>> -> memref<1x!tpu.dma_semaphore, #tpu.memory_space<semaphore_mem>>
    %dma_start3A_102 = tpu.memref_squeeze %dma_start3A_101 : memref<1x!tpu.dma_semaphore, #tpu.memory_space<semaphore_mem>> -> memref<!tpu.dma_semaphore, #tpu.memory_space<semaphore_mem>>
    tpu.enqueue_indirect_dma source(%dma_start3A_100 : memref<10240x16xf32, #tpu.memory_space<hbm>>) target(%dma_start3A_95 : memref<80x16xf32, #tpu.memory_space<vmem>>) offsets(%dma_start3A_97 : memref<80xi32, #tpu.memory_space<vmem>>) semaphore(%dma_start3A_102 : memref<!tpu.dma_semaphore, #tpu.memory_space<semaphore_mem>>)
    %dma_start3A_103 = arith.constant 7 : i32
    %dma_start3A_104 = arith.constant 7 : i32
    %dma_start3A_105 = arith.constant 0 : i32
    %dma_start3A_106 = arith.constant 0 : i32
    %dma_start3A_107 = tpu.memref_slice %arg7[%dma_start3A_103, %dma_start3A_105, %dma_start3A_106] : memref<10x80x16xf32, #tpu.memory_space<vmem>> -> memref<1x80x16xf32, #tpu.memory_space<vmem>>
    %dma_start3A_108 = tpu.memref_squeeze %dma_start3A_107 : memref<1x80x16xf32, #tpu.memory_space<vmem>> -> memref<80x16xf32, #tpu.memory_space<vmem>>
    %dma_start3A_109 = arith.constant 560 : i32
    %dma_start3A_110 = tpu.memref_slice %arg5[%dma_start3A_109] : memref<10000xi32, #tpu.memory_space<vmem>> -> memref<80xi32, #tpu.memory_space<vmem>>
    %dma_start3A_111 = arith.constant 0 : i32
    %dma_start3A_112 = arith.constant 0 : i32
    %dma_start3A_113 = tpu.memref_slice %arg2[%dma_start3A_111, %dma_start3A_112] : memref<10240x16xf32, #tpu.memory_space<hbm>> -> memref<10240x16xf32, #tpu.memory_space<hbm>>
    %dma_start3A_114 = tpu.memref_slice %arg10[%dma_start3A_104] : memref<10x!tpu.dma_semaphore, #tpu.memory_space<semaphore_mem>> -> memref<1x!tpu.dma_semaphore, #tpu.memory_space<semaphore_mem>>
    %dma_start3A_115 = tpu.memref_squeeze %dma_start3A_114 : memref<1x!tpu.dma_semaphore, #tpu.memory_space<semaphore_mem>> -> memref<!tpu.dma_semaphore, #tpu.memory_space<semaphore_mem>>
    tpu.enqueue_indirect_dma source(%dma_start3A_113 : memref<10240x16xf32, #tpu.memory_space<hbm>>) target(%dma_start3A_108 : memref<80x16xf32, #tpu.memory_space<vmem>>) offsets(%dma_start3A_110 : memref<80xi32, #tpu.memory_space<vmem>>) semaphore(%dma_start3A_115 : memref<!tpu.dma_semaphore, #tpu.memory_space<semaphore_mem>>)
    %dma_start3A_116 = arith.constant 8 : i32
    %dma_start3A_117 = arith.constant 8 : i32
    %dma_start3A_118 = arith.constant 0 : i32
    %dma_start3A_119 = arith.constant 0 : i32
    %dma_start3A_120 = tpu.memref_slice %arg7[%dma_start3A_116, %dma_start3A_118, %dma_start3A_119] : memref<10x80x16xf32, #tpu.memory_space<vmem>> -> memref<1x80x16xf32, #tpu.memory_space<vmem>>
    %dma_start3A_121 = tpu.memref_squeeze %dma_start3A_120 : memref<1x80x16xf32, #tpu.memory_space<vmem>> -> memref<80x16xf32, #tpu.memory_space<vmem>>
    %dma_start3A_122 = arith.constant 640 : i32
    %dma_start3A_123 = tpu.memref_slice %arg5[%dma_start3A_122] : memref<10000xi32, #tpu.memory_space<vmem>> -> memref<80xi32, #tpu.memory_space<vmem>>
    %dma_start3A_124 = arith.constant 0 : i32
    %dma_start3A_125 = arith.constant 0 : i32
    %dma_start3A_126 = tpu.memref_slice %arg2[%dma_start3A_124, %dma_start3A_125] : memref<10240x16xf32, #tpu.memory_space<hbm>> -> memref<10240x16xf32, #tpu.memory_space<hbm>>
    %dma_start3A_127 = tpu.memref_slice %arg10[%dma_start3A_117] : memref<10x!tpu.dma_semaphore, #tpu.memory_space<semaphore_mem>> -> memref<1x!tpu.dma_semaphore, #tpu.memory_space<semaphore_mem>>
    %dma_start3A_128 = tpu.memref_squeeze %dma_start3A_127 : memref<1x!tpu.dma_semaphore, #tpu.memory_space<semaphore_mem>> -> memref<!tpu.dma_semaphore, #tpu.memory_space<semaphore_mem>>
    tpu.enqueue_indirect_dma source(%dma_start3A_126 : memref<10240x16xf32, #tpu.memory_space<hbm>>) target(%dma_start3A_121 : memref<80x16xf32, #tpu.memory_space<vmem>>) offsets(%dma_start3A_123 : memref<80xi32, #tpu.memory_space<vmem>>) semaphore(%dma_start3A_128 : memref<!tpu.dma_semaphore, #tpu.memory_space<semaphore_mem>>)
    %dma_start3A_129 = arith.constant 9 : i32
    %dma_start3A_130 = arith.constant 9 : i32
    %dma_start3A_131 = arith.constant 0 : i32
    %dma_start3A_132 = arith.constant 0 : i32
    %dma_start3A_133 = tpu.memref_slice %arg7[%dma_start3A_129, %dma_start3A_131, %dma_start3A_132] : memref<10x80x16xf32, #tpu.memory_space<vmem>> -> memref<1x80x16xf32, #tpu.memory_space<vmem>>
    %dma_start3A_134 = tpu.memref_squeeze %dma_start3A_133 : memref<1x80x16xf32, #tpu.memory_space<vmem>> -> memref<80x16xf32, #tpu.memory_space<vmem>>
    %dma_start3A_135 = arith.constant 720 : i32
    %dma_start3A_136 = tpu.memref_slice %arg5[%dma_start3A_135] : memref<10000xi32, #tpu.memory_space<vmem>> -> memref<80xi32, #tpu.memory_space<vmem>>
    %dma_start3A_137 = arith.constant 0 : i32
    %dma_start3A_138 = arith.constant 0 : i32
    %dma_start3A_139 = tpu.memref_slice %arg2[%dma_start3A_137, %dma_start3A_138] : memref<10240x16xf32, #tpu.memory_space<hbm>> -> memref<10240x16xf32, #tpu.memory_space<hbm>>
    %dma_start3A_140 = tpu.memref_slice %arg10[%dma_start3A_130] : memref<10x!tpu.dma_semaphore, #tpu.memory_space<semaphore_mem>> -> memref<1x!tpu.dma_semaphore, #tpu.memory_space<semaphore_mem>>
    %dma_start3A_141 = tpu.memref_squeeze %dma_start3A_140 : memref<1x!tpu.dma_semaphore, #tpu.memory_space<semaphore_mem>> -> memref<!tpu.dma_semaphore, #tpu.memory_space<semaphore_mem>>
    tpu.enqueue_indirect_dma source(%dma_start3A_139 : memref<10240x16xf32, #tpu.memory_space<hbm>>) target(%dma_start3A_134 : memref<80x16xf32, #tpu.memory_space<vmem>>) offsets(%dma_start3A_136 : memref<80xi32, #tpu.memory_space<vmem>>) semaphore(%dma_start3A_141 : memref<!tpu.dma_semaphore, #tpu.memory_space<semaphore_mem>>)
    %scan3A_142 = arith.constant 0 : i32
    %scan3A_143 = arith.constant 12 : i32
    %scan3A_144 = arith.addi %scan3A_142, %scan3A_143 : i32
    %scan3A_145 = arith.constant 1 : i32
    scf.for %scan3A_396 = %scan3A_142 to %scan3A_144 step %scan3A_145  : i32 {
      %mul3A_397 = arith.constant 1 : i32
      %mul3A_398 = arith.muli %scan3A_396, %mul3A_397 : i32
      %add3A_399 = arith.constant 0 : i32
      %add3A_400 = arith.addi %add3A_399, %mul3A_398 : i32
      %mul3A_401 = arith.constant 10 : i32
      %mul3A_402 = arith.muli %add3A_400, %mul3A_401 : i32
      %dma_wait3A_403 = arith.constant 0 : i32
      %dma_wait3A_404 = arith.constant 0 : i32
      %dma_wait3A_405 = arith.constant 0 : i32
      %dma_wait3A_406 = arith.constant 0 : i32
      %dma_wait3A_407 = tpu.memref_slice %arg7[%dma_wait3A_403, %dma_wait3A_405, %dma_wait3A_406] : memref<10x80x16xf32, #tpu.memory_space<vmem>> -> memref<1x80x16xf32, #tpu.memory_space<vmem>>
      %dma_wait3A_408 = tpu.memref_squeeze %dma_wait3A_407 : memref<1x80x16xf32, #tpu.memory_space<vmem>> -> memref<80x16xf32, #tpu.memory_space<vmem>>
      %dma_wait3A_409 = arith.constant 0 : i32
      %dma_wait3A_410 = arith.constant 0 : i32
      %dma_wait3A_411 = tpu.memref_slice %arg2[%dma_wait3A_409, %dma_wait3A_410] : memref<10240x16xf32, #tpu.memory_space<hbm>> -> memref<80x16xf32, #tpu.memory_space<hbm>>
      %dma_wait3A_412 = tpu.memref_slice %arg10[%dma_wait3A_404] : memref<10x!tpu.dma_semaphore, #tpu.memory_space<semaphore_mem>> -> memref<1x!tpu.dma_semaphore, #tpu.memory_space<semaphore_mem>>
      %dma_wait3A_413 = tpu.memref_squeeze %dma_wait3A_412 : memref<1x!tpu.dma_semaphore, #tpu.memory_space<semaphore_mem>> -> memref<!tpu.dma_semaphore, #tpu.memory_space<semaphore_mem>>
      %dma_wait3A_414 = arith.constant 0 : i32
      %dma_wait3A_415 = arith.constant 0 : i32
      %dma_wait3A_416 = tpu.memref_slice %arg7[%dma_wait3A_403, %dma_wait3A_414, %dma_wait3A_415] : memref<10x80x16xf32, #tpu.memory_space<vmem>> -> memref<1x80x16xf32, #tpu.memory_space<vmem>>
      %dma_wait3A_417 = tpu.memref_squeeze %dma_wait3A_416 : memref<1x80x16xf32, #tpu.memory_space<vmem>> -> memref<80x16xf32, #tpu.memory_space<vmem>>
      %dma_wait3A_418 = arith.constant 0 : i32
      %dma_wait3A_419 = arith.constant 0 : i32
      %dma_wait3A_420 = tpu.memref_slice %arg2[%dma_wait3A_418, %dma_wait3A_419] : memref<10240x16xf32, #tpu.memory_space<hbm>> -> memref<80x16xf32, #tpu.memory_space<hbm>>
      tpu.wait_dma2 semaphore(%dma_wait3A_413 : memref<!tpu.dma_semaphore, #tpu.memory_space<semaphore_mem>>) src(%dma_wait3A_420 : memref<80x16xf32, #tpu.memory_space<hbm>>) dst(%dma_wait3A_417 : memref<80x16xf32, #tpu.memory_space<vmem>>)
      %add3A_421 = arith.constant 0 : i32
      %add3A_422 = arith.addi %mul3A_402, %add3A_421 : i32
      %mul3A_423 = arith.constant 80 : i32
      %mul3A_424 = arith.muli %add3A_422, %mul3A_423 : i32
      %dma_start3A_425 = arith.constant 0 : i32
      %dma_start3A_426 = arith.constant 0 : i32
      %dma_start3A_427 = arith.constant 0 : i32
      %dma_start3A_428 = arith.constant 0 : i32
      %dma_start3A_429 = tpu.memref_slice %arg7[%dma_start3A_425, %dma_start3A_427, %dma_start3A_428] : memref<10x80x16xf32, #tpu.memory_space<vmem>> -> memref<1x80x16xf32, #tpu.memory_space<vmem>>
      %dma_start3A_430 = tpu.memref_squeeze %dma_start3A_429 : memref<1x80x16xf32, #tpu.memory_space<vmem>> -> memref<80x16xf32, #tpu.memory_space<vmem>>
      %dma_start3A_431 = tpu.memref_slice %arg6[%mul3A_424] : memref<10000xi32, #tpu.memory_space<vmem>> -> memref<80xi32, #tpu.memory_space<vmem>>
      %dma_start3A_432 = arith.constant 0 : i32
      %dma_start3A_433 = arith.constant 0 : i32
      %dma_start3A_434 = tpu.memref_slice %arg9[%dma_start3A_432, %dma_start3A_433] : memref<10240x16xf32, #tpu.memory_space<vmem_shared>> -> memref<10240x16xf32, #tpu.memory_space<vmem_shared>>
      %dma_start3A_435 = tpu.memref_slice %arg11[%dma_start3A_426] : memref<10x!tpu.dma_semaphore, #tpu.memory_space<semaphore_mem>> -> memref<1x!tpu.dma_semaphore, #tpu.memory_space<semaphore_mem>>
      %dma_start3A_436 = tpu.memref_squeeze %dma_start3A_435 : memref<1x!tpu.dma_semaphore, #tpu.memory_space<semaphore_mem>> -> memref<!tpu.dma_semaphore, #tpu.memory_space<semaphore_mem>>
      tpu.enqueue_indirect_dma source(%dma_start3A_430 : memref<80x16xf32, #tpu.memory_space<vmem>>) target(%dma_start3A_434 : memref<10240x16xf32, #tpu.memory_space<vmem_shared>>) offsets(%dma_start3A_431 : memref<80xi32, #tpu.memory_space<vmem>>) semaphore(%dma_start3A_436 : memref<!tpu.dma_semaphore, #tpu.memory_space<semaphore_mem>>) {add = true}
      %dma_wait3A_437 = arith.constant 1 : i32
      %dma_wait3A_438 = arith.constant 1 : i32
      %dma_wait3A_439 = arith.constant 0 : i32
      %dma_wait3A_440 = arith.constant 0 : i32
      %dma_wait3A_441 = tpu.memref_slice %arg7[%dma_wait3A_437, %dma_wait3A_439, %dma_wait3A_440] : memref<10x80x16xf32, #tpu.memory_space<vmem>> -> memref<1x80x16xf32, #tpu.memory_space<vmem>>
      %dma_wait3A_442 = tpu.memref_squeeze %dma_wait3A_441 : memref<1x80x16xf32, #tpu.memory_space<vmem>> -> memref<80x16xf32, #tpu.memory_space<vmem>>
      %dma_wait3A_443 = arith.constant 0 : i32
      %dma_wait3A_444 = arith.constant 0 : i32
      %dma_wait3A_445 = tpu.memref_slice %arg2[%dma_wait3A_443, %dma_wait3A_444] : memref<10240x16xf32, #tpu.memory_space<hbm>> -> memref<80x16xf32, #tpu.memory_space<hbm>>
      %dma_wait3A_446 = tpu.memref_slice %arg10[%dma_wait3A_438] : memref<10x!tpu.dma_semaphore, #tpu.memory_space<semaphore_mem>> -> memref<1x!tpu.dma_semaphore, #tpu.memory_space<semaphore_mem>>
      %dma_wait3A_447 = tpu.memref_squeeze %dma_wait3A_446 : memref<1x!tpu.dma_semaphore, #tpu.memory_space<semaphore_mem>> -> memref<!tpu.dma_semaphore, #tpu.memory_space<semaphore_mem>>
      %dma_wait3A_448 = arith.constant 0 : i32
      %dma_wait3A_449 = arith.constant 0 : i32
      %dma_wait3A_450 = tpu.memref_slice %arg7[%dma_wait3A_437, %dma_wait3A_448, %dma_wait3A_449] : memref<10x80x16xf32, #tpu.memory_space<vmem>> -> memref<1x80x16xf32, #tpu.memory_space<vmem>>
      %dma_wait3A_451 = tpu.memref_squeeze %dma_wait3A_450 : memref<1x80x16xf32, #tpu.memory_space<vmem>> -> memref<80x16xf32, #tpu.memory_space<vmem>>
      %dma_wait3A_452 = arith.constant 0 : i32
      %dma_wait3A_453 = arith.constant 0 : i32
      %dma_wait3A_454 = tpu.memref_slice %arg2[%dma_wait3A_452, %dma_wait3A_453] : memref<10240x16xf32, #tpu.memory_space<hbm>> -> memref<80x16xf32, #tpu.memory_space<hbm>>
      tpu.wait_dma2 semaphore(%dma_wait3A_447 : memref<!tpu.dma_semaphore, #tpu.memory_space<semaphore_mem>>) src(%dma_wait3A_454 : memref<80x16xf32, #tpu.memory_space<hbm>>) dst(%dma_wait3A_451 : memref<80x16xf32, #tpu.memory_space<vmem>>)
      %add3A_455 = arith.constant 1 : i32
      %add3A_456 = arith.addi %mul3A_402, %add3A_455 : i32
      %mul3A_457 = arith.constant 80 : i32
      %mul3A_458 = arith.muli %add3A_456, %mul3A_457 : i32
      %dma_start3A_459 = arith.constant 1 : i32
      %dma_start3A_460 = arith.constant 1 : i32
      %dma_start3A_461 = arith.constant 0 : i32
      %dma_start3A_462 = arith.constant 0 : i32
      %dma_start3A_463 = tpu.memref_slice %arg7[%dma_start3A_459, %dma_start3A_461, %dma_start3A_462] : memref<10x80x16xf32, #tpu.memory_space<vmem>> -> memref<1x80x16xf32, #tpu.memory_space<vmem>>
      %dma_start3A_464 = tpu.memref_squeeze %dma_start3A_463 : memref<1x80x16xf32, #tpu.memory_space<vmem>> -> memref<80x16xf32, #tpu.memory_space<vmem>>
      %dma_start3A_465 = tpu.memref_slice %arg6[%mul3A_458] : memref<10000xi32, #tpu.memory_space<vmem>> -> memref<80xi32, #tpu.memory_space<vmem>>
      %dma_start3A_466 = arith.constant 0 : i32
      %dma_start3A_467 = arith.constant 0 : i32
      %dma_start3A_468 = tpu.memref_slice %arg9[%dma_start3A_466, %dma_start3A_467] : memref<10240x16xf32, #tpu.memory_space<vmem_shared>> -> memref<10240x16xf32, #tpu.memory_space<vmem_shared>>
      %dma_start3A_469 = tpu.memref_slice %arg11[%dma_start3A_460] : memref<10x!tpu.dma_semaphore, #tpu.memory_space<semaphore_mem>> -> memref<1x!tpu.dma_semaphore, #tpu.memory_space<semaphore_mem>>
      %dma_start3A_470 = tpu.memref_squeeze %dma_start3A_469 : memref<1x!tpu.dma_semaphore, #tpu.memory_space<semaphore_mem>> -> memref<!tpu.dma_semaphore, #tpu.memory_space<semaphore_mem>>
      tpu.enqueue_indirect_dma source(%dma_start3A_464 : memref<80x16xf32, #tpu.memory_space<vmem>>) target(%dma_start3A_468 : memref<10240x16xf32, #tpu.memory_space<vmem_shared>>) offsets(%dma_start3A_465 : memref<80xi32, #tpu.memory_space<vmem>>) semaphore(%dma_start3A_470 : memref<!tpu.dma_semaphore, #tpu.memory_space<semaphore_mem>>) {add = true}
      %dma_wait3A_471 = arith.constant 2 : i32
      %dma_wait3A_472 = arith.constant 2 : i32
      %dma_wait3A_473 = arith.constant 0 : i32
      %dma_wait3A_474 = arith.constant 0 : i32
      %dma_wait3A_475 = tpu.memref_slice %arg7[%dma_wait3A_471, %dma_wait3A_473, %dma_wait3A_474] : memref<10x80x16xf32, #tpu.memory_space<vmem>> -> memref<1x80x16xf32, #tpu.memory_space<vmem>>
      %dma_wait3A_476 = tpu.memref_squeeze %dma_wait3A_475 : memref<1x80x16xf32, #tpu.memory_space<vmem>> -> memref<80x16xf32, #tpu.memory_space<vmem>>
      %dma_wait3A_477 = arith.constant 0 : i32
      %dma_wait3A_478 = arith.constant 0 : i32
      %dma_wait3A_479 = tpu.memref_slice %arg2[%dma_wait3A_477, %dma_wait3A_478] : memref<10240x16xf32, #tpu.memory_space<hbm>> -> memref<80x16xf32, #tpu.memory_space<hbm>>
      %dma_wait3A_480 = tpu.memref_slice %arg10[%dma_wait3A_472] : memref<10x!tpu.dma_semaphore, #tpu.memory_space<semaphore_mem>> -> memref<1x!tpu.dma_semaphore, #tpu.memory_space<semaphore_mem>>
      %dma_wait3A_481 = tpu.memref_squeeze %dma_wait3A_480 : memref<1x!tpu.dma_semaphore, #tpu.memory_space<semaphore_mem>> -> memref<!tpu.dma_semaphore, #tpu.memory_space<semaphore_mem>>
      %dma_wait3A_482 = arith.constant 0 : i32
      %dma_wait3A_483 = arith.constant 0 : i32
      %dma_wait3A_484 = tpu.memref_slice %arg7[%dma_wait3A_471, %dma_wait3A_482, %dma_wait3A_483] : memref<10x80x16xf32, #tpu.memory_space<vmem>> -> memref<1x80x16xf32, #tpu.memory_space<vmem>>
      %dma_wait3A_485 = tpu.memref_squeeze %dma_wait3A_484 : memref<1x80x16xf32, #tpu.memory_space<vmem>> -> memref<80x16xf32, #tpu.memory_space<vmem>>
      %dma_wait3A_486 = arith.constant 0 : i32
      %dma_wait3A_487 = arith.constant 0 : i32
      %dma_wait3A_488 = tpu.memref_slice %arg2[%dma_wait3A_486, %dma_wait3A_487] : memref<10240x16xf32, #tpu.memory_space<hbm>> -> memref<80x16xf32, #tpu.memory_space<hbm>>
      tpu.wait_dma2 semaphore(%dma_wait3A_481 : memref<!tpu.dma_semaphore, #tpu.memory_space<semaphore_mem>>) src(%dma_wait3A_488 : memref<80x16xf32, #tpu.memory_space<hbm>>) dst(%dma_wait3A_485 : memref<80x16xf32, #tpu.memory_space<vmem>>)
      %add3A_489 = arith.constant 2 : i32
      %add3A_490 = arith.addi %mul3A_402, %add3A_489 : i32
      %mul3A_491 = arith.constant 80 : i32
      %mul3A_492 = arith.muli %add3A_490, %mul3A_491 : i32
      %dma_start3A_493 = arith.constant 2 : i32
      %dma_start3A_494 = arith.constant 2 : i32
      %dma_start3A_495 = arith.constant 0 : i32
      %dma_start3A_496 = arith.constant 0 : i32
      %dma_start3A_497 = tpu.memref_slice %arg7[%dma_start3A_493, %dma_start3A_495, %dma_start3A_496] : memref<10x80x16xf32, #tpu.memory_space<vmem>> -> memref<1x80x16xf32, #tpu.memory_space<vmem>>
      %dma_start3A_498 = tpu.memref_squeeze %dma_start3A_497 : memref<1x80x16xf32, #tpu.memory_space<vmem>> -> memref<80x16xf32, #tpu.memory_space<vmem>>
      %dma_start3A_499 = tpu.memref_slice %arg6[%mul3A_492] : memref<10000xi32, #tpu.memory_space<vmem>> -> memref<80xi32, #tpu.memory_space<vmem>>
      %dma_start3A_500 = arith.constant 0 : i32
      %dma_start3A_501 = arith.constant 0 : i32
      %dma_start3A_502 = tpu.memref_slice %arg9[%dma_start3A_500, %dma_start3A_501] : memref<10240x16xf32, #tpu.memory_space<vmem_shared>> -> memref<10240x16xf32, #tpu.memory_space<vmem_shared>>
      %dma_start3A_503 = tpu.memref_slice %arg11[%dma_start3A_494] : memref<10x!tpu.dma_semaphore, #tpu.memory_space<semaphore_mem>> -> memref<1x!tpu.dma_semaphore, #tpu.memory_space<semaphore_mem>>
      %dma_start3A_504 = tpu.memref_squeeze %dma_start3A_503 : memref<1x!tpu.dma_semaphore, #tpu.memory_space<semaphore_mem>> -> memref<!tpu.dma_semaphore, #tpu.memory_space<semaphore_mem>>
      tpu.enqueue_indirect_dma source(%dma_start3A_498 : memref<80x16xf32, #tpu.memory_space<vmem>>) target(%dma_start3A_502 : memref<10240x16xf32, #tpu.memory_space<vmem_shared>>) offsets(%dma_start3A_499 : memref<80xi32, #tpu.memory_space<vmem>>) semaphore(%dma_start3A_504 : memref<!tpu.dma_semaphore, #tpu.memory_space<semaphore_mem>>) {add = true}
      %dma_wait3A_505 = arith.constant 3 : i32
      %dma_wait3A_506 = arith.constant 3 : i32
      %dma_wait3A_507 = arith.constant 0 : i32
      %dma_wait3A_508 = arith.constant 0 : i32
      %dma_wait3A_509 = tpu.memref_slice %arg7[%dma_wait3A_505, %dma_wait3A_507, %dma_wait3A_508] : memref<10x80x16xf32, #tpu.memory_space<vmem>> -> memref<1x80x16xf32, #tpu.memory_space<vmem>>
      %dma_wait3A_510 = tpu.memref_squeeze %dma_wait3A_509 : memref<1x80x16xf32, #tpu.memory_space<vmem>> -> memref<80x16xf32, #tpu.memory_space<vmem>>
      %dma_wait3A_511 = arith.constant 0 : i32
      %dma_wait3A_512 = arith.constant 0 : i32
      %dma_wait3A_513 = tpu.memref_slice %arg2[%dma_wait3A_511, %dma_wait3A_512] : memref<10240x16xf32, #tpu.memory_space<hbm>> -> memref<80x16xf32, #tpu.memory_space<hbm>>
      %dma_wait3A_514 = tpu.memref_slice %arg10[%dma_wait3A_506] : memref<10x!tpu.dma_semaphore, #tpu.memory_space<semaphore_mem>> -> memref<1x!tpu.dma_semaphore, #tpu.memory_space<semaphore_mem>>
      %dma_wait3A_515 = tpu.memref_squeeze %dma_wait3A_514 : memref<1x!tpu.dma_semaphore, #tpu.memory_space<semaphore_mem>> -> memref<!tpu.dma_semaphore, #tpu.memory_space<semaphore_mem>>
      %dma_wait3A_516 = arith.constant 0 : i32
      %dma_wait3A_517 = arith.constant 0 : i32
      %dma_wait3A_518 = tpu.memref_slice %arg7[%dma_wait3A_505, %dma_wait3A_516, %dma_wait3A_517] : memref<10x80x16xf32, #tpu.memory_space<vmem>> -> memref<1x80x16xf32, #tpu.memory_space<vmem>>
      %dma_wait3A_519 = tpu.memref_squeeze %dma_wait3A_518 : memref<1x80x16xf32, #tpu.memory_space<vmem>> -> memref<80x16xf32, #tpu.memory_space<vmem>>
      %dma_wait3A_520 = arith.constant 0 : i32
      %dma_wait3A_521 = arith.constant 0 : i32
      %dma_wait3A_522 = tpu.memref_slice %arg2[%dma_wait3A_520, %dma_wait3A_521] : memref<10240x16xf32, #tpu.memory_space<hbm>> -> memref<80x16xf32, #tpu.memory_space<hbm>>
      tpu.wait_dma2 semaphore(%dma_wait3A_515 : memref<!tpu.dma_semaphore, #tpu.memory_space<semaphore_mem>>) src(%dma_wait3A_522 : memref<80x16xf32, #tpu.memory_space<hbm>>) dst(%dma_wait3A_519 : memref<80x16xf32, #tpu.memory_space<vmem>>)
      %add3A_523 = arith.constant 3 : i32
      %add3A_524 = arith.addi %mul3A_402, %add3A_523 : i32
      %mul3A_525 = arith.constant 80 : i32
      %mul3A_526 = arith.muli %add3A_524, %mul3A_525 : i32
      %dma_start3A_527 = arith.constant 3 : i32
      %dma_start3A_528 = arith.constant 3 : i32
      %dma_start3A_529 = arith.constant 0 : i32
      %dma_start3A_530 = arith.constant 0 : i32
      %dma_start3A_531 = tpu.memref_slice %arg7[%dma_start3A_527, %dma_start3A_529, %dma_start3A_530] : memref<10x80x16xf32, #tpu.memory_space<vmem>> -> memref<1x80x16xf32, #tpu.memory_space<vmem>>
      %dma_start3A_532 = tpu.memref_squeeze %dma_start3A_531 : memref<1x80x16xf32, #tpu.memory_space<vmem>> -> memref<80x16xf32, #tpu.memory_space<vmem>>
      %dma_start3A_533 = tpu.memref_slice %arg6[%mul3A_526] : memref<10000xi32, #tpu.memory_space<vmem>> -> memref<80xi32, #tpu.memory_space<vmem>>
      %dma_start3A_534 = arith.constant 0 : i32
      %dma_start3A_535 = arith.constant 0 : i32
      %dma_start3A_536 = tpu.memref_slice %arg9[%dma_start3A_534, %dma_start3A_535] : memref<10240x16xf32, #tpu.memory_space<vmem_shared>> -> memref<10240x16xf32, #tpu.memory_space<vmem_shared>>
      %dma_start3A_537 = tpu.memref_slice %arg11[%dma_start3A_528] : memref<10x!tpu.dma_semaphore, #tpu.memory_space<semaphore_mem>> -> memref<1x!tpu.dma_semaphore, #tpu.memory_space<semaphore_mem>>
      %dma_start3A_538 = tpu.memref_squeeze %dma_start3A_537 : memref<1x!tpu.dma_semaphore, #tpu.memory_space<semaphore_mem>> -> memref<!tpu.dma_semaphore, #tpu.memory_space<semaphore_mem>>
      tpu.enqueue_indirect_dma source(%dma_start3A_532 : memref<80x16xf32, #tpu.memory_space<vmem>>) target(%dma_start3A_536 : memref<10240x16xf32, #tpu.memory_space<vmem_shared>>) offsets(%dma_start3A_533 : memref<80xi32, #tpu.memory_space<vmem>>) semaphore(%dma_start3A_538 : memref<!tpu.dma_semaphore, #tpu.memory_space<semaphore_mem>>) {add = true}
      %dma_wait3A_539 = arith.constant 4 : i32
      %dma_wait3A_540 = arith.constant 4 : i32
      %dma_wait3A_541 = arith.constant 0 : i32
      %dma_wait3A_542 = arith.constant 0 : i32
      %dma_wait3A_543 = tpu.memref_slice %arg7[%dma_wait3A_539, %dma_wait3A_541, %dma_wait3A_542] : memref<10x80x16xf32, #tpu.memory_space<vmem>> -> memref<1x80x16xf32, #tpu.memory_space<vmem>>
      %dma_wait3A_544 = tpu.memref_squeeze %dma_wait3A_543 : memref<1x80x16xf32, #tpu.memory_space<vmem>> -> memref<80x16xf32, #tpu.memory_space<vmem>>
      %dma_wait3A_545 = arith.constant 0 : i32
      %dma_wait3A_546 = arith.constant 0 : i32
      %dma_wait3A_547 = tpu.memref_slice %arg2[%dma_wait3A_545, %dma_wait3A_546] : memref<10240x16xf32, #tpu.memory_space<hbm>> -> memref<80x16xf32, #tpu.memory_space<hbm>>
      %dma_wait3A_548 = tpu.memref_slice %arg10[%dma_wait3A_540] : memref<10x!tpu.dma_semaphore, #tpu.memory_space<semaphore_mem>> -> memref<1x!tpu.dma_semaphore, #tpu.memory_space<semaphore_mem>>
      %dma_wait3A_549 = tpu.memref_squeeze %dma_wait3A_548 : memref<1x!tpu.dma_semaphore, #tpu.memory_space<semaphore_mem>> -> memref<!tpu.dma_semaphore, #tpu.memory_space<semaphore_mem>>
      %dma_wait3A_550 = arith.constant 0 : i32
      %dma_wait3A_551 = arith.constant 0 : i32
      %dma_wait3A_552 = tpu.memref_slice %arg7[%dma_wait3A_539, %dma_wait3A_550, %dma_wait3A_551] : memref<10x80x16xf32, #tpu.memory_space<vmem>> -> memref<1x80x16xf32, #tpu.memory_space<vmem>>
      %dma_wait3A_553 = tpu.memref_squeeze %dma_wait3A_552 : memref<1x80x16xf32, #tpu.memory_space<vmem>> -> memref<80x16xf32, #tpu.memory_space<vmem>>
      %dma_wait3A_554 = arith.constant 0 : i32
      %dma_wait3A_555 = arith.constant 0 : i32
      %dma_wait3A_556 = tpu.memref_slice %arg2[%dma_wait3A_554, %dma_wait3A_555] : memref<10240x16xf32, #tpu.memory_space<hbm>> -> memref<80x16xf32, #tpu.memory_space<hbm>>
      tpu.wait_dma2 semaphore(%dma_wait3A_549 : memref<!tpu.dma_semaphore, #tpu.memory_space<semaphore_mem>>) src(%dma_wait3A_556 : memref<80x16xf32, #tpu.memory_space<hbm>>) dst(%dma_wait3A_553 : memref<80x16xf32, #tpu.memory_space<vmem>>)
      %add3A_557 = arith.constant 4 : i32
      %add3A_558 = arith.addi %mul3A_402, %add3A_557 : i32
      %mul3A_559 = arith.constant 80 : i32
      %mul3A_560 = arith.muli %add3A_558, %mul3A_559 : i32
      %dma_start3A_561 = arith.constant 4 : i32
      %dma_start3A_562 = arith.constant 4 : i32
      %dma_start3A_563 = arith.constant 0 : i32
      %dma_start3A_564 = arith.constant 0 : i32
      %dma_start3A_565 = tpu.memref_slice %arg7[%dma_start3A_561, %dma_start3A_563, %dma_start3A_564] : memref<10x80x16xf32, #tpu.memory_space<vmem>> -> memref<1x80x16xf32, #tpu.memory_space<vmem>>
      %dma_start3A_566 = tpu.memref_squeeze %dma_start3A_565 : memref<1x80x16xf32, #tpu.memory_space<vmem>> -> memref<80x16xf32, #tpu.memory_space<vmem>>
      %dma_start3A_567 = tpu.memref_slice %arg6[%mul3A_560] : memref<10000xi32, #tpu.memory_space<vmem>> -> memref<80xi32, #tpu.memory_space<vmem>>
      %dma_start3A_568 = arith.constant 0 : i32
      %dma_start3A_569 = arith.constant 0 : i32
      %dma_start3A_570 = tpu.memref_slice %arg9[%dma_start3A_568, %dma_start3A_569] : memref<10240x16xf32, #tpu.memory_space<vmem_shared>> -> memref<10240x16xf32, #tpu.memory_space<vmem_shared>>
      %dma_start3A_571 = tpu.memref_slice %arg11[%dma_start3A_562] : memref<10x!tpu.dma_semaphore, #tpu.memory_space<semaphore_mem>> -> memref<1x!tpu.dma_semaphore, #tpu.memory_space<semaphore_mem>>
      %dma_start3A_572 = tpu.memref_squeeze %dma_start3A_571 : memref<1x!tpu.dma_semaphore, #tpu.memory_space<semaphore_mem>> -> memref<!tpu.dma_semaphore, #tpu.memory_space<semaphore_mem>>
      tpu.enqueue_indirect_dma source(%dma_start3A_566 : memref<80x16xf32, #tpu.memory_space<vmem>>) target(%dma_start3A_570 : memref<10240x16xf32, #tpu.memory_space<vmem_shared>>) offsets(%dma_start3A_567 : memref<80xi32, #tpu.memory_space<vmem>>) semaphore(%dma_start3A_572 : memref<!tpu.dma_semaphore, #tpu.memory_space<semaphore_mem>>) {add = true}
      %dma_wait3A_573 = arith.constant 5 : i32
      %dma_wait3A_574 = arith.constant 5 : i32
      %dma_wait3A_575 = arith.constant 0 : i32
      %dma_wait3A_576 = arith.constant 0 : i32
      %dma_wait3A_577 = tpu.memref_slice %arg7[%dma_wait3A_573, %dma_wait3A_575, %dma_wait3A_576] : memref<10x80x16xf32, #tpu.memory_space<vmem>> -> memref<1x80x16xf32, #tpu.memory_space<vmem>>
      %dma_wait3A_578 = tpu.memref_squeeze %dma_wait3A_577 : memref<1x80x16xf32, #tpu.memory_space<vmem>> -> memref<80x16xf32, #tpu.memory_space<vmem>>
      %dma_wait3A_579 = arith.constant 0 : i32
      %dma_wait3A_580 = arith.constant 0 : i32
      %dma_wait3A_581 = tpu.memref_slice %arg2[%dma_wait3A_579, %dma_wait3A_580] : memref<10240x16xf32, #tpu.memory_space<hbm>> -> memref<80x16xf32, #tpu.memory_space<hbm>>
      %dma_wait3A_582 = tpu.memref_slice %arg10[%dma_wait3A_574] : memref<10x!tpu.dma_semaphore, #tpu.memory_space<semaphore_mem>> -> memref<1x!tpu.dma_semaphore, #tpu.memory_space<semaphore_mem>>
      %dma_wait3A_583 = tpu.memref_squeeze %dma_wait3A_582 : memref<1x!tpu.dma_semaphore, #tpu.memory_space<semaphore_mem>> -> memref<!tpu.dma_semaphore, #tpu.memory_space<semaphore_mem>>
      %dma_wait3A_584 = arith.constant 0 : i32
      %dma_wait3A_585 = arith.constant 0 : i32
      %dma_wait3A_586 = tpu.memref_slice %arg7[%dma_wait3A_573, %dma_wait3A_584, %dma_wait3A_585] : memref<10x80x16xf32, #tpu.memory_space<vmem>> -> memref<1x80x16xf32, #tpu.memory_space<vmem>>
      %dma_wait3A_587 = tpu.memref_squeeze %dma_wait3A_586 : memref<1x80x16xf32, #tpu.memory_space<vmem>> -> memref<80x16xf32, #tpu.memory_space<vmem>>
      %dma_wait3A_588 = arith.constant 0 : i32
      %dma_wait3A_589 = arith.constant 0 : i32
      %dma_wait3A_590 = tpu.memref_slice %arg2[%dma_wait3A_588, %dma_wait3A_589] : memref<10240x16xf32, #tpu.memory_space<hbm>> -> memref<80x16xf32, #tpu.memory_space<hbm>>
      tpu.wait_dma2 semaphore(%dma_wait3A_583 : memref<!tpu.dma_semaphore, #tpu.memory_space<semaphore_mem>>) src(%dma_wait3A_590 : memref<80x16xf32, #tpu.memory_space<hbm>>) dst(%dma_wait3A_587 : memref<80x16xf32, #tpu.memory_space<vmem>>)
      %add3A_591 = arith.constant 5 : i32
      %add3A_592 = arith.addi %mul3A_402, %add3A_591 : i32
      %mul3A_593 = arith.constant 80 : i32
      %mul3A_594 = arith.muli %add3A_592, %mul3A_593 : i32
      %dma_start3A_595 = arith.constant 5 : i32
      %dma_start3A_596 = arith.constant 5 : i32
      %dma_start3A_597 = arith.constant 0 : i32
      %dma_start3A_598 = arith.constant 0 : i32
      %dma_start3A_599 = tpu.memref_slice %arg7[%dma_start3A_595, %dma_start3A_597, %dma_start3A_598] : memref<10x80x16xf32, #tpu.memory_space<vmem>> -> memref<1x80x16xf32, #tpu.memory_space<vmem>>
      %dma_start3A_600 = tpu.memref_squeeze %dma_start3A_599 : memref<1x80x16xf32, #tpu.memory_space<vmem>> -> memref<80x16xf32, #tpu.memory_space<vmem>>
      %dma_start3A_601 = tpu.memref_slice %arg6[%mul3A_594] : memref<10000xi32, #tpu.memory_space<vmem>> -> memref<80xi32, #tpu.memory_space<vmem>>
      %dma_start3A_602 = arith.constant 0 : i32
      %dma_start3A_603 = arith.constant 0 : i32
      %dma_start3A_604 = tpu.memref_slice %arg9[%dma_start3A_602, %dma_start3A_603] : memref<10240x16xf32, #tpu.memory_space<vmem_shared>> -> memref<10240x16xf32, #tpu.memory_space<vmem_shared>>
      %dma_start3A_605 = tpu.memref_slice %arg11[%dma_start3A_596] : memref<10x!tpu.dma_semaphore, #tpu.memory_space<semaphore_mem>> -> memref<1x!tpu.dma_semaphore, #tpu.memory_space<semaphore_mem>>
      %dma_start3A_606 = tpu.memref_squeeze %dma_start3A_605 : memref<1x!tpu.dma_semaphore, #tpu.memory_space<semaphore_mem>> -> memref<!tpu.dma_semaphore, #tpu.memory_space<semaphore_mem>>
      tpu.enqueue_indirect_dma source(%dma_start3A_600 : memref<80x16xf32, #tpu.memory_space<vmem>>) target(%dma_start3A_604 : memref<10240x16xf32, #tpu.memory_space<vmem_shared>>) offsets(%dma_start3A_601 : memref<80xi32, #tpu.memory_space<vmem>>) semaphore(%dma_start3A_606 : memref<!tpu.dma_semaphore, #tpu.memory_space<semaphore_mem>>) {add = true}
      %dma_wait3A_607 = arith.constant 6 : i32
      %dma_wait3A_608 = arith.constant 6 : i32
      %dma_wait3A_609 = arith.constant 0 : i32
      %dma_wait3A_610 = arith.constant 0 : i32
      %dma_wait3A_611 = tpu.memref_slice %arg7[%dma_wait3A_607, %dma_wait3A_609, %dma_wait3A_610] : memref<10x80x16xf32, #tpu.memory_space<vmem>> -> memref<1x80x16xf32, #tpu.memory_space<vmem>>
      %dma_wait3A_612 = tpu.memref_squeeze %dma_wait3A_611 : memref<1x80x16xf32, #tpu.memory_space<vmem>> -> memref<80x16xf32, #tpu.memory_space<vmem>>
      %dma_wait3A_613 = arith.constant 0 : i32
      %dma_wait3A_614 = arith.constant 0 : i32
      %dma_wait3A_615 = tpu.memref_slice %arg2[%dma_wait3A_613, %dma_wait3A_614] : memref<10240x16xf32, #tpu.memory_space<hbm>> -> memref<80x16xf32, #tpu.memory_space<hbm>>
      %dma_wait3A_616 = tpu.memref_slice %arg10[%dma_wait3A_608] : memref<10x!tpu.dma_semaphore, #tpu.memory_space<semaphore_mem>> -> memref<1x!tpu.dma_semaphore, #tpu.memory_space<semaphore_mem>>
      %dma_wait3A_617 = tpu.memref_squeeze %dma_wait3A_616 : memref<1x!tpu.dma_semaphore, #tpu.memory_space<semaphore_mem>> -> memref<!tpu.dma_semaphore, #tpu.memory_space<semaphore_mem>>
      %dma_wait3A_618 = arith.constant 0 : i32
      %dma_wait3A_619 = arith.constant 0 : i32
      %dma_wait3A_620 = tpu.memref_slice %arg7[%dma_wait3A_607, %dma_wait3A_618, %dma_wait3A_619] : memref<10x80x16xf32, #tpu.memory_space<vmem>> -> memref<1x80x16xf32, #tpu.memory_space<vmem>>
      %dma_wait3A_621 = tpu.memref_squeeze %dma_wait3A_620 : memref<1x80x16xf32, #tpu.memory_space<vmem>> -> memref<80x16xf32, #tpu.memory_space<vmem>>
      %dma_wait3A_622 = arith.constant 0 : i32
      %dma_wait3A_623 = arith.constant 0 : i32
      %dma_wait3A_624 = tpu.memref_slice %arg2[%dma_wait3A_622, %dma_wait3A_623] : memref<10240x16xf32, #tpu.memory_space<hbm>> -> memref<80x16xf32, #tpu.memory_space<hbm>>
      tpu.wait_dma2 semaphore(%dma_wait3A_617 : memref<!tpu.dma_semaphore, #tpu.memory_space<semaphore_mem>>) src(%dma_wait3A_624 : memref<80x16xf32, #tpu.memory_space<hbm>>) dst(%dma_wait3A_621 : memref<80x16xf32, #tpu.memory_space<vmem>>)
      %add3A_625 = arith.constant 6 : i32
      %add3A_626 = arith.addi %mul3A_402, %add3A_625 : i32
      %mul3A_627 = arith.constant 80 : i32
      %mul3A_628 = arith.muli %add3A_626, %mul3A_627 : i32
      %dma_start3A_629 = arith.constant 6 : i32
      %dma_start3A_630 = arith.constant 6 : i32
      %dma_start3A_631 = arith.constant 0 : i32
      %dma_start3A_632 = arith.constant 0 : i32
      %dma_start3A_633 = tpu.memref_slice %arg7[%dma_start3A_629, %dma_start3A_631, %dma_start3A_632] : memref<10x80x16xf32, #tpu.memory_space<vmem>> -> memref<1x80x16xf32, #tpu.memory_space<vmem>>
      %dma_start3A_634 = tpu.memref_squeeze %dma_start3A_633 : memref<1x80x16xf32, #tpu.memory_space<vmem>> -> memref<80x16xf32, #tpu.memory_space<vmem>>
      %dma_start3A_635 = tpu.memref_slice %arg6[%mul3A_628] : memref<10000xi32, #tpu.memory_space<vmem>> -> memref<80xi32, #tpu.memory_space<vmem>>
      %dma_start3A_636 = arith.constant 0 : i32
      %dma_start3A_637 = arith.constant 0 : i32
      %dma_start3A_638 = tpu.memref_slice %arg9[%dma_start3A_636, %dma_start3A_637] : memref<10240x16xf32, #tpu.memory_space<vmem_shared>> -> memref<10240x16xf32, #tpu.memory_space<vmem_shared>>
      %dma_start3A_639 = tpu.memref_slice %arg11[%dma_start3A_630] : memref<10x!tpu.dma_semaphore, #tpu.memory_space<semaphore_mem>> -> memref<1x!tpu.dma_semaphore, #tpu.memory_space<semaphore_mem>>
      %dma_start3A_640 = tpu.memref_squeeze %dma_start3A_639 : memref<1x!tpu.dma_semaphore, #tpu.memory_space<semaphore_mem>> -> memref<!tpu.dma_semaphore, #tpu.memory_space<semaphore_mem>>
      tpu.enqueue_indirect_dma source(%dma_start3A_634 : memref<80x16xf32, #tpu.memory_space<vmem>>) target(%dma_start3A_638 : memref<10240x16xf32, #tpu.memory_space<vmem_shared>>) offsets(%dma_start3A_635 : memref<80xi32, #tpu.memory_space<vmem>>) semaphore(%dma_start3A_640 : memref<!tpu.dma_semaphore, #tpu.memory_space<semaphore_mem>>) {add = true}
      %dma_wait3A_641 = arith.constant 7 : i32
      %dma_wait3A_642 = arith.constant 7 : i32
      %dma_wait3A_643 = arith.constant 0 : i32
      %dma_wait3A_644 = arith.constant 0 : i32
      %dma_wait3A_645 = tpu.memref_slice %arg7[%dma_wait3A_641, %dma_wait3A_643, %dma_wait3A_644] : memref<10x80x16xf32, #tpu.memory_space<vmem>> -> memref<1x80x16xf32, #tpu.memory_space<vmem>>
      %dma_wait3A_646 = tpu.memref_squeeze %dma_wait3A_645 : memref<1x80x16xf32, #tpu.memory_space<vmem>> -> memref<80x16xf32, #tpu.memory_space<vmem>>
      %dma_wait3A_647 = arith.constant 0 : i32
      %dma_wait3A_648 = arith.constant 0 : i32
      %dma_wait3A_649 = tpu.memref_slice %arg2[%dma_wait3A_647, %dma_wait3A_648] : memref<10240x16xf32, #tpu.memory_space<hbm>> -> memref<80x16xf32, #tpu.memory_space<hbm>>
      %dma_wait3A_650 = tpu.memref_slice %arg10[%dma_wait3A_642] : memref<10x!tpu.dma_semaphore, #tpu.memory_space<semaphore_mem>> -> memref<1x!tpu.dma_semaphore, #tpu.memory_space<semaphore_mem>>
      %dma_wait3A_651 = tpu.memref_squeeze %dma_wait3A_650 : memref<1x!tpu.dma_semaphore, #tpu.memory_space<semaphore_mem>> -> memref<!tpu.dma_semaphore, #tpu.memory_space<semaphore_mem>>
      %dma_wait3A_652 = arith.constant 0 : i32
      %dma_wait3A_653 = arith.constant 0 : i32
      %dma_wait3A_654 = tpu.memref_slice %arg7[%dma_wait3A_641, %dma_wait3A_652, %dma_wait3A_653] : memref<10x80x16xf32, #tpu.memory_space<vmem>> -> memref<1x80x16xf32, #tpu.memory_space<vmem>>
      %dma_wait3A_655 = tpu.memref_squeeze %dma_wait3A_654 : memref<1x80x16xf32, #tpu.memory_space<vmem>> -> memref<80x16xf32, #tpu.memory_space<vmem>>
      %dma_wait3A_656 = arith.constant 0 : i32
      %dma_wait3A_657 = arith.constant 0 : i32
      %dma_wait3A_658 = tpu.memref_slice %arg2[%dma_wait3A_656, %dma_wait3A_657] : memref<10240x16xf32, #tpu.memory_space<hbm>> -> memref<80x16xf32, #tpu.memory_space<hbm>>
      tpu.wait_dma2 semaphore(%dma_wait3A_651 : memref<!tpu.dma_semaphore, #tpu.memory_space<semaphore_mem>>) src(%dma_wait3A_658 : memref<80x16xf32, #tpu.memory_space<hbm>>) dst(%dma_wait3A_655 : memref<80x16xf32, #tpu.memory_space<vmem>>)
      %add3A_659 = arith.constant 7 : i32
      %add3A_660 = arith.addi %mul3A_402, %add3A_659 : i32
      %mul3A_661 = arith.constant 80 : i32
      %mul3A_662 = arith.muli %add3A_660, %mul3A_661 : i32
      %dma_start3A_663 = arith.constant 7 : i32
      %dma_start3A_664 = arith.constant 7 : i32
      %dma_start3A_665 = arith.constant 0 : i32
      %dma_start3A_666 = arith.constant 0 : i32
      %dma_start3A_667 = tpu.memref_slice %arg7[%dma_start3A_663, %dma_start3A_665, %dma_start3A_666] : memref<10x80x16xf32, #tpu.memory_space<vmem>> -> memref<1x80x16xf32, #tpu.memory_space<vmem>>
      %dma_start3A_668 = tpu.memref_squeeze %dma_start3A_667 : memref<1x80x16xf32, #tpu.memory_space<vmem>> -> memref<80x16xf32, #tpu.memory_space<vmem>>
      %dma_start3A_669 = tpu.memref_slice %arg6[%mul3A_662] : memref<10000xi32, #tpu.memory_space<vmem>> -> memref<80xi32, #tpu.memory_space<vmem>>
      %dma_start3A_670 = arith.constant 0 : i32
      %dma_start3A_671 = arith.constant 0 : i32
      %dma_start3A_672 = tpu.memref_slice %arg9[%dma_start3A_670, %dma_start3A_671] : memref<10240x16xf32, #tpu.memory_space<vmem_shared>> -> memref<10240x16xf32, #tpu.memory_space<vmem_shared>>
      %dma_start3A_673 = tpu.memref_slice %arg11[%dma_start3A_664] : memref<10x!tpu.dma_semaphore, #tpu.memory_space<semaphore_mem>> -> memref<1x!tpu.dma_semaphore, #tpu.memory_space<semaphore_mem>>
      %dma_start3A_674 = tpu.memref_squeeze %dma_start3A_673 : memref<1x!tpu.dma_semaphore, #tpu.memory_space<semaphore_mem>> -> memref<!tpu.dma_semaphore, #tpu.memory_space<semaphore_mem>>
      tpu.enqueue_indirect_dma source(%dma_start3A_668 : memref<80x16xf32, #tpu.memory_space<vmem>>) target(%dma_start3A_672 : memref<10240x16xf32, #tpu.memory_space<vmem_shared>>) offsets(%dma_start3A_669 : memref<80xi32, #tpu.memory_space<vmem>>) semaphore(%dma_start3A_674 : memref<!tpu.dma_semaphore, #tpu.memory_space<semaphore_mem>>) {add = true}
      %dma_wait3A_675 = arith.constant 8 : i32
      %dma_wait3A_676 = arith.constant 8 : i32
      %dma_wait3A_677 = arith.constant 0 : i32
      %dma_wait3A_678 = arith.constant 0 : i32
      %dma_wait3A_679 = tpu.memref_slice %arg7[%dma_wait3A_675, %dma_wait3A_677, %dma_wait3A_678] : memref<10x80x16xf32, #tpu.memory_space<vmem>> -> memref<1x80x16xf32, #tpu.memory_space<vmem>>
      %dma_wait3A_680 = tpu.memref_squeeze %dma_wait3A_679 : memref<1x80x16xf32, #tpu.memory_space<vmem>> -> memref<80x16xf32, #tpu.memory_space<vmem>>
      %dma_wait3A_681 = arith.constant 0 : i32
      %dma_wait3A_682 = arith.constant 0 : i32
      %dma_wait3A_683 = tpu.memref_slice %arg2[%dma_wait3A_681, %dma_wait3A_682] : memref<10240x16xf32, #tpu.memory_space<hbm>> -> memref<80x16xf32, #tpu.memory_space<hbm>>
      %dma_wait3A_684 = tpu.memref_slice %arg10[%dma_wait3A_676] : memref<10x!tpu.dma_semaphore, #tpu.memory_space<semaphore_mem>> -> memref<1x!tpu.dma_semaphore, #tpu.memory_space<semaphore_mem>>
      %dma_wait3A_685 = tpu.memref_squeeze %dma_wait3A_684 : memref<1x!tpu.dma_semaphore, #tpu.memory_space<semaphore_mem>> -> memref<!tpu.dma_semaphore, #tpu.memory_space<semaphore_mem>>
      %dma_wait3A_686 = arith.constant 0 : i32
      %dma_wait3A_687 = arith.constant 0 : i32
      %dma_wait3A_688 = tpu.memref_slice %arg7[%dma_wait3A_675, %dma_wait3A_686, %dma_wait3A_687] : memref<10x80x16xf32, #tpu.memory_space<vmem>> -> memref<1x80x16xf32, #tpu.memory_space<vmem>>
      %dma_wait3A_689 = tpu.memref_squeeze %dma_wait3A_688 : memref<1x80x16xf32, #tpu.memory_space<vmem>> -> memref<80x16xf32, #tpu.memory_space<vmem>>
      %dma_wait3A_690 = arith.constant 0 : i32
      %dma_wait3A_691 = arith.constant 0 : i32
      %dma_wait3A_692 = tpu.memref_slice %arg2[%dma_wait3A_690, %dma_wait3A_691] : memref<10240x16xf32, #tpu.memory_space<hbm>> -> memref<80x16xf32, #tpu.memory_space<hbm>>
      tpu.wait_dma2 semaphore(%dma_wait3A_685 : memref<!tpu.dma_semaphore, #tpu.memory_space<semaphore_mem>>) src(%dma_wait3A_692 : memref<80x16xf32, #tpu.memory_space<hbm>>) dst(%dma_wait3A_689 : memref<80x16xf32, #tpu.memory_space<vmem>>)
      %add3A_693 = arith.constant 8 : i32
      %add3A_694 = arith.addi %mul3A_402, %add3A_693 : i32
      %mul3A_695 = arith.constant 80 : i32
      %mul3A_696 = arith.muli %add3A_694, %mul3A_695 : i32
      %dma_start3A_697 = arith.constant 8 : i32
      %dma_start3A_698 = arith.constant 8 : i32
      %dma_start3A_699 = arith.constant 0 : i32
      %dma_start3A_700 = arith.constant 0 : i32
      %dma_start3A_701 = tpu.memref_slice %arg7[%dma_start3A_697, %dma_start3A_699, %dma_start3A_700] : memref<10x80x16xf32, #tpu.memory_space<vmem>> -> memref<1x80x16xf32, #tpu.memory_space<vmem>>
      %dma_start3A_702 = tpu.memref_squeeze %dma_start3A_701 : memref<1x80x16xf32, #tpu.memory_space<vmem>> -> memref<80x16xf32, #tpu.memory_space<vmem>>
      %dma_start3A_703 = tpu.memref_slice %arg6[%mul3A_696] : memref<10000xi32, #tpu.memory_space<vmem>> -> memref<80xi32, #tpu.memory_space<vmem>>
      %dma_start3A_704 = arith.constant 0 : i32
      %dma_start3A_705 = arith.constant 0 : i32
      %dma_start3A_706 = tpu.memref_slice %arg9[%dma_start3A_704, %dma_start3A_705] : memref<10240x16xf32, #tpu.memory_space<vmem_shared>> -> memref<10240x16xf32, #tpu.memory_space<vmem_shared>>
      %dma_start3A_707 = tpu.memref_slice %arg11[%dma_start3A_698] : memref<10x!tpu.dma_semaphore, #tpu.memory_space<semaphore_mem>> -> memref<1x!tpu.dma_semaphore, #tpu.memory_space<semaphore_mem>>
      %dma_start3A_708 = tpu.memref_squeeze %dma_start3A_707 : memref<1x!tpu.dma_semaphore, #tpu.memory_space<semaphore_mem>> -> memref<!tpu.dma_semaphore, #tpu.memory_space<semaphore_mem>>
      tpu.enqueue_indirect_dma source(%dma_start3A_702 : memref<80x16xf32, #tpu.memory_space<vmem>>) target(%dma_start3A_706 : memref<10240x16xf32, #tpu.memory_space<vmem_shared>>) offsets(%dma_start3A_703 : memref<80xi32, #tpu.memory_space<vmem>>) semaphore(%dma_start3A_708 : memref<!tpu.dma_semaphore, #tpu.memory_space<semaphore_mem>>) {add = true}
      %dma_wait3A_709 = arith.constant 9 : i32
      %dma_wait3A_710 = arith.constant 9 : i32
      %dma_wait3A_711 = arith.constant 0 : i32
      %dma_wait3A_712 = arith.constant 0 : i32
      %dma_wait3A_713 = tpu.memref_slice %arg7[%dma_wait3A_709, %dma_wait3A_711, %dma_wait3A_712] : memref<10x80x16xf32, #tpu.memory_space<vmem>> -> memref<1x80x16xf32, #tpu.memory_space<vmem>>
      %dma_wait3A_714 = tpu.memref_squeeze %dma_wait3A_713 : memref<1x80x16xf32, #tpu.memory_space<vmem>> -> memref<80x16xf32, #tpu.memory_space<vmem>>
      %dma_wait3A_715 = arith.constant 0 : i32
      %dma_wait3A_716 = arith.constant 0 : i32
      %dma_wait3A_717 = tpu.memref_slice %arg2[%dma_wait3A_715, %dma_wait3A_716] : memref<10240x16xf32, #tpu.memory_space<hbm>> -> memref<80x16xf32, #tpu.memory_space<hbm>>
      %dma_wait3A_718 = tpu.memref_slice %arg10[%dma_wait3A_710] : memref<10x!tpu.dma_semaphore, #tpu.memory_space<semaphore_mem>> -> memref<1x!tpu.dma_semaphore, #tpu.memory_space<semaphore_mem>>
      %dma_wait3A_719 = tpu.memref_squeeze %dma_wait3A_718 : memref<1x!tpu.dma_semaphore, #tpu.memory_space<semaphore_mem>> -> memref<!tpu.dma_semaphore, #tpu.memory_space<semaphore_mem>>
      %dma_wait3A_720 = arith.constant 0 : i32
      %dma_wait3A_721 = arith.constant 0 : i32
      %dma_wait3A_722 = tpu.memref_slice %arg7[%dma_wait3A_709, %dma_wait3A_720, %dma_wait3A_721] : memref<10x80x16xf32, #tpu.memory_space<vmem>> -> memref<1x80x16xf32, #tpu.memory_space<vmem>>
      %dma_wait3A_723 = tpu.memref_squeeze %dma_wait3A_722 : memref<1x80x16xf32, #tpu.memory_space<vmem>> -> memref<80x16xf32, #tpu.memory_space<vmem>>
      %dma_wait3A_724 = arith.constant 0 : i32
      %dma_wait3A_725 = arith.constant 0 : i32
      %dma_wait3A_726 = tpu.memref_slice %arg2[%dma_wait3A_724, %dma_wait3A_725] : memref<10240x16xf32, #tpu.memory_space<hbm>> -> memref<80x16xf32, #tpu.memory_space<hbm>>
      tpu.wait_dma2 semaphore(%dma_wait3A_719 : memref<!tpu.dma_semaphore, #tpu.memory_space<semaphore_mem>>) src(%dma_wait3A_726 : memref<80x16xf32, #tpu.memory_space<hbm>>) dst(%dma_wait3A_723 : memref<80x16xf32, #tpu.memory_space<vmem>>)
      %add3A_727 = arith.constant 9 : i32
      %add3A_728 = arith.addi %mul3A_402, %add3A_727 : i32
      %mul3A_729 = arith.constant 80 : i32
      %mul3A_730 = arith.muli %add3A_728, %mul3A_729 : i32
      %dma_start3A_731 = arith.constant 9 : i32
      %dma_start3A_732 = arith.constant 9 : i32
      %dma_start3A_733 = arith.constant 0 : i32
      %dma_start3A_734 = arith.constant 0 : i32
      %dma_start3A_735 = tpu.memref_slice %arg7[%dma_start3A_731, %dma_start3A_733, %dma_start3A_734] : memref<10x80x16xf32, #tpu.memory_space<vmem>> -> memref<1x80x16xf32, #tpu.memory_space<vmem>>
      %dma_start3A_736 = tpu.memref_squeeze %dma_start3A_735 : memref<1x80x16xf32, #tpu.memory_space<vmem>> -> memref<80x16xf32, #tpu.memory_space<vmem>>
      %dma_start3A_737 = tpu.memref_slice %arg6[%mul3A_730] : memref<10000xi32, #tpu.memory_space<vmem>> -> memref<80xi32, #tpu.memory_space<vmem>>
      %dma_start3A_738 = arith.constant 0 : i32
      %dma_start3A_739 = arith.constant 0 : i32
      %dma_start3A_740 = tpu.memref_slice %arg9[%dma_start3A_738, %dma_start3A_739] : memref<10240x16xf32, #tpu.memory_space<vmem_shared>> -> memref<10240x16xf32, #tpu.memory_space<vmem_shared>>
      %dma_start3A_741 = tpu.memref_slice %arg11[%dma_start3A_732] : memref<10x!tpu.dma_semaphore, #tpu.memory_space<semaphore_mem>> -> memref<1x!tpu.dma_semaphore, #tpu.memory_space<semaphore_mem>>
      %dma_start3A_742 = tpu.memref_squeeze %dma_start3A_741 : memref<1x!tpu.dma_semaphore, #tpu.memory_space<semaphore_mem>> -> memref<!tpu.dma_semaphore, #tpu.memory_space<semaphore_mem>>
      tpu.enqueue_indirect_dma source(%dma_start3A_736 : memref<80x16xf32, #tpu.memory_space<vmem>>) target(%dma_start3A_740 : memref<10240x16xf32, #tpu.memory_space<vmem_shared>>) offsets(%dma_start3A_737 : memref<80xi32, #tpu.memory_space<vmem>>) semaphore(%dma_start3A_742 : memref<!tpu.dma_semaphore, #tpu.memory_space<semaphore_mem>>) {add = true}
      %add3A_743 = arith.constant 10 : i32
      %add3A_744 = arith.addi %mul3A_402, %add3A_743 : i32
      %add3A_745 = arith.constant 0 : i32
      %add3A_746 = arith.addi %add3A_744, %add3A_745 : i32
      %dma_wait3A_747 = arith.constant 0 : i32
      %dma_wait3A_748 = arith.constant 0 : i32
      %dma_wait3A_749 = arith.constant 0 : i32
      %dma_wait3A_750 = arith.constant 0 : i32
      %dma_wait3A_751 = tpu.memref_slice %arg7[%dma_wait3A_747, %dma_wait3A_749, %dma_wait3A_750] : memref<10x80x16xf32, #tpu.memory_space<vmem>> -> memref<1x80x16xf32, #tpu.memory_space<vmem>>
      %dma_wait3A_752 = tpu.memref_squeeze %dma_wait3A_751 : memref<1x80x16xf32, #tpu.memory_space<vmem>> -> memref<80x16xf32, #tpu.memory_space<vmem>>
      %dma_wait3A_753 = arith.constant 0 : i32
      %dma_wait3A_754 = arith.constant 0 : i32
      %dma_wait3A_755 = tpu.memref_slice %arg9[%dma_wait3A_753, %dma_wait3A_754] : memref<10240x16xf32, #tpu.memory_space<vmem_shared>> -> memref<80x16xf32, #tpu.memory_space<vmem_shared>>
      %dma_wait3A_756 = tpu.memref_slice %arg11[%dma_wait3A_748] : memref<10x!tpu.dma_semaphore, #tpu.memory_space<semaphore_mem>> -> memref<1x!tpu.dma_semaphore, #tpu.memory_space<semaphore_mem>>
      %dma_wait3A_757 = tpu.memref_squeeze %dma_wait3A_756 : memref<1x!tpu.dma_semaphore, #tpu.memory_space<semaphore_mem>> -> memref<!tpu.dma_semaphore, #tpu.memory_space<semaphore_mem>>
      %dma_wait3A_758 = arith.constant 0 : i32
      %dma_wait3A_759 = arith.constant 0 : i32
      %dma_wait3A_760 = tpu.memref_slice %arg9[%dma_wait3A_758, %dma_wait3A_759] : memref<10240x16xf32, #tpu.memory_space<vmem_shared>> -> memref<80x16xf32, #tpu.memory_space<vmem_shared>>
      %dma_wait3A_761 = arith.constant 0 : i32
      %dma_wait3A_762 = arith.constant 0 : i32
      %dma_wait3A_763 = tpu.memref_slice %arg7[%dma_wait3A_747, %dma_wait3A_761, %dma_wait3A_762] : memref<10x80x16xf32, #tpu.memory_space<vmem>> -> memref<1x80x16xf32, #tpu.memory_space<vmem>>
      %dma_wait3A_764 = tpu.memref_squeeze %dma_wait3A_763 : memref<1x80x16xf32, #tpu.memory_space<vmem>> -> memref<80x16xf32, #tpu.memory_space<vmem>>
      tpu.wait_dma2 semaphore(%dma_wait3A_757 : memref<!tpu.dma_semaphore, #tpu.memory_space<semaphore_mem>>) src(%dma_wait3A_764 : memref<80x16xf32, #tpu.memory_space<vmem>>) dst(%dma_wait3A_760 : memref<80x16xf32, #tpu.memory_space<vmem_shared>>)
      %lt3A = arith.constant 125 : i32
      %lt3A_765 = arith.cmpi slt, %add3A_746, %lt3A : i32
      %convert_element_type3A = arith.extui %lt3A_765 : i1 to i32
      %cond3A = arith.constant 0 : i32
      %cond3A_766 = arith.cmpi ne, %convert_element_type3A, %cond3A : i32
      scf.if %cond3A_766 {
        %mul3A_1010 = arith.constant 80 : i32
        %mul3A_1011 = arith.muli %add3A_746, %mul3A_1010 : i32
        %dma_start3A_1012 = arith.constant 0 : i32
        %dma_start3A_1013 = arith.constant 0 : i32
        %dma_start3A_1014 = arith.constant 0 : i32
        %dma_start3A_1015 = arith.constant 0 : i32
        %dma_start3A_1016 = tpu.memref_slice %arg7[%dma_start3A_1012, %dma_start3A_1014, %dma_start3A_1015] : memref<10x80x16xf32, #tpu.memory_space<vmem>> -> memref<1x80x16xf32, #tpu.memory_space<vmem>>
        %dma_start3A_1017 = tpu.memref_squeeze %dma_start3A_1016 : memref<1x80x16xf32, #tpu.memory_space<vmem>> -> memref<80x16xf32, #tpu.memory_space<vmem>>
        %dma_start3A_1018 = tpu.memref_slice %arg5[%mul3A_1011] : memref<10000xi32, #tpu.memory_space<vmem>> -> memref<80xi32, #tpu.memory_space<vmem>>
        %dma_start3A_1019 = arith.constant 0 : i32
        %dma_start3A_1020 = arith.constant 0 : i32
        %dma_start3A_1021 = tpu.memref_slice %arg2[%dma_start3A_1019, %dma_start3A_1020] : memref<10240x16xf32, #tpu.memory_space<hbm>> -> memref<10240x16xf32, #tpu.memory_space<hbm>>
        %dma_start3A_1022 = tpu.memref_slice %arg10[%dma_start3A_1013] : memref<10x!tpu.dma_semaphore, #tpu.memory_space<semaphore_mem>> -> memref<1x!tpu.dma_semaphore, #tpu.memory_space<semaphore_mem>>
        %dma_start3A_1023 = tpu.memref_squeeze %dma_start3A_1022 : memref<1x!tpu.dma_semaphore, #tpu.memory_space<semaphore_mem>> -> memref<!tpu.dma_semaphore, #tpu.memory_space<semaphore_mem>>
        tpu.enqueue_indirect_dma source(%dma_start3A_1021 : memref<10240x16xf32, #tpu.memory_space<hbm>>) target(%dma_start3A_1017 : memref<80x16xf32, #tpu.memory_space<vmem>>) offsets(%dma_start3A_1018 : memref<80xi32, #tpu.memory_space<vmem>>) semaphore(%dma_start3A_1023 : memref<!tpu.dma_semaphore, #tpu.memory_space<semaphore_mem>>)
      } else {
      }
      %add3A_767 = arith.constant 10 : i32
      %add3A_768 = arith.addi %mul3A_402, %add3A_767 : i32
      %add3A_769 = arith.constant 1 : i32
      %add3A_770 = arith.addi %add3A_768, %add3A_769 : i32
      %dma_wait3A_771 = arith.constant 1 : i32
      %dma_wait3A_772 = arith.constant 1 : i32
      %dma_wait3A_773 = arith.constant 0 : i32
      %dma_wait3A_774 = arith.constant 0 : i32
      %dma_wait3A_775 = tpu.memref_slice %arg7[%dma_wait3A_771, %dma_wait3A_773, %dma_wait3A_774] : memref<10x80x16xf32, #tpu.memory_space<vmem>> -> memref<1x80x16xf32, #tpu.memory_space<vmem>>
      %dma_wait3A_776 = tpu.memref_squeeze %dma_wait3A_775 : memref<1x80x16xf32, #tpu.memory_space<vmem>> -> memref<80x16xf32, #tpu.memory_space<vmem>>
      %dma_wait3A_777 = arith.constant 0 : i32
      %dma_wait3A_778 = arith.constant 0 : i32
      %dma_wait3A_779 = tpu.memref_slice %arg9[%dma_wait3A_777, %dma_wait3A_778] : memref<10240x16xf32, #tpu.memory_space<vmem_shared>> -> memref<80x16xf32, #tpu.memory_space<vmem_shared>>
      %dma_wait3A_780 = tpu.memref_slice %arg11[%dma_wait3A_772] : memref<10x!tpu.dma_semaphore, #tpu.memory_space<semaphore_mem>> -> memref<1x!tpu.dma_semaphore, #tpu.memory_space<semaphore_mem>>
      %dma_wait3A_781 = tpu.memref_squeeze %dma_wait3A_780 : memref<1x!tpu.dma_semaphore, #tpu.memory_space<semaphore_mem>> -> memref<!tpu.dma_semaphore, #tpu.memory_space<semaphore_mem>>
      %dma_wait3A_782 = arith.constant 0 : i32
      %dma_wait3A_783 = arith.constant 0 : i32
      %dma_wait3A_784 = tpu.memref_slice %arg9[%dma_wait3A_782, %dma_wait3A_783] : memref<10240x16xf32, #tpu.memory_space<vmem_shared>> -> memref<80x16xf32, #tpu.memory_space<vmem_shared>>
      %dma_wait3A_785 = arith.constant 0 : i32
      %dma_wait3A_786 = arith.constant 0 : i32
      %dma_wait3A_787 = tpu.memref_slice %arg7[%dma_wait3A_771, %dma_wait3A_785, %dma_wait3A_786] : memref<10x80x16xf32, #tpu.memory_space<vmem>> -> memref<1x80x16xf32, #tpu.memory_space<vmem>>
      %dma_wait3A_788 = tpu.memref_squeeze %dma_wait3A_787 : memref<1x80x16xf32, #tpu.memory_space<vmem>> -> memref<80x16xf32, #tpu.memory_space<vmem>>
      tpu.wait_dma2 semaphore(%dma_wait3A_781 : memref<!tpu.dma_semaphore, #tpu.memory_space<semaphore_mem>>) src(%dma_wait3A_788 : memref<80x16xf32, #tpu.memory_space<vmem>>) dst(%dma_wait3A_784 : memref<80x16xf32, #tpu.memory_space<vmem_shared>>)
      %lt3A_789 = arith.constant 125 : i32
      %lt3A_790 = arith.cmpi slt, %add3A_770, %lt3A_789 : i32
      %convert_element_type3A_791 = arith.extui %lt3A_790 : i1 to i32
      %cond3A_792 = arith.constant 0 : i32
      %cond3A_793 = arith.cmpi ne, %convert_element_type3A_791, %cond3A_792 : i32
      scf.if %cond3A_793 {
        %mul3A_1010 = arith.constant 80 : i32
        %mul3A_1011 = arith.muli %add3A_770, %mul3A_1010 : i32
        %dma_start3A_1012 = arith.constant 1 : i32
        %dma_start3A_1013 = arith.constant 1 : i32
        %dma_start3A_1014 = arith.constant 0 : i32
        %dma_start3A_1015 = arith.constant 0 : i32
        %dma_start3A_1016 = tpu.memref_slice %arg7[%dma_start3A_1012, %dma_start3A_1014, %dma_start3A_1015] : memref<10x80x16xf32, #tpu.memory_space<vmem>> -> memref<1x80x16xf32, #tpu.memory_space<vmem>>
        %dma_start3A_1017 = tpu.memref_squeeze %dma_start3A_1016 : memref<1x80x16xf32, #tpu.memory_space<vmem>> -> memref<80x16xf32, #tpu.memory_space<vmem>>
        %dma_start3A_1018 = tpu.memref_slice %arg5[%mul3A_1011] : memref<10000xi32, #tpu.memory_space<vmem>> -> memref<80xi32, #tpu.memory_space<vmem>>
        %dma_start3A_1019 = arith.constant 0 : i32
        %dma_start3A_1020 = arith.constant 0 : i32
        %dma_start3A_1021 = tpu.memref_slice %arg2[%dma_start3A_1019, %dma_start3A_1020] : memref<10240x16xf32, #tpu.memory_space<hbm>> -> memref<10240x16xf32, #tpu.memory_space<hbm>>
        %dma_start3A_1022 = tpu.memref_slice %arg10[%dma_start3A_1013] : memref<10x!tpu.dma_semaphore, #tpu.memory_space<semaphore_mem>> -> memref<1x!tpu.dma_semaphore, #tpu.memory_space<semaphore_mem>>
        %dma_start3A_1023 = tpu.memref_squeeze %dma_start3A_1022 : memref<1x!tpu.dma_semaphore, #tpu.memory_space<semaphore_mem>> -> memref<!tpu.dma_semaphore, #tpu.memory_space<semaphore_mem>>
        tpu.enqueue_indirect_dma source(%dma_start3A_1021 : memref<10240x16xf32, #tpu.memory_space<hbm>>) target(%dma_start3A_1017 : memref<80x16xf32, #tpu.memory_space<vmem>>) offsets(%dma_start3A_1018 : memref<80xi32, #tpu.memory_space<vmem>>) semaphore(%dma_start3A_1023 : memref<!tpu.dma_semaphore, #tpu.memory_space<semaphore_mem>>)
      } else {
      }
      %add3A_794 = arith.constant 10 : i32
      %add3A_795 = arith.addi %mul3A_402, %add3A_794 : i32
      %add3A_796 = arith.constant 2 : i32
      %add3A_797 = arith.addi %add3A_795, %add3A_796 : i32
      %dma_wait3A_798 = arith.constant 2 : i32
      %dma_wait3A_799 = arith.constant 2 : i32
      %dma_wait3A_800 = arith.constant 0 : i32
      %dma_wait3A_801 = arith.constant 0 : i32
      %dma_wait3A_802 = tpu.memref_slice %arg7[%dma_wait3A_798, %dma_wait3A_800, %dma_wait3A_801] : memref<10x80x16xf32, #tpu.memory_space<vmem>> -> memref<1x80x16xf32, #tpu.memory_space<vmem>>
      %dma_wait3A_803 = tpu.memref_squeeze %dma_wait3A_802 : memref<1x80x16xf32, #tpu.memory_space<vmem>> -> memref<80x16xf32, #tpu.memory_space<vmem>>
      %dma_wait3A_804 = arith.constant 0 : i32
      %dma_wait3A_805 = arith.constant 0 : i32
      %dma_wait3A_806 = tpu.memref_slice %arg9[%dma_wait3A_804, %dma_wait3A_805] : memref<10240x16xf32, #tpu.memory_space<vmem_shared>> -> memref<80x16xf32, #tpu.memory_space<vmem_shared>>
      %dma_wait3A_807 = tpu.memref_slice %arg11[%dma_wait3A_799] : memref<10x!tpu.dma_semaphore, #tpu.memory_space<semaphore_mem>> -> memref<1x!tpu.dma_semaphore, #tpu.memory_space<semaphore_mem>>
      %dma_wait3A_808 = tpu.memref_squeeze %dma_wait3A_807 : memref<1x!tpu.dma_semaphore, #tpu.memory_space<semaphore_mem>> -> memref<!tpu.dma_semaphore, #tpu.memory_space<semaphore_mem>>
      %dma_wait3A_809 = arith.constant 0 : i32
      %dma_wait3A_810 = arith.constant 0 : i32
      %dma_wait3A_811 = tpu.memref_slice %arg9[%dma_wait3A_809, %dma_wait3A_810] : memref<10240x16xf32, #tpu.memory_space<vmem_shared>> -> memref<80x16xf32, #tpu.memory_space<vmem_shared>>
      %dma_wait3A_812 = arith.constant 0 : i32
      %dma_wait3A_813 = arith.constant 0 : i32
      %dma_wait3A_814 = tpu.memref_slice %arg7[%dma_wait3A_798, %dma_wait3A_812, %dma_wait3A_813] : memref<10x80x16xf32, #tpu.memory_space<vmem>> -> memref<1x80x16xf32, #tpu.memory_space<vmem>>
      %dma_wait3A_815 = tpu.memref_squeeze %dma_wait3A_814 : memref<1x80x16xf32, #tpu.memory_space<vmem>> -> memref<80x16xf32, #tpu.memory_space<vmem>>
      tpu.wait_dma2 semaphore(%dma_wait3A_808 : memref<!tpu.dma_semaphore, #tpu.memory_space<semaphore_mem>>) src(%dma_wait3A_815 : memref<80x16xf32, #tpu.memory_space<vmem>>) dst(%dma_wait3A_811 : memref<80x16xf32, #tpu.memory_space<vmem_shared>>)
      %lt3A_816 = arith.constant 125 : i32
      %lt3A_817 = arith.cmpi slt, %add3A_797, %lt3A_816 : i32
      %convert_element_type3A_818 = arith.extui %lt3A_817 : i1 to i32
      %cond3A_819 = arith.constant 0 : i32
      %cond3A_820 = arith.cmpi ne, %convert_element_type3A_818, %cond3A_819 : i32
      scf.if %cond3A_820 {
        %mul3A_1010 = arith.constant 80 : i32
        %mul3A_1011 = arith.muli %add3A_797, %mul3A_1010 : i32
        %dma_start3A_1012 = arith.constant 2 : i32
        %dma_start3A_1013 = arith.constant 2 : i32
        %dma_start3A_1014 = arith.constant 0 : i32
        %dma_start3A_1015 = arith.constant 0 : i32
        %dma_start3A_1016 = tpu.memref_slice %arg7[%dma_start3A_1012, %dma_start3A_1014, %dma_start3A_1015] : memref<10x80x16xf32, #tpu.memory_space<vmem>> -> memref<1x80x16xf32, #tpu.memory_space<vmem>>
        %dma_start3A_1017 = tpu.memref_squeeze %dma_start3A_1016 : memref<1x80x16xf32, #tpu.memory_space<vmem>> -> memref<80x16xf32, #tpu.memory_space<vmem>>
        %dma_start3A_1018 = tpu.memref_slice %arg5[%mul3A_1011] : memref<10000xi32, #tpu.memory_space<vmem>> -> memref<80xi32, #tpu.memory_space<vmem>>
        %dma_start3A_1019 = arith.constant 0 : i32
        %dma_start3A_1020 = arith.constant 0 : i32
        %dma_start3A_1021 = tpu.memref_slice %arg2[%dma_start3A_1019, %dma_start3A_1020] : memref<10240x16xf32, #tpu.memory_space<hbm>> -> memref<10240x16xf32, #tpu.memory_space<hbm>>
        %dma_start3A_1022 = tpu.memref_slice %arg10[%dma_start3A_1013] : memref<10x!tpu.dma_semaphore, #tpu.memory_space<semaphore_mem>> -> memref<1x!tpu.dma_semaphore, #tpu.memory_space<semaphore_mem>>
        %dma_start3A_1023 = tpu.memref_squeeze %dma_start3A_1022 : memref<1x!tpu.dma_semaphore, #tpu.memory_space<semaphore_mem>> -> memref<!tpu.dma_semaphore, #tpu.memory_space<semaphore_mem>>
        tpu.enqueue_indirect_dma source(%dma_start3A_1021 : memref<10240x16xf32, #tpu.memory_space<hbm>>) target(%dma_start3A_1017 : memref<80x16xf32, #tpu.memory_space<vmem>>) offsets(%dma_start3A_1018 : memref<80xi32, #tpu.memory_space<vmem>>) semaphore(%dma_start3A_1023 : memref<!tpu.dma_semaphore, #tpu.memory_space<semaphore_mem>>)
      } else {
      }
      %add3A_821 = arith.constant 10 : i32
      %add3A_822 = arith.addi %mul3A_402, %add3A_821 : i32
      %add3A_823 = arith.constant 3 : i32
      %add3A_824 = arith.addi %add3A_822, %add3A_823 : i32
      %dma_wait3A_825 = arith.constant 3 : i32
      %dma_wait3A_826 = arith.constant 3 : i32
      %dma_wait3A_827 = arith.constant 0 : i32
      %dma_wait3A_828 = arith.constant 0 : i32
      %dma_wait3A_829 = tpu.memref_slice %arg7[%dma_wait3A_825, %dma_wait3A_827, %dma_wait3A_828] : memref<10x80x16xf32, #tpu.memory_space<vmem>> -> memref<1x80x16xf32, #tpu.memory_space<vmem>>
      %dma_wait3A_830 = tpu.memref_squeeze %dma_wait3A_829 : memref<1x80x16xf32, #tpu.memory_space<vmem>> -> memref<80x16xf32, #tpu.memory_space<vmem>>
      %dma_wait3A_831 = arith.constant 0 : i32
      %dma_wait3A_832 = arith.constant 0 : i32
      %dma_wait3A_833 = tpu.memref_slice %arg9[%dma_wait3A_831, %dma_wait3A_832] : memref<10240x16xf32, #tpu.memory_space<vmem_shared>> -> memref<80x16xf32, #tpu.memory_space<vmem_shared>>
      %dma_wait3A_834 = tpu.memref_slice %arg11[%dma_wait3A_826] : memref<10x!tpu.dma_semaphore, #tpu.memory_space<semaphore_mem>> -> memref<1x!tpu.dma_semaphore, #tpu.memory_space<semaphore_mem>>
      %dma_wait3A_835 = tpu.memref_squeeze %dma_wait3A_834 : memref<1x!tpu.dma_semaphore, #tpu.memory_space<semaphore_mem>> -> memref<!tpu.dma_semaphore, #tpu.memory_space<semaphore_mem>>
      %dma_wait3A_836 = arith.constant 0 : i32
      %dma_wait3A_837 = arith.constant 0 : i32
      %dma_wait3A_838 = tpu.memref_slice %arg9[%dma_wait3A_836, %dma_wait3A_837] : memref<10240x16xf32, #tpu.memory_space<vmem_shared>> -> memref<80x16xf32, #tpu.memory_space<vmem_shared>>
      %dma_wait3A_839 = arith.constant 0 : i32
      %dma_wait3A_840 = arith.constant 0 : i32
      %dma_wait3A_841 = tpu.memref_slice %arg7[%dma_wait3A_825, %dma_wait3A_839, %dma_wait3A_840] : memref<10x80x16xf32, #tpu.memory_space<vmem>> -> memref<1x80x16xf32, #tpu.memory_space<vmem>>
      %dma_wait3A_842 = tpu.memref_squeeze %dma_wait3A_841 : memref<1x80x16xf32, #tpu.memory_space<vmem>> -> memref<80x16xf32, #tpu.memory_space<vmem>>
      tpu.wait_dma2 semaphore(%dma_wait3A_835 : memref<!tpu.dma_semaphore, #tpu.memory_space<semaphore_mem>>) src(%dma_wait3A_842 : memref<80x16xf32, #tpu.memory_space<vmem>>) dst(%dma_wait3A_838 : memref<80x16xf32, #tpu.memory_space<vmem_shared>>)
      %lt3A_843 = arith.constant 125 : i32
      %lt3A_844 = arith.cmpi slt, %add3A_824, %lt3A_843 : i32
      %convert_element_type3A_845 = arith.extui %lt3A_844 : i1 to i32
      %cond3A_846 = arith.constant 0 : i32
      %cond3A_847 = arith.cmpi ne, %convert_element_type3A_845, %cond3A_846 : i32
      scf.if %cond3A_847 {
        %mul3A_1010 = arith.constant 80 : i32
        %mul3A_1011 = arith.muli %add3A_824, %mul3A_1010 : i32
        %dma_start3A_1012 = arith.constant 3 : i32
        %dma_start3A_1013 = arith.constant 3 : i32
        %dma_start3A_1014 = arith.constant 0 : i32
        %dma_start3A_1015 = arith.constant 0 : i32
        %dma_start3A_1016 = tpu.memref_slice %arg7[%dma_start3A_1012, %dma_start3A_1014, %dma_start3A_1015] : memref<10x80x16xf32, #tpu.memory_space<vmem>> -> memref<1x80x16xf32, #tpu.memory_space<vmem>>
        %dma_start3A_1017 = tpu.memref_squeeze %dma_start3A_1016 : memref<1x80x16xf32, #tpu.memory_space<vmem>> -> memref<80x16xf32, #tpu.memory_space<vmem>>
        %dma_start3A_1018 = tpu.memref_slice %arg5[%mul3A_1011] : memref<10000xi32, #tpu.memory_space<vmem>> -> memref<80xi32, #tpu.memory_space<vmem>>
        %dma_start3A_1019 = arith.constant 0 : i32
        %dma_start3A_1020 = arith.constant 0 : i32
        %dma_start3A_1021 = tpu.memref_slice %arg2[%dma_start3A_1019, %dma_start3A_1020] : memref<10240x16xf32, #tpu.memory_space<hbm>> -> memref<10240x16xf32, #tpu.memory_space<hbm>>
        %dma_start3A_1022 = tpu.memref_slice %arg10[%dma_start3A_1013] : memref<10x!tpu.dma_semaphore, #tpu.memory_space<semaphore_mem>> -> memref<1x!tpu.dma_semaphore, #tpu.memory_space<semaphore_mem>>
        %dma_start3A_1023 = tpu.memref_squeeze %dma_start3A_1022 : memref<1x!tpu.dma_semaphore, #tpu.memory_space<semaphore_mem>> -> memref<!tpu.dma_semaphore, #tpu.memory_space<semaphore_mem>>
        tpu.enqueue_indirect_dma source(%dma_start3A_1021 : memref<10240x16xf32, #tpu.memory_space<hbm>>) target(%dma_start3A_1017 : memref<80x16xf32, #tpu.memory_space<vmem>>) offsets(%dma_start3A_1018 : memref<80xi32, #tpu.memory_space<vmem>>) semaphore(%dma_start3A_1023 : memref<!tpu.dma_semaphore, #tpu.memory_space<semaphore_mem>>)
      } else {
      }
      %add3A_848 = arith.constant 10 : i32
      %add3A_849 = arith.addi %mul3A_402, %add3A_848 : i32
      %add3A_850 = arith.constant 4 : i32
      %add3A_851 = arith.addi %add3A_849, %add3A_850 : i32
      %dma_wait3A_852 = arith.constant 4 : i32
      %dma_wait3A_853 = arith.constant 4 : i32
      %dma_wait3A_854 = arith.constant 0 : i32
      %dma_wait3A_855 = arith.constant 0 : i32
      %dma_wait3A_856 = tpu.memref_slice %arg7[%dma_wait3A_852, %dma_wait3A_854, %dma_wait3A_855] : memref<10x80x16xf32, #tpu.memory_space<vmem>> -> memref<1x80x16xf32, #tpu.memory_space<vmem>>
      %dma_wait3A_857 = tpu.memref_squeeze %dma_wait3A_856 : memref<1x80x16xf32, #tpu.memory_space<vmem>> -> memref<80x16xf32, #tpu.memory_space<vmem>>
      %dma_wait3A_858 = arith.constant 0 : i32
      %dma_wait3A_859 = arith.constant 0 : i32
      %dma_wait3A_860 = tpu.memref_slice %arg9[%dma_wait3A_858, %dma_wait3A_859] : memref<10240x16xf32, #tpu.memory_space<vmem_shared>> -> memref<80x16xf32, #tpu.memory_space<vmem_shared>>
      %dma_wait3A_861 = tpu.memref_slice %arg11[%dma_wait3A_853] : memref<10x!tpu.dma_semaphore, #tpu.memory_space<semaphore_mem>> -> memref<1x!tpu.dma_semaphore, #tpu.memory_space<semaphore_mem>>
      %dma_wait3A_862 = tpu.memref_squeeze %dma_wait3A_861 : memref<1x!tpu.dma_semaphore, #tpu.memory_space<semaphore_mem>> -> memref<!tpu.dma_semaphore, #tpu.memory_space<semaphore_mem>>
      %dma_wait3A_863 = arith.constant 0 : i32
      %dma_wait3A_864 = arith.constant 0 : i32
      %dma_wait3A_865 = tpu.memref_slice %arg9[%dma_wait3A_863, %dma_wait3A_864] : memref<10240x16xf32, #tpu.memory_space<vmem_shared>> -> memref<80x16xf32, #tpu.memory_space<vmem_shared>>
      %dma_wait3A_866 = arith.constant 0 : i32
      %dma_wait3A_867 = arith.constant 0 : i32
      %dma_wait3A_868 = tpu.memref_slice %arg7[%dma_wait3A_852, %dma_wait3A_866, %dma_wait3A_867] : memref<10x80x16xf32, #tpu.memory_space<vmem>> -> memref<1x80x16xf32, #tpu.memory_space<vmem>>
      %dma_wait3A_869 = tpu.memref_squeeze %dma_wait3A_868 : memref<1x80x16xf32, #tpu.memory_space<vmem>> -> memref<80x16xf32, #tpu.memory_space<vmem>>
      tpu.wait_dma2 semaphore(%dma_wait3A_862 : memref<!tpu.dma_semaphore, #tpu.memory_space<semaphore_mem>>) src(%dma_wait3A_869 : memref<80x16xf32, #tpu.memory_space<vmem>>) dst(%dma_wait3A_865 : memref<80x16xf32, #tpu.memory_space<vmem_shared>>)
      %lt3A_870 = arith.constant 125 : i32
      %lt3A_871 = arith.cmpi slt, %add3A_851, %lt3A_870 : i32
      %convert_element_type3A_872 = arith.extui %lt3A_871 : i1 to i32
      %cond3A_873 = arith.constant 0 : i32
      %cond3A_874 = arith.cmpi ne, %convert_element_type3A_872, %cond3A_873 : i32
      scf.if %cond3A_874 {
        %mul3A_1010 = arith.constant 80 : i32
        %mul3A_1011 = arith.muli %add3A_851, %mul3A_1010 : i32
        %dma_start3A_1012 = arith.constant 4 : i32
        %dma_start3A_1013 = arith.constant 4 : i32
        %dma_start3A_1014 = arith.constant 0 : i32
        %dma_start3A_1015 = arith.constant 0 : i32
        %dma_start3A_1016 = tpu.memref_slice %arg7[%dma_start3A_1012, %dma_start3A_1014, %dma_start3A_1015] : memref<10x80x16xf32, #tpu.memory_space<vmem>> -> memref<1x80x16xf32, #tpu.memory_space<vmem>>
        %dma_start3A_1017 = tpu.memref_squeeze %dma_start3A_1016 : memref<1x80x16xf32, #tpu.memory_space<vmem>> -> memref<80x16xf32, #tpu.memory_space<vmem>>
        %dma_start3A_1018 = tpu.memref_slice %arg5[%mul3A_1011] : memref<10000xi32, #tpu.memory_space<vmem>> -> memref<80xi32, #tpu.memory_space<vmem>>
        %dma_start3A_1019 = arith.constant 0 : i32
        %dma_start3A_1020 = arith.constant 0 : i32
        %dma_start3A_1021 = tpu.memref_slice %arg2[%dma_start3A_1019, %dma_start3A_1020] : memref<10240x16xf32, #tpu.memory_space<hbm>> -> memref<10240x16xf32, #tpu.memory_space<hbm>>
        %dma_start3A_1022 = tpu.memref_slice %arg10[%dma_start3A_1013] : memref<10x!tpu.dma_semaphore, #tpu.memory_space<semaphore_mem>> -> memref<1x!tpu.dma_semaphore, #tpu.memory_space<semaphore_mem>>
        %dma_start3A_1023 = tpu.memref_squeeze %dma_start3A_1022 : memref<1x!tpu.dma_semaphore, #tpu.memory_space<semaphore_mem>> -> memref<!tpu.dma_semaphore, #tpu.memory_space<semaphore_mem>>
        tpu.enqueue_indirect_dma source(%dma_start3A_1021 : memref<10240x16xf32, #tpu.memory_space<hbm>>) target(%dma_start3A_1017 : memref<80x16xf32, #tpu.memory_space<vmem>>) offsets(%dma_start3A_1018 : memref<80xi32, #tpu.memory_space<vmem>>) semaphore(%dma_start3A_1023 : memref<!tpu.dma_semaphore, #tpu.memory_space<semaphore_mem>>)
      } else {
      }
      %add3A_875 = arith.constant 10 : i32
      %add3A_876 = arith.addi %mul3A_402, %add3A_875 : i32
      %add3A_877 = arith.constant 5 : i32
      %add3A_878 = arith.addi %add3A_876, %add3A_877 : i32
      %dma_wait3A_879 = arith.constant 5 : i32
      %dma_wait3A_880 = arith.constant 5 : i32
      %dma_wait3A_881 = arith.constant 0 : i32
      %dma_wait3A_882 = arith.constant 0 : i32
      %dma_wait3A_883 = tpu.memref_slice %arg7[%dma_wait3A_879, %dma_wait3A_881, %dma_wait3A_882] : memref<10x80x16xf32, #tpu.memory_space<vmem>> -> memref<1x80x16xf32, #tpu.memory_space<vmem>>
      %dma_wait3A_884 = tpu.memref_squeeze %dma_wait3A_883 : memref<1x80x16xf32, #tpu.memory_space<vmem>> -> memref<80x16xf32, #tpu.memory_space<vmem>>
      %dma_wait3A_885 = arith.constant 0 : i32
      %dma_wait3A_886 = arith.constant 0 : i32
      %dma_wait3A_887 = tpu.memref_slice %arg9[%dma_wait3A_885, %dma_wait3A_886] : memref<10240x16xf32, #tpu.memory_space<vmem_shared>> -> memref<80x16xf32, #tpu.memory_space<vmem_shared>>
      %dma_wait3A_888 = tpu.memref_slice %arg11[%dma_wait3A_880] : memref<10x!tpu.dma_semaphore, #tpu.memory_space<semaphore_mem>> -> memref<1x!tpu.dma_semaphore, #tpu.memory_space<semaphore_mem>>
      %dma_wait3A_889 = tpu.memref_squeeze %dma_wait3A_888 : memref<1x!tpu.dma_semaphore, #tpu.memory_space<semaphore_mem>> -> memref<!tpu.dma_semaphore, #tpu.memory_space<semaphore_mem>>
      %dma_wait3A_890 = arith.constant 0 : i32
      %dma_wait3A_891 = arith.constant 0 : i32
      %dma_wait3A_892 = tpu.memref_slice %arg9[%dma_wait3A_890, %dma_wait3A_891] : memref<10240x16xf32, #tpu.memory_space<vmem_shared>> -> memref<80x16xf32, #tpu.memory_space<vmem_shared>>
      %dma_wait3A_893 = arith.constant 0 : i32
      %dma_wait3A_894 = arith.constant 0 : i32
      %dma_wait3A_895 = tpu.memref_slice %arg7[%dma_wait3A_879, %dma_wait3A_893, %dma_wait3A_894] : memref<10x80x16xf32, #tpu.memory_space<vmem>> -> memref<1x80x16xf32, #tpu.memory_space<vmem>>
      %dma_wait3A_896 = tpu.memref_squeeze %dma_wait3A_895 : memref<1x80x16xf32, #tpu.memory_space<vmem>> -> memref<80x16xf32, #tpu.memory_space<vmem>>
      tpu.wait_dma2 semaphore(%dma_wait3A_889 : memref<!tpu.dma_semaphore, #tpu.memory_space<semaphore_mem>>) src(%dma_wait3A_896 : memref<80x16xf32, #tpu.memory_space<vmem>>) dst(%dma_wait3A_892 : memref<80x16xf32, #tpu.memory_space<vmem_shared>>)
      %lt3A_897 = arith.constant 125 : i32
      %lt3A_898 = arith.cmpi slt, %add3A_878, %lt3A_897 : i32
      %convert_element_type3A_899 = arith.extui %lt3A_898 : i1 to i32
      %cond3A_900 = arith.constant 0 : i32
      %cond3A_901 = arith.cmpi ne, %convert_element_type3A_899, %cond3A_900 : i32
      scf.if %cond3A_901 {
        %mul3A_1010 = arith.constant 80 : i32
        %mul3A_1011 = arith.muli %add3A_878, %mul3A_1010 : i32
        %dma_start3A_1012 = arith.constant 5 : i32
        %dma_start3A_1013 = arith.constant 5 : i32
        %dma_start3A_1014 = arith.constant 0 : i32
        %dma_start3A_1015 = arith.constant 0 : i32
        %dma_start3A_1016 = tpu.memref_slice %arg7[%dma_start3A_1012, %dma_start3A_1014, %dma_start3A_1015] : memref<10x80x16xf32, #tpu.memory_space<vmem>> -> memref<1x80x16xf32, #tpu.memory_space<vmem>>
        %dma_start3A_1017 = tpu.memref_squeeze %dma_start3A_1016 : memref<1x80x16xf32, #tpu.memory_space<vmem>> -> memref<80x16xf32, #tpu.memory_space<vmem>>
        %dma_start3A_1018 = tpu.memref_slice %arg5[%mul3A_1011] : memref<10000xi32, #tpu.memory_space<vmem>> -> memref<80xi32, #tpu.memory_space<vmem>>
        %dma_start3A_1019 = arith.constant 0 : i32
        %dma_start3A_1020 = arith.constant 0 : i32
        %dma_start3A_1021 = tpu.memref_slice %arg2[%dma_start3A_1019, %dma_start3A_1020] : memref<10240x16xf32, #tpu.memory_space<hbm>> -> memref<10240x16xf32, #tpu.memory_space<hbm>>
        %dma_start3A_1022 = tpu.memref_slice %arg10[%dma_start3A_1013] : memref<10x!tpu.dma_semaphore, #tpu.memory_space<semaphore_mem>> -> memref<1x!tpu.dma_semaphore, #tpu.memory_space<semaphore_mem>>
        %dma_start3A_1023 = tpu.memref_squeeze %dma_start3A_1022 : memref<1x!tpu.dma_semaphore, #tpu.memory_space<semaphore_mem>> -> memref<!tpu.dma_semaphore, #tpu.memory_space<semaphore_mem>>
        tpu.enqueue_indirect_dma source(%dma_start3A_1021 : memref<10240x16xf32, #tpu.memory_space<hbm>>) target(%dma_start3A_1017 : memref<80x16xf32, #tpu.memory_space<vmem>>) offsets(%dma_start3A_1018 : memref<80xi32, #tpu.memory_space<vmem>>) semaphore(%dma_start3A_1023 : memref<!tpu.dma_semaphore, #tpu.memory_space<semaphore_mem>>)
      } else {
      }
      %add3A_902 = arith.constant 10 : i32
      %add3A_903 = arith.addi %mul3A_402, %add3A_902 : i32
      %add3A_904 = arith.constant 6 : i32
      %add3A_905 = arith.addi %add3A_903, %add3A_904 : i32
      %dma_wait3A_906 = arith.constant 6 : i32
      %dma_wait3A_907 = arith.constant 6 : i32
      %dma_wait3A_908 = arith.constant 0 : i32
      %dma_wait3A_909 = arith.constant 0 : i32
      %dma_wait3A_910 = tpu.memref_slice %arg7[%dma_wait3A_906, %dma_wait3A_908, %dma_wait3A_909] : memref<10x80x16xf32, #tpu.memory_space<vmem>> -> memref<1x80x16xf32, #tpu.memory_space<vmem>>
      %dma_wait3A_911 = tpu.memref_squeeze %dma_wait3A_910 : memref<1x80x16xf32, #tpu.memory_space<vmem>> -> memref<80x16xf32, #tpu.memory_space<vmem>>
      %dma_wait3A_912 = arith.constant 0 : i32
      %dma_wait3A_913 = arith.constant 0 : i32
      %dma_wait3A_914 = tpu.memref_slice %arg9[%dma_wait3A_912, %dma_wait3A_913] : memref<10240x16xf32, #tpu.memory_space<vmem_shared>> -> memref<80x16xf32, #tpu.memory_space<vmem_shared>>
      %dma_wait3A_915 = tpu.memref_slice %arg11[%dma_wait3A_907] : memref<10x!tpu.dma_semaphore, #tpu.memory_space<semaphore_mem>> -> memref<1x!tpu.dma_semaphore, #tpu.memory_space<semaphore_mem>>
      %dma_wait3A_916 = tpu.memref_squeeze %dma_wait3A_915 : memref<1x!tpu.dma_semaphore, #tpu.memory_space<semaphore_mem>> -> memref<!tpu.dma_semaphore, #tpu.memory_space<semaphore_mem>>
      %dma_wait3A_917 = arith.constant 0 : i32
      %dma_wait3A_918 = arith.constant 0 : i32
      %dma_wait3A_919 = tpu.memref_slice %arg9[%dma_wait3A_917, %dma_wait3A_918] : memref<10240x16xf32, #tpu.memory_space<vmem_shared>> -> memref<80x16xf32, #tpu.memory_space<vmem_shared>>
      %dma_wait3A_920 = arith.constant 0 : i32
      %dma_wait3A_921 = arith.constant 0 : i32
      %dma_wait3A_922 = tpu.memref_slice %arg7[%dma_wait3A_906, %dma_wait3A_920, %dma_wait3A_921] : memref<10x80x16xf32, #tpu.memory_space<vmem>> -> memref<1x80x16xf32, #tpu.memory_space<vmem>>
      %dma_wait3A_923 = tpu.memref_squeeze %dma_wait3A_922 : memref<1x80x16xf32, #tpu.memory_space<vmem>> -> memref<80x16xf32, #tpu.memory_space<vmem>>
      tpu.wait_dma2 semaphore(%dma_wait3A_916 : memref<!tpu.dma_semaphore, #tpu.memory_space<semaphore_mem>>) src(%dma_wait3A_923 : memref<80x16xf32, #tpu.memory_space<vmem>>) dst(%dma_wait3A_919 : memref<80x16xf32, #tpu.memory_space<vmem_shared>>)
      %lt3A_924 = arith.constant 125 : i32
      %lt3A_925 = arith.cmpi slt, %add3A_905, %lt3A_924 : i32
      %convert_element_type3A_926 = arith.extui %lt3A_925 : i1 to i32
      %cond3A_927 = arith.constant 0 : i32
      %cond3A_928 = arith.cmpi ne, %convert_element_type3A_926, %cond3A_927 : i32
      scf.if %cond3A_928 {
        %mul3A_1010 = arith.constant 80 : i32
        %mul3A_1011 = arith.muli %add3A_905, %mul3A_1010 : i32
        %dma_start3A_1012 = arith.constant 6 : i32
        %dma_start3A_1013 = arith.constant 6 : i32
        %dma_start3A_1014 = arith.constant 0 : i32
        %dma_start3A_1015 = arith.constant 0 : i32
        %dma_start3A_1016 = tpu.memref_slice %arg7[%dma_start3A_1012, %dma_start3A_1014, %dma_start3A_1015] : memref<10x80x16xf32, #tpu.memory_space<vmem>> -> memref<1x80x16xf32, #tpu.memory_space<vmem>>
        %dma_start3A_1017 = tpu.memref_squeeze %dma_start3A_1016 : memref<1x80x16xf32, #tpu.memory_space<vmem>> -> memref<80x16xf32, #tpu.memory_space<vmem>>
        %dma_start3A_1018 = tpu.memref_slice %arg5[%mul3A_1011] : memref<10000xi32, #tpu.memory_space<vmem>> -> memref<80xi32, #tpu.memory_space<vmem>>
        %dma_start3A_1019 = arith.constant 0 : i32
        %dma_start3A_1020 = arith.constant 0 : i32
        %dma_start3A_1021 = tpu.memref_slice %arg2[%dma_start3A_1019, %dma_start3A_1020] : memref<10240x16xf32, #tpu.memory_space<hbm>> -> memref<10240x16xf32, #tpu.memory_space<hbm>>
        %dma_start3A_1022 = tpu.memref_slice %arg10[%dma_start3A_1013] : memref<10x!tpu.dma_semaphore, #tpu.memory_space<semaphore_mem>> -> memref<1x!tpu.dma_semaphore, #tpu.memory_space<semaphore_mem>>
        %dma_start3A_1023 = tpu.memref_squeeze %dma_start3A_1022 : memref<1x!tpu.dma_semaphore, #tpu.memory_space<semaphore_mem>> -> memref<!tpu.dma_semaphore, #tpu.memory_space<semaphore_mem>>
        tpu.enqueue_indirect_dma source(%dma_start3A_1021 : memref<10240x16xf32, #tpu.memory_space<hbm>>) target(%dma_start3A_1017 : memref<80x16xf32, #tpu.memory_space<vmem>>) offsets(%dma_start3A_1018 : memref<80xi32, #tpu.memory_space<vmem>>) semaphore(%dma_start3A_1023 : memref<!tpu.dma_semaphore, #tpu.memory_space<semaphore_mem>>)
      } else {
      }
      %add3A_929 = arith.constant 10 : i32
      %add3A_930 = arith.addi %mul3A_402, %add3A_929 : i32
      %add3A_931 = arith.constant 7 : i32
      %add3A_932 = arith.addi %add3A_930, %add3A_931 : i32
      %dma_wait3A_933 = arith.constant 7 : i32
      %dma_wait3A_934 = arith.constant 7 : i32
      %dma_wait3A_935 = arith.constant 0 : i32
      %dma_wait3A_936 = arith.constant 0 : i32
      %dma_wait3A_937 = tpu.memref_slice %arg7[%dma_wait3A_933, %dma_wait3A_935, %dma_wait3A_936] : memref<10x80x16xf32, #tpu.memory_space<vmem>> -> memref<1x80x16xf32, #tpu.memory_space<vmem>>
      %dma_wait3A_938 = tpu.memref_squeeze %dma_wait3A_937 : memref<1x80x16xf32, #tpu.memory_space<vmem>> -> memref<80x16xf32, #tpu.memory_space<vmem>>
      %dma_wait3A_939 = arith.constant 0 : i32
      %dma_wait3A_940 = arith.constant 0 : i32
      %dma_wait3A_941 = tpu.memref_slice %arg9[%dma_wait3A_939, %dma_wait3A_940] : memref<10240x16xf32, #tpu.memory_space<vmem_shared>> -> memref<80x16xf32, #tpu.memory_space<vmem_shared>>
      %dma_wait3A_942 = tpu.memref_slice %arg11[%dma_wait3A_934] : memref<10x!tpu.dma_semaphore, #tpu.memory_space<semaphore_mem>> -> memref<1x!tpu.dma_semaphore, #tpu.memory_space<semaphore_mem>>
      %dma_wait3A_943 = tpu.memref_squeeze %dma_wait3A_942 : memref<1x!tpu.dma_semaphore, #tpu.memory_space<semaphore_mem>> -> memref<!tpu.dma_semaphore, #tpu.memory_space<semaphore_mem>>
      %dma_wait3A_944 = arith.constant 0 : i32
      %dma_wait3A_945 = arith.constant 0 : i32
      %dma_wait3A_946 = tpu.memref_slice %arg9[%dma_wait3A_944, %dma_wait3A_945] : memref<10240x16xf32, #tpu.memory_space<vmem_shared>> -> memref<80x16xf32, #tpu.memory_space<vmem_shared>>
      %dma_wait3A_947 = arith.constant 0 : i32
      %dma_wait3A_948 = arith.constant 0 : i32
      %dma_wait3A_949 = tpu.memref_slice %arg7[%dma_wait3A_933, %dma_wait3A_947, %dma_wait3A_948] : memref<10x80x16xf32, #tpu.memory_space<vmem>> -> memref<1x80x16xf32, #tpu.memory_space<vmem>>
      %dma_wait3A_950 = tpu.memref_squeeze %dma_wait3A_949 : memref<1x80x16xf32, #tpu.memory_space<vmem>> -> memref<80x16xf32, #tpu.memory_space<vmem>>
      tpu.wait_dma2 semaphore(%dma_wait3A_943 : memref<!tpu.dma_semaphore, #tpu.memory_space<semaphore_mem>>) src(%dma_wait3A_950 : memref<80x16xf32, #tpu.memory_space<vmem>>) dst(%dma_wait3A_946 : memref<80x16xf32, #tpu.memory_space<vmem_shared>>)
      %lt3A_951 = arith.constant 125 : i32
      %lt3A_952 = arith.cmpi slt, %add3A_932, %lt3A_951 : i32
      %convert_element_type3A_953 = arith.extui %lt3A_952 : i1 to i32
      %cond3A_954 = arith.constant 0 : i32
      %cond3A_955 = arith.cmpi ne, %convert_element_type3A_953, %cond3A_954 : i32
      scf.if %cond3A_955 {
        %mul3A_1010 = arith.constant 80 : i32
        %mul3A_1011 = arith.muli %add3A_932, %mul3A_1010 : i32
        %dma_start3A_1012 = arith.constant 7 : i32
        %dma_start3A_1013 = arith.constant 7 : i32
        %dma_start3A_1014 = arith.constant 0 : i32
        %dma_start3A_1015 = arith.constant 0 : i32
        %dma_start3A_1016 = tpu.memref_slice %arg7[%dma_start3A_1012, %dma_start3A_1014, %dma_start3A_1015] : memref<10x80x16xf32, #tpu.memory_space<vmem>> -> memref<1x80x16xf32, #tpu.memory_space<vmem>>
        %dma_start3A_1017 = tpu.memref_squeeze %dma_start3A_1016 : memref<1x80x16xf32, #tpu.memory_space<vmem>> -> memref<80x16xf32, #tpu.memory_space<vmem>>
        %dma_start3A_1018 = tpu.memref_slice %arg5[%mul3A_1011] : memref<10000xi32, #tpu.memory_space<vmem>> -> memref<80xi32, #tpu.memory_space<vmem>>
        %dma_start3A_1019 = arith.constant 0 : i32
        %dma_start3A_1020 = arith.constant 0 : i32
        %dma_start3A_1021 = tpu.memref_slice %arg2[%dma_start3A_1019, %dma_start3A_1020] : memref<10240x16xf32, #tpu.memory_space<hbm>> -> memref<10240x16xf32, #tpu.memory_space<hbm>>
        %dma_start3A_1022 = tpu.memref_slice %arg10[%dma_start3A_1013] : memref<10x!tpu.dma_semaphore, #tpu.memory_space<semaphore_mem>> -> memref<1x!tpu.dma_semaphore, #tpu.memory_space<semaphore_mem>>
        %dma_start3A_1023 = tpu.memref_squeeze %dma_start3A_1022 : memref<1x!tpu.dma_semaphore, #tpu.memory_space<semaphore_mem>> -> memref<!tpu.dma_semaphore, #tpu.memory_space<semaphore_mem>>
        tpu.enqueue_indirect_dma source(%dma_start3A_1021 : memref<10240x16xf32, #tpu.memory_space<hbm>>) target(%dma_start3A_1017 : memref<80x16xf32, #tpu.memory_space<vmem>>) offsets(%dma_start3A_1018 : memref<80xi32, #tpu.memory_space<vmem>>) semaphore(%dma_start3A_1023 : memref<!tpu.dma_semaphore, #tpu.memory_space<semaphore_mem>>)
      } else {
      }
      %add3A_956 = arith.constant 10 : i32
      %add3A_957 = arith.addi %mul3A_402, %add3A_956 : i32
      %add3A_958 = arith.constant 8 : i32
      %add3A_959 = arith.addi %add3A_957, %add3A_958 : i32
      %dma_wait3A_960 = arith.constant 8 : i32
      %dma_wait3A_961 = arith.constant 8 : i32
      %dma_wait3A_962 = arith.constant 0 : i32
      %dma_wait3A_963 = arith.constant 0 : i32
      %dma_wait3A_964 = tpu.memref_slice %arg7[%dma_wait3A_960, %dma_wait3A_962, %dma_wait3A_963] : memref<10x80x16xf32, #tpu.memory_space<vmem>> -> memref<1x80x16xf32, #tpu.memory_space<vmem>>
      %dma_wait3A_965 = tpu.memref_squeeze %dma_wait3A_964 : memref<1x80x16xf32, #tpu.memory_space<vmem>> -> memref<80x16xf32, #tpu.memory_space<vmem>>
      %dma_wait3A_966 = arith.constant 0 : i32
      %dma_wait3A_967 = arith.constant 0 : i32
      %dma_wait3A_968 = tpu.memref_slice %arg9[%dma_wait3A_966, %dma_wait3A_967] : memref<10240x16xf32, #tpu.memory_space<vmem_shared>> -> memref<80x16xf32, #tpu.memory_space<vmem_shared>>
      %dma_wait3A_969 = tpu.memref_slice %arg11[%dma_wait3A_961] : memref<10x!tpu.dma_semaphore, #tpu.memory_space<semaphore_mem>> -> memref<1x!tpu.dma_semaphore, #tpu.memory_space<semaphore_mem>>
      %dma_wait3A_970 = tpu.memref_squeeze %dma_wait3A_969 : memref<1x!tpu.dma_semaphore, #tpu.memory_space<semaphore_mem>> -> memref<!tpu.dma_semaphore, #tpu.memory_space<semaphore_mem>>
      %dma_wait3A_971 = arith.constant 0 : i32
      %dma_wait3A_972 = arith.constant 0 : i32
      %dma_wait3A_973 = tpu.memref_slice %arg9[%dma_wait3A_971, %dma_wait3A_972] : memref<10240x16xf32, #tpu.memory_space<vmem_shared>> -> memref<80x16xf32, #tpu.memory_space<vmem_shared>>
      %dma_wait3A_974 = arith.constant 0 : i32
      %dma_wait3A_975 = arith.constant 0 : i32
      %dma_wait3A_976 = tpu.memref_slice %arg7[%dma_wait3A_960, %dma_wait3A_974, %dma_wait3A_975] : memref<10x80x16xf32, #tpu.memory_space<vmem>> -> memref<1x80x16xf32, #tpu.memory_space<vmem>>
      %dma_wait3A_977 = tpu.memref_squeeze %dma_wait3A_976 : memref<1x80x16xf32, #tpu.memory_space<vmem>> -> memref<80x16xf32, #tpu.memory_space<vmem>>
      tpu.wait_dma2 semaphore(%dma_wait3A_970 : memref<!tpu.dma_semaphore, #tpu.memory_space<semaphore_mem>>) src(%dma_wait3A_977 : memref<80x16xf32, #tpu.memory_space<vmem>>) dst(%dma_wait3A_973 : memref<80x16xf32, #tpu.memory_space<vmem_shared>>)
      %lt3A_978 = arith.constant 125 : i32
      %lt3A_979 = arith.cmpi slt, %add3A_959, %lt3A_978 : i32
      %convert_element_type3A_980 = arith.extui %lt3A_979 : i1 to i32
      %cond3A_981 = arith.constant 0 : i32
      %cond3A_982 = arith.cmpi ne, %convert_element_type3A_980, %cond3A_981 : i32
      scf.if %cond3A_982 {
        %mul3A_1010 = arith.constant 80 : i32
        %mul3A_1011 = arith.muli %add3A_959, %mul3A_1010 : i32
        %dma_start3A_1012 = arith.constant 8 : i32
        %dma_start3A_1013 = arith.constant 8 : i32
        %dma_start3A_1014 = arith.constant 0 : i32
        %dma_start3A_1015 = arith.constant 0 : i32
        %dma_start3A_1016 = tpu.memref_slice %arg7[%dma_start3A_1012, %dma_start3A_1014, %dma_start3A_1015] : memref<10x80x16xf32, #tpu.memory_space<vmem>> -> memref<1x80x16xf32, #tpu.memory_space<vmem>>
        %dma_start3A_1017 = tpu.memref_squeeze %dma_start3A_1016 : memref<1x80x16xf32, #tpu.memory_space<vmem>> -> memref<80x16xf32, #tpu.memory_space<vmem>>
        %dma_start3A_1018 = tpu.memref_slice %arg5[%mul3A_1011] : memref<10000xi32, #tpu.memory_space<vmem>> -> memref<80xi32, #tpu.memory_space<vmem>>
        %dma_start3A_1019 = arith.constant 0 : i32
        %dma_start3A_1020 = arith.constant 0 : i32
        %dma_start3A_1021 = tpu.memref_slice %arg2[%dma_start3A_1019, %dma_start3A_1020] : memref<10240x16xf32, #tpu.memory_space<hbm>> -> memref<10240x16xf32, #tpu.memory_space<hbm>>
        %dma_start3A_1022 = tpu.memref_slice %arg10[%dma_start3A_1013] : memref<10x!tpu.dma_semaphore, #tpu.memory_space<semaphore_mem>> -> memref<1x!tpu.dma_semaphore, #tpu.memory_space<semaphore_mem>>
        %dma_start3A_1023 = tpu.memref_squeeze %dma_start3A_1022 : memref<1x!tpu.dma_semaphore, #tpu.memory_space<semaphore_mem>> -> memref<!tpu.dma_semaphore, #tpu.memory_space<semaphore_mem>>
        tpu.enqueue_indirect_dma source(%dma_start3A_1021 : memref<10240x16xf32, #tpu.memory_space<hbm>>) target(%dma_start3A_1017 : memref<80x16xf32, #tpu.memory_space<vmem>>) offsets(%dma_start3A_1018 : memref<80xi32, #tpu.memory_space<vmem>>) semaphore(%dma_start3A_1023 : memref<!tpu.dma_semaphore, #tpu.memory_space<semaphore_mem>>)
      } else {
      }
      %add3A_983 = arith.constant 10 : i32
      %add3A_984 = arith.addi %mul3A_402, %add3A_983 : i32
      %add3A_985 = arith.constant 9 : i32
      %add3A_986 = arith.addi %add3A_984, %add3A_985 : i32
      %dma_wait3A_987 = arith.constant 9 : i32
      %dma_wait3A_988 = arith.constant 9 : i32
      %dma_wait3A_989 = arith.constant 0 : i32
      %dma_wait3A_990 = arith.constant 0 : i32
      %dma_wait3A_991 = tpu.memref_slice %arg7[%dma_wait3A_987, %dma_wait3A_989, %dma_wait3A_990] : memref<10x80x16xf32, #tpu.memory_space<vmem>> -> memref<1x80x16xf32, #tpu.memory_space<vmem>>
      %dma_wait3A_992 = tpu.memref_squeeze %dma_wait3A_991 : memref<1x80x16xf32, #tpu.memory_space<vmem>> -> memref<80x16xf32, #tpu.memory_space<vmem>>
      %dma_wait3A_993 = arith.constant 0 : i32
      %dma_wait3A_994 = arith.constant 0 : i32
      %dma_wait3A_995 = tpu.memref_slice %arg9[%dma_wait3A_993, %dma_wait3A_994] : memref<10240x16xf32, #tpu.memory_space<vmem_shared>> -> memref<80x16xf32, #tpu.memory_space<vmem_shared>>
      %dma_wait3A_996 = tpu.memref_slice %arg11[%dma_wait3A_988] : memref<10x!tpu.dma_semaphore, #tpu.memory_space<semaphore_mem>> -> memref<1x!tpu.dma_semaphore, #tpu.memory_space<semaphore_mem>>
      %dma_wait3A_997 = tpu.memref_squeeze %dma_wait3A_996 : memref<1x!tpu.dma_semaphore, #tpu.memory_space<semaphore_mem>> -> memref<!tpu.dma_semaphore, #tpu.memory_space<semaphore_mem>>
      %dma_wait3A_998 = arith.constant 0 : i32
      %dma_wait3A_999 = arith.constant 0 : i32
      %dma_wait3A_1000 = tpu.memref_slice %arg9[%dma_wait3A_998, %dma_wait3A_999] : memref<10240x16xf32, #tpu.memory_space<vmem_shared>> -> memref<80x16xf32, #tpu.memory_space<vmem_shared>>
      %dma_wait3A_1001 = arith.constant 0 : i32
      %dma_wait3A_1002 = arith.constant 0 : i32
      %dma_wait3A_1003 = tpu.memref_slice %arg7[%dma_wait3A_987, %dma_wait3A_1001, %dma_wait3A_1002] : memref<10x80x16xf32, #tpu.memory_space<vmem>> -> memref<1x80x16xf32, #tpu.memory_space<vmem>>
      %dma_wait3A_1004 = tpu.memref_squeeze %dma_wait3A_1003 : memref<1x80x16xf32, #tpu.memory_space<vmem>> -> memref<80x16xf32, #tpu.memory_space<vmem>>
      tpu.wait_dma2 semaphore(%dma_wait3A_997 : memref<!tpu.dma_semaphore, #tpu.memory_space<semaphore_mem>>) src(%dma_wait3A_1004 : memref<80x16xf32, #tpu.memory_space<vmem>>) dst(%dma_wait3A_1000 : memref<80x16xf32, #tpu.memory_space<vmem_shared>>)
      %lt3A_1005 = arith.constant 125 : i32
      %lt3A_1006 = arith.cmpi slt, %add3A_986, %lt3A_1005 : i32
      %convert_element_type3A_1007 = arith.extui %lt3A_1006 : i1 to i32
      %cond3A_1008 = arith.constant 0 : i32
      %cond3A_1009 = arith.cmpi ne, %convert_element_type3A_1007, %cond3A_1008 : i32
      scf.if %cond3A_1009 {
        %mul3A_1010 = arith.constant 80 : i32
        %mul3A_1011 = arith.muli %add3A_986, %mul3A_1010 : i32
        %dma_start3A_1012 = arith.constant 9 : i32
        %dma_start3A_1013 = arith.constant 9 : i32
        %dma_start3A_1014 = arith.constant 0 : i32
        %dma_start3A_1015 = arith.constant 0 : i32
        %dma_start3A_1016 = tpu.memref_slice %arg7[%dma_start3A_1012, %dma_start3A_1014, %dma_start3A_1015] : memref<10x80x16xf32, #tpu.memory_space<vmem>> -> memref<1x80x16xf32, #tpu.memory_space<vmem>>
        %dma_start3A_1017 = tpu.memref_squeeze %dma_start3A_1016 : memref<1x80x16xf32, #tpu.memory_space<vmem>> -> memref<80x16xf32, #tpu.memory_space<vmem>>
        %dma_start3A_1018 = tpu.memref_slice %arg5[%mul3A_1011] : memref<10000xi32, #tpu.memory_space<vmem>> -> memref<80xi32, #tpu.memory_space<vmem>>
        %dma_start3A_1019 = arith.constant 0 : i32
        %dma_start3A_1020 = arith.constant 0 : i32
        %dma_start3A_1021 = tpu.memref_slice %arg2[%dma_start3A_1019, %dma_start3A_1020] : memref<10240x16xf32, #tpu.memory_space<hbm>> -> memref<10240x16xf32, #tpu.memory_space<hbm>>
        %dma_start3A_1022 = tpu.memref_slice %arg10[%dma_start3A_1013] : memref<10x!tpu.dma_semaphore, #tpu.memory_space<semaphore_mem>> -> memref<1x!tpu.dma_semaphore, #tpu.memory_space<semaphore_mem>>
        %dma_start3A_1023 = tpu.memref_squeeze %dma_start3A_1022 : memref<1x!tpu.dma_semaphore, #tpu.memory_space<semaphore_mem>> -> memref<!tpu.dma_semaphore, #tpu.memory_space<semaphore_mem>>
        tpu.enqueue_indirect_dma source(%dma_start3A_1021 : memref<10240x16xf32, #tpu.memory_space<hbm>>) target(%dma_start3A_1017 : memref<80x16xf32, #tpu.memory_space<vmem>>) offsets(%dma_start3A_1018 : memref<80xi32, #tpu.memory_space<vmem>>) semaphore(%dma_start3A_1023 : memref<!tpu.dma_semaphore, #tpu.memory_space<semaphore_mem>>)
      } else {
      }
    }
    %scan3A_146 = arith.constant 12 : i32
    %dma_wait3A = arith.constant 0 : i32
    %dma_wait3A_147 = arith.constant 0 : i32
    %dma_wait3A_148 = arith.constant 0 : i32
    %dma_wait3A_149 = arith.constant 0 : i32
    %dma_wait3A_150 = tpu.memref_slice %arg7[%dma_wait3A, %dma_wait3A_148, %dma_wait3A_149] : memref<10x80x16xf32, #tpu.memory_space<vmem>> -> memref<1x80x16xf32, #tpu.memory_space<vmem>>
    %dma_wait3A_151 = tpu.memref_squeeze %dma_wait3A_150 : memref<1x80x16xf32, #tpu.memory_space<vmem>> -> memref<80x16xf32, #tpu.memory_space<vmem>>
    %dma_wait3A_152 = arith.constant 0 : i32
    %dma_wait3A_153 = arith.constant 0 : i32
    %dma_wait3A_154 = tpu.memref_slice %arg2[%dma_wait3A_152, %dma_wait3A_153] : memref<10240x16xf32, #tpu.memory_space<hbm>> -> memref<80x16xf32, #tpu.memory_space<hbm>>
    %dma_wait3A_155 = tpu.memref_slice %arg10[%dma_wait3A_147] : memref<10x!tpu.dma_semaphore, #tpu.memory_space<semaphore_mem>> -> memref<1x!tpu.dma_semaphore, #tpu.memory_space<semaphore_mem>>
    %dma_wait3A_156 = tpu.memref_squeeze %dma_wait3A_155 : memref<1x!tpu.dma_semaphore, #tpu.memory_space<semaphore_mem>> -> memref<!tpu.dma_semaphore, #tpu.memory_space<semaphore_mem>>
    %dma_wait3A_157 = arith.constant 0 : i32
    %dma_wait3A_158 = arith.constant 0 : i32
    %dma_wait3A_159 = tpu.memref_slice %arg7[%dma_wait3A, %dma_wait3A_157, %dma_wait3A_158] : memref<10x80x16xf32, #tpu.memory_space<vmem>> -> memref<1x80x16xf32, #tpu.memory_space<vmem>>
    %dma_wait3A_160 = tpu.memref_squeeze %dma_wait3A_159 : memref<1x80x16xf32, #tpu.memory_space<vmem>> -> memref<80x16xf32, #tpu.memory_space<vmem>>
    %dma_wait3A_161 = arith.constant 0 : i32
    %dma_wait3A_162 = arith.constant 0 : i32
    %dma_wait3A_163 = tpu.memref_slice %arg2[%dma_wait3A_161, %dma_wait3A_162] : memref<10240x16xf32, #tpu.memory_space<hbm>> -> memref<80x16xf32, #tpu.memory_space<hbm>>
    tpu.wait_dma2 semaphore(%dma_wait3A_156 : memref<!tpu.dma_semaphore, #tpu.memory_space<semaphore_mem>>) src(%dma_wait3A_163 : memref<80x16xf32, #tpu.memory_space<hbm>>) dst(%dma_wait3A_160 : memref<80x16xf32, #tpu.memory_space<vmem>>)
    %dma_start3A_164 = arith.constant 0 : i32
    %dma_start3A_165 = arith.constant 0 : i32
    %dma_start3A_166 = arith.constant 0 : i32
    %dma_start3A_167 = arith.constant 0 : i32
    %dma_start3A_168 = tpu.memref_slice %arg7[%dma_start3A_164, %dma_start3A_166, %dma_start3A_167] : memref<10x80x16xf32, #tpu.memory_space<vmem>> -> memref<1x80x16xf32, #tpu.memory_space<vmem>>
    %dma_start3A_169 = tpu.memref_squeeze %dma_start3A_168 : memref<1x80x16xf32, #tpu.memory_space<vmem>> -> memref<80x16xf32, #tpu.memory_space<vmem>>
    %dma_start3A_170 = arith.constant 9600 : i32
    %dma_start3A_171 = tpu.memref_slice %arg6[%dma_start3A_170] : memref<10000xi32, #tpu.memory_space<vmem>> -> memref<80xi32, #tpu.memory_space<vmem>>
    %dma_start3A_172 = arith.constant 0 : i32
    %dma_start3A_173 = arith.constant 0 : i32
    %dma_start3A_174 = tpu.memref_slice %arg9[%dma_start3A_172, %dma_start3A_173] : memref<10240x16xf32, #tpu.memory_space<vmem_shared>> -> memref<10240x16xf32, #tpu.memory_space<vmem_shared>>
    %dma_start3A_175 = tpu.memref_slice %arg11[%dma_start3A_165] : memref<10x!tpu.dma_semaphore, #tpu.memory_space<semaphore_mem>> -> memref<1x!tpu.dma_semaphore, #tpu.memory_space<semaphore_mem>>
    %dma_start3A_176 = tpu.memref_squeeze %dma_start3A_175 : memref<1x!tpu.dma_semaphore, #tpu.memory_space<semaphore_mem>> -> memref<!tpu.dma_semaphore, #tpu.memory_space<semaphore_mem>>
    tpu.enqueue_indirect_dma source(%dma_start3A_169 : memref<80x16xf32, #tpu.memory_space<vmem>>) target(%dma_start3A_174 : memref<10240x16xf32, #tpu.memory_space<vmem_shared>>) offsets(%dma_start3A_171 : memref<80xi32, #tpu.memory_space<vmem>>) semaphore(%dma_start3A_176 : memref<!tpu.dma_semaphore, #tpu.memory_space<semaphore_mem>>) {add = true}
    %dma_wait3A_177 = arith.constant 1 : i32
    %dma_wait3A_178 = arith.constant 1 : i32
    %dma_wait3A_179 = arith.constant 0 : i32
    %dma_wait3A_180 = arith.constant 0 : i32
    %dma_wait3A_181 = tpu.memref_slice %arg7[%dma_wait3A_177, %dma_wait3A_179, %dma_wait3A_180] : memref<10x80x16xf32, #tpu.memory_space<vmem>> -> memref<1x80x16xf32, #tpu.memory_space<vmem>>
    %dma_wait3A_182 = tpu.memref_squeeze %dma_wait3A_181 : memref<1x80x16xf32, #tpu.memory_space<vmem>> -> memref<80x16xf32, #tpu.memory_space<vmem>>
    %dma_wait3A_183 = arith.constant 0 : i32
    %dma_wait3A_184 = arith.constant 0 : i32
    %dma_wait3A_185 = tpu.memref_slice %arg2[%dma_wait3A_183, %dma_wait3A_184] : memref<10240x16xf32, #tpu.memory_space<hbm>> -> memref<80x16xf32, #tpu.memory_space<hbm>>
    %dma_wait3A_186 = tpu.memref_slice %arg10[%dma_wait3A_178] : memref<10x!tpu.dma_semaphore, #tpu.memory_space<semaphore_mem>> -> memref<1x!tpu.dma_semaphore, #tpu.memory_space<semaphore_mem>>
    %dma_wait3A_187 = tpu.memref_squeeze %dma_wait3A_186 : memref<1x!tpu.dma_semaphore, #tpu.memory_space<semaphore_mem>> -> memref<!tpu.dma_semaphore, #tpu.memory_space<semaphore_mem>>
    %dma_wait3A_188 = arith.constant 0 : i32
    %dma_wait3A_189 = arith.constant 0 : i32
    %dma_wait3A_190 = tpu.memref_slice %arg7[%dma_wait3A_177, %dma_wait3A_188, %dma_wait3A_189] : memref<10x80x16xf32, #tpu.memory_space<vmem>> -> memref<1x80x16xf32, #tpu.memory_space<vmem>>
    %dma_wait3A_191 = tpu.memref_squeeze %dma_wait3A_190 : memref<1x80x16xf32, #tpu.memory_space<vmem>> -> memref<80x16xf32, #tpu.memory_space<vmem>>
    %dma_wait3A_192 = arith.constant 0 : i32
    %dma_wait3A_193 = arith.constant 0 : i32
    %dma_wait3A_194 = tpu.memref_slice %arg2[%dma_wait3A_192, %dma_wait3A_193] : memref<10240x16xf32, #tpu.memory_space<hbm>> -> memref<80x16xf32, #tpu.memory_space<hbm>>
    tpu.wait_dma2 semaphore(%dma_wait3A_187 : memref<!tpu.dma_semaphore, #tpu.memory_space<semaphore_mem>>) src(%dma_wait3A_194 : memref<80x16xf32, #tpu.memory_space<hbm>>) dst(%dma_wait3A_191 : memref<80x16xf32, #tpu.memory_space<vmem>>)
    %dma_start3A_195 = arith.constant 1 : i32
    %dma_start3A_196 = arith.constant 1 : i32
    %dma_start3A_197 = arith.constant 0 : i32
    %dma_start3A_198 = arith.constant 0 : i32
    %dma_start3A_199 = tpu.memref_slice %arg7[%dma_start3A_195, %dma_start3A_197, %dma_start3A_198] : memref<10x80x16xf32, #tpu.memory_space<vmem>> -> memref<1x80x16xf32, #tpu.memory_space<vmem>>
    %dma_start3A_200 = tpu.memref_squeeze %dma_start3A_199 : memref<1x80x16xf32, #tpu.memory_space<vmem>> -> memref<80x16xf32, #tpu.memory_space<vmem>>
    %dma_start3A_201 = arith.constant 9680 : i32
    %dma_start3A_202 = tpu.memref_slice %arg6[%dma_start3A_201] : memref<10000xi32, #tpu.memory_space<vmem>> -> memref<80xi32, #tpu.memory_space<vmem>>
    %dma_start3A_203 = arith.constant 0 : i32
    %dma_start3A_204 = arith.constant 0 : i32
    %dma_start3A_205 = tpu.memref_slice %arg9[%dma_start3A_203, %dma_start3A_204] : memref<10240x16xf32, #tpu.memory_space<vmem_shared>> -> memref<10240x16xf32, #tpu.memory_space<vmem_shared>>
    %dma_start3A_206 = tpu.memref_slice %arg11[%dma_start3A_196] : memref<10x!tpu.dma_semaphore, #tpu.memory_space<semaphore_mem>> -> memref<1x!tpu.dma_semaphore, #tpu.memory_space<semaphore_mem>>
    %dma_start3A_207 = tpu.memref_squeeze %dma_start3A_206 : memref<1x!tpu.dma_semaphore, #tpu.memory_space<semaphore_mem>> -> memref<!tpu.dma_semaphore, #tpu.memory_space<semaphore_mem>>
    tpu.enqueue_indirect_dma source(%dma_start3A_200 : memref<80x16xf32, #tpu.memory_space<vmem>>) target(%dma_start3A_205 : memref<10240x16xf32, #tpu.memory_space<vmem_shared>>) offsets(%dma_start3A_202 : memref<80xi32, #tpu.memory_space<vmem>>) semaphore(%dma_start3A_207 : memref<!tpu.dma_semaphore, #tpu.memory_space<semaphore_mem>>) {add = true}
    %dma_wait3A_208 = arith.constant 2 : i32
    %dma_wait3A_209 = arith.constant 2 : i32
    %dma_wait3A_210 = arith.constant 0 : i32
    %dma_wait3A_211 = arith.constant 0 : i32
    %dma_wait3A_212 = tpu.memref_slice %arg7[%dma_wait3A_208, %dma_wait3A_210, %dma_wait3A_211] : memref<10x80x16xf32, #tpu.memory_space<vmem>> -> memref<1x80x16xf32, #tpu.memory_space<vmem>>
    %dma_wait3A_213 = tpu.memref_squeeze %dma_wait3A_212 : memref<1x80x16xf32, #tpu.memory_space<vmem>> -> memref<80x16xf32, #tpu.memory_space<vmem>>
    %dma_wait3A_214 = arith.constant 0 : i32
    %dma_wait3A_215 = arith.constant 0 : i32
    %dma_wait3A_216 = tpu.memref_slice %arg2[%dma_wait3A_214, %dma_wait3A_215] : memref<10240x16xf32, #tpu.memory_space<hbm>> -> memref<80x16xf32, #tpu.memory_space<hbm>>
    %dma_wait3A_217 = tpu.memref_slice %arg10[%dma_wait3A_209] : memref<10x!tpu.dma_semaphore, #tpu.memory_space<semaphore_mem>> -> memref<1x!tpu.dma_semaphore, #tpu.memory_space<semaphore_mem>>
    %dma_wait3A_218 = tpu.memref_squeeze %dma_wait3A_217 : memref<1x!tpu.dma_semaphore, #tpu.memory_space<semaphore_mem>> -> memref<!tpu.dma_semaphore, #tpu.memory_space<semaphore_mem>>
    %dma_wait3A_219 = arith.constant 0 : i32
    %dma_wait3A_220 = arith.constant 0 : i32
    %dma_wait3A_221 = tpu.memref_slice %arg7[%dma_wait3A_208, %dma_wait3A_219, %dma_wait3A_220] : memref<10x80x16xf32, #tpu.memory_space<vmem>> -> memref<1x80x16xf32, #tpu.memory_space<vmem>>
    %dma_wait3A_222 = tpu.memref_squeeze %dma_wait3A_221 : memref<1x80x16xf32, #tpu.memory_space<vmem>> -> memref<80x16xf32, #tpu.memory_space<vmem>>
    %dma_wait3A_223 = arith.constant 0 : i32
    %dma_wait3A_224 = arith.constant 0 : i32
    %dma_wait3A_225 = tpu.memref_slice %arg2[%dma_wait3A_223, %dma_wait3A_224] : memref<10240x16xf32, #tpu.memory_space<hbm>> -> memref<80x16xf32, #tpu.memory_space<hbm>>
    tpu.wait_dma2 semaphore(%dma_wait3A_218 : memref<!tpu.dma_semaphore, #tpu.memory_space<semaphore_mem>>) src(%dma_wait3A_225 : memref<80x16xf32, #tpu.memory_space<hbm>>) dst(%dma_wait3A_222 : memref<80x16xf32, #tpu.memory_space<vmem>>)
    %dma_start3A_226 = arith.constant 2 : i32
    %dma_start3A_227 = arith.constant 2 : i32
    %dma_start3A_228 = arith.constant 0 : i32
    %dma_start3A_229 = arith.constant 0 : i32
    %dma_start3A_230 = tpu.memref_slice %arg7[%dma_start3A_226, %dma_start3A_228, %dma_start3A_229] : memref<10x80x16xf32, #tpu.memory_space<vmem>> -> memref<1x80x16xf32, #tpu.memory_space<vmem>>
    %dma_start3A_231 = tpu.memref_squeeze %dma_start3A_230 : memref<1x80x16xf32, #tpu.memory_space<vmem>> -> memref<80x16xf32, #tpu.memory_space<vmem>>
    %dma_start3A_232 = arith.constant 9760 : i32
    %dma_start3A_233 = tpu.memref_slice %arg6[%dma_start3A_232] : memref<10000xi32, #tpu.memory_space<vmem>> -> memref<80xi32, #tpu.memory_space<vmem>>
    %dma_start3A_234 = arith.constant 0 : i32
    %dma_start3A_235 = arith.constant 0 : i32
    %dma_start3A_236 = tpu.memref_slice %arg9[%dma_start3A_234, %dma_start3A_235] : memref<10240x16xf32, #tpu.memory_space<vmem_shared>> -> memref<10240x16xf32, #tpu.memory_space<vmem_shared>>
    %dma_start3A_237 = tpu.memref_slice %arg11[%dma_start3A_227] : memref<10x!tpu.dma_semaphore, #tpu.memory_space<semaphore_mem>> -> memref<1x!tpu.dma_semaphore, #tpu.memory_space<semaphore_mem>>
    %dma_start3A_238 = tpu.memref_squeeze %dma_start3A_237 : memref<1x!tpu.dma_semaphore, #tpu.memory_space<semaphore_mem>> -> memref<!tpu.dma_semaphore, #tpu.memory_space<semaphore_mem>>
    tpu.enqueue_indirect_dma source(%dma_start3A_231 : memref<80x16xf32, #tpu.memory_space<vmem>>) target(%dma_start3A_236 : memref<10240x16xf32, #tpu.memory_space<vmem_shared>>) offsets(%dma_start3A_233 : memref<80xi32, #tpu.memory_space<vmem>>) semaphore(%dma_start3A_238 : memref<!tpu.dma_semaphore, #tpu.memory_space<semaphore_mem>>) {add = true}
    %dma_wait3A_239 = arith.constant 3 : i32
    %dma_wait3A_240 = arith.constant 3 : i32
    %dma_wait3A_241 = arith.constant 0 : i32
    %dma_wait3A_242 = arith.constant 0 : i32
    %dma_wait3A_243 = tpu.memref_slice %arg7[%dma_wait3A_239, %dma_wait3A_241, %dma_wait3A_242] : memref<10x80x16xf32, #tpu.memory_space<vmem>> -> memref<1x80x16xf32, #tpu.memory_space<vmem>>
    %dma_wait3A_244 = tpu.memref_squeeze %dma_wait3A_243 : memref<1x80x16xf32, #tpu.memory_space<vmem>> -> memref<80x16xf32, #tpu.memory_space<vmem>>
    %dma_wait3A_245 = arith.constant 0 : i32
    %dma_wait3A_246 = arith.constant 0 : i32
    %dma_wait3A_247 = tpu.memref_slice %arg2[%dma_wait3A_245, %dma_wait3A_246] : memref<10240x16xf32, #tpu.memory_space<hbm>> -> memref<80x16xf32, #tpu.memory_space<hbm>>
    %dma_wait3A_248 = tpu.memref_slice %arg10[%dma_wait3A_240] : memref<10x!tpu.dma_semaphore, #tpu.memory_space<semaphore_mem>> -> memref<1x!tpu.dma_semaphore, #tpu.memory_space<semaphore_mem>>
    %dma_wait3A_249 = tpu.memref_squeeze %dma_wait3A_248 : memref<1x!tpu.dma_semaphore, #tpu.memory_space<semaphore_mem>> -> memref<!tpu.dma_semaphore, #tpu.memory_space<semaphore_mem>>
    %dma_wait3A_250 = arith.constant 0 : i32
    %dma_wait3A_251 = arith.constant 0 : i32
    %dma_wait3A_252 = tpu.memref_slice %arg7[%dma_wait3A_239, %dma_wait3A_250, %dma_wait3A_251] : memref<10x80x16xf32, #tpu.memory_space<vmem>> -> memref<1x80x16xf32, #tpu.memory_space<vmem>>
    %dma_wait3A_253 = tpu.memref_squeeze %dma_wait3A_252 : memref<1x80x16xf32, #tpu.memory_space<vmem>> -> memref<80x16xf32, #tpu.memory_space<vmem>>
    %dma_wait3A_254 = arith.constant 0 : i32
    %dma_wait3A_255 = arith.constant 0 : i32
    %dma_wait3A_256 = tpu.memref_slice %arg2[%dma_wait3A_254, %dma_wait3A_255] : memref<10240x16xf32, #tpu.memory_space<hbm>> -> memref<80x16xf32, #tpu.memory_space<hbm>>
    tpu.wait_dma2 semaphore(%dma_wait3A_249 : memref<!tpu.dma_semaphore, #tpu.memory_space<semaphore_mem>>) src(%dma_wait3A_256 : memref<80x16xf32, #tpu.memory_space<hbm>>) dst(%dma_wait3A_253 : memref<80x16xf32, #tpu.memory_space<vmem>>)
    %dma_start3A_257 = arith.constant 3 : i32
    %dma_start3A_258 = arith.constant 3 : i32
    %dma_start3A_259 = arith.constant 0 : i32
    %dma_start3A_260 = arith.constant 0 : i32
    %dma_start3A_261 = tpu.memref_slice %arg7[%dma_start3A_257, %dma_start3A_259, %dma_start3A_260] : memref<10x80x16xf32, #tpu.memory_space<vmem>> -> memref<1x80x16xf32, #tpu.memory_space<vmem>>
    %dma_start3A_262 = tpu.memref_squeeze %dma_start3A_261 : memref<1x80x16xf32, #tpu.memory_space<vmem>> -> memref<80x16xf32, #tpu.memory_space<vmem>>
    %dma_start3A_263 = arith.constant 9840 : i32
    %dma_start3A_264 = tpu.memref_slice %arg6[%dma_start3A_263] : memref<10000xi32, #tpu.memory_space<vmem>> -> memref<80xi32, #tpu.memory_space<vmem>>
    %dma_start3A_265 = arith.constant 0 : i32
    %dma_start3A_266 = arith.constant 0 : i32
    %dma_start3A_267 = tpu.memref_slice %arg9[%dma_start3A_265, %dma_start3A_266] : memref<10240x16xf32, #tpu.memory_space<vmem_shared>> -> memref<10240x16xf32, #tpu.memory_space<vmem_shared>>
    %dma_start3A_268 = tpu.memref_slice %arg11[%dma_start3A_258] : memref<10x!tpu.dma_semaphore, #tpu.memory_space<semaphore_mem>> -> memref<1x!tpu.dma_semaphore, #tpu.memory_space<semaphore_mem>>
    %dma_start3A_269 = tpu.memref_squeeze %dma_start3A_268 : memref<1x!tpu.dma_semaphore, #tpu.memory_space<semaphore_mem>> -> memref<!tpu.dma_semaphore, #tpu.memory_space<semaphore_mem>>
    tpu.enqueue_indirect_dma source(%dma_start3A_262 : memref<80x16xf32, #tpu.memory_space<vmem>>) target(%dma_start3A_267 : memref<10240x16xf32, #tpu.memory_space<vmem_shared>>) offsets(%dma_start3A_264 : memref<80xi32, #tpu.memory_space<vmem>>) semaphore(%dma_start3A_269 : memref<!tpu.dma_semaphore, #tpu.memory_space<semaphore_mem>>) {add = true}
    %dma_wait3A_270 = arith.constant 4 : i32
    %dma_wait3A_271 = arith.constant 4 : i32
    %dma_wait3A_272 = arith.constant 0 : i32
    %dma_wait3A_273 = arith.constant 0 : i32
    %dma_wait3A_274 = tpu.memref_slice %arg7[%dma_wait3A_270, %dma_wait3A_272, %dma_wait3A_273] : memref<10x80x16xf32, #tpu.memory_space<vmem>> -> memref<1x80x16xf32, #tpu.memory_space<vmem>>
    %dma_wait3A_275 = tpu.memref_squeeze %dma_wait3A_274 : memref<1x80x16xf32, #tpu.memory_space<vmem>> -> memref<80x16xf32, #tpu.memory_space<vmem>>
    %dma_wait3A_276 = arith.constant 0 : i32
    %dma_wait3A_277 = arith.constant 0 : i32
    %dma_wait3A_278 = tpu.memref_slice %arg2[%dma_wait3A_276, %dma_wait3A_277] : memref<10240x16xf32, #tpu.memory_space<hbm>> -> memref<80x16xf32, #tpu.memory_space<hbm>>
    %dma_wait3A_279 = tpu.memref_slice %arg10[%dma_wait3A_271] : memref<10x!tpu.dma_semaphore, #tpu.memory_space<semaphore_mem>> -> memref<1x!tpu.dma_semaphore, #tpu.memory_space<semaphore_mem>>
    %dma_wait3A_280 = tpu.memref_squeeze %dma_wait3A_279 : memref<1x!tpu.dma_semaphore, #tpu.memory_space<semaphore_mem>> -> memref<!tpu.dma_semaphore, #tpu.memory_space<semaphore_mem>>
    %dma_wait3A_281 = arith.constant 0 : i32
    %dma_wait3A_282 = arith.constant 0 : i32
    %dma_wait3A_283 = tpu.memref_slice %arg7[%dma_wait3A_270, %dma_wait3A_281, %dma_wait3A_282] : memref<10x80x16xf32, #tpu.memory_space<vmem>> -> memref<1x80x16xf32, #tpu.memory_space<vmem>>
    %dma_wait3A_284 = tpu.memref_squeeze %dma_wait3A_283 : memref<1x80x16xf32, #tpu.memory_space<vmem>> -> memref<80x16xf32, #tpu.memory_space<vmem>>
    %dma_wait3A_285 = arith.constant 0 : i32
    %dma_wait3A_286 = arith.constant 0 : i32
    %dma_wait3A_287 = tpu.memref_slice %arg2[%dma_wait3A_285, %dma_wait3A_286] : memref<10240x16xf32, #tpu.memory_space<hbm>> -> memref<80x16xf32, #tpu.memory_space<hbm>>
    tpu.wait_dma2 semaphore(%dma_wait3A_280 : memref<!tpu.dma_semaphore, #tpu.memory_space<semaphore_mem>>) src(%dma_wait3A_287 : memref<80x16xf32, #tpu.memory_space<hbm>>) dst(%dma_wait3A_284 : memref<80x16xf32, #tpu.memory_space<vmem>>)
    %dma_start3A_288 = arith.constant 4 : i32
    %dma_start3A_289 = arith.constant 4 : i32
    %dma_start3A_290 = arith.constant 0 : i32
    %dma_start3A_291 = arith.constant 0 : i32
    %dma_start3A_292 = tpu.memref_slice %arg7[%dma_start3A_288, %dma_start3A_290, %dma_start3A_291] : memref<10x80x16xf32, #tpu.memory_space<vmem>> -> memref<1x80x16xf32, #tpu.memory_space<vmem>>
    %dma_start3A_293 = tpu.memref_squeeze %dma_start3A_292 : memref<1x80x16xf32, #tpu.memory_space<vmem>> -> memref<80x16xf32, #tpu.memory_space<vmem>>
    %dma_start3A_294 = arith.constant 9920 : i32
    %dma_start3A_295 = tpu.memref_slice %arg6[%dma_start3A_294] : memref<10000xi32, #tpu.memory_space<vmem>> -> memref<80xi32, #tpu.memory_space<vmem>>
    %dma_start3A_296 = arith.constant 0 : i32
    %dma_start3A_297 = arith.constant 0 : i32
    %dma_start3A_298 = tpu.memref_slice %arg9[%dma_start3A_296, %dma_start3A_297] : memref<10240x16xf32, #tpu.memory_space<vmem_shared>> -> memref<10240x16xf32, #tpu.memory_space<vmem_shared>>
    %dma_start3A_299 = tpu.memref_slice %arg11[%dma_start3A_289] : memref<10x!tpu.dma_semaphore, #tpu.memory_space<semaphore_mem>> -> memref<1x!tpu.dma_semaphore, #tpu.memory_space<semaphore_mem>>
    %dma_start3A_300 = tpu.memref_squeeze %dma_start3A_299 : memref<1x!tpu.dma_semaphore, #tpu.memory_space<semaphore_mem>> -> memref<!tpu.dma_semaphore, #tpu.memory_space<semaphore_mem>>
    tpu.enqueue_indirect_dma source(%dma_start3A_293 : memref<80x16xf32, #tpu.memory_space<vmem>>) target(%dma_start3A_298 : memref<10240x16xf32, #tpu.memory_space<vmem_shared>>) offsets(%dma_start3A_295 : memref<80xi32, #tpu.memory_space<vmem>>) semaphore(%dma_start3A_300 : memref<!tpu.dma_semaphore, #tpu.memory_space<semaphore_mem>>) {add = true}
    %dma_wait3A_301 = arith.constant 0 : i32
    %dma_wait3A_302 = arith.constant 0 : i32
    %dma_wait3A_303 = arith.constant 0 : i32
    %dma_wait3A_304 = arith.constant 0 : i32
    %dma_wait3A_305 = tpu.memref_slice %arg7[%dma_wait3A_301, %dma_wait3A_303, %dma_wait3A_304] : memref<10x80x16xf32, #tpu.memory_space<vmem>> -> memref<1x80x16xf32, #tpu.memory_space<vmem>>
    %dma_wait3A_306 = tpu.memref_squeeze %dma_wait3A_305 : memref<1x80x16xf32, #tpu.memory_space<vmem>> -> memref<80x16xf32, #tpu.memory_space<vmem>>
    %dma_wait3A_307 = arith.constant 0 : i32
    %dma_wait3A_308 = arith.constant 0 : i32
    %dma_wait3A_309 = tpu.memref_slice %arg9[%dma_wait3A_307, %dma_wait3A_308] : memref<10240x16xf32, #tpu.memory_space<vmem_shared>> -> memref<80x16xf32, #tpu.memory_space<vmem_shared>>
    %dma_wait3A_310 = tpu.memref_slice %arg11[%dma_wait3A_302] : memref<10x!tpu.dma_semaphore, #tpu.memory_space<semaphore_mem>> -> memref<1x!tpu.dma_semaphore, #tpu.memory_space<semaphore_mem>>
    %dma_wait3A_311 = tpu.memref_squeeze %dma_wait3A_310 : memref<1x!tpu.dma_semaphore, #tpu.memory_space<semaphore_mem>> -> memref<!tpu.dma_semaphore, #tpu.memory_space<semaphore_mem>>
    %dma_wait3A_312 = arith.constant 0 : i32
    %dma_wait3A_313 = arith.constant 0 : i32
    %dma_wait3A_314 = tpu.memref_slice %arg9[%dma_wait3A_312, %dma_wait3A_313] : memref<10240x16xf32, #tpu.memory_space<vmem_shared>> -> memref<80x16xf32, #tpu.memory_space<vmem_shared>>
    %dma_wait3A_315 = arith.constant 0 : i32
    %dma_wait3A_316 = arith.constant 0 : i32
    %dma_wait3A_317 = tpu.memref_slice %arg7[%dma_wait3A_301, %dma_wait3A_315, %dma_wait3A_316] : memref<10x80x16xf32, #tpu.memory_space<vmem>> -> memref<1x80x16xf32, #tpu.memory_space<vmem>>
    %dma_wait3A_318 = tpu.memref_squeeze %dma_wait3A_317 : memref<1x80x16xf32, #tpu.memory_space<vmem>> -> memref<80x16xf32, #tpu.memory_space<vmem>>
    tpu.wait_dma2 semaphore(%dma_wait3A_311 : memref<!tpu.dma_semaphore, #tpu.memory_space<semaphore_mem>>) src(%dma_wait3A_318 : memref<80x16xf32, #tpu.memory_space<vmem>>) dst(%dma_wait3A_314 : memref<80x16xf32, #tpu.memory_space<vmem_shared>>)
    %dma_wait3A_319 = arith.constant 1 : i32
    %dma_wait3A_320 = arith.constant 1 : i32
    %dma_wait3A_321 = arith.constant 0 : i32
    %dma_wait3A_322 = arith.constant 0 : i32
    %dma_wait3A_323 = tpu.memref_slice %arg7[%dma_wait3A_319, %dma_wait3A_321, %dma_wait3A_322] : memref<10x80x16xf32, #tpu.memory_space<vmem>> -> memref<1x80x16xf32, #tpu.memory_space<vmem>>
    %dma_wait3A_324 = tpu.memref_squeeze %dma_wait3A_323 : memref<1x80x16xf32, #tpu.memory_space<vmem>> -> memref<80x16xf32, #tpu.memory_space<vmem>>
    %dma_wait3A_325 = arith.constant 0 : i32
    %dma_wait3A_326 = arith.constant 0 : i32
    %dma_wait3A_327 = tpu.memref_slice %arg9[%dma_wait3A_325, %dma_wait3A_326] : memref<10240x16xf32, #tpu.memory_space<vmem_shared>> -> memref<80x16xf32, #tpu.memory_space<vmem_shared>>
    %dma_wait3A_328 = tpu.memref_slice %arg11[%dma_wait3A_320] : memref<10x!tpu.dma_semaphore, #tpu.memory_space<semaphore_mem>> -> memref<1x!tpu.dma_semaphore, #tpu.memory_space<semaphore_mem>>
    %dma_wait3A_329 = tpu.memref_squeeze %dma_wait3A_328 : memref<1x!tpu.dma_semaphore, #tpu.memory_space<semaphore_mem>> -> memref<!tpu.dma_semaphore, #tpu.memory_space<semaphore_mem>>
    %dma_wait3A_330 = arith.constant 0 : i32
    %dma_wait3A_331 = arith.constant 0 : i32
    %dma_wait3A_332 = tpu.memref_slice %arg9[%dma_wait3A_330, %dma_wait3A_331] : memref<10240x16xf32, #tpu.memory_space<vmem_shared>> -> memref<80x16xf32, #tpu.memory_space<vmem_shared>>
    %dma_wait3A_333 = arith.constant 0 : i32
    %dma_wait3A_334 = arith.constant 0 : i32
    %dma_wait3A_335 = tpu.memref_slice %arg7[%dma_wait3A_319, %dma_wait3A_333, %dma_wait3A_334] : memref<10x80x16xf32, #tpu.memory_space<vmem>> -> memref<1x80x16xf32, #tpu.memory_space<vmem>>
    %dma_wait3A_336 = tpu.memref_squeeze %dma_wait3A_335 : memref<1x80x16xf32, #tpu.memory_space<vmem>> -> memref<80x16xf32, #tpu.memory_space<vmem>>
    tpu.wait_dma2 semaphore(%dma_wait3A_329 : memref<!tpu.dma_semaphore, #tpu.memory_space<semaphore_mem>>) src(%dma_wait3A_336 : memref<80x16xf32, #tpu.memory_space<vmem>>) dst(%dma_wait3A_332 : memref<80x16xf32, #tpu.memory_space<vmem_shared>>)
    %dma_wait3A_337 = arith.constant 2 : i32
    %dma_wait3A_338 = arith.constant 2 : i32
    %dma_wait3A_339 = arith.constant 0 : i32
    %dma_wait3A_340 = arith.constant 0 : i32
    %dma_wait3A_341 = tpu.memref_slice %arg7[%dma_wait3A_337, %dma_wait3A_339, %dma_wait3A_340] : memref<10x80x16xf32, #tpu.memory_space<vmem>> -> memref<1x80x16xf32, #tpu.memory_space<vmem>>
    %dma_wait3A_342 = tpu.memref_squeeze %dma_wait3A_341 : memref<1x80x16xf32, #tpu.memory_space<vmem>> -> memref<80x16xf32, #tpu.memory_space<vmem>>
    %dma_wait3A_343 = arith.constant 0 : i32
    %dma_wait3A_344 = arith.constant 0 : i32
    %dma_wait3A_345 = tpu.memref_slice %arg9[%dma_wait3A_343, %dma_wait3A_344] : memref<10240x16xf32, #tpu.memory_space<vmem_shared>> -> memref<80x16xf32, #tpu.memory_space<vmem_shared>>
    %dma_wait3A_346 = tpu.memref_slice %arg11[%dma_wait3A_338] : memref<10x!tpu.dma_semaphore, #tpu.memory_space<semaphore_mem>> -> memref<1x!tpu.dma_semaphore, #tpu.memory_space<semaphore_mem>>
    %dma_wait3A_347 = tpu.memref_squeeze %dma_wait3A_346 : memref<1x!tpu.dma_semaphore, #tpu.memory_space<semaphore_mem>> -> memref<!tpu.dma_semaphore, #tpu.memory_space<semaphore_mem>>
    %dma_wait3A_348 = arith.constant 0 : i32
    %dma_wait3A_349 = arith.constant 0 : i32
    %dma_wait3A_350 = tpu.memref_slice %arg9[%dma_wait3A_348, %dma_wait3A_349] : memref<10240x16xf32, #tpu.memory_space<vmem_shared>> -> memref<80x16xf32, #tpu.memory_space<vmem_shared>>
    %dma_wait3A_351 = arith.constant 0 : i32
    %dma_wait3A_352 = arith.constant 0 : i32
    %dma_wait3A_353 = tpu.memref_slice %arg7[%dma_wait3A_337, %dma_wait3A_351, %dma_wait3A_352] : memref<10x80x16xf32, #tpu.memory_space<vmem>> -> memref<1x80x16xf32, #tpu.memory_space<vmem>>
    %dma_wait3A_354 = tpu.memref_squeeze %dma_wait3A_353 : memref<1x80x16xf32, #tpu.memory_space<vmem>> -> memref<80x16xf32, #tpu.memory_space<vmem>>
    tpu.wait_dma2 semaphore(%dma_wait3A_347 : memref<!tpu.dma_semaphore, #tpu.memory_space<semaphore_mem>>) src(%dma_wait3A_354 : memref<80x16xf32, #tpu.memory_space<vmem>>) dst(%dma_wait3A_350 : memref<80x16xf32, #tpu.memory_space<vmem_shared>>)
    %dma_wait3A_355 = arith.constant 3 : i32
    %dma_wait3A_356 = arith.constant 3 : i32
    %dma_wait3A_357 = arith.constant 0 : i32
    %dma_wait3A_358 = arith.constant 0 : i32
    %dma_wait3A_359 = tpu.memref_slice %arg7[%dma_wait3A_355, %dma_wait3A_357, %dma_wait3A_358] : memref<10x80x16xf32, #tpu.memory_space<vmem>> -> memref<1x80x16xf32, #tpu.memory_space<vmem>>
    %dma_wait3A_360 = tpu.memref_squeeze %dma_wait3A_359 : memref<1x80x16xf32, #tpu.memory_space<vmem>> -> memref<80x16xf32, #tpu.memory_space<vmem>>
    %dma_wait3A_361 = arith.constant 0 : i32
    %dma_wait3A_362 = arith.constant 0 : i32
    %dma_wait3A_363 = tpu.memref_slice %arg9[%dma_wait3A_361, %dma_wait3A_362] : memref<10240x16xf32, #tpu.memory_space<vmem_shared>> -> memref<80x16xf32, #tpu.memory_space<vmem_shared>>
    %dma_wait3A_364 = tpu.memref_slice %arg11[%dma_wait3A_356] : memref<10x!tpu.dma_semaphore, #tpu.memory_space<semaphore_mem>> -> memref<1x!tpu.dma_semaphore, #tpu.memory_space<semaphore_mem>>
    %dma_wait3A_365 = tpu.memref_squeeze %dma_wait3A_364 : memref<1x!tpu.dma_semaphore, #tpu.memory_space<semaphore_mem>> -> memref<!tpu.dma_semaphore, #tpu.memory_space<semaphore_mem>>
    %dma_wait3A_366 = arith.constant 0 : i32
    %dma_wait3A_367 = arith.constant 0 : i32
    %dma_wait3A_368 = tpu.memref_slice %arg9[%dma_wait3A_366, %dma_wait3A_367] : memref<10240x16xf32, #tpu.memory_space<vmem_shared>> -> memref<80x16xf32, #tpu.memory_space<vmem_shared>>
    %dma_wait3A_369 = arith.constant 0 : i32
    %dma_wait3A_370 = arith.constant 0 : i32
    %dma_wait3A_371 = tpu.memref_slice %arg7[%dma_wait3A_355, %dma_wait3A_369, %dma_wait3A_370] : memref<10x80x16xf32, #tpu.memory_space<vmem>> -> memref<1x80x16xf32, #tpu.memory_space<vmem>>
    %dma_wait3A_372 = tpu.memref_squeeze %dma_wait3A_371 : memref<1x80x16xf32, #tpu.memory_space<vmem>> -> memref<80x16xf32, #tpu.memory_space<vmem>>
    tpu.wait_dma2 semaphore(%dma_wait3A_365 : memref<!tpu.dma_semaphore, #tpu.memory_space<semaphore_mem>>) src(%dma_wait3A_372 : memref<80x16xf32, #tpu.memory_space<vmem>>) dst(%dma_wait3A_368 : memref<80x16xf32, #tpu.memory_space<vmem_shared>>)
    %dma_wait3A_373 = arith.constant 4 : i32
    %dma_wait3A_374 = arith.constant 4 : i32
    %dma_wait3A_375 = arith.constant 0 : i32
    %dma_wait3A_376 = arith.constant 0 : i32
    %dma_wait3A_377 = tpu.memref_slice %arg7[%dma_wait3A_373, %dma_wait3A_375, %dma_wait3A_376] : memref<10x80x16xf32, #tpu.memory_space<vmem>> -> memref<1x80x16xf32, #tpu.memory_space<vmem>>
    %dma_wait3A_378 = tpu.memref_squeeze %dma_wait3A_377 : memref<1x80x16xf32, #tpu.memory_space<vmem>> -> memref<80x16xf32, #tpu.memory_space<vmem>>
    %dma_wait3A_379 = arith.constant 0 : i32
    %dma_wait3A_380 = arith.constant 0 : i32
    %dma_wait3A_381 = tpu.memref_slice %arg9[%dma_wait3A_379, %dma_wait3A_380] : memref<10240x16xf32, #tpu.memory_space<vmem_shared>> -> memref<80x16xf32, #tpu.memory_space<vmem_shared>>
    %dma_wait3A_382 = tpu.memref_slice %arg11[%dma_wait3A_374] : memref<10x!tpu.dma_semaphore, #tpu.memory_space<semaphore_mem>> -> memref<1x!tpu.dma_semaphore, #tpu.memory_space<semaphore_mem>>
    %dma_wait3A_383 = tpu.memref_squeeze %dma_wait3A_382 : memref<1x!tpu.dma_semaphore, #tpu.memory_space<semaphore_mem>> -> memref<!tpu.dma_semaphore, #tpu.memory_space<semaphore_mem>>
    %dma_wait3A_384 = arith.constant 0 : i32
    %dma_wait3A_385 = arith.constant 0 : i32
    %dma_wait3A_386 = tpu.memref_slice %arg9[%dma_wait3A_384, %dma_wait3A_385] : memref<10240x16xf32, #tpu.memory_space<vmem_shared>> -> memref<80x16xf32, #tpu.memory_space<vmem_shared>>
    %dma_wait3A_387 = arith.constant 0 : i32
    %dma_wait3A_388 = arith.constant 0 : i32
    %dma_wait3A_389 = tpu.memref_slice %arg7[%dma_wait3A_373, %dma_wait3A_387, %dma_wait3A_388] : memref<10x80x16xf32, #tpu.memory_space<vmem>> -> memref<1x80x16xf32, #tpu.memory_space<vmem>>
    %dma_wait3A_390 = tpu.memref_squeeze %dma_wait3A_389 : memref<1x80x16xf32, #tpu.memory_space<vmem>> -> memref<80x16xf32, #tpu.memory_space<vmem>>
    tpu.wait_dma2 semaphore(%dma_wait3A_383 : memref<!tpu.dma_semaphore, #tpu.memory_space<semaphore_mem>>) src(%dma_wait3A_390 : memref<80x16xf32, #tpu.memory_space<vmem>>) dst(%dma_wait3A_386 : memref<80x16xf32, #tpu.memory_space<vmem_shared>>)
    %barrier3A_391 = arith.constant 0 : index
    tpu.barrier barrier_id(%barrier3A_391)
    %mul3A_392 = arith.constant 640 : i32
    %mul3A_393 = arith.muli %arg1, %mul3A_392 : i32
    "tpu.region"() ({
      %run_scoped3A_396 = tpu.sem_alloc : memref<!tpu.dma_semaphore, #tpu.memory_space<semaphore_mem>>
      %dma_start3A_397 = arith.constant 0 : i32
      %dma_start3A_398 = tpu.memref_slice %arg9[%mul3A_393, %dma_start3A_397] : memref<10240x16xf32, #tpu.memory_space<vmem_shared>> -> memref<640x16xf32, #tpu.memory_space<vmem_shared>>
      %dma_start3A_399 = arith.constant 0 : i32
      %dma_start3A_400 = tpu.memref_slice %arg9[%mul3A_393, %dma_start3A_399] : memref<10240x16xf32, #tpu.memory_space<vmem_shared>> -> memref<640x16xf32, #tpu.memory_space<vmem_shared>>
      tpu.enqueue_dma source(%dma_start3A_400 : memref<640x16xf32, #tpu.memory_space<vmem_shared>>) target(%arg8 : memref<640x16xf32, #tpu.memory_space<vmem>>) target_semaphore(%run_scoped3A_396 : memref<!tpu.dma_semaphore, #tpu.memory_space<semaphore_mem>>)
      %dma_wait3A_401 = arith.constant 0 : i32
      %dma_wait3A_402 = tpu.memref_slice %arg9[%mul3A_393, %dma_wait3A_401] : memref<10240x16xf32, #tpu.memory_space<vmem_shared>> -> memref<640x16xf32, #tpu.memory_space<vmem_shared>>
      %dma_wait3A_403 = arith.constant 0 : i32
      %dma_wait3A_404 = tpu.memref_slice %arg9[%mul3A_393, %dma_wait3A_403] : memref<10240x16xf32, #tpu.memory_space<vmem_shared>> -> memref<640x16xf32, #tpu.memory_space<vmem_shared>>
      tpu.wait_dma2 semaphore(%run_scoped3A_396 : memref<!tpu.dma_semaphore, #tpu.memory_space<semaphore_mem>>) src(%dma_wait3A_404 : memref<640x16xf32, #tpu.memory_space<vmem_shared>>) dst(%arg8 : memref<640x16xf32, #tpu.memory_space<vmem>>)
      tpu.yield
    }) : () -> ()
    %mul3A_394 = arith.constant 640 : i32
    %mul3A_395 = arith.muli %arg1, %mul3A_394 : i32
    "tpu.region"() ({
      %run_scoped3A_396 = tpu.sem_alloc : memref<!tpu.dma_semaphore, #tpu.memory_space<semaphore_mem>>
      %dma_start3A_397 = arith.constant 0 : i32
      %dma_start3A_398 = arith.constant 0 : i32
      %dma_start3A_399 = tpu.memref_slice %arg4[%arg0, %dma_start3A_397, %dma_start3A_398] : memref<2x10240x16xf32, #tpu.memory_space<hbm>> -> memref<1x10240x16xf32, #tpu.memory_space<hbm>>
      %dma_start3A_400 = tpu.memref_squeeze %dma_start3A_399 : memref<1x10240x16xf32, #tpu.memory_space<hbm>> -> memref<10240x16xf32, #tpu.memory_space<hbm>>
      %dma_start3A_401 = arith.constant 0 : i32
      %dma_start3A_402 = tpu.memref_slice %dma_start3A_400[%mul3A_395, %dma_start3A_401] : memref<10240x16xf32, #tpu.memory_space<hbm>> -> memref<640x16xf32, #tpu.memory_space<hbm>>
      %dma_start3A_403 = arith.constant 0 : i32
      %dma_start3A_404 = arith.constant 0 : i32
      %dma_start3A_405 = tpu.memref_slice %arg4[%arg0, %dma_start3A_403, %dma_start3A_404] : memref<2x10240x16xf32, #tpu.memory_space<hbm>> -> memref<1x10240x16xf32, #tpu.memory_space<hbm>>
      %dma_start3A_406 = tpu.memref_squeeze %dma_start3A_405 : memref<1x10240x16xf32, #tpu.memory_space<hbm>> -> memref<10240x16xf32, #tpu.memory_space<hbm>>
      %dma_start3A_407 = arith.constant 0 : i32
      %dma_start3A_408 = tpu.memref_slice %dma_start3A_406[%mul3A_395, %dma_start3A_407] : memref<10240x16xf32, #tpu.memory_space<hbm>> -> memref<640x16xf32, #tpu.memory_space<hbm>>
      tpu.enqueue_dma source(%arg8 : memref<640x16xf32, #tpu.memory_space<vmem>>) target(%dma_start3A_408 : memref<640x16xf32, #tpu.memory_space<hbm>>) target_semaphore(%run_scoped3A_396 : memref<!tpu.dma_semaphore, #tpu.memory_space<semaphore_mem>>)
      %dma_wait3A_409 = arith.constant 0 : i32
      %dma_wait3A_410 = arith.constant 0 : i32
      %dma_wait3A_411 = tpu.memref_slice %arg4[%arg0, %dma_wait3A_409, %dma_wait3A_410] : memref<2x10240x16xf32, #tpu.memory_space<hbm>> -> memref<1x10240x16xf32, #tpu.memory_space<hbm>>
      %dma_wait3A_412 = tpu.memref_squeeze %dma_wait3A_411 : memref<1x10240x16xf32, #tpu.memory_space<hbm>> -> memref<10240x16xf32, #tpu.memory_space<hbm>>
      %dma_wait3A_413 = arith.constant 0 : i32
      %dma_wait3A_414 = tpu.memref_slice %dma_wait3A_412[%mul3A_395, %dma_wait3A_413] : memref<10240x16xf32, #tpu.memory_space<hbm>> -> memref<640x16xf32, #tpu.memory_space<hbm>>
      %dma_wait3A_415 = arith.constant 0 : i32
      %dma_wait3A_416 = arith.constant 0 : i32
      %dma_wait3A_417 = tpu.memref_slice %arg4[%arg0, %dma_wait3A_415, %dma_wait3A_416] : memref<2x10240x16xf32, #tpu.memory_space<hbm>> -> memref<1x10240x16xf32, #tpu.memory_space<hbm>>
      %dma_wait3A_418 = tpu.memref_squeeze %dma_wait3A_417 : memref<1x10240x16xf32, #tpu.memory_space<hbm>> -> memref<10240x16xf32, #tpu.memory_space<hbm>>
      %dma_wait3A_419 = arith.constant 0 : i32
      %dma_wait3A_420 = tpu.memref_slice %dma_wait3A_418[%mul3A_395, %dma_wait3A_419] : memref<10240x16xf32, #tpu.memory_space<hbm>> -> memref<640x16xf32, #tpu.memory_space<hbm>>
      tpu.wait_dma2 semaphore(%run_scoped3A_396 : memref<!tpu.dma_semaphore, #tpu.memory_space<semaphore_mem>>) src(%arg8 : memref<640x16xf32, #tpu.memory_space<vmem>>) dst(%dma_wait3A_420 : memref<640x16xf32, #tpu.memory_space<hbm>>)
      tpu.yield
    }) : () -> ()
    return
  }
}

#map = affine_map<(d0, d1) -> (0, 0)>
module attributes {stable_mosaic.version = 14 : i64} {
  func.func @k(%arg0: i32, %arg1: i32, %arg2: memref<2x320000xi32, #tpu.memory_space<hbm>>, %arg3: memref<64x10240xf32, #tpu.memory_space<hbm>>, %arg4: memref<10000xi32, #tpu.memory_space<vmem>>, %arg5: memref<10000xi32, #tpu.memory_space<vmem>>, %arg6: memref<10240xf32, #tpu.memory_space<vmem>>, %arg7: memref<10240xf32, #tpu.memory_space<vmem>>) attributes {dimension_semantics = [#tpu.dimension_semantics<core_parallel>, #tpu.dimension_semantics<subcore_parallel>], iteration_bounds = array<i64: 2, 16>, scalar_prefetch = 0 : i64, scratch_operands = 4 : i64, tpu.core_type = #tpu.core_type<sc_vector_subcore>, window_params = [{transform_indices = #map}, {transform_indices = #map}]} {
    %mul3A = arith.constant 16 : i32
    %mul3A_0 = arith.muli %arg0, %mul3A : i32
    %add3A = arith.addi %mul3A_0, %arg1 : i32
    %mul3A_1 = arith.constant 10000 : i32
    %mul3A_2 = arith.muli %add3A, %mul3A_1 : i32
    %run_scoped3A = arith.constant 0 : i32
    "tpu.region"() ({
      %run_scoped3A_20 = tpu.sem_alloc : memref<!tpu.dma_semaphore, #tpu.memory_space<semaphore_mem>>
      %dma_start3A = arith.constant 0 : i32
      %dma_start3A_21 = tpu.memref_slice %arg2[%run_scoped3A, %dma_start3A] : memref<2x320000xi32, #tpu.memory_space<hbm>> -> memref<1x320000xi32, #tpu.memory_space<hbm>>
      %dma_start3A_22 = tpu.memref_squeeze %dma_start3A_21 : memref<1x320000xi32, #tpu.memory_space<hbm>> -> memref<320000xi32, #tpu.memory_space<hbm>>
      %dma_start3A_23 = tpu.memref_slice %dma_start3A_22[%mul3A_2] : memref<320000xi32, #tpu.memory_space<hbm>> -> memref<10000xi32, #tpu.memory_space<hbm>>
      %dma_start3A_24 = arith.constant 0 : i32
      %dma_start3A_25 = tpu.memref_slice %arg2[%run_scoped3A, %dma_start3A_24] : memref<2x320000xi32, #tpu.memory_space<hbm>> -> memref<1x320000xi32, #tpu.memory_space<hbm>>
      %dma_start3A_26 = tpu.memref_squeeze %dma_start3A_25 : memref<1x320000xi32, #tpu.memory_space<hbm>> -> memref<320000xi32, #tpu.memory_space<hbm>>
      %dma_start3A_27 = tpu.memref_slice %dma_start3A_26[%mul3A_2] : memref<320000xi32, #tpu.memory_space<hbm>> -> memref<10000xi32, #tpu.memory_space<hbm>>
      tpu.enqueue_dma source(%dma_start3A_27 : memref<10000xi32, #tpu.memory_space<hbm>>) target(%arg4 : memref<10000xi32, #tpu.memory_space<vmem>>) target_semaphore(%run_scoped3A_20 : memref<!tpu.dma_semaphore, #tpu.memory_space<semaphore_mem>>)
      %dma_wait3A = arith.constant 0 : i32
      %dma_wait3A_28 = tpu.memref_slice %arg2[%run_scoped3A, %dma_wait3A] : memref<2x320000xi32, #tpu.memory_space<hbm>> -> memref<1x320000xi32, #tpu.memory_space<hbm>>
      %dma_wait3A_29 = tpu.memref_squeeze %dma_wait3A_28 : memref<1x320000xi32, #tpu.memory_space<hbm>> -> memref<320000xi32, #tpu.memory_space<hbm>>
      %dma_wait3A_30 = tpu.memref_slice %dma_wait3A_29[%mul3A_2] : memref<320000xi32, #tpu.memory_space<hbm>> -> memref<10000xi32, #tpu.memory_space<hbm>>
      %dma_wait3A_31 = arith.constant 0 : i32
      %dma_wait3A_32 = tpu.memref_slice %arg2[%run_scoped3A, %dma_wait3A_31] : memref<2x320000xi32, #tpu.memory_space<hbm>> -> memref<1x320000xi32, #tpu.memory_space<hbm>>
      %dma_wait3A_33 = tpu.memref_squeeze %dma_wait3A_32 : memref<1x320000xi32, #tpu.memory_space<hbm>> -> memref<320000xi32, #tpu.memory_space<hbm>>
      %dma_wait3A_34 = tpu.memref_slice %dma_wait3A_33[%mul3A_2] : memref<320000xi32, #tpu.memory_space<hbm>> -> memref<10000xi32, #tpu.memory_space<hbm>>
      tpu.wait_dma2 semaphore(%run_scoped3A_20 : memref<!tpu.dma_semaphore, #tpu.memory_space<semaphore_mem>>) src(%dma_wait3A_34 : memref<10000xi32, #tpu.memory_space<hbm>>) dst(%arg4 : memref<10000xi32, #tpu.memory_space<vmem>>)
      tpu.yield
    }) : () -> ()
    %mul3A_3 = arith.constant 10000 : i32
    %mul3A_4 = arith.muli %add3A, %mul3A_3 : i32
    %run_scoped3A_5 = arith.constant 1 : i32
    "tpu.region"() ({
      %run_scoped3A_20 = tpu.sem_alloc : memref<!tpu.dma_semaphore, #tpu.memory_space<semaphore_mem>>
      %dma_start3A = arith.constant 0 : i32
      %dma_start3A_21 = tpu.memref_slice %arg2[%run_scoped3A_5, %dma_start3A] : memref<2x320000xi32, #tpu.memory_space<hbm>> -> memref<1x320000xi32, #tpu.memory_space<hbm>>
      %dma_start3A_22 = tpu.memref_squeeze %dma_start3A_21 : memref<1x320000xi32, #tpu.memory_space<hbm>> -> memref<320000xi32, #tpu.memory_space<hbm>>
      %dma_start3A_23 = tpu.memref_slice %dma_start3A_22[%mul3A_4] : memref<320000xi32, #tpu.memory_space<hbm>> -> memref<10000xi32, #tpu.memory_space<hbm>>
      %dma_start3A_24 = arith.constant 0 : i32
      %dma_start3A_25 = tpu.memref_slice %arg2[%run_scoped3A_5, %dma_start3A_24] : memref<2x320000xi32, #tpu.memory_space<hbm>> -> memref<1x320000xi32, #tpu.memory_space<hbm>>
      %dma_start3A_26 = tpu.memref_squeeze %dma_start3A_25 : memref<1x320000xi32, #tpu.memory_space<hbm>> -> memref<320000xi32, #tpu.memory_space<hbm>>
      %dma_start3A_27 = tpu.memref_slice %dma_start3A_26[%mul3A_4] : memref<320000xi32, #tpu.memory_space<hbm>> -> memref<10000xi32, #tpu.memory_space<hbm>>
      tpu.enqueue_dma source(%dma_start3A_27 : memref<10000xi32, #tpu.memory_space<hbm>>) target(%arg5 : memref<10000xi32, #tpu.memory_space<vmem>>) target_semaphore(%run_scoped3A_20 : memref<!tpu.dma_semaphore, #tpu.memory_space<semaphore_mem>>)
      %dma_wait3A = arith.constant 0 : i32
      %dma_wait3A_28 = tpu.memref_slice %arg2[%run_scoped3A_5, %dma_wait3A] : memref<2x320000xi32, #tpu.memory_space<hbm>> -> memref<1x320000xi32, #tpu.memory_space<hbm>>
      %dma_wait3A_29 = tpu.memref_squeeze %dma_wait3A_28 : memref<1x320000xi32, #tpu.memory_space<hbm>> -> memref<320000xi32, #tpu.memory_space<hbm>>
      %dma_wait3A_30 = tpu.memref_slice %dma_wait3A_29[%mul3A_4] : memref<320000xi32, #tpu.memory_space<hbm>> -> memref<10000xi32, #tpu.memory_space<hbm>>
      %dma_wait3A_31 = arith.constant 0 : i32
      %dma_wait3A_32 = tpu.memref_slice %arg2[%run_scoped3A_5, %dma_wait3A_31] : memref<2x320000xi32, #tpu.memory_space<hbm>> -> memref<1x320000xi32, #tpu.memory_space<hbm>>
      %dma_wait3A_33 = tpu.memref_squeeze %dma_wait3A_32 : memref<1x320000xi32, #tpu.memory_space<hbm>> -> memref<320000xi32, #tpu.memory_space<hbm>>
      %dma_wait3A_34 = tpu.memref_slice %dma_wait3A_33[%mul3A_4] : memref<320000xi32, #tpu.memory_space<hbm>> -> memref<10000xi32, #tpu.memory_space<hbm>>
      tpu.wait_dma2 semaphore(%run_scoped3A_20 : memref<!tpu.dma_semaphore, #tpu.memory_space<semaphore_mem>>) src(%dma_wait3A_34 : memref<10000xi32, #tpu.memory_space<hbm>>) dst(%arg5 : memref<10000xi32, #tpu.memory_space<vmem>>)
      tpu.yield
    }) : () -> ()
    %broadcast_in_dim3A = arith.constant 0.000000e+00 : f32
    %broadcast_in_dim3A_6 = vector.broadcast %broadcast_in_dim3A : f32 to vector<16xf32>
    %scan3A = arith.constant 0 : i32
    %scan3A_7 = arith.constant 640 : i32
    %scan3A_8 = arith.addi %scan3A, %scan3A_7 : i32
    %scan3A_9 = arith.constant 1 : i32
    scf.for %scan3A_20 = %scan3A to %scan3A_8 step %scan3A_9  : i32 {
      %mul3A_21 = arith.constant 1 : i32
      %mul3A_22 = arith.muli %scan3A_20, %mul3A_21 : i32
      %add3A_23 = arith.constant 0 : i32
      %add3A_24 = arith.addi %add3A_23, %mul3A_22 : i32
      %mul3A_25 = arith.constant 16 : i32
      %mul3A_26 = arith.muli %add3A_24, %mul3A_25 : i32
      %swap3A = arith.index_cast %mul3A_26 : i32 to index
      %swap3A_27 = tpu.vector_load %arg6[%swap3A] {strides = array<i32>} : memref<10240xf32, #tpu.memory_space<vmem>>, vector<16xf32>,
      tpu.vector_store %arg6[%swap3A], %broadcast_in_dim3A_6 {strides = array<i32>} : memref<10240xf32, #tpu.memory_space<vmem>>, vector<16xf32>,
      %mul3A_28 = arith.constant 16 : i32
      %mul3A_29 = arith.muli %add3A_24, %mul3A_28 : i32
      %swap3A_30 = arith.index_cast %mul3A_29 : i32 to index
      %swap3A_31 = tpu.vector_load %arg7[%swap3A_30] {strides = array<i32>} : memref<10240xf32, #tpu.memory_space<vmem>>, vector<16xf32>,
      tpu.vector_store %arg7[%swap3A_30], %broadcast_in_dim3A_6 {strides = array<i32>} : memref<10240xf32, #tpu.memory_space<vmem>>, vector<16xf32>,
    }
    %scan3A_10 = arith.constant 640 : i32
    %broadcast_in_dim3A_11 = arith.constant 1.000000e+00 : f32
    %broadcast_in_dim3A_12 = vector.broadcast %broadcast_in_dim3A_11 : f32 to vector<16xf32>
    %scan3A_13 = arith.constant 0 : i32
    %scan3A_14 = arith.constant 125 : i32
    %scan3A_15 = arith.addi %scan3A_13, %scan3A_14 : i32
    %scan3A_16 = arith.constant 1 : i32
    scf.for %scan3A_20 = %scan3A_13 to %scan3A_15 step %scan3A_16  : i32 {
      %mul3A_21 = arith.constant 1 : i32
      %mul3A_22 = arith.muli %scan3A_20, %mul3A_21 : i32
      %add3A_23 = arith.constant 0 : i32
      %add3A_24 = arith.addi %add3A_23, %mul3A_22 : i32
      %mul3A_25 = arith.constant 5 : i32
      %mul3A_26 = arith.muli %add3A_24, %mul3A_25 : i32
      %add3A_27 = arith.constant 0 : i32
      %add3A_28 = arith.addi %mul3A_26, %add3A_27 : i32
      %mul3A_29 = arith.constant 16 : i32
      %mul3A_30 = arith.muli %add3A_28, %mul3A_29 : i32
      %get3A = arith.index_cast %mul3A_30 : i32 to index
      %get3A_31 = tpu.vector_load %arg4[%get3A] {strides = array<i32>} : memref<10000xi32, #tpu.memory_space<vmem>>, vector<16xi32>,
      tpu.vector_store_idx %arg6[%get3A_31], %broadcast_in_dim3A_12 {add = true} : memref<10240xf32, #tpu.memory_space<vmem>>[vector<16xi32>], vector<16xf32>,
      %get3A_32 = arith.index_cast %mul3A_30 : i32 to index
      %get3A_33 = tpu.vector_load %arg5[%get3A_32] {strides = array<i32>} : memref<10000xi32, #tpu.memory_space<vmem>>, vector<16xi32>,
      tpu.vector_store_idx %arg7[%get3A_33], %broadcast_in_dim3A_12 {add = true} : memref<10240xf32, #tpu.memory_space<vmem>>[vector<16xi32>], vector<16xf32>,
      %mul3A_34 = arith.constant 5 : i32
      %mul3A_35 = arith.muli %add3A_24, %mul3A_34 : i32
      %add3A_36 = arith.constant 1 : i32
      %add3A_37 = arith.addi %mul3A_35, %add3A_36 : i32
      %mul3A_38 = arith.constant 16 : i32
      %mul3A_39 = arith.muli %add3A_37, %mul3A_38 : i32
      %get3A_40 = arith.index_cast %mul3A_39 : i32 to index
      %get3A_41 = tpu.vector_load %arg4[%get3A_40] {strides = array<i32>} : memref<10000xi32, #tpu.memory_space<vmem>>, vector<16xi32>,
      tpu.vector_store_idx %arg6[%get3A_41], %broadcast_in_dim3A_12 {add = true} : memref<10240xf32, #tpu.memory_space<vmem>>[vector<16xi32>], vector<16xf32>,
      %get3A_42 = arith.index_cast %mul3A_39 : i32 to index
      %get3A_43 = tpu.vector_load %arg5[%get3A_42] {strides = array<i32>} : memref<10000xi32, #tpu.memory_space<vmem>>, vector<16xi32>,
      tpu.vector_store_idx %arg7[%get3A_43], %broadcast_in_dim3A_12 {add = true} : memref<10240xf32, #tpu.memory_space<vmem>>[vector<16xi32>], vector<16xf32>,
      %mul3A_44 = arith.constant 5 : i32
      %mul3A_45 = arith.muli %add3A_24, %mul3A_44 : i32
      %add3A_46 = arith.constant 2 : i32
      %add3A_47 = arith.addi %mul3A_45, %add3A_46 : i32
      %mul3A_48 = arith.constant 16 : i32
      %mul3A_49 = arith.muli %add3A_47, %mul3A_48 : i32
      %get3A_50 = arith.index_cast %mul3A_49 : i32 to index
      %get3A_51 = tpu.vector_load %arg4[%get3A_50] {strides = array<i32>} : memref<10000xi32, #tpu.memory_space<vmem>>, vector<16xi32>,
      tpu.vector_store_idx %arg6[%get3A_51], %broadcast_in_dim3A_12 {add = true} : memref<10240xf32, #tpu.memory_space<vmem>>[vector<16xi32>], vector<16xf32>,
      %get3A_52 = arith.index_cast %mul3A_49 : i32 to index
      %get3A_53 = tpu.vector_load %arg5[%get3A_52] {strides = array<i32>} : memref<10000xi32, #tpu.memory_space<vmem>>, vector<16xi32>,
      tpu.vector_store_idx %arg7[%get3A_53], %broadcast_in_dim3A_12 {add = true} : memref<10240xf32, #tpu.memory_space<vmem>>[vector<16xi32>], vector<16xf32>,
      %mul3A_54 = arith.constant 5 : i32
      %mul3A_55 = arith.muli %add3A_24, %mul3A_54 : i32
      %add3A_56 = arith.constant 3 : i32
      %add3A_57 = arith.addi %mul3A_55, %add3A_56 : i32
      %mul3A_58 = arith.constant 16 : i32
      %mul3A_59 = arith.muli %add3A_57, %mul3A_58 : i32
      %get3A_60 = arith.index_cast %mul3A_59 : i32 to index
      %get3A_61 = tpu.vector_load %arg4[%get3A_60] {strides = array<i32>} : memref<10000xi32, #tpu.memory_space<vmem>>, vector<16xi32>,
      tpu.vector_store_idx %arg6[%get3A_61], %broadcast_in_dim3A_12 {add = true} : memref<10240xf32, #tpu.memory_space<vmem>>[vector<16xi32>], vector<16xf32>,
      %get3A_62 = arith.index_cast %mul3A_59 : i32 to index
      %get3A_63 = tpu.vector_load %arg5[%get3A_62] {strides = array<i32>} : memref<10000xi32, #tpu.memory_space<vmem>>, vector<16xi32>,
      tpu.vector_store_idx %arg7[%get3A_63], %broadcast_in_dim3A_12 {add = true} : memref<10240xf32, #tpu.memory_space<vmem>>[vector<16xi32>], vector<16xf32>,
      %mul3A_64 = arith.constant 5 : i32
      %mul3A_65 = arith.muli %add3A_24, %mul3A_64 : i32
      %add3A_66 = arith.constant 4 : i32
      %add3A_67 = arith.addi %mul3A_65, %add3A_66 : i32
      %mul3A_68 = arith.constant 16 : i32
      %mul3A_69 = arith.muli %add3A_67, %mul3A_68 : i32
      %get3A_70 = arith.index_cast %mul3A_69 : i32 to index
      %get3A_71 = tpu.vector_load %arg4[%get3A_70] {strides = array<i32>} : memref<10000xi32, #tpu.memory_space<vmem>>, vector<16xi32>,
      tpu.vector_store_idx %arg6[%get3A_71], %broadcast_in_dim3A_12 {add = true} : memref<10240xf32, #tpu.memory_space<vmem>>[vector<16xi32>], vector<16xf32>,
      %get3A_72 = arith.index_cast %mul3A_69 : i32 to index
      %get3A_73 = tpu.vector_load %arg5[%get3A_72] {strides = array<i32>} : memref<10000xi32, #tpu.memory_space<vmem>>, vector<16xi32>,
      tpu.vector_store_idx %arg7[%get3A_73], %broadcast_in_dim3A_12 {add = true} : memref<10240xf32, #tpu.memory_space<vmem>>[vector<16xi32>], vector<16xf32>,
    }
    %scan3A_17 = arith.constant 125 : i32
    "tpu.region"() ({
      %run_scoped3A_20 = tpu.sem_alloc : memref<!tpu.dma_semaphore, #tpu.memory_space<semaphore_mem>>
      %dma_start3A = arith.constant 0 : i32
      %dma_start3A_21 = tpu.memref_slice %arg3[%add3A, %dma_start3A] : memref<64x10240xf32, #tpu.memory_space<hbm>> -> memref<1x10240xf32, #tpu.memory_space<hbm>>
      %dma_start3A_22 = tpu.memref_squeeze %dma_start3A_21 : memref<1x10240xf32, #tpu.memory_space<hbm>> -> memref<10240xf32, #tpu.memory_space<hbm>>
      %dma_start3A_23 = arith.constant 0 : i32
      %dma_start3A_24 = tpu.memref_slice %arg3[%add3A, %dma_start3A_23] : memref<64x10240xf32, #tpu.memory_space<hbm>> -> memref<1x10240xf32, #tpu.memory_space<hbm>>
      %dma_start3A_25 = tpu.memref_squeeze %dma_start3A_24 : memref<1x10240xf32, #tpu.memory_space<hbm>> -> memref<10240xf32, #tpu.memory_space<hbm>>
      tpu.enqueue_dma source(%arg6 : memref<10240xf32, #tpu.memory_space<vmem>>) target(%dma_start3A_25 : memref<10240xf32, #tpu.memory_space<hbm>>) target_semaphore(%run_scoped3A_20 : memref<!tpu.dma_semaphore, #tpu.memory_space<semaphore_mem>>)
      %dma_wait3A = arith.constant 0 : i32
      %dma_wait3A_26 = tpu.memref_slice %arg3[%add3A, %dma_wait3A] : memref<64x10240xf32, #tpu.memory_space<hbm>> -> memref<1x10240xf32, #tpu.memory_space<hbm>>
      %dma_wait3A_27 = tpu.memref_squeeze %dma_wait3A_26 : memref<1x10240xf32, #tpu.memory_space<hbm>> -> memref<10240xf32, #tpu.memory_space<hbm>>
      %dma_wait3A_28 = arith.constant 0 : i32
      %dma_wait3A_29 = tpu.memref_slice %arg3[%add3A, %dma_wait3A_28] : memref<64x10240xf32, #tpu.memory_space<hbm>> -> memref<1x10240xf32, #tpu.memory_space<hbm>>
      %dma_wait3A_30 = tpu.memref_squeeze %dma_wait3A_29 : memref<1x10240xf32, #tpu.memory_space<hbm>> -> memref<10240xf32, #tpu.memory_space<hbm>>
      tpu.wait_dma2 semaphore(%run_scoped3A_20 : memref<!tpu.dma_semaphore, #tpu.memory_space<semaphore_mem>>) src(%arg6 : memref<10240xf32, #tpu.memory_space<vmem>>) dst(%dma_wait3A_30 : memref<10240xf32, #tpu.memory_space<hbm>>)
      tpu.yield
    }) : () -> ()
    %add3A_18 = arith.constant 32 : i32
    %add3A_19 = arith.addi %add3A_18, %add3A : i32
    "tpu.region"() ({
      %run_scoped3A_20 = tpu.sem_alloc : memref<!tpu.dma_semaphore, #tpu.memory_space<semaphore_mem>>
      %dma_start3A = arith.constant 0 : i32
      %dma_start3A_21 = tpu.memref_slice %arg3[%add3A_19, %dma_start3A] : memref<64x10240xf32, #tpu.memory_space<hbm>> -> memref<1x10240xf32, #tpu.memory_space<hbm>>
      %dma_start3A_22 = tpu.memref_squeeze %dma_start3A_21 : memref<1x10240xf32, #tpu.memory_space<hbm>> -> memref<10240xf32, #tpu.memory_space<hbm>>
      %dma_start3A_23 = arith.constant 0 : i32
      %dma_start3A_24 = tpu.memref_slice %arg3[%add3A_19, %dma_start3A_23] : memref<64x10240xf32, #tpu.memory_space<hbm>> -> memref<1x10240xf32, #tpu.memory_space<hbm>>
      %dma_start3A_25 = tpu.memref_squeeze %dma_start3A_24 : memref<1x10240xf32, #tpu.memory_space<hbm>> -> memref<10240xf32, #tpu.memory_space<hbm>>
      tpu.enqueue_dma source(%arg7 : memref<10240xf32, #tpu.memory_space<vmem>>) target(%dma_start3A_25 : memref<10240xf32, #tpu.memory_space<hbm>>) target_semaphore(%run_scoped3A_20 : memref<!tpu.dma_semaphore, #tpu.memory_space<semaphore_mem>>)
      %dma_wait3A = arith.constant 0 : i32
      %dma_wait3A_26 = tpu.memref_slice %arg3[%add3A_19, %dma_wait3A] : memref<64x10240xf32, #tpu.memory_space<hbm>> -> memref<1x10240xf32, #tpu.memory_space<hbm>>
      %dma_wait3A_27 = tpu.memref_squeeze %dma_wait3A_26 : memref<1x10240xf32, #tpu.memory_space<hbm>> -> memref<10240xf32, #tpu.memory_space<hbm>>
      %dma_wait3A_28 = arith.constant 0 : i32
      %dma_wait3A_29 = tpu.memref_slice %arg3[%add3A_19, %dma_wait3A_28] : memref<64x10240xf32, #tpu.memory_space<hbm>> -> memref<1x10240xf32, #tpu.memory_space<hbm>>
      %dma_wait3A_30 = tpu.memref_squeeze %dma_wait3A_29 : memref<1x10240xf32, #tpu.memory_space<hbm>> -> memref<10240xf32, #tpu.memory_space<hbm>>
      tpu.wait_dma2 semaphore(%run_scoped3A_20 : memref<!tpu.dma_semaphore, #tpu.memory_space<semaphore_mem>>) src(%arg7 : memref<10240xf32, #tpu.memory_space<vmem>>) dst(%dma_wait3A_30 : memref<10240xf32, #tpu.memory_space<hbm>>)
      tpu.yield
    }) : () -> ()
    return
  }
}

module attributes {stable_mosaic.version = 14 : i64} {
  func.func @body(%arg0: memref<10240x128xf32, #tpu.memory_space<vmem>>, %arg1: memref<128x16xf32, #tpu.memory_space<vmem>>, %arg2: memref<16x10240xf32, #tpu.memory_space<vmem>>) attributes {dimension_semantics = [], scalar_prefetch = 0 : i64, scratch_operands = 0 : i64, tpu.core_type = #tpu.core_type<tc>} {
    %get3A = arith.constant 0 : index
    %get3A_0 = arith.constant 0 : index
    %get3A_1 = vector.load %arg1[%get3A, %get3A_0] : memref<128x16xf32, #tpu.memory_space<vmem>>, vector<128x16xf32>
    %get3A_2 = arith.constant 0 : index
    %get3A_3 = arith.constant 0 : index
    %get3A_4 = vector.load %arg0[%get3A_2, %get3A_3] : memref<10240x128xf32, #tpu.memory_space<vmem>>, vector<10240x128xf32>
    %dot_general3A = arith.constant dense<0.000000e+00> : vector<16x10240xf32>
    %dot_general3A_5 = tpu.matmul %get3A_1, %get3A_4, %dot_general3A {dimension_numbers = #tpu.dot_dimension_numbers<[0], [1], [1], [0], [0, 1, 1, 0], [], []>, transpose_lhs_hint = false} : vector<128x16xf32>, vector<10240x128xf32>, vector<16x10240xf32> -> vector<16x10240xf32>
    %swap3A = arith.constant 0 : index
    %swap3A_6 = arith.constant 0 : index
    %swap3A_7 = vector.load %arg2[%swap3A, %swap3A_6] : memref<16x10240xf32, #tpu.memory_space<vmem>>, vector<16x10240xf32>
    tpu.vector_store %arg2[%swap3A, %swap3A_6], %dot_general3A_5 {strides = array<i32>} : memref<16x10240xf32, #tpu.memory_space<vmem>>, vector<16x10240xf32>,
    return
  }
}

module attributes {stable_mosaic.version = 14 : i64} {
  func.func @body(%arg0: memref<64x10240xf32, #tpu.memory_space<vmem>>, %arg1: memref<16x10240xf32, #tpu.memory_space<vmem>>, %arg2: memref<2x10240xf32, #tpu.memory_space<vmem>>, %arg3: memref<16x10240xf32, #tpu.memory_space<vmem>>) attributes {dimension_semantics = [], scalar_prefetch = 0 : i64, scratch_operands = 0 : i64, tpu.core_type = #tpu.core_type<tc>} {
    %get3A = arith.constant 0 : index
    %get3A_0 = arith.constant 0 : index
    %get3A_1 = vector.load %arg0[%get3A, %get3A_0] : memref<64x10240xf32, #tpu.memory_space<vmem>>, vector<64x10240xf32>
    %slice3A = vector.extract_strided_slice %get3A_1 {offsets = [0, 0], sizes = [32, 10240], strides = [1, 1]} : vector<64x10240xf32> to vector<32x10240xf32>
    %reduce_sum3A = arith.constant dense<0.000000e+00> : vector<10240xf32>
    %reduce_sum3A_2 = vector.multi_reduction <add>, %slice3A, %reduce_sum3A [0] : vector<32x10240xf32> to vector<10240xf32>
    %broadcast_in_dim3A = vector.shape_cast %reduce_sum3A_2 : vector<10240xf32> to vector<1x10240xf32>
    %slice3A_3 = vector.extract_strided_slice %get3A_1 {offsets = [32, 0], sizes = [32, 10240], strides = [1, 1]} : vector<64x10240xf32> to vector<32x10240xf32>
    %reduce_sum3A_4 = arith.constant dense<0.000000e+00> : vector<10240xf32>
    %reduce_sum3A_5 = vector.multi_reduction <add>, %slice3A_3, %reduce_sum3A_4 [0] : vector<32x10240xf32> to vector<10240xf32>
    %broadcast_in_dim3A_6 = vector.shape_cast %reduce_sum3A_5 : vector<10240xf32> to vector<1x10240xf32>
    %max3A = arith.constant 1.000000e+00 : f32
    %max3A_7 = vector.broadcast %max3A : f32 to vector<1x10240xf32>
    %max3A_8 = arith.maximumf %broadcast_in_dim3A, %max3A_7 : vector<1x10240xf32>
    %rsqrt3A = math.rsqrt %max3A_8 : vector<1x10240xf32>
    %max3A_9 = arith.constant 1.000000e+00 : f32
    %max3A_10 = vector.broadcast %max3A_9 : f32 to vector<1x10240xf32>
    %max3A_11 = arith.maximumf %broadcast_in_dim3A_6, %max3A_10 : vector<1x10240xf32>
    %rsqrt3A_12 = math.rsqrt %max3A_11 : vector<1x10240xf32>
    %concatenate3A = tpu.concatenate %rsqrt3A, %rsqrt3A_12 in 0 : vector<1x10240xf32>, vector<1x10240xf32> -> vector<2x10240xf32>
    %swap3A = arith.constant 0 : index
    %swap3A_13 = arith.constant 0 : index
    %swap3A_14 = vector.load %arg2[%swap3A, %swap3A_13] : memref<2x10240xf32, #tpu.memory_space<vmem>>, vector<2x10240xf32>
    tpu.vector_store %arg2[%swap3A, %swap3A_13], %concatenate3A {strides = array<i32>} : memref<2x10240xf32, #tpu.memory_space<vmem>>, vector<2x10240xf32>,
    %get3A_15 = arith.constant 0 : index
    %get3A_16 = arith.constant 0 : index
    %get3A_17 = vector.load %arg1[%get3A_15, %get3A_16] : memref<16x10240xf32, #tpu.memory_space<vmem>>, vector<16x10240xf32>
    %mul3A = vector.broadcast %rsqrt3A : vector<1x10240xf32> to vector<16x10240xf32>
    %mul3A_18 = arith.mulf %get3A_17, %mul3A : vector<16x10240xf32>
    %swap3A_19 = arith.constant 0 : index
    %swap3A_20 = arith.constant 0 : index
    %swap3A_21 = vector.load %arg3[%swap3A_19, %swap3A_20] : memref<16x10240xf32, #tpu.memory_space<vmem>>, vector<16x10240xf32>
    tpu.vector_store %arg3[%swap3A_19, %swap3A_20], %mul3A_18 {strides = array<i32>} : memref<16x10240xf32, #tpu.memory_space<vmem>>, vector<16x10240xf32>,
    return
  }
}

module attributes {stable_mosaic.version = 14 : i64} {
  func.func @body(%arg0: memref<2x1280x128xf32, #tpu.memory_space<vmem>>, %arg1: memref<1280x128xf32, #tpu.memory_space<vmem>>, %arg2: memref<1x128xf32, #tpu.memory_space<vmem>>, %arg3: memref<128x384xf32, #tpu.memory_space<vmem>>, %arg4: memref<1280x384xf32, #tpu.memory_space<vmem>>, %arg5: memref<1280x384xf32, #tpu.memory_space<vmem>>) attributes {dimension_semantics = [], scalar_prefetch = 0 : i64, scratch_operands = 0 : i64, tpu.core_type = #tpu.core_type<tc>} {
    %get3A = arith.constant 0 : index
    %get3A_0 = arith.constant 0 : index
    %get3A_1 = arith.constant 0 : index
    %get3A_2 = vector.load %arg0[%get3A, %get3A_0, %get3A_1] : memref<2x1280x128xf32, #tpu.memory_space<vmem>>, vector<1x1280x128xf32>
    %get3A_3 = vector.shape_cast %get3A_2 : vector<1x1280x128xf32> to vector<1280x128xf32>
    %get3A_4 = arith.constant 1 : index
    %get3A_5 = arith.constant 0 : index
    %get3A_6 = arith.constant 0 : index
    %get3A_7 = vector.load %arg0[%get3A_4, %get3A_5, %get3A_6] : memref<2x1280x128xf32, #tpu.memory_space<vmem>>, vector<1x1280x128xf32>
    %get3A_8 = vector.shape_cast %get3A_7 : vector<1x1280x128xf32> to vector<1280x128xf32>
    %add3A = arith.addf %get3A_3, %get3A_8 : vector<1280x128xf32>
    %get3A_9 = arith.constant 0 : index
    %get3A_10 = arith.constant 0 : index
    %get3A_11 = vector.load %arg1[%get3A_9, %get3A_10] : memref<1280x128xf32, #tpu.memory_space<vmem>>, vector<1280x128xf32>
    %mul3A = arith.mulf %add3A, %get3A_11 : vector<1280x128xf32>
    %get3A_12 = arith.constant 0 : index
    %get3A_13 = arith.constant 0 : index
    %get3A_14 = vector.load %arg2[%get3A_12, %get3A_13] : memref<1x128xf32, #tpu.memory_space<vmem>>, vector<1x128xf32>
    %add3A_15 = vector.broadcast %get3A_14 : vector<1x128xf32> to vector<1280x128xf32>
    %add3A_16 = arith.addf %mul3A, %add3A_15 : vector<1280x128xf32>
    %max3A = arith.constant 0.000000e+00 : f32
    %max3A_17 = vector.broadcast %max3A : f32 to vector<1280x128xf32>
    %max3A_18 = arith.maximumf %add3A_16, %max3A_17 : vector<1280x128xf32>
    %get3A_19 = arith.constant 0 : index
    %get3A_20 = arith.constant 0 : index
    %get3A_21 = vector.load %arg3[%get3A_19, %get3A_20] : memref<128x384xf32, #tpu.memory_space<vmem>>, vector<128x384xf32>
    %dot_general3A = arith.constant dense<0.000000e+00> : vector<1280x384xf32>
    %dot_general3A_22 = tpu.matmul %max3A_18, %get3A_21, %dot_general3A {dimension_numbers = #tpu.dot_dimension_numbers<[1], [0], [0], [1], [0, 0, 1, 1], [], []>, transpose_lhs_hint = false} : vector<1280x128xf32>, vector<128x384xf32>, vector<1280x384xf32> -> vector<1280x384xf32>
    %get3A_23 = arith.constant 0 : index
    %get3A_24 = arith.constant 0 : index
    %get3A_25 = vector.load %arg4[%get3A_23, %get3A_24] : memref<1280x384xf32, #tpu.memory_space<vmem>>, vector<1280x384xf32>
    %mul3A_26 = arith.mulf %dot_general3A_22, %get3A_25 : vector<1280x384xf32>
    %swap3A = arith.constant 0 : index
    %swap3A_27 = arith.constant 0 : index
    %swap3A_28 = vector.load %arg5[%swap3A, %swap3A_27] : memref<1280x384xf32, #tpu.memory_space<vmem>>, vector<1280x384xf32>
    tpu.vector_store %arg5[%swap3A, %swap3A_27], %mul3A_26 {strides = array<i32>} : memref<1280x384xf32, #tpu.memory_space<vmem>>, vector<1280x384xf32>,
    return
  }
}

module attributes {stable_mosaic.version = 14 : i64} {
  func.func @body(%arg0: memref<2x1280x384xf32, #tpu.memory_space<vmem>>, %arg1: memref<1280x384xf32, #tpu.memory_space<vmem>>, %arg2: memref<1x384xf32, #tpu.memory_space<vmem>>, %arg3: memref<1280x384xf32, #tpu.memory_space<vmem>>) attributes {dimension_semantics = [], scalar_prefetch = 0 : i64, scratch_operands = 0 : i64, tpu.core_type = #tpu.core_type<tc>} {
    %get3A = arith.constant 0 : index
    %get3A_0 = arith.constant 0 : index
    %get3A_1 = arith.constant 0 : index
    %get3A_2 = vector.load %arg0[%get3A, %get3A_0, %get3A_1] : memref<2x1280x384xf32, #tpu.memory_space<vmem>>, vector<1x1280x384xf32>
    %get3A_3 = vector.shape_cast %get3A_2 : vector<1x1280x384xf32> to vector<1280x384xf32>
    %get3A_4 = arith.constant 1 : index
    %get3A_5 = arith.constant 0 : index
    %get3A_6 = arith.constant 0 : index
    %get3A_7 = vector.load %arg0[%get3A_4, %get3A_5, %get3A_6] : memref<2x1280x384xf32, #tpu.memory_space<vmem>>, vector<1x1280x384xf32>
    %get3A_8 = vector.shape_cast %get3A_7 : vector<1x1280x384xf32> to vector<1280x384xf32>
    %add3A = arith.addf %get3A_3, %get3A_8 : vector<1280x384xf32>
    %get3A_9 = arith.constant 0 : index
    %get3A_10 = arith.constant 0 : index
    %get3A_11 = vector.load %arg1[%get3A_9, %get3A_10] : memref<1280x384xf32, #tpu.memory_space<vmem>>, vector<1280x384xf32>
    %mul3A = arith.mulf %add3A, %get3A_11 : vector<1280x384xf32>
    %get3A_12 = arith.constant 0 : index
    %get3A_13 = arith.constant 0 : index
    %get3A_14 = vector.load %arg2[%get3A_12, %get3A_13] : memref<1x384xf32, #tpu.memory_space<vmem>>, vector<1x384xf32>
    %add3A_15 = vector.broadcast %get3A_14 : vector<1x384xf32> to vector<1280x384xf32>
    %add3A_16 = arith.addf %mul3A, %add3A_15 : vector<1280x384xf32>
    %reshape3A = vector.shape_cast %add3A_16 : vector<1280x384xf32> to vector<1280x8x48xf32>
    %reduce_max3A = arith.constant dense<0xFF800000> : vector<1280x8xf32>
    %reduce_max3A_17 = vector.multi_reduction <maximumf>, %reshape3A, %reduce_max3A [2] : vector<1280x8x48xf32> to vector<1280x8xf32>
    %broadcast_in_dim3A = vector.shape_cast %reduce_max3A_17 : vector<1280x8xf32> to vector<1280x8x1xf32>
    %sub3A = vector.broadcast %broadcast_in_dim3A : vector<1280x8x1xf32> to vector<1280x8x48xf32>
    %sub3A_18 = arith.subf %reshape3A, %sub3A : vector<1280x8x48xf32>
    %exp3A = math.exp %sub3A_18 : vector<1280x8x48xf32>
    %reduce_sum3A = arith.constant dense<0.000000e+00> : vector<1280x8xf32>
    %reduce_sum3A_19 = vector.multi_reduction <add>, %exp3A, %reduce_sum3A [2] : vector<1280x8x48xf32> to vector<1280x8xf32>
    %broadcast_in_dim3A_20 = vector.shape_cast %reduce_sum3A_19 : vector<1280x8xf32> to vector<1280x8x1xf32>
    %log3A = math.log %broadcast_in_dim3A_20 : vector<1280x8x1xf32>
    %add3A_21 = arith.addf %log3A, %broadcast_in_dim3A : vector<1280x8x1xf32>
    %sub3A_22 = vector.broadcast %add3A_21 : vector<1280x8x1xf32> to vector<1280x8x48xf32>
    %sub3A_23 = arith.subf %reshape3A, %sub3A_22 : vector<1280x8x48xf32>
    %reshape3A_24 = vector.shape_cast %sub3A_23 : vector<1280x8x48xf32> to vector<1280x384xf32>
    %swap3A = arith.constant 0 : index
    %swap3A_25 = arith.constant 0 : index
    %swap3A_26 = vector.load %arg3[%swap3A, %swap3A_25] : memref<1280x384xf32, #tpu.memory_space<vmem>>, vector<1280x384xf32>
    tpu.vector_store %arg3[%swap3A, %swap3A_25], %reshape3A_24 {strides = array<i32>} : memref<1280x384xf32, #tpu.memory_space<vmem>>, vector<1280x384xf32>,
    return
  }
}

</mosaic_0001>

<sc_bundles>
// kernel: kernel.12.cloned.1.call-start
scs
__scs_entry_jumppad:
0x0: {  	(pc) =	sbr.rel $0x88, $3  }
0x1: {  	(tag) =	ssettag $0x0;
	lr =	simm.s32 $0x1  }
0x2: {  	[smem:$0x3F9B] =	sst lr;
	_ =	strace $0xD0000000  }
0x3: {  	_ = 	snop  }
0x4: {  	_ = 	snop  }
0x5: {  	_ = 	snop  }
0x6: {  	_ = 	snop  }
0x7: {  	_ = 	snop  }
__scs_overlays_trampoline_lowered:
0x8: {  	[smem:$0x3FAA] =	sst s0  }
0x9: {  	[smem:$0x3FAB] =	sst s1  }
0xa: {  	[smem:$0x3FAC] =	sst s2  }
0xb: {  	[smem:$0x3FAD] =	sst s3  }
0xc: {  	[smem:$0x3FAE] =	sst s4  }
0xd: {  	[smem:$0x3FAF] =	sst s5  }
0xe: {  	[smem:$0x3FB0] =	sst s6  }
0xf: {  	[smem:$0x3FB1] =	sst s7  }
0x10: {  	[smem:$0x3FB2] =	sst s8  }
0x11: {  	[smem:$0x3FB3] =	sst s9;
	s0 =	simm.s32 @!p0 $0x0  }
0x12: {  	s1 =	sld [smem:$0x3F99];
	s0 =	simm.s32 @p0 $0x1  }
0x13: {  	[smem:$0x3FB4] =	sst s0;
	s0 =	simm.s32 @!p1 $0x0  }
0x14: {  	s2 =	sld [smem:$0x3F98];
	s0 =	simm.s32 @p1 $0x1  }
0x15: {  	[smem:$0x3FB5] =	sst s0;
	s0 =	simm.s32 @!p2 $0x0  }
0x16: {  	s3 =	sld [smem:$0x3FDB];
	s0 =	simm.s32 @p2 $0x1  }
0x17: {  	s4 =	simm.s32 $0x1BF5;
	[smem:$0x3FB7] =	sst s0  }
0x18: {  	s0 =	sld [smem:$0x3F9A];
	_ =	swait.ge [sflag:s4], $0x0  }
0x19: {  	s7 =	sld [smem:$0x3F9B]  }
0x1a: {  	s8 =	sadd.s32 $0xFFFFE003, lr  }
0x1b: {  	s9 =	sadd.s32 $0xFFFFFEF7, lr;
	s5 =	simm.s32 $0xFFFFFFFF;
	p2 =	slt.u32 s8, $0xFFFFF086  }
0x1c: {  	p1 =	slt.u32 s9, $0xF7A;
	s5 =	simm.s32 @!p2 $0x0  }
0x1d: {  	s5 =	simm.s32 @p1 $0x1;
	p0 =	seq.s32 s7, s2  }
0x1e: {  	s7 =	smul.u32 @!p0 $0xF7A, s2;
	p2 =	seq.s32 @!p0 s5, $0x0  }
0x1f: {  	s9 =	smul.u32 $0xF7A, s1;
	s8 =	simm.s32 @!p0 $0x1BF5;
	p2 =	por !p2, p0  }
0x20: {  	[sflag:s8] =	ssyncset.s32 @!p0 $0xFFFFF086;
	s6 =	sadd.s32 @!p0 s3, s7;
	s7 =	simm.s32 @!p0 $0x108  }
0x21: {  	s3 =	sadd.s32 s3, s9;
	s6 =	sadd.s32 @!p0 $0x88, s6;
	s7 =	simm.s32 @p2 $0x1082  }
0x22: {  	[simem:s7], [sflag:s8] =	dma.local @!p0 [hbm:s6], $0xF7A  }
0x23: {  	s9 =	sor.u32 $0xD0000000, s2;
	s6 =	simm.s32 $0x108;
	_ =	swait.ge @!p0 [sflag:s8], $0x0  }
0x24: {  	s3 =	sadd.s32 $0x88, s3;
	s6 =	simm.s32 @!p1 $0x1082;
	[sflag:s4] =	ssyncset.s32 $0xFFFFF086  }
0x25: {  	[simem:s6], [sflag:s4] =	dma.local [hbm:s3], $0xF7A  }
0x26: {  	[smem:$0x3F9B] =	sst s1;
	(tag) =	ssettag s2;
	_ =	strace s9  }
0x27: {  	s1 =	sld [smem:$0x3FAB]  }
0x28: {  	s2 =	sld [smem:$0x3FAC]  }
0x29: {  	s4 =	sld [smem:$0x3FAE]  }
0x2a: {  	p0 =	seq.s32 s5, $0x0;
	s5 =	sld [smem:$0x3FAF]  }
0x2b: {  	s6 =	sld [smem:$0x3FB0]  }
0x2c: {  	s7 =	sld [smem:$0x3FB1]  }
0x2d: {  	s3 =	simm.s32 $0x108;
	s8 =	sld [smem:$0x3FB2]  }
0x2e: {  	s3 =	simm.s32 @!p0 $0x1082;
	s9 =	sld [smem:$0x3FB3]  }
0x2f: {  	lr =	sadd.s32 s0, s3;
	s0 =	sld [smem:$0x3FAA]  }
0x30: {  	s3 =	sld [smem:$0x3FAD]  }
0x31: {  	[smem:$0x3FB6] =	sst s10  }
0x32: {  	s10 =	sld [smem:$0x3FB4];
	_ =	sdelay $0x3  }
0x33: {  	p0 =	seq.s32 s10, $0x1;
	s10 =	sld [smem:$0x3FB6];
	_ =	sdelay $0x3  }
0x34: {  	[smem:$0x3FB6] =	sst s10  }
0x35: {  	s10 =	sld [smem:$0x3FB5];
	_ =	sdelay $0x3  }
0x36: {  	p1 =	seq.s32 s10, $0x1;
	s10 =	sld [smem:$0x3FB6];
	_ =	sdelay $0x3  }
0x37: {  	[smem:$0x3FB6] =	sst s10  }
0x38: {  	s10 =	sld [smem:$0x3FB7]  }
0x39: {  	_ = 	snop;
	(pc) =	sbr.ind lr, $3  }
0x3a: {  	_ = 	snop  }
0x3b: {  	_ = 	snop  }
0x3c: {  	p2 =	seq.s32 s10, $0x1;
	s10 =	sld [smem:$0x3FB6]  }
0x3d: {  	_ =	shalt  }
0x3e: {  	_ =	shalt  }
0x3f: {  	_ =	shalt  }
0x40: {  	_ =	shalt  }
0x41: {  	_ =	shalt  }
0x42: {  	_ =	shalt  }
0x43: {  	_ =	shalt  }
0x44: {  	_ =	shalt  }
0x45: {  	_ =	shalt  }
0x46: {  	_ =	shalt  }
0x47: {  	_ =	shalt  }
0x48: {  	_ =	shalt  }
0x49: {  	_ =	shalt  }
0x4a: {  	_ =	shalt  }
0x4b: {  	_ =	shalt  }
0x4c: {  	_ =	shalt  }
0x4d: {  	_ =	shalt  }
0x4e: {  	_ =	shalt  }
0x4f: {  	_ =	shalt  }
0x50: {  	_ =	shalt  }
0x51: {  	_ =	shalt  }
0x52: {  	_ =	shalt  }
0x53: {  	_ =	shalt  }
0x54: {  	_ =	shalt  }
0x55: {  	_ =	shalt  }
0x56: {  	_ =	shalt  }
0x57: {  	_ =	shalt  }
0x58: {  	_ =	shalt  }
0x59: {  	_ =	shalt  }
0x5a: {  	_ =	shalt  }
0x5b: {  	_ =	shalt  }
0x5c: {  	_ =	shalt  }
0x5d: {  	_ =	shalt  }
0x5e: {  	_ =	shalt  }
0x5f: {  	_ =	shalt  }
0x60: {  	_ =	shalt  }
0x61: {  	_ =	shalt  }
0x62: {  	_ =	shalt  }
0x63: {  	_ =	shalt  }
0x64: {  	_ =	shalt  }
0x65: {  	_ =	shalt  }
0x66: {  	_ =	shalt  }
0x67: {  	_ =	shalt  }
0x68: {  	_ =	shalt  }
0x69: {  	_ =	shalt  }
0x6a: {  	_ =	shalt  }
0x6b: {  	_ =	shalt  }
0x6c: {  	_ =	shalt  }
0x6d: {  	_ =	shalt  }
0x6e: {  	_ =	shalt  }
0x6f: {  	_ =	shalt  }
0x70: {  	_ =	shalt  }
0x71: {  	_ =	shalt  }
0x72: {  	_ =	shalt  }
0x73: {  	_ =	shalt  }
0x74: {  	_ =	shalt  }
0x75: {  	_ =	shalt  }
0x76: {  	_ =	shalt  }
0x77: {  	_ =	shalt  }
0x78: {  	_ =	shalt  }
0x79: {  	_ =	shalt  }
0x7a: {  	_ =	shalt  }
0x7b: {  	_ =	shalt  }
0x7c: {  	_ =	shalt  }
0x7d: {  	_ =	shalt  }
0x7e: {  	_ =	shalt  }
0x7f: {  	_ =	shalt  }
0x80: {  	_ =	shalt  }
0x81: {  	_ =	shalt  }
0x82: {  	_ =	shalt  }
0x83: {  	_ =	shalt  }
0x84: {  	_ =	shalt  }
0x85: {  	_ =	shalt  }
0x86: {  	_ =	shalt  }
0x87: {  	_ =	shalt  }
.Lfunc_end0:
.L_simem_size_0:
called_computation.1_lowered:
.L_overlay_start_0:
0x88: {  	s2 =	sld [smem:$0x3FD9]  }
0x89: {  	s3 =	sld [smem:$0x3FFE];
	_ =	sdelay $0x1  }
0x8a: {  	s1 =	srdreg.scid  }
0x8b: {  	s0 =	sand.u32 $0x1, s1  }
0x8c: {  	s17 =	sshll.u32 s0, $0xA;
	s2 =	sadd.s32 s3, s2  }
0x8d: {  	s2 =	sadd.s32 s2, s17  }
0x8e: {  	[smem:$0x3FC2] =	sst s2  }
0x8f: {  	_ = 	snop  }
0x90: {  	s2 =	sld [smem:$0x3FD0];
	(tm) =	ssettm $0x1  }
0x91: {  	s18 =	sld [smem:$0x3FFB];
	_ =	sdelay $0x3  }
0x92: {  	_ =	strace s18  }
0x93: {  	s3 =	sld [smem:$0x3FFC];
	_ =	sdelay $0x3  }
0x94: {  	_ =	strace s3  }
0x95: {  	s3 =	sld [smem:$0x3FFD];
	_ =	sdelay $0x3  }
0x96: {  	_ =	strace s3  }
0x97: {  	_ =	strace $0x8FFFFFFF  }
0x98: {  	s19 =	sld [smem:$0x3FDB];
	_ =	sdelay $0x1  }
0x99: {  	s4 =	simm.s32 $_scs_section_size  }
0x9a: {  	s5 =	simm.s32 $_size__tile_overlayer_lowered;
	s6 =	simm.s32 $_tile_overlayer_lowered  }
0x9b: {  	s22 =	simm.s32 $0x1BFF;
	s21 =	sshll.u32 s6, $0x1;
	s3 =	sadd.s32 s4, s19  }
0x9c: {  	s7 =	simm.s32 $0x0;
	s20 =	sshll.u32 s5, $0x1;
	s5 =	sadd.s32 s21, s3  }
0x9d: {  	[timem:s7], [sflag:s22] =	dma.local [hbm:s5], s20  }
0x9e: {  	_ =	swait.ge [sflag:s22], s20  }
0x9f: {  	s4 =	ssub.s32 $0x0, s20;
	[sflag:s22] =	ssyncset.done $0x0  }
0xa0: {  	[sflag:s22] =	ssyncadd.s32 s4;
	_ =	sdelay $0x1  }
0xa1: {  	s23 =	simm.s32 $0x1B8B  }
0xa2: {  	_ =	swait.ge [sflag:s23], $0x1  }
0xa3: {  	[sflag:s23] =	ssyncset.done $0x0  }
0xa4: {  	s25 =	simm.s32 $0x1B8E;
	s24 =	sld [smem:$0x3FFE];
	[sflag:s23] =	ssyncadd.s32 $0xFFFFFFFF  }
0xa5: {  	s26 =	simm.s32 $execute0_lowered;
	[smem:$0x3FD2] =	sst s25  }
0xa6: {  	s5 =	sshll.u32 s26, $0x1;
	_ =	strace $0x80000049;
	[dreg:$0x1] =	wrdreg $0xFFFFFFFF  }
0xa7: {  	s28 =	simm.s32 $_size_execute0_lowered;
	s3 =	sadd.s32 s3, s5;
	[dreg:$0x0] =	wrdreg $0x0  }
0xa8: {  	s5 =	sshll.u32 s28, $0x1;
	[dreg:$0x2] =	wrdreg s3  }
0xa9: {  	[dreg:$0x3] =	wrdreg s5  }
0xaa: {  	[dreg:$0x4] =	wrdreg $0xC0  }
0xab: {  	_ =	task [dreg:s7], $0x5FFFF  }
0xac: {  	[dreg:$0x1] =	wrdreg $0xFFFFFFFF  }
0xad: {  	[dreg:$0x0] =	wrdreg $0x60  }
0xae: {  	[dreg:$0x2] =	wrdreg s24  }
0xaf: {  	[dreg:$0x3] =	wrdreg s2  }
0xb0: {  	[dreg:$0x4] =	wrdreg $0xA8200  }
0xb1: {  	[dreg:$0x5] =	wrdreg $0x9  }
0xb2: {  	_ =	task.clear_ibuf [dreg:s7], $0x6FFFF;
	_ =	strace $0x90000049  }
0xb3: {  	s29 =	simm.s32 $0x9;
	_ =	strace $0x8000004B  }
0xb4: {  	_ =	swait.ge [sflag:s29], $0x1  }
0xb5: {  	[sflag:s29] =	ssyncadd.s32 $0xFFFFFFFF  }
0xb6: {  	_ =	strace $0x9000004B  }
0xb7: {  	_ =	sfence  }
0xb8: {  	s30 =	sld [smem:$0x0];
	_ =	sdelay $0x2  }
0xb9: {  	s31 =	sshll.u32 s1, $0xD;
	s1 =	sshrl.u32 s1, $0x2  }
0xba: {  	s3 =	sand.u32 $0x4000, s31;
	s1 =	sadd.s32 s1, s30  }
0xbb: {  	s0 =	sor.u32 s3, s0;
	s1 =	sshll.u32 s1, $0x11  }
0xbc: {  	s0 =	sor.u32 s1, s0  }
0xbd: {  	s0 =	sadd.s32 $0x8F2B, s0  }
0xbe: {  	[sflag:s0] =	ssyncadd.remote.s32 $0x1  }
0xbf: {  	_ =	sfence.sel $0xFFFF  }
0xc0: {  	[dreg:$0x0] =	wrdreg $0xFFFFFFFF;
	(pc) =	sbr.abs _section_cstart, $3  }
0xc1: {  	[dreg:$0x1] =	wrdreg $0xFFFFFFFF  }
0xc2: {  	_ =	task.clear_ibuf [dreg:s7], $0x2FFFF;
	_ =	strace $0x9FFFFFFF  }
0xc3: {  	(tm) =	ssettm $0x7FFFFFFF  }
tec
execute0_lowered:
.L_overlay_start_1:
0x0: {  	(tag) =	ssettag $0x1  }
0x1: {  	s0 =	rddreg [dreg:$0x0]  }
0x2: {  	s2 =	rddreg [dreg:$0x1]  }
0x3: {  	s1 =	rddreg [dreg:$0x2]  }
0x4: {  	s3 =	srdreg.scid;
	s31 =	simm.s32 $0x0;
	s7 =	stileid.u32  }
0x5: {  	s12 =	simm.s32 $0x50;
	s18 =	simm.s32 $0x4E20;
	s28 =	simm.s32 $0x5320  }
0x6: {  	s20 =	simm.s32 $0x5820;
	s30 =	simm.s32 $0x5D20;
	s21 =	simm.s32 $0x6220  }
0x7: {  	s29 =	simm.s32 $0x7620;
	s10 =	simm.s32 $0x7B20;
	s15 =	simm.s32 $0x3  }
0x8: {  	s17 =	simm.s32 $0x4;
	s19 =	simm.s32 $0x5;
	s24 =	simm.s32 $0xE  }
0x9: {  	s11 =	simm.s32 $0x10;
	s13 =	simm.s32 $0x13;
	s3 =	sand.u32 $0x1, s3  }
0xa: {  	s22 =	simm.s32 $0x14;
	[smem:$0x7FF] =	sst s31;
	s4 =	sshll.u32 s3, $0x4  }
0xb: {  	_ =	strace $0x8000004A;
	s6 =	ssub.s32 $0x2, s3;
	s3 =	smul.u32 $0x5000, s3  }
0xc: {  	s4 =	sor.u32 s7, s4;
	s7 =	smul.u32 $0x2800, s7;
	s9 =	sshrl.u32 s6, $0x1  }
0xd: {  	s5 =	smul.u32 $0x4E2, s4;
	s4 =	sadd.s32 $0x15200, s0;
	s6 =	ssub.s32 s6, s9  }
0xe: {  	s2 =	sadd.s32 s2, s3;
	s9 =	simm.s32 $0xD;
	s3 =	simm.s32 $0xF  }
0xf: {  	s23 =	sadd.s32 s7, s1;
	s25 =	sshrl.u32 s7, $0x3;
	s6 =	smax.u32 s6, $0x1  }
0x10: {  	s7 =	simm.s32 $0xC;
	s8 =	sadd.s32 s5, s0;
	s0 =	sadd.s32 $0xB440, s0  }
.Ltmp0:
0x11: {  	[dreg:$0x6] =	wrdreg s6;
	s26 =	sadd.s32 s25, s2;
	(pc) =	sbr.rel .LBB2_1-.Ltmp0, $4  }
0x12: {  	s2 =	simm.s32 $0x7120;
	s6 =	simm.s32 $0x11;
	[dreg:$0x5] =	wrdreg s23  }
0x13: {  	s8 =	sadd.s32 $0x1800, s8;
	s0 =	sadd.s32 s5, s0;
	[dreg:$0x8] =	wrdreg s26  }
0x14: {  	s26 =	simm.s32 $0x6C20;
	s5 =	simm.s32 $0xB;
	[dreg:$0x4] =	wrdreg s8  }
0x15: {  	v0 =	vimm.f32 $0.0e+00;
	[dreg:$0x7] =	wrdreg s0;
	s8 =	simm.s32 $0x12;
	s0 =	simm.s32 $0x0  }
.LBB2_6:
0x16: {  	_ =	swait.ge [sflag:s6], $0x500  }
0x17: {  	[sflag:s6] =	ssyncset.done $0x0  }
0x18: {  	[sflag:s6] =	ssyncadd.s32 $0xFFFFFB00  }
0x19: {  	_ =	swait.ge [sflag:s8], $0x500  }
0x1a: {  	[sflag:s8] =	ssyncset.done $0x0  }
0x1b: {  	[sflag:s8] =	ssyncadd.s32 $0xFFFFFB00  }
0x1c: {  	_ =	swait.ge [sflag:s13], $0x500  }
0x1d: {  	[sflag:s13] =	ssyncset.done $0x0  }
0x1e: {  	[sflag:s13] =	ssyncadd.s32 $0xFFFFFB00  }
0x1f: {  	_ =	swait.ge [sflag:s22], $0x500  }
0x20: {  	[sflag:s22] =	ssyncset.done $0x0  }
0x21: {  	s0 =	simm.s32 $0x1;
	[sflag:s22] =	ssyncadd.s32 $0xFFFFFB00  }
0x22: {  	_ =	swait.ge [sflag:s0], $0x500  }
0x23: {  	[sflag:s0] =	ssyncset.done $0x0  }
0x24: {  	s14 =	simm.s32 $0x4C90;
	s16 =	simm.s32 $0x2;
	[sflag:s0] =	ssyncadd.s32 $0xFFFFFB00  }
0x25: {  	[spmem:s1] =	stream.indirect.scatter.add.f32 [tilespmem:s18], [sflag:$0xB], $0x10, s14, s12, $0xb8;
	[tilespmem:$0xD020] =	vst v63  }
0x26: {  	_ =	swait.ge [sflag:s16], $0x500  }
0x27: {  	[sflag:s16] =	ssyncset.done $0x0  }
0x28: {  	s23 =	simm.s32 $0x4CE0;
	[sflag:s16] =	ssyncadd.s32 $0xFFFFFB00  }
0x29: {  	[spmem:s1] =	stream.indirect.scatter.add.f32 [tilespmem:s28], [sflag:$0xC], $0x10, s23, s12, $0xb8;
	[tilespmem:$0xD020] =	vst v63  }
0x2a: {  	_ =	swait.ge [sflag:s15], $0x500  }
0x2b: {  	[sflag:s15] =	ssyncset.done $0x0  }
0x2c: {  	s25 =	simm.s32 $0x4D30;
	[sflag:s15] =	ssyncadd.s32 $0xFFFFFB00  }
0x2d: {  	[spmem:s1] =	stream.indirect.scatter.add.f32 [tilespmem:s20], [sflag:$0xD], $0x10, s25, s12, $0xb8;
	[tilespmem:$0xD020] =	vst v63  }
0x2e: {  	_ =	swait.ge [sflag:s17], $0x500  }
0x2f: {  	[sflag:s17] =	ssyncset.done $0x0  }
0x30: {  	s26 =	simm.s32 $0x4D80;
	[sflag:s17] =	ssyncadd.s32 $0xFFFFFB00  }
0x31: {  	[spmem:s1] =	stream.indirect.scatter.add.f32 [tilespmem:s30], [sflag:$0xE], $0x10, s26, s12, $0xb8;
	[tilespmem:$0xD020] =	vst v63  }
0x32: {  	_ =	swait.ge [sflag:s19], $0x500  }
0x33: {  	[sflag:s19] =	ssyncset.done $0x0  }
0x34: {  	s2 =	simm.s32 $0x4DD0;
	[sflag:s19] =	ssyncadd.s32 $0xFFFFFB00  }
0x35: {  	[spmem:s1] =	stream.indirect.scatter.add.f32 [tilespmem:s21], [sflag:$0xF], $0x10, s2, s12, $0xb8;
	[tilespmem:$0xD020] =	vst v63  }
0x36: {  	_ =	swait.ge [sflag:s5], $0x500  }
0x37: {  	[sflag:s5] =	ssyncset.done $0x0  }
0x38: {  	[sflag:s5] =	ssyncadd.s32 $0xFFFFFB00  }
0x39: {  	_ =	swait.ge [sflag:s7], $0x500  }
0x3a: {  	[sflag:s7] =	ssyncset.done $0x0  }
0x3b: {  	[sflag:s7] =	ssyncadd.s32 $0xFFFFFB00  }
0x3c: {  	_ =	swait.ge [sflag:s9], $0x500  }
0x3d: {  	[sflag:s9] =	ssyncset.done $0x0  }
0x3e: {  	[sflag:s9] =	ssyncadd.s32 $0xFFFFFB00  }
0x3f: {  	_ =	swait.ge [sflag:s24], $0x500  }
0x40: {  	[sflag:s24] =	ssyncset.done $0x0  }
0x41: {  	[sflag:s24] =	ssyncadd.s32 $0xFFFFFB00  }
0x42: {  	_ =	swait.ge [sflag:s3], $0x500  }
0x43: {  	[sflag:s3] =	ssyncset.done $0x0  }
0x44: {  	[sflag:s3] =	ssyncadd.s32 $0xFFFFFB00  }
0x45: {  	[bflag:$0x0] =	sbarrier.arrive $0xFFFF  }
0x46: {  	s14 =	simm.s32 $0x8020;
	s16 =	simm.s32 $0x15;
	s23 =	rddreg [dreg:$0x5]  }
0x47: {  	[tilespmem:s14], [sflag:$0x15] =	stream.linear.gather [spmem:s23], $0x2800, $0x38;
	[tilespmem:$0xD020] =	vst v63  }
0x48: {  	_ =	swait.ge [sflag:s16], $0x2800  }
0x49: {  	[sflag:s16] =	ssyncset.done $0x0  }
0x4a: {  	s31 =	simm.s32 $0x0;
	s10 =	rddreg [dreg:$0x8];
	[sflag:s16] =	ssyncadd.s32 $0xFFFFD800  }
0x4b: {  	[hbm4b:s10+s31] =	stream.linear.scatter [tilespmem:s14], [sflag:$0x15], $0x2800, $0x38;
	[tilespmem:$0xD020] =	vst v63  }
0x4c: {  	_ =	swait.ge [sflag:s16], $0x2800  }
0x4d: {  	s14 =	rddreg [dreg:$0x9]  }
0x4e: {  	s25 =	rddreg [dreg:$0x6];
	s0 =	sadd.s32 $0x1, s14  }
0x4f: {  	p0 =	sne.s32 s0, s25  }
.Ltmp1:
0x50: {  	_ = 	snop;
	(pc) =	sbr.rel @!p0 .LBB2_7-.Ltmp1, $4  }
0x51: {  	_ = 	snop  }
0x52: {  	s29 =	simm.s32 $0x7620  }
0x53: {  	s26 =	simm.s32 $0x15;
	s2 =	simm.s32 $0x7120;
	[sflag:s16] =	ssyncset.done $0x0  }
0x54: {  	s10 =	simm.s32 $0x7B20;
	[sflag:s26] =	ssyncadd.s32 $0xFFFFD800;
	s26 =	simm.s32 $0x6C20  }
.LBB2_1:
0x55: {  	[dreg:$0x9] =	wrdreg s0  }
0x56: {  	s25 =	simm.s32 $0x15;
	s16 =	rddreg [dreg:$0x4]  }
0x57: {  	[tilespmem:s31], [sflag:$0x15] =	stream.linear.gather [hbm4b:s16+s31], $0x2710, $0x38;
	[tilespmem:$0xD020] =	vst v63  }
0x58: {  	_ =	swait.ge [sflag:s25], $0x2710  }
0x59: {  	[sflag:s25] =	ssyncset.done $0x0  }
0x5a: {  	s14 =	simm.s32 $0x2710;
	s0 =	rddreg [dreg:$0x7];
	[sflag:s25] =	ssyncadd.s32 $0xFFFFD8F0  }
0x5b: {  	[tilespmem:s14], [sflag:$0x15] =	stream.linear.gather [hbm4b:s0+s31], $0x2710, $0x38;
	[tilespmem:$0xD020] =	vst v63  }
0x5c: {  	_ =	swait.ge [sflag:s25], $0x2710  }
0x5d: {  	[sflag:s25] =	ssyncset.done $0x0  }
0x5e: {  	s16 =	simm.s32 $0x0;
	s14 =	simm.s32 $0x40;
	[sflag:s25] =	ssyncadd.s32 $0xFFFFD8F0  }
.LBB2_2:
0x5f: {  	p0 =	sne.s32 s14, $0x9FC0;
	[tilespmem:s16+$0x8020] =	vst v0;
	s16 =	smov.u32 s14;
	s14 =	sadd.s32 $0x40, s14  }
.Ltmp2:
0x60: {  	(pc) =	sbr.rel @p0 .LBB2_2-.Ltmp2, $2  }
0x61: {  	_ =	sdelay $0x2  }
0x62: {  	s16 =	sshra.s32 s16, $0x2  }
0x63: {  	[tilespmem:s16+$0x8020] =	vst v0;
	s14 =	simm.s32 $0x8020;
	s16 =	simm.s32 $0x15  }
0x64: {  	[spmem:s23] =	stream.linear.scatter [tilespmem:s14], [sflag:$0x15], $0x2800, $0x38;
	[tilespmem:$0xD020] =	vst v63  }
0x65: {  	_ =	swait.ge [sflag:s16], $0x2800  }
0x66: {  	[sflag:s16] =	ssyncset.done $0x0  }
0x67: {  	[sflag:s16] =	ssyncadd.s32 $0xFFFFD800  }
0x68: {  	s14 =	simm.s32 $0x0;
	[bflag:$0x0] =	sbarrier.arrive $0xFFFF  }
0x69: {  	[tilespmem:s18], [sflag:$0x1] =	stream.indirect.gather [hbm4b:s4+s12], $0x10, s14, s12, $0xb8;
	[tilespmem:$0xD020] =	vst v63  }
0x6a: {  	_ = 	snop  }
0x6b: {  	[tilespmem:s28], [sflag:$0x2] =	stream.indirect.gather [hbm4b:s4+s12], $0x10, s12, s12, $0xb8;
	[tilespmem:$0xD020] =	vst v63  }
0x6c: {  	s18 =	simm.s32 $0xA0  }
0x6d: {  	[tilespmem:s20], [sflag:$0x3] =	stream.indirect.gather [hbm4b:s4+s12], $0x10, s18, s12, $0xb8;
	[tilespmem:$0xD020] =	vst v63  }
0x6e: {  	s20 =	simm.s32 $0xF0  }
0x6f: {  	[tilespmem:s30], [sflag:$0x4] =	stream.indirect.gather [hbm4b:s4+s12], $0x10, s20, s12, $0xb8;
	[tilespmem:$0xD020] =	vst v63  }
0x70: {  	s0 =	simm.s32 $0x140  }
0x71: {  	[tilespmem:s21], [sflag:$0x5] =	stream.indirect.gather [hbm4b:s4+s12], $0x10, s0, s12, $0xb8;
	[tilespmem:$0xD020] =	vst v63  }
0x72: {  	s23 =	simm.s32 $0x190;
	s18 =	simm.s32 $0x6720  }
0x73: {  	[tilespmem:s18], [sflag:$0x6] =	stream.indirect.gather [hbm4b:s4+s12], $0x10, s23, s12, $0xb8;
	[tilespmem:$0xD020] =	vst v63  }
0x74: {  	s25 =	simm.s32 $0x1E0  }
0x75: {  	[tilespmem:s26], [sflag:$0x7] =	stream.indirect.gather [hbm4b:s4+s12], $0x10, s25, s12, $0xb8;
	[tilespmem:$0xD020] =	vst v63  }
0x76: {  	s28 =	simm.s32 $0x230  }
0x77: {  	[tilespmem:s2], [sflag:$0x8] =	stream.indirect.gather [hbm4b:s4+s12], $0x10, s28, s12, $0xb8;
	[tilespmem:$0xD020] =	vst v63  }
0x78: {  	s30 =	simm.s32 $0x280  }
0x79: {  	[tilespmem:s29], [sflag:$0x9] =	stream.indirect.gather [hbm4b:s4+s12], $0x10, s30, s12, $0xb8;
	[tilespmem:$0xD020] =	vst v63  }
0x7a: {  	s31 =	simm.s32 $0x2D0  }
0x7b: {  	[tilespmem:s10], [sflag:$0xA] =	stream.indirect.gather [hbm4b:s4+s12], $0x10, s31, s12, $0xb8;
	[tilespmem:$0xD020] =	vst v63  }
.LBB2_4:
0x7c: {  	s0 =	simm.s32 $0x1  }
0x7d: {  	_ =	swait.ge [sflag:s0], $0x500  }
0x7e: {  	s16 =	sshra.s32 s14, $0x2;
	[sflag:s0] =	ssyncset.done $0x0  }
0x7f: {  	s28 =	simm.s32 $0x4E20;
	s25 =	sadd.s32 $0x2710, s16;
	[sflag:s0] =	ssyncadd.s32 $0xFFFFFB00  }
0x80: {  	[spmem:s1] =	stream.indirect.scatter.add.f32 [tilespmem:s28], [sflag:$0xB], $0x10, s25, s12, $0xb8;
	[tilespmem:$0xD020] =	vst v63  }
0x81: {  	s25 =	simm.s32 $0x2  }
0x82: {  	_ =	swait.ge [sflag:s25], $0x500  }
0x83: {  	[sflag:s25] =	ssyncset.done $0x0  }
0x84: {  	s20 =	simm.s32 $0x5320;
	s0 =	sadd.s32 $0x2760, s16;
	[sflag:s25] =	ssyncadd.s32 $0xFFFFFB00  }
0x85: {  	[spmem:s1] =	stream.indirect.scatter.add.f32 [tilespmem:s20], [sflag:$0xC], $0x10, s0, s12, $0xb8;
	[tilespmem:$0xD020] =	vst v63  }
0x86: {  	_ =	swait.ge [sflag:s15], $0x500  }
0x87: {  	[sflag:s15] =	ssyncset.done $0x0  }
0x88: {  	s30 =	simm.s32 $0x5820;
	s21 =	sadd.s32 $0x27B0, s16;
	[sflag:s15] =	ssyncadd.s32 $0xFFFFFB00  }
0x89: {  	[spmem:s1] =	stream.indirect.scatter.add.f32 [tilespmem:s30], [sflag:$0xD], $0x10, s21, s12, $0xb8;
	[tilespmem:$0xD020] =	vst v63  }
0x8a: {  	_ =	swait.ge [sflag:s17], $0x500  }
0x8b: {  	[sflag:s17] =	ssyncset.done $0x0  }
0x8c: {  	s23 =	sadd.s32 $0x2800, s16;
	s0 =	simm.s32 $0x5D20;
	[sflag:s17] =	ssyncadd.s32 $0xFFFFFB00  }
0x8d: {  	[spmem:s1] =	stream.indirect.scatter.add.f32 [tilespmem:s0], [sflag:$0xE], $0x10, s23, s12, $0xb8;
	[tilespmem:$0xD020] =	vst v63  }
0x8e: {  	_ =	swait.ge [sflag:s19], $0x500  }
0x8f: {  	[sflag:s19] =	ssyncset.done $0x0  }
0x90: {  	s21 =	sadd.s32 $0x2850, s16;
	s23 =	simm.s32 $0x6220;
	[sflag:s19] =	ssyncadd.s32 $0xFFFFFB00  }
0x91: {  	[spmem:s1] =	stream.indirect.scatter.add.f32 [tilespmem:s23], [sflag:$0xF], $0x10, s21, s12, $0xb8;
	[tilespmem:$0xD020] =	vst v63  }
0x92: {  	s21 =	simm.s32 $0x6  }
0x93: {  	_ =	swait.ge [sflag:s21], $0x500  }
0x94: {  	[sflag:s21] =	ssyncset.done $0x0  }
0x95: {  	s25 =	simm.s32 $0x7;
	[sflag:s21] =	ssyncadd.s32 $0xFFFFFB00;
	s21 =	sadd.s32 $0x28A0, s16  }
0x96: {  	[spmem:s1] =	stream.indirect.scatter.add.f32 [tilespmem:s18], [sflag:$0x10], $0x10, s21, s12, $0xb8;
	[tilespmem:$0xD020] =	vst v63  }
0x97: {  	_ =	swait.ge [sflag:s25], $0x500  }
0x98: {  	[sflag:s25] =	ssyncset.done $0x0  }
0x99: {  	s21 =	sadd.s32 $0x28F0, s16;
	[sflag:s25] =	ssyncadd.s32 $0xFFFFFB00;
	s25 =	simm.s32 $0x8  }
0x9a: {  	[spmem:s1] =	stream.indirect.scatter.add.f32 [tilespmem:s26], [sflag:$0x11], $0x10, s21, s12, $0xb8;
	[tilespmem:$0xD020] =	vst v63  }
0x9b: {  	_ =	swait.ge [sflag:s25], $0x500  }
0x9c: {  	[sflag:s25] =	ssyncset.done $0x0  }
0x9d: {  	s18 =	simm.s32 $0x9;
	s26 =	sadd.s32 $0x2940, s16;
	[sflag:s25] =	ssyncadd.s32 $0xFFFFFB00  }
0x9e: {  	[spmem:s1] =	stream.indirect.scatter.add.f32 [tilespmem:s2], [sflag:$0x12], $0x10, s26, s12, $0xb8;
	[tilespmem:$0xD020] =	vst v63  }
0x9f: {  	_ =	swait.ge [sflag:s18], $0x500  }
0xa0: {  	[sflag:s18] =	ssyncset.done $0x0  }
0xa1: {  	s21 =	sadd.s32 $0x2990, s16;
	s26 =	simm.s32 $0xA;
	[sflag:s18] =	ssyncadd.s32 $0xFFFFFB00  }
0xa2: {  	[spmem:s1] =	stream.indirect.scatter.add.f32 [tilespmem:s29], [sflag:$0x13], $0x10, s21, s12, $0xb8;
	[tilespmem:$0xD020] =	vst v63  }
0xa3: {  	_ =	swait.ge [sflag:s26], $0x500  }
0xa4: {  	[sflag:s26] =	ssyncset.done $0x0  }
0xa5: {  	s18 =	sadd.s32 $0x29E0, s16;
	[sflag:s26] =	ssyncadd.s32 $0xFFFFFB00  }
0xa6: {  	[spmem:s1] =	stream.indirect.scatter.add.f32 [tilespmem:s10], [sflag:$0x14], $0x10, s18, s12, $0xb8;
	[tilespmem:$0xD020] =	vst v63  }
0xa7: {  	_ =	swait.ge [sflag:s5], $0x500  }
0xa8: {  	[sflag:s5] =	ssyncset.done $0x0  }
0xa9: {  	s21 =	sadd.s32 $0x320, s16;
	[sflag:s5] =	ssyncadd.s32 $0xFFFFFB00  }
0xaa: {  	[tilespmem:s28], [sflag:$0x1] =	stream.indirect.gather [hbm4b:s4+s12], $0x10, s21, s12, $0xb8;
	[tilespmem:$0xD020] =	vst v63  }
0xab: {  	_ =	swait.ge [sflag:s7], $0x500  }
0xac: {  	[sflag:s7] =	ssyncset.done $0x0  }
0xad: {  	s21 =	sadd.s32 $0x370, s16;
	[sflag:s7] =	ssyncadd.s32 $0xFFFFFB00  }
0xae: {  	[tilespmem:s20], [sflag:$0x2] =	stream.indirect.gather [hbm4b:s4+s12], $0x10, s21, s12, $0xb8;
	[tilespmem:$0xD020] =	vst v63  }
0xaf: {  	_ =	swait.ge [sflag:s9], $0x500  }
0xb0: {  	[sflag:s9] =	ssyncset.done $0x0  }
0xb1: {  	s21 =	sadd.s32 $0x3C0, s16;
	[sflag:s9] =	ssyncadd.s32 $0xFFFFFB00  }
0xb2: {  	[tilespmem:s30], [sflag:$0x3] =	stream.indirect.gather [hbm4b:s4+s12], $0x10, s21, s12, $0xb8;
	[tilespmem:$0xD020] =	vst v63  }
0xb3: {  	_ =	swait.ge [sflag:s24], $0x500  }
0xb4: {  	[sflag:s24] =	ssyncset.done $0x0  }
0xb5: {  	s31 =	simm.s32 $0x7B20;
	s21 =	sadd.s32 $0x410, s16;
	[sflag:s24] =	ssyncadd.s32 $0xFFFFFB00  }
0xb6: {  	[tilespmem:s0], [sflag:$0x4] =	stream.indirect.gather [hbm4b:s4+s12], $0x10, s21, s12, $0xb8;
	[tilespmem:$0xD020] =	vst v63  }
0xb7: {  	p0 =	seq.s32 s14, $0x8980;
	s2 =	simm.s32 $0x6C20;
	_ =	swait.ge [sflag:s3], $0x500  }
0xb8: {  	s29 =	simm.s32 $0x7120;
	s26 =	simm.s32 $0x6720;
	[sflag:s3] =	ssyncset.done $0x0  }
.Ltmp3:
0xb9: {  	s0 =	sadd.s32 $0x460, s16;
	[sflag:s3] =	ssyncadd.s32 $0xFFFFFB00;
	(pc) =	sbr.rel @p0 .LBB2_6-.Ltmp3, $4  }
0xba: {  	[tilespmem:s23], [sflag:$0x5] =	stream.indirect.gather [hbm4b:s4+s12], $0x10, s0, s12, $0xb8;
	[tilespmem:$0xD020] =	vst v63  }
0xbb: {  	s10 =	simm.s32 $0x7620;
	s18 =	simm.s32 $0x4E20;
	_ =	swait.ge [sflag:s11], $0x500  }
0xbc: {  	s28 =	simm.s32 $0x5320;
	s20 =	simm.s32 $0x5820;
	[sflag:s11] =	ssyncset.done $0x0  }
0xbd: {  	s30 =	simm.s32 $0x5D20;
	s21 =	simm.s32 $0x6220;
	[sflag:s11] =	ssyncadd.s32 $0xFFFFFB00  }
0xbe: {  	s25 =	sadd.s32 $0x4B0, s16  }
0xbf: {  	[tilespmem:s26], [sflag:$0x6] =	stream.indirect.gather [hbm4b:s4+s12], $0x10, s25, s12, $0xb8;
	[tilespmem:$0xD020] =	vst v63  }
0xc0: {  	_ =	swait.ge [sflag:s6], $0x500  }
0xc1: {  	[sflag:s6] =	ssyncset.done $0x0  }
0xc2: {  	s23 =	sadd.s32 $0x500, s16;
	[sflag:s6] =	ssyncadd.s32 $0xFFFFFB00  }
0xc3: {  	[tilespmem:s2], [sflag:$0x7] =	stream.indirect.gather [hbm4b:s4+s12], $0x10, s23, s12, $0xb8;
	[tilespmem:$0xD020] =	vst v63  }
0xc4: {  	_ =	swait.ge [sflag:s8], $0x500  }
0xc5: {  	[sflag:s8] =	ssyncset.done $0x0  }
0xc6: {  	s26 =	sadd.s32 $0x550, s16;
	[sflag:s8] =	ssyncadd.s32 $0xFFFFFB00  }
0xc7: {  	[tilespmem:s29], [sflag:$0x8] =	stream.indirect.gather [hbm4b:s4+s12], $0x10, s26, s12, $0xb8;
	[tilespmem:$0xD020] =	vst v63  }
0xc8: {  	_ =	swait.ge [sflag:s13], $0x500  }
0xc9: {  	[sflag:s13] =	ssyncset.done $0x0  }
0xca: {  	s28 =	sadd.s32 $0x5A0, s16;
	[sflag:s13] =	ssyncadd.s32 $0xFFFFFB00  }
0xcb: {  	[tilespmem:s10], [sflag:$0x9] =	stream.indirect.gather [hbm4b:s4+s12], $0x10, s28, s12, $0xb8;
	[tilespmem:$0xD020] =	vst v63  }
.Ltmp4:
0xcc: {  	s30 =	sadd.s32 $0x5F0, s16;
	(pc) =	sbr.rel .LBB2_4-.Ltmp4, $4  }
0xcd: {  	s14 =	sadd.s32 $0xC80, s14;
	s18 =	simm.s32 $0x6720;
	_ =	swait.ge [sflag:s22], $0x500  }
0xce: {  	s2 =	simm.s32 $0x7120;
	s26 =	simm.s32 $0x6C20;
	[sflag:s22] =	ssyncset.done $0x0  }
0xcf: {  	s29 =	simm.s32 $0x7620;
	s10 =	simm.s32 $0x7B20;
	[sflag:s22] =	ssyncadd.s32 $0xFFFFFB00  }
0xd0: {  	[tilespmem:s31], [sflag:$0xA] =	stream.indirect.gather [hbm4b:s4+s12], $0x10, s30, s12, $0xb8;
	[tilespmem:$0xD020] =	vst v63  }
.LBB2_7:
0xd1: {  	_ =	sfence.sel $0x180000  }
0xd2: {  	[bflag:$0x0] =	sbarrier.arrive $0xFFFF  }
0xd3: {  	_ =	strace $0x9000004A  }
0xd4: {  	s0 =	stileid.u32;
	[bflag:$0x2] =	sbarrier.arrive $0xFFFF  }
0xd5: {  	p0 =	sne.s32 s0, $0x0;
	s0 =	rddreg [dreg:$0x3]  }
0xd6: {  	s0 =	sadd.s32 @!p0 $0x100000, s0  }
0xd7: {  	[sflag:s0] =	ssyncadd.tile.s32 @!p0 $0x1;
	_ =	shalt  }
.Lfunc_end2:
_tile_overlayer_lowered:
.L_overlay_start_2:
0xd8: {  	(tag) =	ssettag $0x2  }
0xd9: {  	s0 =	rddreg [dreg:$0x0];
	s2 =	stileid.u32  }
0xda: {  	s1 =	rddreg [dreg:$0x1];
	p0 =	sne.s32 s2, $0x0  }
0xdb: {  	s3 =	rddreg [dreg:$0x2];
	[bflag:$0x3] =	sbarrier.arrive $0xFFFF;
	s2 =	simm.s32 @!p0 $0x1C15  }
0xdc: {  	[timem:s3], [sflag:s2] =	dma.local @!p0 [hbm:s0], s1  }
0xdd: {  	s0 =	simm.s32 @!p0 $0x15  }
0xde: {  	_ =	swait.ge @!p0 [sflag:s0], s1  }
0xdf: {  	s1 =	ssub.s32 @!p0 $0x0, s1;
	[sflag:s0] =	ssyncset.done @!p0 $0x0  }
0xe0: {  	[sflag:s0] =	ssyncadd.s32 @!p0 s1  }
0xe1: {  	[bflag:$0x3] =	sbarrier.arrive $0xFFFF  }
0xe2: {  	_ =	shalt  }

// kernel: kernel.15.cloned.1.call-start
scs
__scs_entry_jumppad:
0x0: {  	(pc) =	sbr.rel $0x88, $3  }
0x1: {  	(tag) =	ssettag $0x0;
	lr =	simm.s32 $0x1  }
0x2: {  	[smem:$0x3F9B] =	sst lr;
	_ =	strace $0xD0000000  }
0x3: {  	_ = 	snop  }
0x4: {  	_ = 	snop  }
0x5: {  	_ = 	snop  }
0x6: {  	_ = 	snop  }
0x7: {  	_ = 	snop  }
__scs_overlays_trampoline_lowered:
0x8: {  	[smem:$0x3FAA] =	sst s0  }
0x9: {  	[smem:$0x3FAB] =	sst s1  }
0xa: {  	[smem:$0x3FAC] =	sst s2  }
0xb: {  	[smem:$0x3FAD] =	sst s3  }
0xc: {  	[smem:$0x3FAE] =	sst s4  }
0xd: {  	[smem:$0x3FAF] =	sst s5  }
0xe: {  	[smem:$0x3FB0] =	sst s6  }
0xf: {  	[smem:$0x3FB1] =	sst s7  }
0x10: {  	[smem:$0x3FB2] =	sst s8  }
0x11: {  	[smem:$0x3FB3] =	sst s9;
	s0 =	simm.s32 @!p0 $0x0  }
0x12: {  	s1 =	sld [smem:$0x3F99];
	s0 =	simm.s32 @p0 $0x1  }
0x13: {  	[smem:$0x3FB4] =	sst s0;
	s0 =	simm.s32 @!p1 $0x0  }
0x14: {  	s2 =	sld [smem:$0x3F98];
	s0 =	simm.s32 @p1 $0x1  }
0x15: {  	[smem:$0x3FB5] =	sst s0;
	s0 =	simm.s32 @!p2 $0x0  }
0x16: {  	s3 =	sld [smem:$0x3FDB];
	s0 =	simm.s32 @p2 $0x1  }
0x17: {  	s4 =	simm.s32 $0x1BF5;
	[smem:$0x3FB7] =	sst s0  }
0x18: {  	s0 =	sld [smem:$0x3F9A];
	_ =	swait.ge [sflag:s4], $0x0  }
0x19: {  	s7 =	sld [smem:$0x3F9B]  }
0x1a: {  	s8 =	sadd.s32 $0xFFFFE003, lr  }
0x1b: {  	s9 =	sadd.s32 $0xFFFFFEF7, lr;
	s5 =	simm.s32 $0xFFFFFFFF;
	p2 =	slt.u32 s8, $0xFFFFF086  }
0x1c: {  	p1 =	slt.u32 s9, $0xF7A;
	s5 =	simm.s32 @!p2 $0x0  }
0x1d: {  	s5 =	simm.s32 @p1 $0x1;
	p0 =	seq.s32 s7, s2  }
0x1e: {  	s7 =	smul.u32 @!p0 $0xF7A, s2;
	p2 =	seq.s32 @!p0 s5, $0x0  }
0x1f: {  	s9 =	smul.u32 $0xF7A, s1;
	s8 =	simm.s32 @!p0 $0x1BF5;
	p2 =	por !p2, p0  }
0x20: {  	[sflag:s8] =	ssyncset.s32 @!p0 $0xFFFFF086;
	s6 =	sadd.s32 @!p0 s3, s7;
	s7 =	simm.s32 @!p0 $0x108  }
0x21: {  	s3 =	sadd.s32 s3, s9;
	s6 =	sadd.s32 @!p0 $0x88, s6;
	s7 =	simm.s32 @p2 $0x1082  }
0x22: {  	[simem:s7], [sflag:s8] =	dma.local @!p0 [hbm:s6], $0xF7A  }
0x23: {  	s9 =	sor.u32 $0xD0000000, s2;
	s6 =	simm.s32 $0x108;
	_ =	swait.ge @!p0 [sflag:s8], $0x0  }
0x24: {  	s3 =	sadd.s32 $0x88, s3;
	s6 =	simm.s32 @!p1 $0x1082;
	[sflag:s4] =	ssyncset.s32 $0xFFFFF086  }
0x25: {  	[simem:s6], [sflag:s4] =	dma.local [hbm:s3], $0xF7A  }
0x26: {  	[smem:$0x3F9B] =	sst s1;
	(tag) =	ssettag s2;
	_ =	strace s9  }
0x27: {  	s1 =	sld [smem:$0x3FAB]  }
0x28: {  	s2 =	sld [smem:$0x3FAC]  }
0x29: {  	s4 =	sld [smem:$0x3FAE]  }
0x2a: {  	p0 =	seq.s32 s5, $0x0;
	s5 =	sld [smem:$0x3FAF]  }
0x2b: {  	s6 =	sld [smem:$0x3FB0]  }
0x2c: {  	s7 =	sld [smem:$0x3FB1]  }
0x2d: {  	s3 =	simm.s32 $0x108;
	s8 =	sld [smem:$0x3FB2]  }
0x2e: {  	s3 =	simm.s32 @!p0 $0x1082;
	s9 =	sld [smem:$0x3FB3]  }
0x2f: {  	lr =	sadd.s32 s0, s3;
	s0 =	sld [smem:$0x3FAA]  }
0x30: {  	s3 =	sld [smem:$0x3FAD]  }
0x31: {  	[smem:$0x3FB6] =	sst s10  }
0x32: {  	s10 =	sld [smem:$0x3FB4];
	_ =	sdelay $0x3  }
0x33: {  	p0 =	seq.s32 s10, $0x1;
	s10 =	sld [smem:$0x3FB6];
	_ =	sdelay $0x3  }
0x34: {  	[smem:$0x3FB6] =	sst s10  }
0x35: {  	s10 =	sld [smem:$0x3FB5];
	_ =	sdelay $0x3  }
0x36: {  	p1 =	seq.s32 s10, $0x1;
	s10 =	sld [smem:$0x3FB6];
	_ =	sdelay $0x3  }
0x37: {  	[smem:$0x3FB6] =	sst s10  }
0x38: {  	s10 =	sld [smem:$0x3FB7]  }
0x39: {  	_ = 	snop;
	(pc) =	sbr.ind lr, $3  }
0x3a: {  	_ = 	snop  }
0x3b: {  	_ = 	snop  }
0x3c: {  	p2 =	seq.s32 s10, $0x1;
	s10 =	sld [smem:$0x3FB6]  }
0x3d: {  	_ =	shalt  }
0x3e: {  	_ =	shalt  }
0x3f: {  	_ =	shalt  }
0x40: {  	_ =	shalt  }
0x41: {  	_ =	shalt  }
0x42: {  	_ =	shalt  }
0x43: {  	_ =	shalt  }
0x44: {  	_ =	shalt  }
0x45: {  	_ =	shalt  }
0x46: {  	_ =	shalt  }
0x47: {  	_ =	shalt  }
0x48: {  	_ =	shalt  }
0x49: {  	_ =	shalt  }
0x4a: {  	_ =	shalt  }
0x4b: {  	_ =	shalt  }
0x4c: {  	_ =	shalt  }
0x4d: {  	_ =	shalt  }
0x4e: {  	_ =	shalt  }
0x4f: {  	_ =	shalt  }
0x50: {  	_ =	shalt  }
0x51: {  	_ =	shalt  }
0x52: {  	_ =	shalt  }
0x53: {  	_ =	shalt  }
0x54: {  	_ =	shalt  }
0x55: {  	_ =	shalt  }
0x56: {  	_ =	shalt  }
0x57: {  	_ =	shalt  }
0x58: {  	_ =	shalt  }
0x59: {  	_ =	shalt  }
0x5a: {  	_ =	shalt  }
0x5b: {  	_ =	shalt  }
0x5c: {  	_ =	shalt  }
0x5d: {  	_ =	shalt  }
0x5e: {  	_ =	shalt  }
0x5f: {  	_ =	shalt  }
0x60: {  	_ =	shalt  }
0x61: {  	_ =	shalt  }
0x62: {  	_ =	shalt  }
0x63: {  	_ =	shalt  }
0x64: {  	_ =	shalt  }
0x65: {  	_ =	shalt  }
0x66: {  	_ =	shalt  }
0x67: {  	_ =	shalt  }
0x68: {  	_ =	shalt  }
0x69: {  	_ =	shalt  }
0x6a: {  	_ =	shalt  }
0x6b: {  	_ =	shalt  }
0x6c: {  	_ =	shalt  }
0x6d: {  	_ =	shalt  }
0x6e: {  	_ =	shalt  }
0x6f: {  	_ =	shalt  }
0x70: {  	_ =	shalt  }
0x71: {  	_ =	shalt  }
0x72: {  	_ =	shalt  }
0x73: {  	_ =	shalt  }
0x74: {  	_ =	shalt  }
0x75: {  	_ =	shalt  }
0x76: {  	_ =	shalt  }
0x77: {  	_ =	shalt  }
0x78: {  	_ =	shalt  }
0x79: {  	_ =	shalt  }
0x7a: {  	_ =	shalt  }
0x7b: {  	_ =	shalt  }
0x7c: {  	_ =	shalt  }
0x7d: {  	_ =	shalt  }
0x7e: {  	_ =	shalt  }
0x7f: {  	_ =	shalt  }
0x80: {  	_ =	shalt  }
0x81: {  	_ =	shalt  }
0x82: {  	_ =	shalt  }
0x83: {  	_ =	shalt  }
0x84: {  	_ =	shalt  }
0x85: {  	_ =	shalt  }
0x86: {  	_ =	shalt  }
0x87: {  	_ =	shalt  }
.Lfunc_end0:
.L_simem_size_0:
called_computation.2_lowered:
.L_overlay_start_0:
0x88: {  	s2 =	sld [smem:$0x3FD9]  }
0x89: {  	s3 =	sld [smem:$0x3FFE];
	_ =	sdelay $0x1  }
0x8a: {  	s1 =	srdreg.scid  }
0x8b: {  	s0 =	sand.u32 $0x1, s1  }
0x8c: {  	s16 =	sshll.u32 s0, $0xA;
	s2 =	sadd.s32 s3, s2  }
0x8d: {  	s2 =	sadd.s32 s2, s16  }
0x8e: {  	[smem:$0x3FC2] =	sst s2  }
0x8f: {  	_ = 	snop  }
0x90: {  	(tm) =	ssettm $0x1  }
0x91: {  	s17 =	sld [smem:$0x3FFB];
	_ =	sdelay $0x3  }
0x92: {  	_ =	strace s17  }
0x93: {  	s2 =	sld [smem:$0x3FFC];
	_ =	sdelay $0x3  }
0x94: {  	_ =	strace s2  }
0x95: {  	s2 =	sld [smem:$0x3FFD];
	_ =	sdelay $0x3  }
0x96: {  	_ =	strace s2  }
0x97: {  	_ =	strace $0x8FFFFFFF  }
0x98: {  	s18 =	sld [smem:$0x3FDB];
	_ =	sdelay $0x1  }
0x99: {  	s19 =	simm.s32 $_scs_section_size  }
0x9a: {  	s4 =	simm.s32 $_size__tile_overlayer_lowered;
	s5 =	simm.s32 $_tile_overlayer_lowered  }
0x9b: {  	s22 =	simm.s32 $0x1BFF;
	s21 =	sshll.u32 s5, $0x1;
	s2 =	sadd.s32 s19, s18  }
0x9c: {  	s6 =	simm.s32 $0x0;
	s20 =	sshll.u32 s4, $0x1;
	s4 =	sadd.s32 s21, s2  }
0x9d: {  	[timem:s6], [sflag:s22] =	dma.local [hbm:s4], s20  }
0x9e: {  	_ =	swait.ge [sflag:s22], s20  }
0x9f: {  	s3 =	ssub.s32 $0x0, s20;
	[sflag:s22] =	ssyncset.done $0x0  }
0xa0: {  	[sflag:s22] =	ssyncadd.s32 s3;
	_ =	sdelay $0x1  }
0xa1: {  	s23 =	simm.s32 $0x1B8B  }
0xa2: {  	_ =	swait.ge [sflag:s23], $0x1  }
0xa3: {  	[sflag:s23] =	ssyncset.done $0x0  }
0xa4: {  	s25 =	simm.s32 $0x1B8E;
	s24 =	sld [smem:$0x3FFE];
	[sflag:s23] =	ssyncadd.s32 $0xFFFFFFFF  }
0xa5: {  	s26 =	simm.s32 $execute0_lowered;
	[smem:$0x3FD2] =	sst s25  }
0xa6: {  	s4 =	sshll.u32 s26, $0x1;
	_ =	strace $0x8000004C;
	[dreg:$0x1] =	wrdreg $0xFFFFFFFF  }
0xa7: {  	s28 =	simm.s32 $_size_execute0_lowered;
	s2 =	sadd.s32 s2, s4;
	[dreg:$0x0] =	wrdreg $0x0  }
0xa8: {  	s4 =	sshll.u32 s28, $0x1;
	[dreg:$0x2] =	wrdreg s2  }
0xa9: {  	[dreg:$0x3] =	wrdreg s4  }
0xaa: {  	[dreg:$0x4] =	wrdreg $0xC0  }
0xab: {  	_ =	task [dreg:s6], $0x5FFFF  }
0xac: {  	[dreg:$0x1] =	wrdreg $0xFFFFFFFF  }
0xad: {  	[dreg:$0x0] =	wrdreg $0x60  }
0xae: {  	[dreg:$0x2] =	wrdreg s24  }
0xaf: {  	[dreg:$0x3] =	wrdreg $0x15C200  }
0xb0: {  	[dreg:$0x4] =	wrdreg $0x9  }
0xb1: {  	_ =	task.clear_ibuf [dreg:s6], $0x5FFFF;
	_ =	strace $0x9000004C  }
0xb2: {  	s29 =	simm.s32 $0x9;
	_ =	strace $0x8000004E  }
0xb3: {  	_ =	swait.ge [sflag:s29], $0x1  }
0xb4: {  	[sflag:s29] =	ssyncadd.s32 $0xFFFFFFFF  }
0xb5: {  	_ =	strace $0x9000004E  }
0xb6: {  	_ =	sfence  }
0xb7: {  	s30 =	sld [smem:$0x0];
	_ =	sdelay $0x2  }
0xb8: {  	s31 =	sshll.u32 s1, $0xD;
	s1 =	sshrl.u32 s1, $0x2  }
0xb9: {  	s3 =	sand.u32 $0x4000, s31;
	s1 =	sadd.s32 s1, s30  }
0xba: {  	s0 =	sor.u32 s3, s0;
	s1 =	sshll.u32 s1, $0x11  }
0xbb: {  	s0 =	sor.u32 s1, s0  }
0xbc: {  	s0 =	sadd.s32 $0x8F2B, s0  }
0xbd: {  	[sflag:s0] =	ssyncadd.remote.s32 $0x1  }
0xbe: {  	_ =	sfence.sel $0xFFFF  }
0xbf: {  	[dreg:$0x0] =	wrdreg $0xFFFFFFFF;
	(pc) =	sbr.abs _section_cstart, $3  }
0xc0: {  	[dreg:$0x1] =	wrdreg $0xFFFFFFFF  }
0xc1: {  	_ =	task.clear_ibuf [dreg:s6], $0x2FFFF;
	_ =	strace $0x9FFFFFFF  }
0xc2: {  	(tm) =	ssettm $0x7FFFFFFF  }
0xc3: {  	_ =	shalt  }
tec
execute0_lowered:
.L_overlay_start_1:
0x0: {  	(tag) =	ssettag $0x1  }
0x1: {  	s0 =	srdreg.scid;
	s1 =	rddreg [dreg:$0x0]  }
0x2: {  	s2 =	rddreg [dreg:$0x1];
	s8 =	stileid.u32;
	s10 =	simm.s32 $0x0  }
0x3: {  	s25 =	simm.s32 $0x15;
	s12 =	simm.s32 $0x50;
	s18 =	simm.s32 $0x4E20  }
0x4: {  	s28 =	simm.s32 $0x5D20;
	s20 =	simm.s32 $0x6C20;
	s30 =	simm.s32 $0x7B20  }
0x5: {  	s21 =	simm.s32 $0x8A20;
	s29 =	simm.s32 $0xB720;
	s31 =	simm.s32 $0xD520  }
0x6: {  	s15 =	simm.s32 $0x3;
	s17 =	simm.s32 $0x4;
	s19 =	simm.s32 $0x5  }
0x7: {  	s9 =	simm.s32 $0xD;
	s11 =	simm.s32 $0x10;
	s13 =	simm.s32 $0x13  }
0x8: {  	s0 =	sand.u32 $0x1, s0;
	[smem:$0x7FF] =	sst s10;
	s4 =	sadd.s32 $0x15200, s1  }
0x9: {  	s3 =	sshll.u32 s0, $0x4;
	_ =	strace $0x8000004D;
	s5 =	smul.u32 $0xF000, s0  }
0xa: {  	s0 =	ssub.s32 $0x2, s0;
	s3 =	sor.u32 s8, s3;
	s8 =	smul.u32 $0x7800, s8  }
0xb: {  	s7 =	sshrl.u32 s0, $0x1;
	s3 =	smul.u32 $0x4E2, s3;
	s5 =	sadd.s32 s5, s1  }
0xc: {  	s0 =	ssub.s32 s0, s7;
	s7 =	simm.s32 $0xC;
	s22 =	sadd.s32 s8, s2  }
0xd: {  	s5 =	sadd.s32 $0x24200, s5;
	s23 =	sshrl.u32 s8, $0x3;
	s0 =	smax.u32 s0, $0x1  }
0xe: {  	s8 =	simm.s32 $0x12;
	s6 =	sadd.s32 s3, s1;
	[dreg:$0x4] =	wrdreg s22  }
0xf: {  	s1 =	sadd.s32 $0xB440, s1;
	[dreg:$0x5] =	wrdreg s0;
	s26 =	sadd.s32 s23, s5  }
.Ltmp0:
0x10: {  	s5 =	simm.s32 $0xB;
	s22 =	simm.s32 $0x14;
	(pc) =	sbr.rel .LBB2_1-.Ltmp0, $4  }
0x11: {  	s0 =	simm.s32 $0x0;
	s23 =	simm.s32 $0x8A20;
	s6 =	sadd.s32 $0x1800, s6  }
0x12: {  	s24 =	sadd.s32 s3, s1;
	[dreg:$0x7] =	wrdreg s26;
	s26 =	simm.s32 $0xA820  }
0x13: {  	s1 =	simm.s32 $0xC620;
	s3 =	simm.s32 $0xF;
	[dreg:$0x3] =	wrdreg s6  }
0x14: {  	v0 =	vimm.f32 $0.0e+00;
	[dreg:$0x6] =	wrdreg s24;
	s24 =	simm.s32 $0xE;
	s6 =	simm.s32 $0x11  }
.LBB2_6:
0x15: {  	_ =	swait.ge [sflag:s6], $0xF00  }
0x16: {  	[sflag:s6] =	ssyncset.done $0x0  }
0x17: {  	[sflag:s6] =	ssyncadd.s32 $0xFFFFF100  }
0x18: {  	_ =	swait.ge [sflag:s8], $0xF00  }
0x19: {  	[sflag:s8] =	ssyncset.done $0x0  }
0x1a: {  	[sflag:s8] =	ssyncadd.s32 $0xFFFFF100  }
0x1b: {  	_ =	swait.ge [sflag:s13], $0xF00  }
0x1c: {  	[sflag:s13] =	ssyncset.done $0x0  }
0x1d: {  	[sflag:s13] =	ssyncadd.s32 $0xFFFFF100  }
0x1e: {  	_ =	swait.ge [sflag:s22], $0xF00  }
0x1f: {  	[sflag:s22] =	ssyncset.done $0x0  }
0x20: {  	s0 =	simm.s32 $0x1;
	[sflag:s22] =	ssyncadd.s32 $0xFFFFF100  }
0x21: {  	_ =	swait.ge [sflag:s0], $0xF00  }
0x22: {  	[sflag:s0] =	ssyncset.done $0x0  }
0x23: {  	s14 =	simm.s32 $0x4C90;
	s16 =	simm.s32 $0x2;
	[sflag:s0] =	ssyncadd.s32 $0xFFFFF100  }
0x24: {  	[spmem:s2] =	stream.indirect.scatter.add.f32 [tilespmem:s18], [sflag:$0xB], $0x30, s14, s12, $0xb8;
	[tilespmem:$0x1D420] =	vst v63  }
0x25: {  	_ =	swait.ge [sflag:s16], $0xF00  }
0x26: {  	[sflag:s16] =	ssyncset.done $0x0  }
0x27: {  	s25 =	simm.s32 $0x4CE0;
	[sflag:s16] =	ssyncadd.s32 $0xFFFFF100  }
0x28: {  	[spmem:s2] =	stream.indirect.scatter.add.f32 [tilespmem:s28], [sflag:$0xC], $0x30, s25, s12, $0xb8;
	[tilespmem:$0x1D420] =	vst v63  }
0x29: {  	_ =	swait.ge [sflag:s15], $0xF00  }
0x2a: {  	[sflag:s15] =	ssyncset.done $0x0  }
0x2b: {  	s26 =	simm.s32 $0x4D30;
	[sflag:s15] =	ssyncadd.s32 $0xFFFFF100  }
0x2c: {  	[spmem:s2] =	stream.indirect.scatter.add.f32 [tilespmem:s20], [sflag:$0xD], $0x30, s26, s12, $0xb8;
	[tilespmem:$0x1D420] =	vst v63  }
0x2d: {  	_ =	swait.ge [sflag:s17], $0xF00  }
0x2e: {  	[sflag:s17] =	ssyncset.done $0x0  }
0x2f: {  	s1 =	simm.s32 $0x4D80;
	[sflag:s17] =	ssyncadd.s32 $0xFFFFF100  }
0x30: {  	[spmem:s2] =	stream.indirect.scatter.add.f32 [tilespmem:s30], [sflag:$0xE], $0x30, s1, s12, $0xb8;
	[tilespmem:$0x1D420] =	vst v63  }
0x31: {  	_ =	swait.ge [sflag:s19], $0xF00  }
0x32: {  	[sflag:s19] =	ssyncset.done $0x0  }
0x33: {  	s10 =	simm.s32 $0x4DD0;
	[sflag:s19] =	ssyncadd.s32 $0xFFFFF100  }
0x34: {  	[spmem:s2] =	stream.indirect.scatter.add.f32 [tilespmem:s21], [sflag:$0xF], $0x30, s10, s12, $0xb8;
	[tilespmem:$0x1D420] =	vst v63  }
0x35: {  	_ =	swait.ge [sflag:s5], $0xF00  }
0x36: {  	[sflag:s5] =	ssyncset.done $0x0  }
0x37: {  	[sflag:s5] =	ssyncadd.s32 $0xFFFFF100  }
0x38: {  	_ =	swait.ge [sflag:s7], $0xF00  }
0x39: {  	[sflag:s7] =	ssyncset.done $0x0  }
0x3a: {  	[sflag:s7] =	ssyncadd.s32 $0xFFFFF100  }
0x3b: {  	_ =	swait.ge [sflag:s9], $0xF00  }
0x3c: {  	[sflag:s9] =	ssyncset.done $0x0  }
0x3d: {  	[sflag:s9] =	ssyncadd.s32 $0xFFFFF100  }
0x3e: {  	_ =	swait.ge [sflag:s24], $0xF00  }
0x3f: {  	[sflag:s24] =	ssyncset.done $0x0  }
0x40: {  	[sflag:s24] =	ssyncadd.s32 $0xFFFFF100  }
0x41: {  	_ =	swait.ge [sflag:s3], $0xF00  }
0x42: {  	[sflag:s3] =	ssyncset.done $0x0  }
0x43: {  	[sflag:s3] =	ssyncadd.s32 $0xFFFFF100  }
0x44: {  	[bflag:$0x0] =	sbarrier.arrive $0xFFFF  }
0x45: {  	s16 =	simm.s32 $0xE420;
	s25 =	simm.s32 $0x15;
	s14 =	rddreg [dreg:$0x4]  }
0x46: {  	[tilespmem:s16], [sflag:$0x15] =	stream.linear.gather [spmem:s14], $0x7800, $0x38;
	[tilespmem:$0x1D420] =	vst v63  }
0x47: {  	_ =	swait.ge [sflag:s25], $0x7800  }
0x48: {  	[sflag:s25] =	ssyncset.done $0x0  }
0x49: {  	s10 =	simm.s32 $0x0;
	s14 =	rddreg [dreg:$0x7];
	[sflag:s25] =	ssyncadd.s32 $0xFFFF8800  }
0x4a: {  	[hbm4b:s14+s10] =	stream.linear.scatter [tilespmem:s16], [sflag:$0x15], $0x7800, $0x38;
	[tilespmem:$0x1D420] =	vst v63  }
0x4b: {  	_ =	swait.ge [sflag:s25], $0x7800  }
0x4c: {  	s16 =	rddreg [dreg:$0x8]  }
0x4d: {  	s26 =	rddreg [dreg:$0x5];
	s0 =	sadd.s32 $0x1, s16  }
0x4e: {  	p0 =	sne.s32 s0, s26  }
.Ltmp1:
0x4f: {  	_ = 	snop;
	(pc) =	sbr.rel @!p0 .LBB2_7-.Ltmp1, $3  }
0x50: {  	_ =	sdelay $0x1  }
0x51: {  	s29 =	simm.s32 $0xB720;
	s31 =	simm.s32 $0xD520;
	[sflag:s25] =	ssyncset.done $0x0  }
0x52: {  	s1 =	simm.s32 $0xC620;
	[sflag:s25] =	ssyncadd.s32 $0xFFFF8800;
	s26 =	simm.s32 $0xA820  }
.LBB2_1:
0x53: {  	[dreg:$0x8] =	wrdreg s0  }
0x54: {  	s16 =	rddreg [dreg:$0x3]  }
0x55: {  	[tilespmem:s10], [sflag:$0x15] =	stream.linear.gather [hbm4b:s16+s10], $0x2710, $0x38;
	[tilespmem:$0x1D420] =	vst v63  }
0x56: {  	_ =	swait.ge [sflag:s25], $0x2710  }
0x57: {  	[sflag:s25] =	ssyncset.done $0x0  }
0x58: {  	s14 =	simm.s32 $0x2710;
	s0 =	rddreg [dreg:$0x6];
	[sflag:s25] =	ssyncadd.s32 $0xFFFFD8F0  }
0x59: {  	[tilespmem:s14], [sflag:$0x15] =	stream.linear.gather [hbm4b:s0+s10], $0x2710, $0x38;
	[tilespmem:$0x1D420] =	vst v63  }
0x5a: {  	_ =	swait.ge [sflag:s25], $0x2710  }
0x5b: {  	[sflag:s25] =	ssyncset.done $0x0  }
0x5c: {  	s16 =	simm.s32 $0x0;
	s14 =	simm.s32 $0xC0;
	[sflag:s25] =	ssyncadd.s32 $0xFFFFD8F0  }
.LBB2_2:
0x5d: {  	p0 =	sne.s32 s14, $0x1DF40;
	[tilespmem:s16+$0xE440] =	vst v0;
	s25 =	smov.u32 s14;
	s14 =	sadd.s32 $0xC0, s14  }
.Ltmp2:
0x5e: {  	[tilespmem:s16+$0xE420] =	vst v0;
	(pc) =	sbr.rel @p0 .LBB2_2-.Ltmp2, $2  }
0x5f: {  	[tilespmem:s16+$0xE430] =	vst v0;
	_ =	sdelay $0x2  }
0x60: {  	s16 =	sshra.s32 s25, $0x2  }
0x61: {  	[tilespmem:s16+$0xE440] =	vst v0  }
0x62: {  	[tilespmem:s16+$0xE420] =	vst v0  }
0x63: {  	[tilespmem:s16+$0xE430] =	vst v0;
	s14 =	rddreg [dreg:$0x4];
	s25 =	simm.s32 $0xE420;
	s0 =	simm.s32 $0x15  }
0x64: {  	[spmem:s14] =	stream.linear.scatter [tilespmem:s25], [sflag:$0x15], $0x7800, $0x38;
	[tilespmem:$0x1D420] =	vst v63  }
0x65: {  	_ =	swait.ge [sflag:s0], $0x7800  }
0x66: {  	[sflag:s0] =	ssyncset.done $0x0  }
0x67: {  	[sflag:s0] =	ssyncadd.s32 $0xFFFF8800  }
0x68: {  	s14 =	simm.s32 $0x0;
	[bflag:$0x0] =	sbarrier.arrive $0xFFFF  }
0x69: {  	[tilespmem:s18], [sflag:$0x1] =	stream.indirect.gather [hbm4b:s4+s12], $0x30, s14, s12, $0xb8;
	[tilespmem:$0x1D420] =	vst v63  }
0x6a: {  	_ = 	snop  }
0x6b: {  	[tilespmem:s28], [sflag:$0x2] =	stream.indirect.gather [hbm4b:s4+s12], $0x30, s12, s12, $0xb8;
	[tilespmem:$0x1D420] =	vst v63  }
0x6c: {  	s10 =	simm.s32 $0xA0  }
0x6d: {  	[tilespmem:s20], [sflag:$0x3] =	stream.indirect.gather [hbm4b:s4+s12], $0x30, s10, s12, $0xb8;
	[tilespmem:$0x1D420] =	vst v63  }
0x6e: {  	s18 =	simm.s32 $0xF0  }
0x6f: {  	[tilespmem:s30], [sflag:$0x4] =	stream.indirect.gather [hbm4b:s4+s12], $0x30, s18, s12, $0xb8;
	[tilespmem:$0x1D420] =	vst v63  }
0x70: {  	s0 =	simm.s32 $0x140  }
0x71: {  	[tilespmem:s21], [sflag:$0x5] =	stream.indirect.gather [hbm4b:s4+s12], $0x30, s0, s12, $0xb8;
	[tilespmem:$0x1D420] =	vst v63  }
0x72: {  	s20 =	simm.s32 $0x190;
	s18 =	simm.s32 $0x9920  }
0x73: {  	[tilespmem:s18], [sflag:$0x6] =	stream.indirect.gather [hbm4b:s4+s12], $0x30, s20, s12, $0xb8;
	[tilespmem:$0x1D420] =	vst v63  }
0x74: {  	s21 =	simm.s32 $0x1E0  }
0x75: {  	[tilespmem:s26], [sflag:$0x7] =	stream.indirect.gather [hbm4b:s4+s12], $0x30, s21, s12, $0xb8;
	[tilespmem:$0x1D420] =	vst v63  }
0x76: {  	s25 =	simm.s32 $0x230  }
0x77: {  	[tilespmem:s29], [sflag:$0x8] =	stream.indirect.gather [hbm4b:s4+s12], $0x30, s25, s12, $0xb8;
	[tilespmem:$0x1D420] =	vst v63  }
0x78: {  	s28 =	simm.s32 $0x280  }
0x79: {  	[tilespmem:s1], [sflag:$0x9] =	stream.indirect.gather [hbm4b:s4+s12], $0x30, s28, s12, $0xb8;
	[tilespmem:$0x1D420] =	vst v63  }
0x7a: {  	s30 =	simm.s32 $0x2D0  }
0x7b: {  	[tilespmem:s31], [sflag:$0xA] =	stream.indirect.gather [hbm4b:s4+s12], $0x30, s30, s12, $0xb8;
	[tilespmem:$0x1D420] =	vst v63  }
.LBB2_4:
0x7c: {  	s0 =	simm.s32 $0x1  }
0x7d: {  	_ =	swait.ge [sflag:s0], $0xF00  }
0x7e: {  	s16 =	sshra.s32 s14, $0x2;
	[sflag:s0] =	ssyncset.done $0x0  }
0x7f: {  	s28 =	simm.s32 $0x4E20;
	s25 =	sadd.s32 $0x2710, s16;
	[sflag:s0] =	ssyncadd.s32 $0xFFFFF100  }
0x80: {  	[spmem:s2] =	stream.indirect.scatter.add.f32 [tilespmem:s28], [sflag:$0xB], $0x30, s25, s12, $0xb8;
	[tilespmem:$0x1D420] =	vst v63  }
0x81: {  	s25 =	simm.s32 $0x2  }
0x82: {  	_ =	swait.ge [sflag:s25], $0xF00  }
0x83: {  	[sflag:s25] =	ssyncset.done $0x0  }
0x84: {  	s20 =	simm.s32 $0x5D20;
	s0 =	sadd.s32 $0x2760, s16;
	[sflag:s25] =	ssyncadd.s32 $0xFFFFF100  }
0x85: {  	[spmem:s2] =	stream.indirect.scatter.add.f32 [tilespmem:s20], [sflag:$0xC], $0x30, s0, s12, $0xb8;
	[tilespmem:$0x1D420] =	vst v63  }
0x86: {  	_ =	swait.ge [sflag:s15], $0xF00  }
0x87: {  	[sflag:s15] =	ssyncset.done $0x0  }
0x88: {  	s30 =	simm.s32 $0x6C20;
	s10 =	sadd.s32 $0x27B0, s16;
	[sflag:s15] =	ssyncadd.s32 $0xFFFFF100  }
0x89: {  	[spmem:s2] =	stream.indirect.scatter.add.f32 [tilespmem:s30], [sflag:$0xD], $0x30, s10, s12, $0xb8;
	[tilespmem:$0x1D420] =	vst v63  }
0x8a: {  	_ =	swait.ge [sflag:s17], $0xF00  }
0x8b: {  	[sflag:s17] =	ssyncset.done $0x0  }
0x8c: {  	s21 =	sadd.s32 $0x2800, s16;
	s0 =	simm.s32 $0x7B20;
	[sflag:s17] =	ssyncadd.s32 $0xFFFFF100  }
0x8d: {  	[spmem:s2] =	stream.indirect.scatter.add.f32 [tilespmem:s0], [sflag:$0xE], $0x30, s21, s12, $0xb8;
	[tilespmem:$0x1D420] =	vst v63  }
0x8e: {  	_ =	swait.ge [sflag:s19], $0xF00  }
0x8f: {  	[sflag:s19] =	ssyncset.done $0x0  }
0x90: {  	s10 =	sadd.s32 $0x2850, s16;
	[sflag:s19] =	ssyncadd.s32 $0xFFFFF100  }
0x91: {  	[spmem:s2] =	stream.indirect.scatter.add.f32 [tilespmem:s23], [sflag:$0xF], $0x30, s10, s12, $0xb8;
	[tilespmem:$0x1D420] =	vst v63  }
0x92: {  	s10 =	simm.s32 $0x6  }
0x93: {  	_ =	swait.ge [sflag:s10], $0xF00  }
0x94: {  	[sflag:s10] =	ssyncset.done $0x0  }
0x95: {  	s25 =	simm.s32 $0x7;
	s21 =	sadd.s32 $0x28A0, s16;
	[sflag:s10] =	ssyncadd.s32 $0xFFFFF100  }
0x96: {  	[spmem:s2] =	stream.indirect.scatter.add.f32 [tilespmem:s18], [sflag:$0x10], $0x30, s21, s12, $0xb8;
	[tilespmem:$0x1D420] =	vst v63  }
0x97: {  	_ =	swait.ge [sflag:s25], $0xF00  }
0x98: {  	[sflag:s25] =	ssyncset.done $0x0  }
0x99: {  	s10 =	sadd.s32 $0x28F0, s16;
	s18 =	simm.s32 $0x8;
	[sflag:s25] =	ssyncadd.s32 $0xFFFFF100  }
0x9a: {  	[spmem:s2] =	stream.indirect.scatter.add.f32 [tilespmem:s26], [sflag:$0x11], $0x30, s10, s12, $0xb8;
	[tilespmem:$0x1D420] =	vst v63  }
0x9b: {  	_ =	swait.ge [sflag:s18], $0xF00  }
0x9c: {  	[sflag:s18] =	ssyncset.done $0x0  }
0x9d: {  	s21 =	sadd.s32 $0x2940, s16;
	s25 =	simm.s32 $0x9;
	[sflag:s18] =	ssyncadd.s32 $0xFFFFF100  }
0x9e: {  	[spmem:s2] =	stream.indirect.scatter.add.f32 [tilespmem:s29], [sflag:$0x12], $0x30, s21, s12, $0xb8;
	[tilespmem:$0x1D420] =	vst v63  }
0x9f: {  	_ =	swait.ge [sflag:s25], $0xF00  }
0xa0: {  	[sflag:s25] =	ssyncset.done $0x0  }
0xa1: {  	s26 =	sadd.s32 $0x2990, s16;
	s10 =	simm.s32 $0xA;
	[sflag:s25] =	ssyncadd.s32 $0xFFFFF100  }
0xa2: {  	[spmem:s2] =	stream.indirect.scatter.add.f32 [tilespmem:s1], [sflag:$0x13], $0x30, s26, s12, $0xb8;
	[tilespmem:$0x1D420] =	vst v63  }
0xa3: {  	_ =	swait.ge [sflag:s10], $0xF00  }
0xa4: {  	[sflag:s10] =	ssyncset.done $0x0  }
0xa5: {  	s18 =	sadd.s32 $0x29E0, s16;
	[sflag:s10] =	ssyncadd.s32 $0xFFFFF100  }
0xa6: {  	[spmem:s2] =	stream.indirect.scatter.add.f32 [tilespmem:s31], [sflag:$0x14], $0x30, s18, s12, $0xb8;
	[tilespmem:$0x1D420] =	vst v63  }
0xa7: {  	_ =	swait.ge [sflag:s5], $0xF00  }
0xa8: {  	[sflag:s5] =	ssyncset.done $0x0  }
0xa9: {  	s21 =	sadd.s32 $0x320, s16;
	[sflag:s5] =	ssyncadd.s32 $0xFFFFF100  }
0xaa: {  	[tilespmem:s28], [sflag:$0x1] =	stream.indirect.gather [hbm4b:s4+s12], $0x30, s21, s12, $0xb8;
	[tilespmem:$0x1D420] =	vst v63  }
0xab: {  	_ =	swait.ge [sflag:s7], $0xF00  }
0xac: {  	[sflag:s7] =	ssyncset.done $0x0  }
0xad: {  	s21 =	sadd.s32 $0x370, s16;
	[sflag:s7] =	ssyncadd.s32 $0xFFFFF100  }
0xae: {  	[tilespmem:s20], [sflag:$0x2] =	stream.indirect.gather [hbm4b:s4+s12], $0x30, s21, s12, $0xb8;
	[tilespmem:$0x1D420] =	vst v63  }
0xaf: {  	_ =	swait.ge [sflag:s9], $0xF00  }
0xb0: {  	[sflag:s9] =	ssyncset.done $0x0  }
0xb1: {  	s21 =	sadd.s32 $0x3C0, s16;
	[sflag:s9] =	ssyncadd.s32 $0xFFFFF100  }
0xb2: {  	[tilespmem:s30], [sflag:$0x3] =	stream.indirect.gather [hbm4b:s4+s12], $0x30, s21, s12, $0xb8;
	[tilespmem:$0x1D420] =	vst v63  }
0xb3: {  	_ =	swait.ge [sflag:s24], $0xF00  }
0xb4: {  	[sflag:s24] =	ssyncset.done $0x0  }
0xb5: {  	p0 =	seq.s32 s14, $0x8980;
	s21 =	sadd.s32 $0x410, s16;
	[sflag:s24] =	ssyncadd.s32 $0xFFFFF100  }
0xb6: {  	[tilespmem:s0], [sflag:$0x4] =	stream.indirect.gather [hbm4b:s4+s12], $0x30, s21, s12, $0xb8;
	[tilespmem:$0x1D420] =	vst v63  }
0xb7: {  	s29 =	simm.s32 $0xA820;
	s1 =	simm.s32 $0xB720;
	_ =	swait.ge [sflag:s3], $0xF00  }
0xb8: {  	s26 =	simm.s32 $0x9920;
	s10 =	simm.s32 $0xD520;
	[sflag:s3] =	ssyncset.done $0x0  }
.Ltmp3:
0xb9: {  	s0 =	sadd.s32 $0x460, s16;
	[sflag:s3] =	ssyncadd.s32 $0xFFFFF100;
	(pc) =	sbr.rel @p0 .LBB2_6-.Ltmp3, $4  }
0xba: {  	[tilespmem:s23], [sflag:$0x5] =	stream.indirect.gather [hbm4b:s4+s12], $0x30, s0, s12, $0xb8;
	[tilespmem:$0x1D420] =	vst v63  }
0xbb: {  	s31 =	simm.s32 $0xC620;
	s18 =	simm.s32 $0x4E20;
	_ =	swait.ge [sflag:s11], $0xF00  }
0xbc: {  	s28 =	simm.s32 $0x5D20;
	s20 =	simm.s32 $0x6C20;
	[sflag:s11] =	ssyncset.done $0x0  }
0xbd: {  	s30 =	simm.s32 $0x7B20;
	s21 =	simm.s32 $0x8A20;
	[sflag:s11] =	ssyncadd.s32 $0xFFFFF100  }
0xbe: {  	s25 =	sadd.s32 $0x4B0, s16  }
0xbf: {  	[tilespmem:s26], [sflag:$0x6] =	stream.indirect.gather [hbm4b:s4+s12], $0x30, s25, s12, $0xb8;
	[tilespmem:$0x1D420] =	vst v63  }
0xc0: {  	_ =	swait.ge [sflag:s6], $0xF00  }
0xc1: {  	[sflag:s6] =	ssyncset.done $0x0  }
0xc2: {  	s21 =	sadd.s32 $0x500, s16;
	[sflag:s6] =	ssyncadd.s32 $0xFFFFF100  }
0xc3: {  	[tilespmem:s29], [sflag:$0x7] =	stream.indirect.gather [hbm4b:s4+s12], $0x30, s21, s12, $0xb8;
	[tilespmem:$0x1D420] =	vst v63  }
0xc4: {  	_ =	swait.ge [sflag:s8], $0xF00  }
0xc5: {  	[sflag:s8] =	ssyncset.done $0x0  }
0xc6: {  	s26 =	sadd.s32 $0x550, s16;
	[sflag:s8] =	ssyncadd.s32 $0xFFFFF100  }
0xc7: {  	[tilespmem:s1], [sflag:$0x8] =	stream.indirect.gather [hbm4b:s4+s12], $0x30, s26, s12, $0xb8;
	[tilespmem:$0x1D420] =	vst v63  }
0xc8: {  	_ =	swait.ge [sflag:s13], $0xF00  }
0xc9: {  	[sflag:s13] =	ssyncset.done $0x0  }
0xca: {  	s28 =	sadd.s32 $0x5A0, s16;
	[sflag:s13] =	ssyncadd.s32 $0xFFFFF100  }
0xcb: {  	[tilespmem:s31], [sflag:$0x9] =	stream.indirect.gather [hbm4b:s4+s12], $0x30, s28, s12, $0xb8;
	[tilespmem:$0x1D420] =	vst v63  }
.Ltmp4:
0xcc: {  	s30 =	sadd.s32 $0x5F0, s16;
	(pc) =	sbr.rel .LBB2_4-.Ltmp4, $4  }
0xcd: {  	s14 =	sadd.s32 $0xC80, s14;
	s18 =	simm.s32 $0x9920;
	_ =	swait.ge [sflag:s22], $0xF00  }
0xce: {  	s29 =	simm.s32 $0xB720;
	s26 =	simm.s32 $0xA820;
	[sflag:s22] =	ssyncset.done $0x0  }
0xcf: {  	s1 =	simm.s32 $0xC620;
	s31 =	simm.s32 $0xD520;
	[sflag:s22] =	ssyncadd.s32 $0xFFFFF100  }
0xd0: {  	[tilespmem:s10], [sflag:$0xA] =	stream.indirect.gather [hbm4b:s4+s12], $0x30, s30, s12, $0xb8;
	[tilespmem:$0x1D420] =	vst v63  }
.LBB2_7:
0xd1: {  	_ =	sfence.sel $0x180000  }
0xd2: {  	[bflag:$0x0] =	sbarrier.arrive $0xFFFF  }
0xd3: {  	_ =	strace $0x9000004D  }
0xd4: {  	s0 =	stileid.u32;
	[bflag:$0x2] =	sbarrier.arrive $0xFFFF  }
0xd5: {  	p0 =	sne.s32 s0, $0x0;
	s0 =	rddreg [dreg:$0x2]  }
0xd6: {  	s0 =	sadd.s32 @!p0 $0x100000, s0  }
0xd7: {  	[sflag:s0] =	ssyncadd.tile.s32 @!p0 $0x1;
	_ =	shalt  }
.Lfunc_end2:
_tile_overlayer_lowered:
.L_overlay_start_2:
0xd8: {  	(tag) =	ssettag $0x2  }
0xd9: {  	s0 =	rddreg [dreg:$0x0];
	s2 =	stileid.u32  }
0xda: {  	s1 =	rddreg [dreg:$0x1];
	p0 =	sne.s32 s2, $0x0  }
0xdb: {  	s3 =	rddreg [dreg:$0x2];
	[bflag:$0x3] =	sbarrier.arrive $0xFFFF;
	s2 =	simm.s32 @!p0 $0x1C15  }
0xdc: {  	[timem:s3], [sflag:s2] =	dma.local @!p0 [hbm:s0], s1  }
0xdd: {  	s0 =	simm.s32 @!p0 $0x15  }
0xde: {  	_ =	swait.ge @!p0 [sflag:s0], s1  }
0xdf: {  	s1 =	ssub.s32 @!p0 $0x0, s1;
	[sflag:s0] =	ssyncset.done @!p0 $0x0  }
0xe0: {  	[sflag:s0] =	ssyncadd.s32 @!p0 s1  }
0xe1: {  	[bflag:$0x3] =	sbarrier.arrive $0xFFFF  }
0xe2: {  	_ =	shalt  }

// kernel: kernel.9.cloned.1.call-start
scs
__scs_entry_jumppad:
0x0: {  	(pc) =	sbr.rel $0x88, $3  }
0x1: {  	(tag) =	ssettag $0x0;
	lr =	simm.s32 $0x1  }
0x2: {  	[smem:$0x3F9B] =	sst lr;
	_ =	strace $0xD0000000  }
0x3: {  	_ = 	snop  }
0x4: {  	_ = 	snop  }
0x5: {  	_ = 	snop  }
0x6: {  	_ = 	snop  }
0x7: {  	_ = 	snop  }
__scs_overlays_trampoline_lowered:
0x8: {  	[smem:$0x3FAA] =	sst s0  }
0x9: {  	[smem:$0x3FAB] =	sst s1  }
0xa: {  	[smem:$0x3FAC] =	sst s2  }
0xb: {  	[smem:$0x3FAD] =	sst s3  }
0xc: {  	[smem:$0x3FAE] =	sst s4  }
0xd: {  	[smem:$0x3FAF] =	sst s5  }
0xe: {  	[smem:$0x3FB0] =	sst s6  }
0xf: {  	[smem:$0x3FB1] =	sst s7  }
0x10: {  	[smem:$0x3FB2] =	sst s8  }
0x11: {  	[smem:$0x3FB3] =	sst s9;
	s0 =	simm.s32 @!p0 $0x0  }
0x12: {  	s1 =	sld [smem:$0x3F99];
	s0 =	simm.s32 @p0 $0x1  }
0x13: {  	[smem:$0x3FB4] =	sst s0;
	s0 =	simm.s32 @!p1 $0x0  }
0x14: {  	s2 =	sld [smem:$0x3F98];
	s0 =	simm.s32 @p1 $0x1  }
0x15: {  	[smem:$0x3FB5] =	sst s0;
	s0 =	simm.s32 @!p2 $0x0  }
0x16: {  	s3 =	sld [smem:$0x3FDB];
	s0 =	simm.s32 @p2 $0x1  }
0x17: {  	s4 =	simm.s32 $0x1BF5;
	[smem:$0x3FB7] =	sst s0  }
0x18: {  	s0 =	sld [smem:$0x3F9A];
	_ =	swait.ge [sflag:s4], $0x0  }
0x19: {  	s7 =	sld [smem:$0x3F9B]  }
0x1a: {  	s8 =	sadd.s32 $0xFFFFE003, lr  }
0x1b: {  	s9 =	sadd.s32 $0xFFFFFEF7, lr;
	s5 =	simm.s32 $0xFFFFFFFF;
	p2 =	slt.u32 s8, $0xFFFFF086  }
0x1c: {  	p1 =	slt.u32 s9, $0xF7A;
	s5 =	simm.s32 @!p2 $0x0  }
0x1d: {  	s5 =	simm.s32 @p1 $0x1;
	p0 =	seq.s32 s7, s2  }
0x1e: {  	s7 =	smul.u32 @!p0 $0xF7A, s2;
	p2 =	seq.s32 @!p0 s5, $0x0  }
0x1f: {  	s9 =	smul.u32 $0xF7A, s1;
	s8 =	simm.s32 @!p0 $0x1BF5;
	p2 =	por !p2, p0  }
0x20: {  	[sflag:s8] =	ssyncset.s32 @!p0 $0xFFFFF086;
	s6 =	sadd.s32 @!p0 s3, s7;
	s7 =	simm.s32 @!p0 $0x108  }
0x21: {  	s3 =	sadd.s32 s3, s9;
	s6 =	sadd.s32 @!p0 $0x88, s6;
	s7 =	simm.s32 @p2 $0x1082  }
0x22: {  	[simem:s7], [sflag:s8] =	dma.local @!p0 [hbm:s6], $0xF7A  }
0x23: {  	s9 =	sor.u32 $0xD0000000, s2;
	s6 =	simm.s32 $0x108;
	_ =	swait.ge @!p0 [sflag:s8], $0x0  }
0x24: {  	s3 =	sadd.s32 $0x88, s3;
	s6 =	simm.s32 @!p1 $0x1082;
	[sflag:s4] =	ssyncset.s32 $0xFFFFF086  }
0x25: {  	[simem:s6], [sflag:s4] =	dma.local [hbm:s3], $0xF7A  }
0x26: {  	[smem:$0x3F9B] =	sst s1;
	(tag) =	ssettag s2;
	_ =	strace s9  }
0x27: {  	s1 =	sld [smem:$0x3FAB]  }
0x28: {  	s2 =	sld [smem:$0x3FAC]  }
0x29: {  	s4 =	sld [smem:$0x3FAE]  }
0x2a: {  	p0 =	seq.s32 s5, $0x0;
	s5 =	sld [smem:$0x3FAF]  }
0x2b: {  	s6 =	sld [smem:$0x3FB0]  }
0x2c: {  	s7 =	sld [smem:$0x3FB1]  }
0x2d: {  	s3 =	simm.s32 $0x108;
	s8 =	sld [smem:$0x3FB2]  }
0x2e: {  	s3 =	simm.s32 @!p0 $0x1082;
	s9 =	sld [smem:$0x3FB3]  }
0x2f: {  	lr =	sadd.s32 s0, s3;
	s0 =	sld [smem:$0x3FAA]  }
0x30: {  	s3 =	sld [smem:$0x3FAD]  }
0x31: {  	[smem:$0x3FB6] =	sst s10  }
0x32: {  	s10 =	sld [smem:$0x3FB4];
	_ =	sdelay $0x3  }
0x33: {  	p0 =	seq.s32 s10, $0x1;
	s10 =	sld [smem:$0x3FB6];
	_ =	sdelay $0x3  }
0x34: {  	[smem:$0x3FB6] =	sst s10  }
0x35: {  	s10 =	sld [smem:$0x3FB5];
	_ =	sdelay $0x3  }
0x36: {  	p1 =	seq.s32 s10, $0x1;
	s10 =	sld [smem:$0x3FB6];
	_ =	sdelay $0x3  }
0x37: {  	[smem:$0x3FB6] =	sst s10  }
0x38: {  	s10 =	sld [smem:$0x3FB7]  }
0x39: {  	_ = 	snop;
	(pc) =	sbr.ind lr, $3  }
0x3a: {  	_ = 	snop  }
0x3b: {  	_ = 	snop  }
0x3c: {  	p2 =	seq.s32 s10, $0x1;
	s10 =	sld [smem:$0x3FB6]  }
0x3d: {  	_ =	shalt  }
0x3e: {  	_ =	shalt  }
0x3f: {  	_ =	shalt  }
0x40: {  	_ =	shalt  }
0x41: {  	_ =	shalt  }
0x42: {  	_ =	shalt  }
0x43: {  	_ =	shalt  }
0x44: {  	_ =	shalt  }
0x45: {  	_ =	shalt  }
0x46: {  	_ =	shalt  }
0x47: {  	_ =	shalt  }
0x48: {  	_ =	shalt  }
0x49: {  	_ =	shalt  }
0x4a: {  	_ =	shalt  }
0x4b: {  	_ =	shalt  }
0x4c: {  	_ =	shalt  }
0x4d: {  	_ =	shalt  }
0x4e: {  	_ =	shalt  }
0x4f: {  	_ =	shalt  }
0x50: {  	_ =	shalt  }
0x51: {  	_ =	shalt  }
0x52: {  	_ =	shalt  }
0x53: {  	_ =	shalt  }
0x54: {  	_ =	shalt  }
0x55: {  	_ =	shalt  }
0x56: {  	_ =	shalt  }
0x57: {  	_ =	shalt  }
0x58: {  	_ =	shalt  }
0x59: {  	_ =	shalt  }
0x5a: {  	_ =	shalt  }
0x5b: {  	_ =	shalt  }
0x5c: {  	_ =	shalt  }
0x5d: {  	_ =	shalt  }
0x5e: {  	_ =	shalt  }
0x5f: {  	_ =	shalt  }
0x60: {  	_ =	shalt  }
0x61: {  	_ =	shalt  }
0x62: {  	_ =	shalt  }
0x63: {  	_ =	shalt  }
0x64: {  	_ =	shalt  }
0x65: {  	_ =	shalt  }
0x66: {  	_ =	shalt  }
0x67: {  	_ =	shalt  }
0x68: {  	_ =	shalt  }
0x69: {  	_ =	shalt  }
0x6a: {  	_ =	shalt  }
0x6b: {  	_ =	shalt  }
0x6c: {  	_ =	shalt  }
0x6d: {  	_ =	shalt  }
0x6e: {  	_ =	shalt  }
0x6f: {  	_ =	shalt  }
0x70: {  	_ =	shalt  }
0x71: {  	_ =	shalt  }
0x72: {  	_ =	shalt  }
0x73: {  	_ =	shalt  }
0x74: {  	_ =	shalt  }
0x75: {  	_ =	shalt  }
0x76: {  	_ =	shalt  }
0x77: {  	_ =	shalt  }
0x78: {  	_ =	shalt  }
0x79: {  	_ =	shalt  }
0x7a: {  	_ =	shalt  }
0x7b: {  	_ =	shalt  }
0x7c: {  	_ =	shalt  }
0x7d: {  	_ =	shalt  }
0x7e: {  	_ =	shalt  }
0x7f: {  	_ =	shalt  }
0x80: {  	_ =	shalt  }
0x81: {  	_ =	shalt  }
0x82: {  	_ =	shalt  }
0x83: {  	_ =	shalt  }
0x84: {  	_ =	shalt  }
0x85: {  	_ =	shalt  }
0x86: {  	_ =	shalt  }
0x87: {  	_ =	shalt  }
.Lfunc_end0:
.L_simem_size_0:
called_computation_lowered:
.L_overlay_start_0:
0x88: {  	s2 =	sld [smem:$0x3FD9]  }
0x89: {  	s3 =	sld [smem:$0x3FFE];
	_ =	sdelay $0x1  }
0x8a: {  	s1 =	srdreg.scid  }
0x8b: {  	s0 =	sand.u32 $0x1, s1  }
0x8c: {  	s16 =	sshll.u32 s0, $0xA;
	s2 =	sadd.s32 s3, s2  }
0x8d: {  	s2 =	sadd.s32 s2, s16  }
0x8e: {  	[smem:$0x3FC2] =	sst s2  }
0x8f: {  	_ = 	snop  }
0x90: {  	(tm) =	ssettm $0x1  }
0x91: {  	s17 =	sld [smem:$0x3FFB];
	_ =	sdelay $0x3  }
0x92: {  	_ =	strace s17  }
0x93: {  	s2 =	sld [smem:$0x3FFC];
	_ =	sdelay $0x3  }
0x94: {  	_ =	strace s2  }
0x95: {  	s2 =	sld [smem:$0x3FFD];
	_ =	sdelay $0x3  }
0x96: {  	_ =	strace s2  }
0x97: {  	_ =	strace $0x8FFFFFFF  }
0x98: {  	s18 =	sld [smem:$0x3FDB];
	_ =	sdelay $0x1  }
0x99: {  	s19 =	simm.s32 $_scs_section_size  }
0x9a: {  	s4 =	simm.s32 $_size__tile_overlayer_lowered;
	s5 =	simm.s32 $_tile_overlayer_lowered  }
0x9b: {  	s22 =	simm.s32 $0x1BFF;
	s21 =	sshll.u32 s5, $0x1;
	s2 =	sadd.s32 s19, s18  }
0x9c: {  	s6 =	simm.s32 $0x0;
	s20 =	sshll.u32 s4, $0x1;
	s4 =	sadd.s32 s21, s2  }
0x9d: {  	[timem:s6], [sflag:s22] =	dma.local [hbm:s4], s20  }
0x9e: {  	_ =	swait.ge [sflag:s22], s20  }
0x9f: {  	s3 =	ssub.s32 $0x0, s20;
	[sflag:s22] =	ssyncset.done $0x0  }
0xa0: {  	[sflag:s22] =	ssyncadd.s32 s3;
	_ =	sdelay $0x1  }
0xa1: {  	s23 =	simm.s32 $0x1B8B  }
0xa2: {  	_ =	swait.ge [sflag:s23], $0x1  }
0xa3: {  	[sflag:s23] =	ssyncset.done $0x0  }
0xa4: {  	s25 =	simm.s32 $0x1B8E;
	s24 =	sld [smem:$0x3FFE];
	[sflag:s23] =	ssyncadd.s32 $0xFFFFFFFF  }
0xa5: {  	s26 =	simm.s32 $execute0_lowered;
	[smem:$0x3FD2] =	sst s25  }
0xa6: {  	s4 =	sshll.u32 s26, $0x1;
	_ =	strace $0x80000046;
	[dreg:$0x1] =	wrdreg $0xFFFFFFFF  }
0xa7: {  	s28 =	simm.s32 $_size_execute0_lowered;
	s2 =	sadd.s32 s2, s4;
	[dreg:$0x0] =	wrdreg $0x0  }
0xa8: {  	s4 =	sshll.u32 s28, $0x1;
	[dreg:$0x2] =	wrdreg s2  }
0xa9: {  	[dreg:$0x3] =	wrdreg s4  }
0xaa: {  	[dreg:$0x4] =	wrdreg $0xC0  }
0xab: {  	_ =	task [dreg:s6], $0x5FFFF  }
0xac: {  	[dreg:$0x1] =	wrdreg $0xFFFFFFFF  }
0xad: {  	[dreg:$0x0] =	wrdreg $0x60  }
0xae: {  	[dreg:$0x2] =	wrdreg s24  }
0xaf: {  	[dreg:$0x3] =	wrdreg $0x9  }
0xb0: {  	_ =	task.clear_ibuf [dreg:s6], $0x4FFFF;
	_ =	strace $0x90000046  }
0xb1: {  	s29 =	simm.s32 $0x9;
	_ =	strace $0x80000048  }
0xb2: {  	_ =	swait.ge [sflag:s29], $0x1  }
0xb3: {  	[sflag:s29] =	ssyncadd.s32 $0xFFFFFFFF  }
0xb4: {  	_ =	strace $0x90000048  }
0xb5: {  	_ =	sfence  }
0xb6: {  	s30 =	sld [smem:$0x0];
	_ =	sdelay $0x2  }
0xb7: {  	s31 =	sshll.u32 s1, $0xD;
	s1 =	sshrl.u32 s1, $0x2  }
0xb8: {  	s3 =	sand.u32 $0x4000, s31;
	s1 =	sadd.s32 s1, s30  }
0xb9: {  	s0 =	sor.u32 s3, s0;
	s1 =	sshll.u32 s1, $0x11  }
0xba: {  	s0 =	sor.u32 s1, s0  }
0xbb: {  	s0 =	sadd.s32 $0x8F2B, s0  }
0xbc: {  	[sflag:s0] =	ssyncadd.remote.s32 $0x1  }
0xbd: {  	_ =	sfence.sel $0xFFFF  }
0xbe: {  	[dreg:$0x0] =	wrdreg $0xFFFFFFFF;
	(pc) =	sbr.abs _section_cstart, $3  }
0xbf: {  	[dreg:$0x1] =	wrdreg $0xFFFFFFFF  }
0xc0: {  	_ =	task.clear_ibuf [dreg:s6], $0x2FFFF;
	_ =	strace $0x9FFFFFFF  }
0xc1: {  	(tm) =	ssettm $0x7FFFFFFF  }
tec
execute0_lowered:
.L_overlay_start_1:
0x0: {  	(tag) =	ssettag $0x1  }
0x1: {  	s0 =	srdreg.scid  }
0x2: {  	s3 =	sand.u32 $0x1, s0  }
0x3: {  	s1 =	stileid.u32;
	s5 =	sshll.u32 s3, $0x4  }
0x4: {  	s4 =	rddreg [dreg:$0x0];
	s2 =	simm.s32 $0x0;
	s5 =	sor.u32 s1, s5  }
0x5: {  	s12 =	simm.s32 $0x0;
	s0 =	rddreg [dreg:$0x1];
	s8 =	smul.u32 $0x4E2, s5  }
0x6: {  	[smem:$0x7FF] =	sst s2;
	s3 =	ssub.s32 $0x2, s3;
	s6 =	smul.u32 $0x2800, s5  }
0x7: {  	s9 =	sadd.s32 $0x15200, s4;
	s10 =	sshrl.u32 s3, $0x1;
	s5 =	smul.u32 $0x500, s5  }
0x8: {  	s11 =	sadd.s32 $0xB440, s4;
	_ =	strace $0x80000047;
	s10 =	ssub.s32 s3, s10  }
0x9: {  	s7 =	sadd.s32 s8, s4;
	s6 =	sshrl.u32 s6, $0x3;
	s4 =	sadd.s32 s9, s5  }
0xa: {  	s8 =	sadd.s32 s8, s11;
	s11 =	simm.s32 $0x7620;
	s3 =	sadd.s32 $0x1800, s7  }
0xb: {  	s6 =	sadd.s32 s9, s6;
	s7 =	simm.s32 $0x1;
	s9 =	simm.s32 $0x2710  }
0xc: {  	v0 =	vimm.f32 $0.0e+00;
	v1 =	vimm.f32 $1.000000000e+00;
	s5 =	sadd.s32 $0xA000, s6;
	s6 =	smax.u32 s10, $0x1;
	s10 =	simm.s32 $0x4E20  }
.LBB2_1:
0xd: {  	[tilespmem:s2], [sflag:$0x1] =	stream.linear.gather [hbm4b:s3+s2], $0x2710, $0x38;
	[tilespmem:$0x9E20] =	vst v63  }
0xe: {  	_ =	swait.ge [sflag:s7], $0x2710  }
0xf: {  	[sflag:s7] =	ssyncset.done $0x0  }
0x10: {  	[sflag:s7] =	ssyncadd.s32 $0xFFFFD8F0  }
0x11: {  	[tilespmem:s9], [sflag:$0x1] =	stream.linear.gather [hbm4b:s8+s2], $0x2710, $0x38;
	[tilespmem:$0x9E20] =	vst v63  }
0x12: {  	_ =	swait.ge [sflag:s7], $0x2710  }
0x13: {  	[sflag:s7] =	ssyncset.done $0x0  }
0x14: {  	s13 =	simm.s32 $0x0;
	[sflag:s7] =	ssyncadd.s32 $0xFFFFD8F0  }
.LBB2_2:
0x15: {  	p0 =	sne.s32 s13, $0x9FC0  }
.Ltmp0:
0x16: {  	_ = 	snop;
	(pc) =	sbr.rel @p0 .LBB2_2-.Ltmp0, $4  }
0x17: {  	_ = 	snop  }
0x18: {  	s14 =	sshra.s32 s13, $0x2  }
0x19: {  	[tilespmem:s14+$0x4E20] =	vst v0  }
0x1a: {  	s13 =	sadd.s32 $0x40, s13;
	[tilespmem:s14+$0x7620] =	vst v0  }
0x1b: {  	s13 =	simm.s32 $0x0  }
.LBB2_4:
0x1c: {  	s14 =	sshra.s32 s13, $0x2  }
0x1d: {  	v2 =	vld [tilespmem:s14+$0x0];
	_ =	sdelay $0x7  }
0x1e: {  	[tilespmem:v2+s10+$0x0] =	vst.idx.add.f32.msk $0xffff, v1  }
0x1f: {  	v2 =	vld [tilespmem:s14+$0x2710];
	_ =	sdelay $0x7  }
0x20: {  	[tilespmem:v2+s11+$0x0] =	vst.idx.add.f32.msk $0xffff, v1  }
0x21: {  	v2 =	vld [tilespmem:s14+$0x10];
	_ =	sdelay $0x7  }
0x22: {  	[tilespmem:v2+s10+$0x0] =	vst.idx.add.f32.msk $0xffff, v1  }
0x23: {  	v2 =	vld [tilespmem:s14+$0x2720];
	_ =	sdelay $0x7  }
0x24: {  	[tilespmem:v2+s11+$0x0] =	vst.idx.add.f32.msk $0xffff, v1  }
0x25: {  	v2 =	vld [tilespmem:s14+$0x20];
	_ =	sdelay $0x7  }
0x26: {  	[tilespmem:v2+s10+$0x0] =	vst.idx.add.f32.msk $0xffff, v1  }
0x27: {  	v2 =	vld [tilespmem:s14+$0x2730];
	_ =	sdelay $0x7  }
0x28: {  	[tilespmem:v2+s11+$0x0] =	vst.idx.add.f32.msk $0xffff, v1  }
0x29: {  	v2 =	vld [tilespmem:s14+$0x30];
	_ =	sdelay $0x7  }
0x2a: {  	[tilespmem:v2+s10+$0x0] =	vst.idx.add.f32.msk $0xffff, v1  }
0x2b: {  	v2 =	vld [tilespmem:s14+$0x2740];
	_ =	sdelay $0x7  }
0x2c: {  	[tilespmem:v2+s11+$0x0] =	vst.idx.add.f32.msk $0xffff, v1  }
0x2d: {  	v2 =	vld [tilespmem:s14+$0x40];
	_ =	sdelay $0x7  }
0x2e: {  	[tilespmem:v2+s10+$0x0] =	vst.idx.add.f32.msk $0xffff, v1  }
0x2f: {  	v2 =	vld [tilespmem:s14+$0x2750];
	_ =	sdelay $0x2  }
0x30: {  	p0 =	sne.s32 s13, $0x9B00  }
.Ltmp1:
0x31: {  	_ = 	snop;
	(pc) =	sbr.rel @p0 .LBB2_4-.Ltmp1, $2  }
0x32: {  	_ =	sdelay $0x2  }
0x33: {  	s13 =	sadd.s32 $0x140, s13;
	[tilespmem:v2+s11+$0x0] =	vst.idx.add.f32.msk $0xffff, v1  }
0x34: {  	[hbm4b:s4+s2] =	stream.linear.scatter [tilespmem:s10], [sflag:$0x1], $0x2800, $0x38;
	[tilespmem:$0x9E20] =	vst v63  }
0x35: {  	s12 =	sadd.s32 $0x1, s12;
	_ =	swait.ge [sflag:s7], $0x2800  }
0x36: {  	p0 =	sne.s32 s12, s6;
	[sflag:s7] =	ssyncset.done $0x0  }
.Ltmp2:
0x37: {  	[sflag:s7] =	ssyncadd.s32 $0xFFFFD800;
	(pc) =	sbr.rel @p0 .LBB2_1-.Ltmp2, $4  }
0x38: {  	[hbm4b:s5+s2] =	stream.linear.scatter [tilespmem:s11], [sflag:$0x1], $0x2800, $0x38;
	[tilespmem:$0x9E20] =	vst v63  }
0x39: {  	_ =	swait.ge [sflag:s7], $0x2800  }
0x3a: {  	[sflag:s7] =	ssyncset.done $0x0  }
0x3b: {  	[sflag:s7] =	ssyncadd.s32 $0xFFFFD800  }
0x3c: {  	_ =	sfence.sel $0x180000  }
0x3d: {  	[bflag:$0x0] =	sbarrier.arrive $0xFFFF  }
0x3e: {  	p0 =	sne.s32 s1, $0x0;
	_ =	strace $0x90000047  }
0x3f: {  	s0 =	sadd.s32 @!p0 $0x100000, s0;
	[bflag:$0x2] =	sbarrier.arrive $0xFFFF  }
0x40: {  	[sflag:s0] =	ssyncadd.tile.s32 @!p0 $0x1;
	_ =	shalt  }
.Lfunc_end2:
_tile_overlayer_lowered:
.L_overlay_start_2:
0x41: {  	(tag) =	ssettag $0x2  }
0x42: {  	s0 =	rddreg [dreg:$0x0];
	s2 =	stileid.u32  }
0x43: {  	s1 =	rddreg [dreg:$0x1];
	p0 =	sne.s32 s2, $0x0  }
0x44: {  	s3 =	rddreg [dreg:$0x2];
	[bflag:$0x3] =	sbarrier.arrive $0xFFFF;
	s2 =	simm.s32 @!p0 $0x1C01  }
0x45: {  	[timem:s3], [sflag:s2] =	dma.local @!p0 [hbm:s0], s1  }
0x46: {  	s0 =	simm.s32 @!p0 $0x1  }
0x47: {  	_ =	swait.ge @!p0 [sflag:s0], s1  }
0x48: {  	s1 =	ssub.s32 @!p0 $0x0, s1;
	[sflag:s0] =	ssyncset.done @!p0 $0x0  }
0x49: {  	[sflag:s0] =	ssyncadd.s32 @!p0 s1  }
0x4a: {  	[bflag:$0x3] =	sbarrier.arrive $0xFFFF  }
0x4b: {  	_ =	shalt  }

</sc_bundles>
